<compile_context>
chip_gen: v7x
topology: tpu7x:2x2x1
jax: 0.10.2.dev20260603
libtpu: 0.0.44.dev20260713+nightly
codegen_flags: <defaults>
</compile_context>

<pallas_src>
import functools
import jax
import jax.numpy as jnp
from jax import lax
from jax.experimental import pallas as pl
from jax.experimental.pallas import tpu as pltpu
from jax.experimental.pallas import tpu_sc as plsc

N = 10000
E = 320000
HID = 128
N_PAD = 10112
CHUNK = 128
E_TOT = E + N
EPT_A = 20736
E_PAD = EPT_A * 16
EPT_B = E_PAD // 32
NCH_A = EPT_A // CHUNK
NCH_B = EPT_B // CHUNK
ROWS_T = N_PAD // 16
TW = 16

f32 = jnp.float32
i32 = jnp.int32



def _k1_body(nf, wp, bp, wg, asw, adw, xe0, xe1, ad0, ad1):
    x = jnp.dot(nf[...], wp[...], preferred_element_type=f32) + bp[...]
    xh = jnp.dot(x, wg[...], preferred_element_type=f32)
    h0 = xh[:, :HID]
    h1 = xh[:, HID:]
    ones16 = jnp.ones((1, TW), f32)
    xe0[:, 0:HID] = h0
    xe0[:, HID:HID + TW] = jnp.sum(h0 * asw[0:1, :], axis=1, keepdims=True) * ones16
    xe1[:, 0:HID] = h1
    xe1[:, HID:HID + TW] = jnp.sum(h1 * asw[1:2, :], axis=1, keepdims=True) * ones16
    ad0[...] = jnp.sum(h0 * adw[0:1, :], axis=1, keepdims=True) * ones16
    ad1[...] = jnp.sum(h1 * adw[1:2, :], axis=1, keepdims=True) * ones16


def _stage1(nf, W_proj, b_proj, W_gat, att_src, att_dst):
    blk = 1000
    grid = N // blk
    out = [
        jax.ShapeDtypeStruct((N, HID + TW), f32),
        jax.ShapeDtypeStruct((N, HID + TW), f32),
        jax.ShapeDtypeStruct((N, TW), f32),
        jax.ShapeDtypeStruct((N, TW), f32),
    ]
    return pl.pallas_call(
        _k1_body,
        grid=(grid,),
        in_specs=[
            pl.BlockSpec((blk, 128), lambda i: (i, 0)),
            pl.BlockSpec((128, 256), lambda i: (0, 0)),
            pl.BlockSpec((1, 256), lambda i: (0, 0)),
            pl.BlockSpec((256, 256), lambda i: (0, 0)),
            pl.BlockSpec((2, 128), lambda i: (0, 0)),
            pl.BlockSpec((2, 128), lambda i: (0, 0)),
        ],
        out_specs=[
            pl.BlockSpec((blk, HID + TW), lambda i: (i, 0)),
            pl.BlockSpec((blk, HID + TW), lambda i: (i, 0)),
            pl.BlockSpec((blk, TW), lambda i: (i, 0)),
            pl.BlockSpec((blk, TW), lambda i: (i, 0)),
        ],
        out_shape=out,
    )(nf, W_proj, b_proj.reshape(1, 256), W_gat, att_src, att_dst)



def _gat_edge_loop(ei, xe_t, ad_t, sbuf, dbuf, grows, adrows,
                   srows, tail, acc_m, acc_t, sem, tile_lo):
    c0 = jnp.where(lax.iota(i32, 16) == 0, 1.0, 0.0).astype(f32)
    c1 = jnp.where(lax.iota(i32, 16) == 1, 1.0, 0.0).astype(f32)

    def chunk(g, carry):
        base = tile_lo + g * CHUNK
        pltpu.sync_copy(ei.at[0, pl.ds(base, CHUNK)], sbuf)
        pltpu.sync_copy(ei.at[1, pl.ds(base, CHUNK)], dbuf)
        pltpu.async_copy(xe_t.at[sbuf], grows, sem).wait()
        pltpu.async_copy(ad_t.at[dbuf], adrows, sem).wait()

        def group(j, c2):
            for i in range(8):
                r = j * 8 + i
                av = grows[r, pl.ds(HID, 16)] + adrows[r, pl.ds(0, 16)]
                av = jnp.where(av >= 0.0, av, 0.2 * av)
                ee = jnp.exp(av)
                tail[r, pl.ds(0, 16)] = ee * c0 + c1
                for k in range(8):
                    cl = pl.ds(k * 16, 16)
                    srows[r, cl] = grows[r, cl] * ee
            return c2

        lax.fori_loop(0, CHUNK // 8, group, 0)
        pltpu.sync_copy(srows, acc_m.at[dbuf], add=True)
        pltpu.sync_copy(tail, acc_t.at[dbuf], add=True)
        return carry

    lax.fori_loop(0, NCH_A, chunk, 0)


def _k2_body(ei, xe0, xe1, ad0, ad1, out_m, out_t,
             sbuf, dbuf, grows, adrows, srows, tail, acc_m, acc_t, sem):
    c = lax.axis_index("c")
    s = lax.axis_index("s")
    tile_lo = s * EPT_A
    zbase = s * ROWS_T

    def zrow(r, carry):
        for k in range(HID // 16):
            srows[r, pl.ds(k * 16, 16)] = jnp.zeros((16,), f32)
        tail[r, pl.ds(0, 16)] = jnp.zeros((16,), f32)
        return carry
    lax.fori_loop(0, CHUNK, zrow, 0)
    for k in range(ROWS_T // CHUNK):
        pltpu.sync_copy(srows, acc_m.at[pl.ds(zbase + k * CHUNK, CHUNK)])
        pltpu.sync_copy(tail, acc_t.at[pl.ds(zbase + k * CHUNK, CHUNK)])
    rem = ROWS_T % CHUNK
    if rem:
        rb = zbase + (ROWS_T // CHUNK) * CHUNK
        pltpu.sync_copy(srows.at[pl.ds(0, rem)], acc_m.at[pl.ds(rb, rem)])
        pltpu.sync_copy(tail.at[pl.ds(0, rem)], acc_t.at[pl.ds(rb, rem)])
    plsc.subcore_barrier()

    @pl.when(c == 0)
    def _():
        _gat_edge_loop(ei, xe0, ad0, sbuf, dbuf, grows, adrows,
                       srows, tail, acc_m, acc_t, sem, tile_lo)

    @pl.when(c == 1)
    def _():
        _gat_edge_loop(ei, xe1, ad1, sbuf, dbuf, grows, adrows,
                       srows, tail, acc_m, acc_t, sem, tile_lo)

    plsc.subcore_barrier()
    pltpu.sync_copy(acc_m.at[pl.ds(zbase, ROWS_T)],
                    out_m.at[c, pl.ds(zbase, ROWS_T)])
    pltpu.sync_copy(acc_t.at[pl.ds(zbase, ROWS_T)],
                    out_t.at[c, pl.ds(zbase, ROWS_T)])


def _stage2(ei2, xe0, xe1, ad0, ad1):
    mesh = plsc.VectorSubcoreMesh(core_axis_name="c", subcore_axis_name="s")
    kfn = functools.partial(
        pl.kernel,
        mesh=mesh,
        compiler_params=pltpu.CompilerParams(use_tc_tiling_on_sc=False),
        out_type=[
            jax.ShapeDtypeStruct((2, N_PAD, HID), f32),
            jax.ShapeDtypeStruct((2, N_PAD, TW), f32),
        ],
        scratch_types=[
            pltpu.VMEM((CHUNK,), i32),
            pltpu.VMEM((CHUNK,), i32),
            pltpu.VMEM((CHUNK, HID + TW), f32),
            pltpu.VMEM((CHUNK, TW), f32),
            pltpu.VMEM((CHUNK, HID), f32),
            pltpu.VMEM((CHUNK, TW), f32),
            pltpu.VMEM_SHARED((N_PAD, HID), f32),
            pltpu.VMEM_SHARED((N_PAD, TW), f32),
            pltpu.SemaphoreType.DMA,
        ],
    )(_k2_body)
    return kfn(ei2, xe0, xe1, ad0, ad1)



def _ln(x, g, b, eps=1e-5):
    mu = jnp.mean(x, axis=-1, keepdims=True)
    var = jnp.mean((x - mu) ** 2, axis=-1, keepdims=True)
    return (x - mu) * lax.rsqrt(var + eps) * g + b


def _k3_body(a_ref, t_ref, bg, g1, b1, wg, y_ref, dinv_ref):
    A = a_ref[...]
    T = t_ref[...]
    num0 = A[0]
    num1 = A[1]
    s0 = jnp.maximum(T[0, :, 0:1], 1e-30)
    s1 = jnp.maximum(T[1, :, 0:1], 1e-30)
    deg = T[0, :, 1:2]
    gat = 0.5 * (num0 / s0 + num1 / s1) + bg[...]
    x1 = _ln(jax.nn.relu(gat), g1[...], b1[...])
    dinv = jnp.where(deg > 0.0, lax.rsqrt(jnp.maximum(deg, 1e-30)), 0.0)
    y_ref[...] = dinv * jnp.dot(x1, wg[...], preferred_element_type=f32)
    dinv_ref[...] = dinv


def _stage3(outA_m, outA_t, b_gat, g1, bn1, W_gcn):
    blk = 632
    grid = N_PAD // blk
    return pl.pallas_call(
        _k3_body,
        grid=(grid,),
        in_specs=[
            pl.BlockSpec((2, blk, HID), lambda i: (0, i, 0)),
            pl.BlockSpec((2, blk, TW), lambda i: (0, i, 0)),
            pl.BlockSpec((1, 128), lambda i: (0, 0)),
            pl.BlockSpec((1, 128), lambda i: (0, 0)),
            pl.BlockSpec((1, 128), lambda i: (0, 0)),
            pl.BlockSpec((128, 128), lambda i: (0, 0)),
        ],
        out_specs=[
            pl.BlockSpec((blk, 128), lambda i: (i, 0)),
            pl.BlockSpec((blk, 1), lambda i: (i, 0)),
        ],
        out_shape=[
            jax.ShapeDtypeStruct((N_PAD, HID), f32),
            jax.ShapeDtypeStruct((N_PAD, 1), f32),
        ],
    )(outA_m, outA_t, b_gat.reshape(1, 128), g1.reshape(1, 128),
      bn1.reshape(1, 128), W_gcn)



def _k4_body(ei, y, out, sbuf, dbuf, rows, acc, sem):
    c = lax.axis_index("c")
    s = lax.axis_index("s")
    tile_lo = c * (EPT_B * 16) + s * EPT_B
    zbase = s * ROWS_T

    def zrow(r, carry):
        for k in range(HID // 16):
            rows[r, pl.ds(k * 16, 16)] = jnp.zeros((16,), f32)
        return carry
    lax.fori_loop(0, CHUNK, zrow, 0)
    for k in range(ROWS_T // CHUNK):
        pltpu.sync_copy(rows, acc.at[pl.ds(zbase + k * CHUNK, CHUNK)])
    rem = ROWS_T % CHUNK
    if rem:
        pltpu.sync_copy(rows.at[pl.ds(0, rem)],
                        acc.at[pl.ds(zbase + (ROWS_T // CHUNK) * CHUNK, rem)])
    plsc.subcore_barrier()

    def chunk(g, carry):
        base = tile_lo + g * CHUNK
        pltpu.sync_copy(ei.at[0, pl.ds(base, CHUNK)], sbuf)
        pltpu.sync_copy(ei.at[1, pl.ds(base, CHUNK)], dbuf)
        pltpu.async_copy(y.at[sbuf], rows, sem).wait()
        pltpu.sync_copy(rows, acc.at[dbuf], add=True)
        return carry

    lax.fori_loop(0, NCH_B, chunk, 0)
    plsc.subcore_barrier()
    pltpu.sync_copy(acc.at[pl.ds(zbase, ROWS_T)],
                    out.at[c, pl.ds(zbase, ROWS_T)])


def _stage4(ei2, y):
    mesh = plsc.VectorSubcoreMesh(core_axis_name="c", subcore_axis_name="s")
    kfn = functools.partial(
        pl.kernel,
        mesh=mesh,
        compiler_params=pltpu.CompilerParams(use_tc_tiling_on_sc=False),
        out_type=jax.ShapeDtypeStruct((2, N_PAD, HID), f32),
        scratch_types=[
            pltpu.VMEM((CHUNK,), i32),
            pltpu.VMEM((CHUNK,), i32),
            pltpu.VMEM((CHUNK, HID), f32),
            pltpu.VMEM_SHARED((N_PAD, HID), f32),
            pltpu.SemaphoreType.DMA,
        ],
    )(_k4_body)
    return kfn(ei2, y)



def _k5_body(b_ref, dinv, bg, g3, b3, wih, bih, bhh, h_ref):
    B = b_ref[...]
    gcn = dinv[...] * (B[0] + B[1]) + bg[...]
    x2 = _ln(jax.nn.relu(gcn), g3[...], b3[...])
    gi = jnp.dot(x2, wih[...], preferred_element_type=f32) + bih[...]
    bh = bhh[...]
    r = jax.nn.sigmoid(gi[:, 0:HID] + bh[:, 0:HID])
    z = jax.nn.sigmoid(gi[:, HID:2 * HID] + bh[:, HID:2 * HID])
    nc = jnp.tanh(gi[:, 2 * HID:] + r * bh[:, 2 * HID:])
    h_ref[...] = (1.0 - z) * nc


def _stage5(outB, dinv, b_gcn, g3, bn3, W_ihT, b_ih, b_hh):
    blk = 632
    grid = N_PAD // blk
    return pl.pallas_call(
        _k5_body,
        grid=(grid,),
        in_specs=[
            pl.BlockSpec((2, blk, 128), lambda i: (0, i, 0)),
            pl.BlockSpec((blk, 1), lambda i: (i, 0)),
            pl.BlockSpec((1, 128), lambda i: (0, 0)),
            pl.BlockSpec((1, 128), lambda i: (0, 0)),
            pl.BlockSpec((1, 128), lambda i: (0, 0)),
            pl.BlockSpec((128, 384), lambda i: (0, 0)),
            pl.BlockSpec((1, 384), lambda i: (0, 0)),
            pl.BlockSpec((1, 384), lambda i: (0, 0)),
        ],
        out_specs=pl.BlockSpec((blk, 128), lambda i: (i, 0)),
        out_shape=jax.ShapeDtypeStruct((N_PAD, HID), f32),
    )(outB, dinv, b_gcn.reshape(1, 128), g3.reshape(1, 128),
      bn3.reshape(1, 128), W_ihT, b_ih.reshape(1, 384), b_hh.reshape(1, 384))



def kernel(node_features, edge_index, W_proj, b_proj, W_gat, att_src, att_dst,
           b_gat, W_gcn, b_gcn, g1, bn1, g3, bn3, W_ih, W_hh, b_ih, b_hh):
    loop = jnp.arange(N, dtype=i32)
    npad = E_PAD - E_TOT
    src = jnp.concatenate([edge_index[0], loop, jnp.zeros((npad,), i32)])
    dst = jnp.concatenate([edge_index[1], loop,
                           jnp.full((npad,), N_PAD - 1, i32)])
    ei2 = jnp.stack([src, dst])

    xe0, xe1, ad0, ad1 = _stage1(
        node_features, W_proj, b_proj, W_gat, att_src, att_dst)
    outA_m, outA_t = _stage2(ei2, xe0, xe1, ad0, ad1)
    y, dinv = _stage3(outA_m, outA_t, b_gat, g1, bn1, W_gcn)
    outB = _stage4(ei2, y)
    h = _stage5(outB, dinv, b_gcn, g3, bn3, W_ih.T, b_ih, b_hh)
    return h[:N]

# --- scband reference (transcript-rebuilt; emitter-appended) ---
"""Pipeline reference for scband-graph-constructor-257698038353 (READ-ONLY COPY).

The authoritative reference and input builder live on the scoring server;
editing this copy changes nothing except your own understanding.
"""

import jax, jax.numpy as jnp
import numpy as np

N = 10000
E = 320000
IN_DIM = 128
HID = 128
HEADS = 2

def _layer_norm(x, g, b, eps=1e-5):
    mu = x.mean(-1, keepdims=True)
    var = ((x - mu) ** 2).mean(-1, keepdims=True)
    return (x - mu) / jnp.sqrt(var + eps) * g + b

def setup_inputs(seed: int = 0):
    key = jax.random.key(seed)
    ks = jax.random.split(key, 18)
    inp = {}
    inp['node_features'] = jax.random.normal(ks[0], (N, IN_DIM), dtype=jnp.float32)
    inp['edge_index'] = jax.random.randint(ks[1], (2, E), 0, N, dtype=jnp.int32)
    inp['W_proj'] = jax.random.normal(ks[2], (IN_DIM, 256), dtype=jnp.float32) / np.sqrt(IN_DIM)
    inp['b_proj'] = jnp.zeros((256,), dtype=jnp.float32)
    inp['W_gat'] = jax.random.normal(ks[3], (256, HEADS * HID), dtype=jnp.float32) / np.sqrt(256)
    inp['att_src'] = jax.random.normal(ks[4], (HEADS, HID), dtype=jnp.float32) / np.sqrt(HID)
    inp['att_dst'] = jax.random.normal(ks[5], (HEADS, HID), dtype=jnp.float32) / np.sqrt(HID)
    inp['b_gat'] = jnp.zeros((HID,), dtype=jnp.float32)
    inp['W_gcn'] = jax.random.normal(ks[6], (HID, HID), dtype=jnp.float32) / np.sqrt(HID)
    inp['b_gcn'] = jnp.zeros((HID,), dtype=jnp.float32)
    inp['g1'] = jnp.ones((HID,), dtype=jnp.float32)
    inp['bn1'] = jnp.zeros((HID,), dtype=jnp.float32)
    inp['g3'] = jnp.ones((HID,), dtype=jnp.float32)
    inp['bn3'] = jnp.zeros((HID,), dtype=jnp.float32)
    inp['W_ih'] = jax.random.normal(ks[7], (3 * HID, HID), dtype=jnp.float32) / np.sqrt(HID)
    inp['W_hh'] = jax.random.normal(ks[8], (3 * HID, HID), dtype=jnp.float32) / np.sqrt(HID)
    inp['b_ih'] = jnp.zeros((3 * HID,), dtype=jnp.float32)
    inp['b_hh'] = jnp.zeros((3 * HID,), dtype=jnp.float32)
    return inp

def _forward(node_features, edge_index, W_proj, b_proj, W_gat, att_src, att_dst, b_gat, W_gcn, b_gcn, g1, bn1, g3, bn3, W_ih, W_hh, b_ih, b_hh):
    n = node_features.shape[0]
    # dense normalized adjacency, computed exactly as in the original forward (unused downstream)
    adj = jnp.zeros((n, n), dtype=jnp.float32).at[edge_index[0], edge_index[1]].set(1.0)
    deg = adj.sum(axis=1, keepdims=True)
    deg = jnp.where(deg == 0, 1.0, deg)
    adj = adj / deg
    x = node_features @ W_proj + b_proj
    # ---- GATConv(256 -> HID, heads=2, concat=False), self-loops added ----
    loop = jnp.arange(n, dtype=edge_index.dtype)
    src = jnp.concatenate([edge_index[0], loop])
    dst = jnp.concatenate([edge_index[1], loop])
    xh = (x @ W_gat).reshape(n, HEADS, HID)
    a_src = (xh * att_src[None, :, :]).sum(-1)
    a_dst = (xh * att_dst[None, :, :]).sum(-1)
    e = jax.nn.leaky_relu(a_src[src] + a_dst[dst], negative_slope=0.2)
    m = jax.ops.segment_max(e, dst, num_segments=n)
    ee = jnp.exp(e - m[dst])
    s = jax.ops.segment_sum(ee, dst, num_segments=n)
    alpha = ee / (s[dst] + 1e-16)
    gat = jax.ops.segment_sum(xh[src] * alpha[:, :, None], dst, num_segments=n)
    x = gat.mean(axis=1) + b_gat
    x = _layer_norm(jax.nn.relu(x), g1, bn1)
    # dropout(p=0.6) is identity in eval mode
    # ---- GCNConv(HID -> HID), symmetric norm with self-loops ----
    w = jnp.ones(src.shape[0], dtype=jnp.float32)
    degc = jax.ops.segment_sum(w, dst, num_segments=n)
    dinv = jnp.where(degc > 0, 1.0 / jnp.sqrt(degc), 0.0)
    norm = dinv[src] * dinv[dst]
    xw = x @ W_gcn
    gcn = jax.ops.segment_sum(xw[src] * norm[:, None], dst, num_segments=n) + b_gcn
    x = _layer_norm(jax.nn.relu(gcn), g3, bn3)
    # ---- GRU, seq_len=1 (unsqueeze(1)), h0 = 0 ----
    h0 = jnp.zeros((n, HID), dtype=jnp.float32)
    gi = x @ W_ih.T + b_ih
    gh = h0 @ W_hh.T + b_hh
    r = jax.nn.sigmoid(gi[:, :HID] + gh[:, :HID])
    z = jax.nn.sigmoid(gi[:, HID:2 * HID] + gh[:, HID:2 * HID])
    ncand = jnp.tanh(gi[:, 2 * HID:] + r * gh[:, 2 * HID:])
    h = (1.0 - z) * ncand + z * h0
    return h

def reference(node_features, edge_index, W_proj, b_proj, W_gat, att_src, att_dst, b_gat, W_gcn, b_gcn, g1, bn1, g3, bn3, W_ih, W_hh, b_ih, b_hh):
    return _forward(node_features, edge_index, W_proj, b_proj, W_gat, att_src, att_dst, b_gat, W_gcn, b_gcn, g1, bn1, g3, bn3, W_ih, W_hh, b_ih, b_hh)

if __name__ == "__main__":
    import jax
    _d = setup_inputs()
    print(jax.jit(kernel)(*tuple(_d.values())))

</pallas_src>

<mosaic_0001>
#map = affine_map<(d0, d1) -> (0, 0)>
#map1 = affine_map<(d0, d1) -> (0, 0, 0)>
module attributes {stable_mosaic.version = 14 : i64} {
  func.func @_k4_body(%arg0: i32, %arg1: i32, %arg2: memref<2x331776xi32, #tpu.memory_space<hbm>>, %arg3: memref<10112x128xf32, #tpu.memory_space<hbm>>, %arg4: memref<2x10112x128xf32, #tpu.memory_space<hbm>>, %arg5: memref<128xi32, #tpu.memory_space<vmem>>, %arg6: memref<128xi32, #tpu.memory_space<vmem>>, %arg7: memref<128x128xf32, #tpu.memory_space<vmem>>, %arg8: memref<10112x128xf32, #tpu.memory_space<vmem_shared>>, %arg9: memref<!tpu.dma_semaphore, #tpu.memory_space<semaphore_mem>>) attributes {dimension_semantics = [#tpu.dimension_semantics<core_parallel>, #tpu.dimension_semantics<subcore_parallel>], iteration_bounds = array<i64: 2, 16>, scalar_prefetch = 0 : i64, scratch_operands = 5 : i64, tpu.core_type = #tpu.core_type<sc_vector_subcore>, window_params = [{transform_indices = #map}, {transform_indices = #map}, {transform_indices = #map1}]} {
    %mul3A = arith.constant 165888 : i32
    %mul3A_0 = arith.muli %arg0, %mul3A : i32
    %mul3A_1 = arith.constant 10368 : i32
    %mul3A_2 = arith.muli %arg1, %mul3A_1 : i32
    %add3A = arith.addi %mul3A_0, %mul3A_2 : i32
    %mul3A_3 = arith.constant 632 : i32
    %mul3A_4 = arith.muli %arg1, %mul3A_3 : i32
    %scan3A = arith.constant 0 : i32
    %scan3A_5 = arith.constant 0 : i32
    %scan3A_6 = arith.constant 128 : i32
    %scan3A_7 = arith.addi %scan3A_5, %scan3A_6 : i32
    %scan3A_8 = arith.constant 1 : i32
    scf.for %scan3A_27 = %scan3A_5 to %scan3A_7 step %scan3A_8  : i32 {
      %broadcast_in_dim3A = arith.constant 0.000000e+00 : f32
      %broadcast_in_dim3A_28 = vector.broadcast %broadcast_in_dim3A : f32 to vector<16xf32>
      %swap3A = arith.index_cast %scan3A_27 : i32 to index
      %swap3A_29 = arith.constant 0 : index
      %swap3A_30 = tpu.vector_load %arg7[%swap3A, %swap3A_29] {strides = array<i32>} : memref<128x128xf32, #tpu.memory_space<vmem>>, vector<1x16xf32>,
      %swap3A_31 = vector.shape_cast %swap3A_30 : vector<1x16xf32> to vector<16xf32>
      %swap3A_32 = vector.shape_cast %broadcast_in_dim3A_28 : vector<16xf32> to vector<1x16xf32>
      tpu.vector_store %arg7[%swap3A, %swap3A_29], %swap3A_32 {strides = array<i32>} : memref<128x128xf32, #tpu.memory_space<vmem>>, vector<1x16xf32>,
      %broadcast_in_dim3A_33 = arith.constant 0.000000e+00 : f32
      %broadcast_in_dim3A_34 = vector.broadcast %broadcast_in_dim3A_33 : f32 to vector<16xf32>
      %swap3A_35 = arith.index_cast %scan3A_27 : i32 to index
      %swap3A_36 = arith.constant 16 : index
      %swap3A_37 = tpu.vector_load %arg7[%swap3A_35, %swap3A_36] {strides = array<i32>} : memref<128x128xf32, #tpu.memory_space<vmem>>, vector<1x16xf32>,
      %swap3A_38 = vector.shape_cast %swap3A_37 : vector<1x16xf32> to vector<16xf32>
      %swap3A_39 = vector.shape_cast %broadcast_in_dim3A_34 : vector<16xf32> to vector<1x16xf32>
      tpu.vector_store %arg7[%swap3A_35, %swap3A_36], %swap3A_39 {strides = array<i32>} : memref<128x128xf32, #tpu.memory_space<vmem>>, vector<1x16xf32>,
      %broadcast_in_dim3A_40 = arith.constant 0.000000e+00 : f32
      %broadcast_in_dim3A_41 = vector.broadcast %broadcast_in_dim3A_40 : f32 to vector<16xf32>
      %swap3A_42 = arith.index_cast %scan3A_27 : i32 to index
      %swap3A_43 = arith.constant 32 : index
      %swap3A_44 = tpu.vector_load %arg7[%swap3A_42, %swap3A_43] {strides = array<i32>} : memref<128x128xf32, #tpu.memory_space<vmem>>, vector<1x16xf32>,
      %swap3A_45 = vector.shape_cast %swap3A_44 : vector<1x16xf32> to vector<16xf32>
      %swap3A_46 = vector.shape_cast %broadcast_in_dim3A_41 : vector<16xf32> to vector<1x16xf32>
      tpu.vector_store %arg7[%swap3A_42, %swap3A_43], %swap3A_46 {strides = array<i32>} : memref<128x128xf32, #tpu.memory_space<vmem>>, vector<1x16xf32>,
      %broadcast_in_dim3A_47 = arith.constant 0.000000e+00 : f32
      %broadcast_in_dim3A_48 = vector.broadcast %broadcast_in_dim3A_47 : f32 to vector<16xf32>
      %swap3A_49 = arith.index_cast %scan3A_27 : i32 to index
      %swap3A_50 = arith.constant 48 : index
      %swap3A_51 = tpu.vector_load %arg7[%swap3A_49, %swap3A_50] {strides = array<i32>} : memref<128x128xf32, #tpu.memory_space<vmem>>, vector<1x16xf32>,
      %swap3A_52 = vector.shape_cast %swap3A_51 : vector<1x16xf32> to vector<16xf32>
      %swap3A_53 = vector.shape_cast %broadcast_in_dim3A_48 : vector<16xf32> to vector<1x16xf32>
      tpu.vector_store %arg7[%swap3A_49, %swap3A_50], %swap3A_53 {strides = array<i32>} : memref<128x128xf32, #tpu.memory_space<vmem>>, vector<1x16xf32>,
      %broadcast_in_dim3A_54 = arith.constant 0.000000e+00 : f32
      %broadcast_in_dim3A_55 = vector.broadcast %broadcast_in_dim3A_54 : f32 to vector<16xf32>
      %swap3A_56 = arith.index_cast %scan3A_27 : i32 to index
      %swap3A_57 = arith.constant 64 : index
      %swap3A_58 = tpu.vector_load %arg7[%swap3A_56, %swap3A_57] {strides = array<i32>} : memref<128x128xf32, #tpu.memory_space<vmem>>, vector<1x16xf32>,
      %swap3A_59 = vector.shape_cast %swap3A_58 : vector<1x16xf32> to vector<16xf32>
      %swap3A_60 = vector.shape_cast %broadcast_in_dim3A_55 : vector<16xf32> to vector<1x16xf32>
      tpu.vector_store %arg7[%swap3A_56, %swap3A_57], %swap3A_60 {strides = array<i32>} : memref<128x128xf32, #tpu.memory_space<vmem>>, vector<1x16xf32>,
      %broadcast_in_dim3A_61 = arith.constant 0.000000e+00 : f32
      %broadcast_in_dim3A_62 = vector.broadcast %broadcast_in_dim3A_61 : f32 to vector<16xf32>
      %swap3A_63 = arith.index_cast %scan3A_27 : i32 to index
      %swap3A_64 = arith.constant 80 : index
      %swap3A_65 = tpu.vector_load %arg7[%swap3A_63, %swap3A_64] {strides = array<i32>} : memref<128x128xf32, #tpu.memory_space<vmem>>, vector<1x16xf32>,
      %swap3A_66 = vector.shape_cast %swap3A_65 : vector<1x16xf32> to vector<16xf32>
      %swap3A_67 = vector.shape_cast %broadcast_in_dim3A_62 : vector<16xf32> to vector<1x16xf32>
      tpu.vector_store %arg7[%swap3A_63, %swap3A_64], %swap3A_67 {strides = array<i32>} : memref<128x128xf32, #tpu.memory_space<vmem>>, vector<1x16xf32>,
      %broadcast_in_dim3A_68 = arith.constant 0.000000e+00 : f32
      %broadcast_in_dim3A_69 = vector.broadcast %broadcast_in_dim3A_68 : f32 to vector<16xf32>
      %swap3A_70 = arith.index_cast %scan3A_27 : i32 to index
      %swap3A_71 = arith.constant 96 : index
      %swap3A_72 = tpu.vector_load %arg7[%swap3A_70, %swap3A_71] {strides = array<i32>} : memref<128x128xf32, #tpu.memory_space<vmem>>, vector<1x16xf32>,
      %swap3A_73 = vector.shape_cast %swap3A_72 : vector<1x16xf32> to vector<16xf32>
      %swap3A_74 = vector.shape_cast %broadcast_in_dim3A_69 : vector<16xf32> to vector<1x16xf32>
      tpu.vector_store %arg7[%swap3A_70, %swap3A_71], %swap3A_74 {strides = array<i32>} : memref<128x128xf32, #tpu.memory_space<vmem>>, vector<1x16xf32>,
      %broadcast_in_dim3A_75 = arith.constant 0.000000e+00 : f32
      %broadcast_in_dim3A_76 = vector.broadcast %broadcast_in_dim3A_75 : f32 to vector<16xf32>
      %swap3A_77 = arith.index_cast %scan3A_27 : i32 to index
      %swap3A_78 = arith.constant 112 : index
      %swap3A_79 = tpu.vector_load %arg7[%swap3A_77, %swap3A_78] {strides = array<i32>} : memref<128x128xf32, #tpu.memory_space<vmem>>, vector<1x16xf32>,
      %swap3A_80 = vector.shape_cast %swap3A_79 : vector<1x16xf32> to vector<16xf32>
      %swap3A_81 = vector.shape_cast %broadcast_in_dim3A_76 : vector<16xf32> to vector<1x16xf32>
      tpu.vector_store %arg7[%swap3A_77, %swap3A_78], %swap3A_81 {strides = array<i32>} : memref<128x128xf32, #tpu.memory_space<vmem>>, vector<1x16xf32>,
    }
    %scan3A_9 = arith.constant 128 : i32
    %add3A_10 = arith.constant 0 : i32
    %add3A_11 = arith.addi %mul3A_4, %add3A_10 : i32
    "tpu.region"() ({
      %run_scoped3A = tpu.sem_alloc : memref<!tpu.dma_semaphore, #tpu.memory_space<semaphore_mem>>
      %dma_start3A = arith.constant 0 : i32
      %dma_start3A_27 = tpu.memref_slice %arg8[%add3A_11, %dma_start3A] : memref<10112x128xf32, #tpu.memory_space<vmem_shared>> -> memref<128x128xf32, #tpu.memory_space<vmem_shared>>
      %dma_start3A_28 = arith.constant 0 : i32
      %dma_start3A_29 = tpu.memref_slice %arg8[%add3A_11, %dma_start3A_28] : memref<10112x128xf32, #tpu.memory_space<vmem_shared>> -> memref<128x128xf32, #tpu.memory_space<vmem_shared>>
      tpu.enqueue_dma source(%arg7 : memref<128x128xf32, #tpu.memory_space<vmem>>) target(%dma_start3A_29 : memref<128x128xf32, #tpu.memory_space<vmem_shared>>) target_semaphore(%run_scoped3A : memref<!tpu.dma_semaphore, #tpu.memory_space<semaphore_mem>>)
      %dma_wait3A = arith.constant 0 : i32
      %dma_wait3A_30 = tpu.memref_slice %arg8[%add3A_11, %dma_wait3A] : memref<10112x128xf32, #tpu.memory_space<vmem_shared>> -> memref<128x128xf32, #tpu.memory_space<vmem_shared>>
      %dma_wait3A_31 = arith.constant 0 : i32
      %dma_wait3A_32 = tpu.memref_slice %arg8[%add3A_11, %dma_wait3A_31] : memref<10112x128xf32, #tpu.memory_space<vmem_shared>> -> memref<128x128xf32, #tpu.memory_space<vmem_shared>>
      tpu.wait_dma2 semaphore(%run_scoped3A : memref<!tpu.dma_semaphore, #tpu.memory_space<semaphore_mem>>) src(%arg7 : memref<128x128xf32, #tpu.memory_space<vmem>>) dst(%dma_wait3A_32 : memref<128x128xf32, #tpu.memory_space<vmem_shared>>)
      tpu.yield
    }) : () -> ()
    %add3A_12 = arith.constant 128 : i32
    %add3A_13 = arith.addi %mul3A_4, %add3A_12 : i32
    "tpu.region"() ({
      %run_scoped3A = tpu.sem_alloc : memref<!tpu.dma_semaphore, #tpu.memory_space<semaphore_mem>>
      %dma_start3A = arith.constant 0 : i32
      %dma_start3A_27 = tpu.memref_slice %arg8[%add3A_13, %dma_start3A] : memref<10112x128xf32, #tpu.memory_space<vmem_shared>> -> memref<128x128xf32, #tpu.memory_space<vmem_shared>>
      %dma_start3A_28 = arith.constant 0 : i32
      %dma_start3A_29 = tpu.memref_slice %arg8[%add3A_13, %dma_start3A_28] : memref<10112x128xf32, #tpu.memory_space<vmem_shared>> -> memref<128x128xf32, #tpu.memory_space<vmem_shared>>
      tpu.enqueue_dma source(%arg7 : memref<128x128xf32, #tpu.memory_space<vmem>>) target(%dma_start3A_29 : memref<128x128xf32, #tpu.memory_space<vmem_shared>>) target_semaphore(%run_scoped3A : memref<!tpu.dma_semaphore, #tpu.memory_space<semaphore_mem>>)
      %dma_wait3A = arith.constant 0 : i32
      %dma_wait3A_30 = tpu.memref_slice %arg8[%add3A_13, %dma_wait3A] : memref<10112x128xf32, #tpu.memory_space<vmem_shared>> -> memref<128x128xf32, #tpu.memory_space<vmem_shared>>
      %dma_wait3A_31 = arith.constant 0 : i32
      %dma_wait3A_32 = tpu.memref_slice %arg8[%add3A_13, %dma_wait3A_31] : memref<10112x128xf32, #tpu.memory_space<vmem_shared>> -> memref<128x128xf32, #tpu.memory_space<vmem_shared>>
      tpu.wait_dma2 semaphore(%run_scoped3A : memref<!tpu.dma_semaphore, #tpu.memory_space<semaphore_mem>>) src(%arg7 : memref<128x128xf32, #tpu.memory_space<vmem>>) dst(%dma_wait3A_32 : memref<128x128xf32, #tpu.memory_space<vmem_shared>>)
      tpu.yield
    }) : () -> ()
    %add3A_14 = arith.constant 256 : i32
    %add3A_15 = arith.addi %mul3A_4, %add3A_14 : i32
    "tpu.region"() ({
      %run_scoped3A = tpu.sem_alloc : memref<!tpu.dma_semaphore, #tpu.memory_space<semaphore_mem>>
      %dma_start3A = arith.constant 0 : i32
      %dma_start3A_27 = tpu.memref_slice %arg8[%add3A_15, %dma_start3A] : memref<10112x128xf32, #tpu.memory_space<vmem_shared>> -> memref<128x128xf32, #tpu.memory_space<vmem_shared>>
      %dma_start3A_28 = arith.constant 0 : i32
      %dma_start3A_29 = tpu.memref_slice %arg8[%add3A_15, %dma_start3A_28] : memref<10112x128xf32, #tpu.memory_space<vmem_shared>> -> memref<128x128xf32, #tpu.memory_space<vmem_shared>>
      tpu.enqueue_dma source(%arg7 : memref<128x128xf32, #tpu.memory_space<vmem>>) target(%dma_start3A_29 : memref<128x128xf32, #tpu.memory_space<vmem_shared>>) target_semaphore(%run_scoped3A : memref<!tpu.dma_semaphore, #tpu.memory_space<semaphore_mem>>)
      %dma_wait3A = arith.constant 0 : i32
      %dma_wait3A_30 = tpu.memref_slice %arg8[%add3A_15, %dma_wait3A] : memref<10112x128xf32, #tpu.memory_space<vmem_shared>> -> memref<128x128xf32, #tpu.memory_space<vmem_shared>>
      %dma_wait3A_31 = arith.constant 0 : i32
      %dma_wait3A_32 = tpu.memref_slice %arg8[%add3A_15, %dma_wait3A_31] : memref<10112x128xf32, #tpu.memory_space<vmem_shared>> -> memref<128x128xf32, #tpu.memory_space<vmem_shared>>
      tpu.wait_dma2 semaphore(%run_scoped3A : memref<!tpu.dma_semaphore, #tpu.memory_space<semaphore_mem>>) src(%arg7 : memref<128x128xf32, #tpu.memory_space<vmem>>) dst(%dma_wait3A_32 : memref<128x128xf32, #tpu.memory_space<vmem_shared>>)
      tpu.yield
    }) : () -> ()
    %add3A_16 = arith.constant 384 : i32
    %add3A_17 = arith.addi %mul3A_4, %add3A_16 : i32
    "tpu.region"() ({
      %run_scoped3A = tpu.sem_alloc : memref<!tpu.dma_semaphore, #tpu.memory_space<semaphore_mem>>
      %dma_start3A = arith.constant 0 : i32
      %dma_start3A_27 = tpu.memref_slice %arg8[%add3A_17, %dma_start3A] : memref<10112x128xf32, #tpu.memory_space<vmem_shared>> -> memref<128x128xf32, #tpu.memory_space<vmem_shared>>
      %dma_start3A_28 = arith.constant 0 : i32
      %dma_start3A_29 = tpu.memref_slice %arg8[%add3A_17, %dma_start3A_28] : memref<10112x128xf32, #tpu.memory_space<vmem_shared>> -> memref<128x128xf32, #tpu.memory_space<vmem_shared>>
      tpu.enqueue_dma source(%arg7 : memref<128x128xf32, #tpu.memory_space<vmem>>) target(%dma_start3A_29 : memref<128x128xf32, #tpu.memory_space<vmem_shared>>) target_semaphore(%run_scoped3A : memref<!tpu.dma_semaphore, #tpu.memory_space<semaphore_mem>>)
      %dma_wait3A = arith.constant 0 : i32
      %dma_wait3A_30 = tpu.memref_slice %arg8[%add3A_17, %dma_wait3A] : memref<10112x128xf32, #tpu.memory_space<vmem_shared>> -> memref<128x128xf32, #tpu.memory_space<vmem_shared>>
      %dma_wait3A_31 = arith.constant 0 : i32
      %dma_wait3A_32 = tpu.memref_slice %arg8[%add3A_17, %dma_wait3A_31] : memref<10112x128xf32, #tpu.memory_space<vmem_shared>> -> memref<128x128xf32, #tpu.memory_space<vmem_shared>>
      tpu.wait_dma2 semaphore(%run_scoped3A : memref<!tpu.dma_semaphore, #tpu.memory_space<semaphore_mem>>) src(%arg7 : memref<128x128xf32, #tpu.memory_space<vmem>>) dst(%dma_wait3A_32 : memref<128x128xf32, #tpu.memory_space<vmem_shared>>)
      tpu.yield
    }) : () -> ()
    %add3A_18 = arith.constant 512 : i32
    %add3A_19 = arith.addi %mul3A_4, %add3A_18 : i32
    "tpu.region"() ({
      %run_scoped3A = tpu.sem_alloc : memref<!tpu.dma_semaphore, #tpu.memory_space<semaphore_mem>>
      %dma_start3A = arith.constant 0 : i32
      %dma_start3A_27 = arith.constant 0 : i32
      %dma_start3A_28 = tpu.memref_slice %arg7[%dma_start3A, %dma_start3A_27] : memref<128x128xf32, #tpu.memory_space<vmem>> -> memref<120x128xf32, #tpu.memory_space<vmem>>
      %dma_start3A_29 = arith.constant 0 : i32
      %dma_start3A_30 = tpu.memref_slice %arg8[%add3A_19, %dma_start3A_29] : memref<10112x128xf32, #tpu.memory_space<vmem_shared>> -> memref<120x128xf32, #tpu.memory_space<vmem_shared>>
      %dma_start3A_31 = arith.constant 0 : i32
      %dma_start3A_32 = tpu.memref_slice %arg8[%add3A_19, %dma_start3A_31] : memref<10112x128xf32, #tpu.memory_space<vmem_shared>> -> memref<120x128xf32, #tpu.memory_space<vmem_shared>>
      %dma_start3A_33 = arith.constant 0 : i32
      %dma_start3A_34 = arith.constant 0 : i32
      %dma_start3A_35 = tpu.memref_slice %arg7[%dma_start3A_33, %dma_start3A_34] : memref<128x128xf32, #tpu.memory_space<vmem>> -> memref<120x128xf32, #tpu.memory_space<vmem>>
      tpu.enqueue_dma source(%dma_start3A_35 : memref<120x128xf32, #tpu.memory_space<vmem>>) target(%dma_start3A_32 : memref<120x128xf32, #tpu.memory_space<vmem_shared>>) target_semaphore(%run_scoped3A : memref<!tpu.dma_semaphore, #tpu.memory_space<semaphore_mem>>)
      %dma_wait3A = arith.constant 0 : i32
      %dma_wait3A_36 = arith.constant 0 : i32
      %dma_wait3A_37 = tpu.memref_slice %arg7[%dma_wait3A, %dma_wait3A_36] : memref<128x128xf32, #tpu.memory_space<vmem>> -> memref<120x128xf32, #tpu.memory_space<vmem>>
      %dma_wait3A_38 = arith.constant 0 : i32
      %dma_wait3A_39 = tpu.memref_slice %arg8[%add3A_19, %dma_wait3A_38] : memref<10112x128xf32, #tpu.memory_space<vmem_shared>> -> memref<120x128xf32, #tpu.memory_space<vmem_shared>>
      %dma_wait3A_40 = arith.constant 0 : i32
      %dma_wait3A_41 = tpu.memref_slice %arg8[%add3A_19, %dma_wait3A_40] : memref<10112x128xf32, #tpu.memory_space<vmem_shared>> -> memref<120x128xf32, #tpu.memory_space<vmem_shared>>
      %dma_wait3A_42 = arith.constant 0 : i32
      %dma_wait3A_43 = arith.constant 0 : i32
      %dma_wait3A_44 = tpu.memref_slice %arg7[%dma_wait3A_42, %dma_wait3A_43] : memref<128x128xf32, #tpu.memory_space<vmem>> -> memref<120x128xf32, #tpu.memory_space<vmem>>
      tpu.wait_dma2 semaphore(%run_scoped3A : memref<!tpu.dma_semaphore, #tpu.memory_space<semaphore_mem>>) src(%dma_wait3A_44 : memref<120x128xf32, #tpu.memory_space<vmem>>) dst(%dma_wait3A_41 : memref<120x128xf32, #tpu.memory_space<vmem_shared>>)
      tpu.yield
    }) : () -> ()
    %barrier3A = arith.constant 0 : index
    tpu.barrier barrier_id(%barrier3A)
    %scan3A_20 = arith.constant 0 : i32
    %scan3A_21 = arith.constant 0 : i32
    %scan3A_22 = arith.constant 81 : i32
    %scan3A_23 = arith.addi %scan3A_21, %scan3A_22 : i32
    %scan3A_24 = arith.constant 1 : i32
    scf.for %scan3A_27 = %scan3A_21 to %scan3A_23 step %scan3A_24  : i32 {
      %mul3A_28 = arith.constant 128 : i32
      %mul3A_29 = arith.muli %scan3A_27, %mul3A_28 : i32
      %add3A_30 = arith.addi %add3A, %mul3A_29 : i32
      %run_scoped3A = arith.constant 0 : i32
      "tpu.region"() ({
        %run_scoped3A_36 = tpu.sem_alloc : memref<!tpu.dma_semaphore, #tpu.memory_space<semaphore_mem>>
        %dma_start3A_37 = tpu.memref_slice %arg2[%run_scoped3A, %add3A_30] : memref<2x331776xi32, #tpu.memory_space<hbm>> -> memref<1x128xi32, #tpu.memory_space<hbm>>
        %dma_start3A_38 = tpu.memref_squeeze %dma_start3A_37 : memref<1x128xi32, #tpu.memory_space<hbm>> -> memref<128xi32, #tpu.memory_space<hbm>>
        %dma_start3A_39 = tpu.memref_slice %arg2[%run_scoped3A, %add3A_30] : memref<2x331776xi32, #tpu.memory_space<hbm>> -> memref<1x128xi32, #tpu.memory_space<hbm>>
        %dma_start3A_40 = tpu.memref_squeeze %dma_start3A_39 : memref<1x128xi32, #tpu.memory_space<hbm>> -> memref<128xi32, #tpu.memory_space<hbm>>
        tpu.enqueue_dma source(%dma_start3A_40 : memref<128xi32, #tpu.memory_space<hbm>>) target(%arg5 : memref<128xi32, #tpu.memory_space<vmem>>) target_semaphore(%run_scoped3A_36 : memref<!tpu.dma_semaphore, #tpu.memory_space<semaphore_mem>>)
        %dma_wait3A_41 = tpu.memref_slice %arg2[%run_scoped3A, %add3A_30] : memref<2x331776xi32, #tpu.memory_space<hbm>> -> memref<1x128xi32, #tpu.memory_space<hbm>>
        %dma_wait3A_42 = tpu.memref_squeeze %dma_wait3A_41 : memref<1x128xi32, #tpu.memory_space<hbm>> -> memref<128xi32, #tpu.memory_space<hbm>>
        %dma_wait3A_43 = tpu.memref_slice %arg2[%run_scoped3A, %add3A_30] : memref<2x331776xi32, #tpu.memory_space<hbm>> -> memref<1x128xi32, #tpu.memory_space<hbm>>
        %dma_wait3A_44 = tpu.memref_squeeze %dma_wait3A_43 : memref<1x128xi32, #tpu.memory_space<hbm>> -> memref<128xi32, #tpu.memory_space<hbm>>
        tpu.wait_dma2 semaphore(%run_scoped3A_36 : memref<!tpu.dma_semaphore, #tpu.memory_space<semaphore_mem>>) src(%dma_wait3A_44 : memref<128xi32, #tpu.memory_space<hbm>>) dst(%arg5 : memref<128xi32, #tpu.memory_space<vmem>>)
        tpu.yield
      }) : () -> ()
      %run_scoped3A_31 = arith.constant 1 : i32
      "tpu.region"() ({
        %run_scoped3A_36 = tpu.sem_alloc : memref<!tpu.dma_semaphore, #tpu.memory_space<semaphore_mem>>
        %dma_start3A_37 = tpu.memref_slice %arg2[%run_scoped3A_31, %add3A_30] : memref<2x331776xi32, #tpu.memory_space<hbm>> -> memref<1x128xi32, #tpu.memory_space<hbm>>
        %dma_start3A_38 = tpu.memref_squeeze %dma_start3A_37 : memref<1x128xi32, #tpu.memory_space<hbm>> -> memref<128xi32, #tpu.memory_space<hbm>>
        %dma_start3A_39 = tpu.memref_slice %arg2[%run_scoped3A_31, %add3A_30] : memref<2x331776xi32, #tpu.memory_space<hbm>> -> memref<1x128xi32, #tpu.memory_space<hbm>>
        %dma_start3A_40 = tpu.memref_squeeze %dma_start3A_39 : memref<1x128xi32, #tpu.memory_space<hbm>> -> memref<128xi32, #tpu.memory_space<hbm>>
        tpu.enqueue_dma source(%dma_start3A_40 : memref<128xi32, #tpu.memory_space<hbm>>) target(%arg6 : memref<128xi32, #tpu.memory_space<vmem>>) target_semaphore(%run_scoped3A_36 : memref<!tpu.dma_semaphore, #tpu.memory_space<semaphore_mem>>)
        %dma_wait3A_41 = tpu.memref_slice %arg2[%run_scoped3A_31, %add3A_30] : memref<2x331776xi32, #tpu.memory_space<hbm>> -> memref<1x128xi32, #tpu.memory_space<hbm>>
        %dma_wait3A_42 = tpu.memref_squeeze %dma_wait3A_41 : memref<1x128xi32, #tpu.memory_space<hbm>> -> memref<128xi32, #tpu.memory_space<hbm>>
        %dma_wait3A_43 = tpu.memref_slice %arg2[%run_scoped3A_31, %add3A_30] : memref<2x331776xi32, #tpu.memory_space<hbm>> -> memref<1x128xi32, #tpu.memory_space<hbm>>
        %dma_wait3A_44 = tpu.memref_squeeze %dma_wait3A_43 : memref<1x128xi32, #tpu.memory_space<hbm>> -> memref<128xi32, #tpu.memory_space<hbm>>
        tpu.wait_dma2 semaphore(%run_scoped3A_36 : memref<!tpu.dma_semaphore, #tpu.memory_space<semaphore_mem>>) src(%dma_wait3A_44 : memref<128xi32, #tpu.memory_space<hbm>>) dst(%arg6 : memref<128xi32, #tpu.memory_space<vmem>>)
        tpu.yield
      }) : () -> ()
      %dma_start3A = arith.constant 0 : i32
      %dma_start3A_32 = arith.constant 0 : i32
      %dma_start3A_33 = tpu.memref_slice %arg3[%dma_start3A, %dma_start3A_32] : memref<10112x128xf32, #tpu.memory_space<hbm>> -> memref<10112x128xf32, #tpu.memory_space<hbm>>
      tpu.enqueue_indirect_dma source(%dma_start3A_33 : memref<10112x128xf32, #tpu.memory_space<hbm>>) target(%arg7 : memref<128x128xf32, #tpu.memory_space<vmem>>) offsets(%arg5 : memref<128xi32, #tpu.memory_space<vmem>>) semaphore(%arg9 : memref<!tpu.dma_semaphore, #tpu.memory_space<semaphore_mem>>)
      %dma_wait3A = arith.constant 0 : i32
      %dma_wait3A_34 = arith.constant 0 : i32
      %dma_wait3A_35 = tpu.memref_slice %arg3[%dma_wait3A, %dma_wait3A_34] : memref<10112x128xf32, #tpu.memory_space<hbm>> -> memref<10112x128xf32, #tpu.memory_space<hbm>>
      tpu.wait_indirect_dma semaphore(%arg9 : memref<!tpu.dma_semaphore, #tpu.memory_space<semaphore_mem>>) src(%dma_wait3A_35 : memref<10112x128xf32, #tpu.memory_space<hbm>>) dst(%arg7 : memref<128x128xf32, #tpu.memory_space<vmem>>)
      "tpu.region"() ({
        %run_scoped3A_36 = tpu.sem_alloc : memref<!tpu.dma_semaphore, #tpu.memory_space<semaphore_mem>>
        %dma_start3A_37 = arith.constant 0 : i32
        %dma_start3A_38 = arith.constant 0 : i32
        %dma_start3A_39 = tpu.memref_slice %arg8[%dma_start3A_37, %dma_start3A_38] : memref<10112x128xf32, #tpu.memory_space<vmem_shared>> -> memref<10112x128xf32, #tpu.memory_space<vmem_shared>>
        tpu.enqueue_indirect_dma source(%arg7 : memref<128x128xf32, #tpu.memory_space<vmem>>) target(%dma_start3A_39 : memref<10112x128xf32, #tpu.memory_space<vmem_shared>>) offsets(%arg6 : memref<128xi32, #tpu.memory_space<vmem>>) semaphore(%run_scoped3A_36 : memref<!tpu.dma_semaphore, #tpu.memory_space<semaphore_mem>>) {add = true}
        %dma_wait3A_40 = arith.constant 0 : i32
        %dma_wait3A_41 = arith.constant 0 : i32
        %dma_wait3A_42 = tpu.memref_slice %arg8[%dma_wait3A_40, %dma_wait3A_41] : memref<10112x128xf32, #tpu.memory_space<vmem_shared>> -> memref<10112x128xf32, #tpu.memory_space<vmem_shared>>
        tpu.wait_indirect_dma semaphore(%run_scoped3A_36 : memref<!tpu.dma_semaphore, #tpu.memory_space<semaphore_mem>>) src(%arg7 : memref<128x128xf32, #tpu.memory_space<vmem>>) dst(%dma_wait3A_42 : memref<10112x128xf32, #tpu.memory_space<vmem_shared>>)
        tpu.yield
      }) : () -> ()
    }
    %scan3A_25 = arith.constant 81 : i32
    %barrier3A_26 = arith.constant 0 : index
    tpu.barrier barrier_id(%barrier3A_26)
    "tpu.region"() ({
      %run_scoped3A = tpu.sem_alloc : memref<!tpu.dma_semaphore, #tpu.memory_space<semaphore_mem>>
      %dma_start3A = arith.constant 0 : i32
      %dma_start3A_27 = tpu.memref_slice %arg4[%arg0, %mul3A_4, %dma_start3A] : memref<2x10112x128xf32, #tpu.memory_space<hbm>> -> memref<1x632x128xf32, #tpu.memory_space<hbm>>
      %dma_start3A_28 = tpu.memref_squeeze %dma_start3A_27 : memref<1x632x128xf32, #tpu.memory_space<hbm>> -> memref<632x128xf32, #tpu.memory_space<hbm>>
      %dma_start3A_29 = arith.constant 0 : i32
      %dma_start3A_30 = tpu.memref_slice %arg8[%mul3A_4, %dma_start3A_29] : memref<10112x128xf32, #tpu.memory_space<vmem_shared>> -> memref<632x128xf32, #tpu.memory_space<vmem_shared>>
      tpu.enqueue_dma source(%dma_start3A_30 : memref<632x128xf32, #tpu.memory_space<vmem_shared>>) target(%dma_start3A_28 : memref<632x128xf32, #tpu.memory_space<hbm>>) target_semaphore(%run_scoped3A : memref<!tpu.dma_semaphore, #tpu.memory_space<semaphore_mem>>)
      %dma_wait3A = arith.constant 0 : i32
      %dma_wait3A_31 = tpu.memref_slice %arg4[%arg0, %mul3A_4, %dma_wait3A] : memref<2x10112x128xf32, #tpu.memory_space<hbm>> -> memref<1x632x128xf32, #tpu.memory_space<hbm>>
      %dma_wait3A_32 = tpu.memref_squeeze %dma_wait3A_31 : memref<1x632x128xf32, #tpu.memory_space<hbm>> -> memref<632x128xf32, #tpu.memory_space<hbm>>
      %dma_wait3A_33 = arith.constant 0 : i32
      %dma_wait3A_34 = tpu.memref_slice %arg8[%mul3A_4, %dma_wait3A_33] : memref<10112x128xf32, #tpu.memory_space<vmem_shared>> -> memref<632x128xf32, #tpu.memory_space<vmem_shared>>
      tpu.wait_dma2 semaphore(%run_scoped3A : memref<!tpu.dma_semaphore, #tpu.memory_space<semaphore_mem>>) src(%dma_wait3A_34 : memref<632x128xf32, #tpu.memory_space<vmem_shared>>) dst(%dma_wait3A_32 : memref<632x128xf32, #tpu.memory_space<hbm>>)
      tpu.yield
    }) : () -> ()
    return
  }
}

#map = affine_map<(d0, d1) -> (0, 0)>
#map1 = affine_map<(d0, d1) -> (0, 0, 0)>
module attributes {stable_mosaic.version = 14 : i64} {
  func.func @_k2_body(%arg0: i32, %arg1: i32, %arg2: memref<2x331776xi32, #tpu.memory_space<hbm>>, %arg3: memref<10000x144xf32, #tpu.memory_space<hbm>>, %arg4: memref<10000x144xf32, #tpu.memory_space<hbm>>, %arg5: memref<10000x16xf32, #tpu.memory_space<hbm>>, %arg6: memref<10000x16xf32, #tpu.memory_space<hbm>>, %arg7: memref<2x10112x128xf32, #tpu.memory_space<hbm>>, %arg8: memref<2x10112x16xf32, #tpu.memory_space<hbm>>, %arg9: memref<128xi32, #tpu.memory_space<vmem>>, %arg10: memref<128xi32, #tpu.memory_space<vmem>>, %arg11: memref<128x144xf32, #tpu.memory_space<vmem>>, %arg12: memref<128x16xf32, #tpu.memory_space<vmem>>, %arg13: memref<128x128xf32, #tpu.memory_space<vmem>>, %arg14: memref<128x16xf32, #tpu.memory_space<vmem>>, %arg15: memref<10112x128xf32, #tpu.memory_space<vmem_shared>>, %arg16: memref<10112x16xf32, #tpu.memory_space<vmem_shared>>, %arg17: memref<!tpu.dma_semaphore, #tpu.memory_space<semaphore_mem>>) attributes {dimension_semantics = [#tpu.dimension_semantics<core_parallel>, #tpu.dimension_semantics<subcore_parallel>], iteration_bounds = array<i64: 2, 16>, scalar_prefetch = 0 : i64, scratch_operands = 9 : i64, tpu.core_type = #tpu.core_type<sc_vector_subcore>, window_params = [{transform_indices = #map}, {transform_indices = #map}, {transform_indices = #map}, {transform_indices = #map}, {transform_indices = #map}, {transform_indices = #map1}, {transform_indices = #map1}]} {
    %mul3A = arith.constant 20736 : i32
    %mul3A_0 = arith.muli %arg1, %mul3A : i32
    %mul3A_1 = arith.constant 632 : i32
    %mul3A_2 = arith.muli %arg1, %mul3A_1 : i32
    %scan3A = arith.constant 0 : i32
    %scan3A_3 = arith.constant 0 : i32
    %scan3A_4 = arith.constant 128 : i32
    %scan3A_5 = arith.addi %scan3A_3, %scan3A_4 : i32
    %scan3A_6 = arith.constant 1 : i32
    scf.for %scan3A_33 = %scan3A_3 to %scan3A_5 step %scan3A_6  : i32 {
      %broadcast_in_dim3A = arith.constant 0.000000e+00 : f32
      %broadcast_in_dim3A_34 = vector.broadcast %broadcast_in_dim3A : f32 to vector<16xf32>
      %swap3A = arith.index_cast %scan3A_33 : i32 to index
      %swap3A_35 = arith.constant 0 : index
      %swap3A_36 = tpu.vector_load %arg13[%swap3A, %swap3A_35] {strides = array<i32>} : memref<128x128xf32, #tpu.memory_space<vmem>>, vector<1x16xf32>,
      %swap3A_37 = vector.shape_cast %swap3A_36 : vector<1x16xf32> to vector<16xf32>
      %swap3A_38 = vector.shape_cast %broadcast_in_dim3A_34 : vector<16xf32> to vector<1x16xf32>
      tpu.vector_store %arg13[%swap3A, %swap3A_35], %swap3A_38 {strides = array<i32>} : memref<128x128xf32, #tpu.memory_space<vmem>>, vector<1x16xf32>,
      %broadcast_in_dim3A_39 = arith.constant 0.000000e+00 : f32
      %broadcast_in_dim3A_40 = vector.broadcast %broadcast_in_dim3A_39 : f32 to vector<16xf32>
      %swap3A_41 = arith.index_cast %scan3A_33 : i32 to index
      %swap3A_42 = arith.constant 16 : index
      %swap3A_43 = tpu.vector_load %arg13[%swap3A_41, %swap3A_42] {strides = array<i32>} : memref<128x128xf32, #tpu.memory_space<vmem>>, vector<1x16xf32>,
      %swap3A_44 = vector.shape_cast %swap3A_43 : vector<1x16xf32> to vector<16xf32>
      %swap3A_45 = vector.shape_cast %broadcast_in_dim3A_40 : vector<16xf32> to vector<1x16xf32>
      tpu.vector_store %arg13[%swap3A_41, %swap3A_42], %swap3A_45 {strides = array<i32>} : memref<128x128xf32, #tpu.memory_space<vmem>>, vector<1x16xf32>,
      %broadcast_in_dim3A_46 = arith.constant 0.000000e+00 : f32
      %broadcast_in_dim3A_47 = vector.broadcast %broadcast_in_dim3A_46 : f32 to vector<16xf32>
      %swap3A_48 = arith.index_cast %scan3A_33 : i32 to index
      %swap3A_49 = arith.constant 32 : index
      %swap3A_50 = tpu.vector_load %arg13[%swap3A_48, %swap3A_49] {strides = array<i32>} : memref<128x128xf32, #tpu.memory_space<vmem>>, vector<1x16xf32>,
      %swap3A_51 = vector.shape_cast %swap3A_50 : vector<1x16xf32> to vector<16xf32>
      %swap3A_52 = vector.shape_cast %broadcast_in_dim3A_47 : vector<16xf32> to vector<1x16xf32>
      tpu.vector_store %arg13[%swap3A_48, %swap3A_49], %swap3A_52 {strides = array<i32>} : memref<128x128xf32, #tpu.memory_space<vmem>>, vector<1x16xf32>,
      %broadcast_in_dim3A_53 = arith.constant 0.000000e+00 : f32
      %broadcast_in_dim3A_54 = vector.broadcast %broadcast_in_dim3A_53 : f32 to vector<16xf32>
      %swap3A_55 = arith.index_cast %scan3A_33 : i32 to index
      %swap3A_56 = arith.constant 48 : index
      %swap3A_57 = tpu.vector_load %arg13[%swap3A_55, %swap3A_56] {strides = array<i32>} : memref<128x128xf32, #tpu.memory_space<vmem>>, vector<1x16xf32>,
      %swap3A_58 = vector.shape_cast %swap3A_57 : vector<1x16xf32> to vector<16xf32>
      %swap3A_59 = vector.shape_cast %broadcast_in_dim3A_54 : vector<16xf32> to vector<1x16xf32>
      tpu.vector_store %arg13[%swap3A_55, %swap3A_56], %swap3A_59 {strides = array<i32>} : memref<128x128xf32, #tpu.memory_space<vmem>>, vector<1x16xf32>,
      %broadcast_in_dim3A_60 = arith.constant 0.000000e+00 : f32
      %broadcast_in_dim3A_61 = vector.broadcast %broadcast_in_dim3A_60 : f32 to vector<16xf32>
      %swap3A_62 = arith.index_cast %scan3A_33 : i32 to index
      %swap3A_63 = arith.constant 64 : index
      %swap3A_64 = tpu.vector_load %arg13[%swap3A_62, %swap3A_63] {strides = array<i32>} : memref<128x128xf32, #tpu.memory_space<vmem>>, vector<1x16xf32>,
      %swap3A_65 = vector.shape_cast %swap3A_64 : vector<1x16xf32> to vector<16xf32>
      %swap3A_66 = vector.shape_cast %broadcast_in_dim3A_61 : vector<16xf32> to vector<1x16xf32>
      tpu.vector_store %arg13[%swap3A_62, %swap3A_63], %swap3A_66 {strides = array<i32>} : memref<128x128xf32, #tpu.memory_space<vmem>>, vector<1x16xf32>,
      %broadcast_in_dim3A_67 = arith.constant 0.000000e+00 : f32
      %broadcast_in_dim3A_68 = vector.broadcast %broadcast_in_dim3A_67 : f32 to vector<16xf32>
      %swap3A_69 = arith.index_cast %scan3A_33 : i32 to index
      %swap3A_70 = arith.constant 80 : index
      %swap3A_71 = tpu.vector_load %arg13[%swap3A_69, %swap3A_70] {strides = array<i32>} : memref<128x128xf32, #tpu.memory_space<vmem>>, vector<1x16xf32>,
      %swap3A_72 = vector.shape_cast %swap3A_71 : vector<1x16xf32> to vector<16xf32>
      %swap3A_73 = vector.shape_cast %broadcast_in_dim3A_68 : vector<16xf32> to vector<1x16xf32>
      tpu.vector_store %arg13[%swap3A_69, %swap3A_70], %swap3A_73 {strides = array<i32>} : memref<128x128xf32, #tpu.memory_space<vmem>>, vector<1x16xf32>,
      %broadcast_in_dim3A_74 = arith.constant 0.000000e+00 : f32
      %broadcast_in_dim3A_75 = vector.broadcast %broadcast_in_dim3A_74 : f32 to vector<16xf32>
      %swap3A_76 = arith.index_cast %scan3A_33 : i32 to index
      %swap3A_77 = arith.constant 96 : index
      %swap3A_78 = tpu.vector_load %arg13[%swap3A_76, %swap3A_77] {strides = array<i32>} : memref<128x128xf32, #tpu.memory_space<vmem>>, vector<1x16xf32>,
      %swap3A_79 = vector.shape_cast %swap3A_78 : vector<1x16xf32> to vector<16xf32>
      %swap3A_80 = vector.shape_cast %broadcast_in_dim3A_75 : vector<16xf32> to vector<1x16xf32>
      tpu.vector_store %arg13[%swap3A_76, %swap3A_77], %swap3A_80 {strides = array<i32>} : memref<128x128xf32, #tpu.memory_space<vmem>>, vector<1x16xf32>,
      %broadcast_in_dim3A_81 = arith.constant 0.000000e+00 : f32
      %broadcast_in_dim3A_82 = vector.broadcast %broadcast_in_dim3A_81 : f32 to vector<16xf32>
      %swap3A_83 = arith.index_cast %scan3A_33 : i32 to index
      %swap3A_84 = arith.constant 112 : index
      %swap3A_85 = tpu.vector_load %arg13[%swap3A_83, %swap3A_84] {strides = array<i32>} : memref<128x128xf32, #tpu.memory_space<vmem>>, vector<1x16xf32>,
      %swap3A_86 = vector.shape_cast %swap3A_85 : vector<1x16xf32> to vector<16xf32>
      %swap3A_87 = vector.shape_cast %broadcast_in_dim3A_82 : vector<16xf32> to vector<1x16xf32>
      tpu.vector_store %arg13[%swap3A_83, %swap3A_84], %swap3A_87 {strides = array<i32>} : memref<128x128xf32, #tpu.memory_space<vmem>>, vector<1x16xf32>,
      %broadcast_in_dim3A_88 = arith.constant 0.000000e+00 : f32
      %broadcast_in_dim3A_89 = vector.broadcast %broadcast_in_dim3A_88 : f32 to vector<16xf32>
      %swap3A_90 = arith.index_cast %scan3A_33 : i32 to index
      %swap3A_91 = arith.constant 0 : index
      %swap3A_92 = tpu.vector_load %arg14[%swap3A_90, %swap3A_91] {strides = array<i32>} : memref<128x16xf32, #tpu.memory_space<vmem>>, vector<1x16xf32>,
      %swap3A_93 = vector.shape_cast %swap3A_92 : vector<1x16xf32> to vector<16xf32>
      %swap3A_94 = vector.shape_cast %broadcast_in_dim3A_89 : vector<16xf32> to vector<1x16xf32>
      tpu.vector_store %arg14[%swap3A_90, %swap3A_91], %swap3A_94 {strides = array<i32>} : memref<128x16xf32, #tpu.memory_space<vmem>>, vector<1x16xf32>,
    }
    %scan3A_7 = arith.constant 128 : i32
    %add3A = arith.constant 0 : i32
    %add3A_8 = arith.addi %mul3A_2, %add3A : i32
    "tpu.region"() ({
      %run_scoped3A = tpu.sem_alloc : memref<!tpu.dma_semaphore, #tpu.memory_space<semaphore_mem>>
      %dma_start3A = arith.constant 0 : i32
      %dma_start3A_33 = tpu.memref_slice %arg15[%add3A_8, %dma_start3A] : memref<10112x128xf32, #tpu.memory_space<vmem_shared>> -> memref<128x128xf32, #tpu.memory_space<vmem_shared>>
      %dma_start3A_34 = arith.constant 0 : i32
      %dma_start3A_35 = tpu.memref_slice %arg15[%add3A_8, %dma_start3A_34] : memref<10112x128xf32, #tpu.memory_space<vmem_shared>> -> memref<128x128xf32, #tpu.memory_space<vmem_shared>>
      tpu.enqueue_dma source(%arg13 : memref<128x128xf32, #tpu.memory_space<vmem>>) target(%dma_start3A_35 : memref<128x128xf32, #tpu.memory_space<vmem_shared>>) target_semaphore(%run_scoped3A : memref<!tpu.dma_semaphore, #tpu.memory_space<semaphore_mem>>)
      %dma_wait3A = arith.constant 0 : i32
      %dma_wait3A_36 = tpu.memref_slice %arg15[%add3A_8, %dma_wait3A] : memref<10112x128xf32, #tpu.memory_space<vmem_shared>> -> memref<128x128xf32, #tpu.memory_space<vmem_shared>>
      %dma_wait3A_37 = arith.constant 0 : i32
      %dma_wait3A_38 = tpu.memref_slice %arg15[%add3A_8, %dma_wait3A_37] : memref<10112x128xf32, #tpu.memory_space<vmem_shared>> -> memref<128x128xf32, #tpu.memory_space<vmem_shared>>
      tpu.wait_dma2 semaphore(%run_scoped3A : memref<!tpu.dma_semaphore, #tpu.memory_space<semaphore_mem>>) src(%arg13 : memref<128x128xf32, #tpu.memory_space<vmem>>) dst(%dma_wait3A_38 : memref<128x128xf32, #tpu.memory_space<vmem_shared>>)
      tpu.yield
    }) : () -> ()
    %add3A_9 = arith.constant 0 : i32
    %add3A_10 = arith.addi %mul3A_2, %add3A_9 : i32
    "tpu.region"() ({
      %run_scoped3A = tpu.sem_alloc : memref<!tpu.dma_semaphore, #tpu.memory_space<semaphore_mem>>
      %dma_start3A = arith.constant 0 : i32
      %dma_start3A_33 = tpu.memref_slice %arg16[%add3A_10, %dma_start3A] : memref<10112x16xf32, #tpu.memory_space<vmem_shared>> -> memref<128x16xf32, #tpu.memory_space<vmem_shared>>
      %dma_start3A_34 = arith.constant 0 : i32
      %dma_start3A_35 = tpu.memref_slice %arg16[%add3A_10, %dma_start3A_34] : memref<10112x16xf32, #tpu.memory_space<vmem_shared>> -> memref<128x16xf32, #tpu.memory_space<vmem_shared>>
      tpu.enqueue_dma source(%arg14 : memref<128x16xf32, #tpu.memory_space<vmem>>) target(%dma_start3A_35 : memref<128x16xf32, #tpu.memory_space<vmem_shared>>) target_semaphore(%run_scoped3A : memref<!tpu.dma_semaphore, #tpu.memory_space<semaphore_mem>>)
      %dma_wait3A = arith.constant 0 : i32
      %dma_wait3A_36 = tpu.memref_slice %arg16[%add3A_10, %dma_wait3A] : memref<10112x16xf32, #tpu.memory_space<vmem_shared>> -> memref<128x16xf32, #tpu.memory_space<vmem_shared>>
      %dma_wait3A_37 = arith.constant 0 : i32
      %dma_wait3A_38 = tpu.memref_slice %arg16[%add3A_10, %dma_wait3A_37] : memref<10112x16xf32, #tpu.memory_space<vmem_shared>> -> memref<128x16xf32, #tpu.memory_space<vmem_shared>>
      tpu.wait_dma2 semaphore(%run_scoped3A : memref<!tpu.dma_semaphore, #tpu.memory_space<semaphore_mem>>) src(%arg14 : memref<128x16xf32, #tpu.memory_space<vmem>>) dst(%dma_wait3A_38 : memref<128x16xf32, #tpu.memory_space<vmem_shared>>)
      tpu.yield
    }) : () -> ()
    %add3A_11 = arith.constant 128 : i32
    %add3A_12 = arith.addi %mul3A_2, %add3A_11 : i32
    "tpu.region"() ({
      %run_scoped3A = tpu.sem_alloc : memref<!tpu.dma_semaphore, #tpu.memory_space<semaphore_mem>>
      %dma_start3A = arith.constant 0 : i32
      %dma_start3A_33 = tpu.memref_slice %arg15[%add3A_12, %dma_start3A] : memref<10112x128xf32, #tpu.memory_space<vmem_shared>> -> memref<128x128xf32, #tpu.memory_space<vmem_shared>>
      %dma_start3A_34 = arith.constant 0 : i32
      %dma_start3A_35 = tpu.memref_slice %arg15[%add3A_12, %dma_start3A_34] : memref<10112x128xf32, #tpu.memory_space<vmem_shared>> -> memref<128x128xf32, #tpu.memory_space<vmem_shared>>
      tpu.enqueue_dma source(%arg13 : memref<128x128xf32, #tpu.memory_space<vmem>>) target(%dma_start3A_35 : memref<128x128xf32, #tpu.memory_space<vmem_shared>>) target_semaphore(%run_scoped3A : memref<!tpu.dma_semaphore, #tpu.memory_space<semaphore_mem>>)
      %dma_wait3A = arith.constant 0 : i32
      %dma_wait3A_36 = tpu.memref_slice %arg15[%add3A_12, %dma_wait3A] : memref<10112x128xf32, #tpu.memory_space<vmem_shared>> -> memref<128x128xf32, #tpu.memory_space<vmem_shared>>
      %dma_wait3A_37 = arith.constant 0 : i32
      %dma_wait3A_38 = tpu.memref_slice %arg15[%add3A_12, %dma_wait3A_37] : memref<10112x128xf32, #tpu.memory_space<vmem_shared>> -> memref<128x128xf32, #tpu.memory_space<vmem_shared>>
      tpu.wait_dma2 semaphore(%run_scoped3A : memref<!tpu.dma_semaphore, #tpu.memory_space<semaphore_mem>>) src(%arg13 : memref<128x128xf32, #tpu.memory_space<vmem>>) dst(%dma_wait3A_38 : memref<128x128xf32, #tpu.memory_space<vmem_shared>>)
      tpu.yield
    }) : () -> ()
    %add3A_13 = arith.constant 128 : i32
    %add3A_14 = arith.addi %mul3A_2, %add3A_13 : i32
    "tpu.region"() ({
      %run_scoped3A = tpu.sem_alloc : memref<!tpu.dma_semaphore, #tpu.memory_space<semaphore_mem>>
      %dma_start3A = arith.constant 0 : i32
      %dma_start3A_33 = tpu.memref_slice %arg16[%add3A_14, %dma_start3A] : memref<10112x16xf32, #tpu.memory_space<vmem_shared>> -> memref<128x16xf32, #tpu.memory_space<vmem_shared>>
      %dma_start3A_34 = arith.constant 0 : i32
      %dma_start3A_35 = tpu.memref_slice %arg16[%add3A_14, %dma_start3A_34] : memref<10112x16xf32, #tpu.memory_space<vmem_shared>> -> memref<128x16xf32, #tpu.memory_space<vmem_shared>>
      tpu.enqueue_dma source(%arg14 : memref<128x16xf32, #tpu.memory_space<vmem>>) target(%dma_start3A_35 : memref<128x16xf32, #tpu.memory_space<vmem_shared>>) target_semaphore(%run_scoped3A : memref<!tpu.dma_semaphore, #tpu.memory_space<semaphore_mem>>)
      %dma_wait3A = arith.constant 0 : i32
      %dma_wait3A_36 = tpu.memref_slice %arg16[%add3A_14, %dma_wait3A] : memref<10112x16xf32, #tpu.memory_space<vmem_shared>> -> memref<128x16xf32, #tpu.memory_space<vmem_shared>>
      %dma_wait3A_37 = arith.constant 0 : i32
      %dma_wait3A_38 = tpu.memref_slice %arg16[%add3A_14, %dma_wait3A_37] : memref<10112x16xf32, #tpu.memory_space<vmem_shared>> -> memref<128x16xf32, #tpu.memory_space<vmem_shared>>
      tpu.wait_dma2 semaphore(%run_scoped3A : memref<!tpu.dma_semaphore, #tpu.memory_space<semaphore_mem>>) src(%arg14 : memref<128x16xf32, #tpu.memory_space<vmem>>) dst(%dma_wait3A_38 : memref<128x16xf32, #tpu.memory_space<vmem_shared>>)
      tpu.yield
    }) : () -> ()
    %add3A_15 = arith.constant 256 : i32
    %add3A_16 = arith.addi %mul3A_2, %add3A_15 : i32
    "tpu.region"() ({
      %run_scoped3A = tpu.sem_alloc : memref<!tpu.dma_semaphore, #tpu.memory_space<semaphore_mem>>
      %dma_start3A = arith.constant 0 : i32
      %dma_start3A_33 = tpu.memref_slice %arg15[%add3A_16, %dma_start3A] : memref<10112x128xf32, #tpu.memory_space<vmem_shared>> -> memref<128x128xf32, #tpu.memory_space<vmem_shared>>
      %dma_start3A_34 = arith.constant 0 : i32
      %dma_start3A_35 = tpu.memref_slice %arg15[%add3A_16, %dma_start3A_34] : memref<10112x128xf32, #tpu.memory_space<vmem_shared>> -> memref<128x128xf32, #tpu.memory_space<vmem_shared>>
      tpu.enqueue_dma source(%arg13 : memref<128x128xf32, #tpu.memory_space<vmem>>) target(%dma_start3A_35 : memref<128x128xf32, #tpu.memory_space<vmem_shared>>) target_semaphore(%run_scoped3A : memref<!tpu.dma_semaphore, #tpu.memory_space<semaphore_mem>>)
      %dma_wait3A = arith.constant 0 : i32
      %dma_wait3A_36 = tpu.memref_slice %arg15[%add3A_16, %dma_wait3A] : memref<10112x128xf32, #tpu.memory_space<vmem_shared>> -> memref<128x128xf32, #tpu.memory_space<vmem_shared>>
      %dma_wait3A_37 = arith.constant 0 : i32
      %dma_wait3A_38 = tpu.memref_slice %arg15[%add3A_16, %dma_wait3A_37] : memref<10112x128xf32, #tpu.memory_space<vmem_shared>> -> memref<128x128xf32, #tpu.memory_space<vmem_shared>>
      tpu.wait_dma2 semaphore(%run_scoped3A : memref<!tpu.dma_semaphore, #tpu.memory_space<semaphore_mem>>) src(%arg13 : memref<128x128xf32, #tpu.memory_space<vmem>>) dst(%dma_wait3A_38 : memref<128x128xf32, #tpu.memory_space<vmem_shared>>)
      tpu.yield
    }) : () -> ()
    %add3A_17 = arith.constant 256 : i32
    %add3A_18 = arith.addi %mul3A_2, %add3A_17 : i32
    "tpu.region"() ({
      %run_scoped3A = tpu.sem_alloc : memref<!tpu.dma_semaphore, #tpu.memory_space<semaphore_mem>>
      %dma_start3A = arith.constant 0 : i32
      %dma_start3A_33 = tpu.memref_slice %arg16[%add3A_18, %dma_start3A] : memref<10112x16xf32, #tpu.memory_space<vmem_shared>> -> memref<128x16xf32, #tpu.memory_space<vmem_shared>>
      %dma_start3A_34 = arith.constant 0 : i32
      %dma_start3A_35 = tpu.memref_slice %arg16[%add3A_18, %dma_start3A_34] : memref<10112x16xf32, #tpu.memory_space<vmem_shared>> -> memref<128x16xf32, #tpu.memory_space<vmem_shared>>
      tpu.enqueue_dma source(%arg14 : memref<128x16xf32, #tpu.memory_space<vmem>>) target(%dma_start3A_35 : memref<128x16xf32, #tpu.memory_space<vmem_shared>>) target_semaphore(%run_scoped3A : memref<!tpu.dma_semaphore, #tpu.memory_space<semaphore_mem>>)
      %dma_wait3A = arith.constant 0 : i32
      %dma_wait3A_36 = tpu.memref_slice %arg16[%add3A_18, %dma_wait3A] : memref<10112x16xf32, #tpu.memory_space<vmem_shared>> -> memref<128x16xf32, #tpu.memory_space<vmem_shared>>
      %dma_wait3A_37 = arith.constant 0 : i32
      %dma_wait3A_38 = tpu.memref_slice %arg16[%add3A_18, %dma_wait3A_37] : memref<10112x16xf32, #tpu.memory_space<vmem_shared>> -> memref<128x16xf32, #tpu.memory_space<vmem_shared>>
      tpu.wait_dma2 semaphore(%run_scoped3A : memref<!tpu.dma_semaphore, #tpu.memory_space<semaphore_mem>>) src(%arg14 : memref<128x16xf32, #tpu.memory_space<vmem>>) dst(%dma_wait3A_38 : memref<128x16xf32, #tpu.memory_space<vmem_shared>>)
      tpu.yield
    }) : () -> ()
    %add3A_19 = arith.constant 384 : i32
    %add3A_20 = arith.addi %mul3A_2, %add3A_19 : i32
    "tpu.region"() ({
      %run_scoped3A = tpu.sem_alloc : memref<!tpu.dma_semaphore, #tpu.memory_space<semaphore_mem>>
      %dma_start3A = arith.constant 0 : i32
      %dma_start3A_33 = tpu.memref_slice %arg15[%add3A_20, %dma_start3A] : memref<10112x128xf32, #tpu.memory_space<vmem_shared>> -> memref<128x128xf32, #tpu.memory_space<vmem_shared>>
      %dma_start3A_34 = arith.constant 0 : i32
      %dma_start3A_35 = tpu.memref_slice %arg15[%add3A_20, %dma_start3A_34] : memref<10112x128xf32, #tpu.memory_space<vmem_shared>> -> memref<128x128xf32, #tpu.memory_space<vmem_shared>>
      tpu.enqueue_dma source(%arg13 : memref<128x128xf32, #tpu.memory_space<vmem>>) target(%dma_start3A_35 : memref<128x128xf32, #tpu.memory_space<vmem_shared>>) target_semaphore(%run_scoped3A : memref<!tpu.dma_semaphore, #tpu.memory_space<semaphore_mem>>)
      %dma_wait3A = arith.constant 0 : i32
      %dma_wait3A_36 = tpu.memref_slice %arg15[%add3A_20, %dma_wait3A] : memref<10112x128xf32, #tpu.memory_space<vmem_shared>> -> memref<128x128xf32, #tpu.memory_space<vmem_shared>>
      %dma_wait3A_37 = arith.constant 0 : i32
      %dma_wait3A_38 = tpu.memref_slice %arg15[%add3A_20, %dma_wait3A_37] : memref<10112x128xf32, #tpu.memory_space<vmem_shared>> -> memref<128x128xf32, #tpu.memory_space<vmem_shared>>
      tpu.wait_dma2 semaphore(%run_scoped3A : memref<!tpu.dma_semaphore, #tpu.memory_space<semaphore_mem>>) src(%arg13 : memref<128x128xf32, #tpu.memory_space<vmem>>) dst(%dma_wait3A_38 : memref<128x128xf32, #tpu.memory_space<vmem_shared>>)
      tpu.yield
    }) : () -> ()
    %add3A_21 = arith.constant 384 : i32
    %add3A_22 = arith.addi %mul3A_2, %add3A_21 : i32
    "tpu.region"() ({
      %run_scoped3A = tpu.sem_alloc : memref<!tpu.dma_semaphore, #tpu.memory_space<semaphore_mem>>
      %dma_start3A = arith.constant 0 : i32
      %dma_start3A_33 = tpu.memref_slice %arg16[%add3A_22, %dma_start3A] : memref<10112x16xf32, #tpu.memory_space<vmem_shared>> -> memref<128x16xf32, #tpu.memory_space<vmem_shared>>
      %dma_start3A_34 = arith.constant 0 : i32
      %dma_start3A_35 = tpu.memref_slice %arg16[%add3A_22, %dma_start3A_34] : memref<10112x16xf32, #tpu.memory_space<vmem_shared>> -> memref<128x16xf32, #tpu.memory_space<vmem_shared>>
      tpu.enqueue_dma source(%arg14 : memref<128x16xf32, #tpu.memory_space<vmem>>) target(%dma_start3A_35 : memref<128x16xf32, #tpu.memory_space<vmem_shared>>) target_semaphore(%run_scoped3A : memref<!tpu.dma_semaphore, #tpu.memory_space<semaphore_mem>>)
      %dma_wait3A = arith.constant 0 : i32
      %dma_wait3A_36 = tpu.memref_slice %arg16[%add3A_22, %dma_wait3A] : memref<10112x16xf32, #tpu.memory_space<vmem_shared>> -> memref<128x16xf32, #tpu.memory_space<vmem_shared>>
      %dma_wait3A_37 = arith.constant 0 : i32
      %dma_wait3A_38 = tpu.memref_slice %arg16[%add3A_22, %dma_wait3A_37] : memref<10112x16xf32, #tpu.memory_space<vmem_shared>> -> memref<128x16xf32, #tpu.memory_space<vmem_shared>>
      tpu.wait_dma2 semaphore(%run_scoped3A : memref<!tpu.dma_semaphore, #tpu.memory_space<semaphore_mem>>) src(%arg14 : memref<128x16xf32, #tpu.memory_space<vmem>>) dst(%dma_wait3A_38 : memref<128x16xf32, #tpu.memory_space<vmem_shared>>)
      tpu.yield
    }) : () -> ()
    %add3A_23 = arith.constant 512 : i32
    %add3A_24 = arith.addi %mul3A_2, %add3A_23 : i32
    "tpu.region"() ({
      %run_scoped3A = tpu.sem_alloc : memref<!tpu.dma_semaphore, #tpu.memory_space<semaphore_mem>>
      %dma_start3A = arith.constant 0 : i32
      %dma_start3A_33 = arith.constant 0 : i32
      %dma_start3A_34 = tpu.memref_slice %arg13[%dma_start3A, %dma_start3A_33] : memref<128x128xf32, #tpu.memory_space<vmem>> -> memref<120x128xf32, #tpu.memory_space<vmem>>
      %dma_start3A_35 = arith.constant 0 : i32
      %dma_start3A_36 = tpu.memref_slice %arg15[%add3A_24, %dma_start3A_35] : memref<10112x128xf32, #tpu.memory_space<vmem_shared>> -> memref<120x128xf32, #tpu.memory_space<vmem_shared>>
      %dma_start3A_37 = arith.constant 0 : i32
      %dma_start3A_38 = tpu.memref_slice %arg15[%add3A_24, %dma_start3A_37] : memref<10112x128xf32, #tpu.memory_space<vmem_shared>> -> memref<120x128xf32, #tpu.memory_space<vmem_shared>>
      %dma_start3A_39 = arith.constant 0 : i32
      %dma_start3A_40 = arith.constant 0 : i32
      %dma_start3A_41 = tpu.memref_slice %arg13[%dma_start3A_39, %dma_start3A_40] : memref<128x128xf32, #tpu.memory_space<vmem>> -> memref<120x128xf32, #tpu.memory_space<vmem>>
      tpu.enqueue_dma source(%dma_start3A_41 : memref<120x128xf32, #tpu.memory_space<vmem>>) target(%dma_start3A_38 : memref<120x128xf32, #tpu.memory_space<vmem_shared>>) target_semaphore(%run_scoped3A : memref<!tpu.dma_semaphore, #tpu.memory_space<semaphore_mem>>)
      %dma_wait3A = arith.constant 0 : i32
      %dma_wait3A_42 = arith.constant 0 : i32
      %dma_wait3A_43 = tpu.memref_slice %arg13[%dma_wait3A, %dma_wait3A_42] : memref<128x128xf32, #tpu.memory_space<vmem>> -> memref<120x128xf32, #tpu.memory_space<vmem>>
      %dma_wait3A_44 = arith.constant 0 : i32
      %dma_wait3A_45 = tpu.memref_slice %arg15[%add3A_24, %dma_wait3A_44] : memref<10112x128xf32, #tpu.memory_space<vmem_shared>> -> memref<120x128xf32, #tpu.memory_space<vmem_shared>>
      %dma_wait3A_46 = arith.constant 0 : i32
      %dma_wait3A_47 = tpu.memref_slice %arg15[%add3A_24, %dma_wait3A_46] : memref<10112x128xf32, #tpu.memory_space<vmem_shared>> -> memref<120x128xf32, #tpu.memory_space<vmem_shared>>
      %dma_wait3A_48 = arith.constant 0 : i32
      %dma_wait3A_49 = arith.constant 0 : i32
      %dma_wait3A_50 = tpu.memref_slice %arg13[%dma_wait3A_48, %dma_wait3A_49] : memref<128x128xf32, #tpu.memory_space<vmem>> -> memref<120x128xf32, #tpu.memory_space<vmem>>
      tpu.wait_dma2 semaphore(%run_scoped3A : memref<!tpu.dma_semaphore, #tpu.memory_space<semaphore_mem>>) src(%dma_wait3A_50 : memref<120x128xf32, #tpu.memory_space<vmem>>) dst(%dma_wait3A_47 : memref<120x128xf32, #tpu.memory_space<vmem_shared>>)
      tpu.yield
    }) : () -> ()
    "tpu.region"() ({
      %run_scoped3A = tpu.sem_alloc : memref<!tpu.dma_semaphore, #tpu.memory_space<semaphore_mem>>
      %dma_start3A = arith.constant 0 : i32
      %dma_start3A_33 = arith.constant 0 : i32
      %dma_start3A_34 = tpu.memref_slice %arg14[%dma_start3A, %dma_start3A_33] : memref<128x16xf32, #tpu.memory_space<vmem>> -> memref<120x16xf32, #tpu.memory_space<vmem>>
      %dma_start3A_35 = arith.constant 0 : i32
      %dma_start3A_36 = tpu.memref_slice %arg16[%add3A_24, %dma_start3A_35] : memref<10112x16xf32, #tpu.memory_space<vmem_shared>> -> memref<120x16xf32, #tpu.memory_space<vmem_shared>>
      %dma_start3A_37 = arith.constant 0 : i32
      %dma_start3A_38 = tpu.memref_slice %arg16[%add3A_24, %dma_start3A_37] : memref<10112x16xf32, #tpu.memory_space<vmem_shared>> -> memref<120x16xf32, #tpu.memory_space<vmem_shared>>
      %dma_start3A_39 = arith.constant 0 : i32
      %dma_start3A_40 = arith.constant 0 : i32
      %dma_start3A_41 = tpu.memref_slice %arg14[%dma_start3A_39, %dma_start3A_40] : memref<128x16xf32, #tpu.memory_space<vmem>> -> memref<120x16xf32, #tpu.memory_space<vmem>>
      tpu.enqueue_dma source(%dma_start3A_41 : memref<120x16xf32, #tpu.memory_space<vmem>>) target(%dma_start3A_38 : memref<120x16xf32, #tpu.memory_space<vmem_shared>>) target_semaphore(%run_scoped3A : memref<!tpu.dma_semaphore, #tpu.memory_space<semaphore_mem>>)
      %dma_wait3A = arith.constant 0 : i32
      %dma_wait3A_42 = arith.constant 0 : i32
      %dma_wait3A_43 = tpu.memref_slice %arg14[%dma_wait3A, %dma_wait3A_42] : memref<128x16xf32, #tpu.memory_space<vmem>> -> memref<120x16xf32, #tpu.memory_space<vmem>>
      %dma_wait3A_44 = arith.constant 0 : i32
      %dma_wait3A_45 = tpu.memref_slice %arg16[%add3A_24, %dma_wait3A_44] : memref<10112x16xf32, #tpu.memory_space<vmem_shared>> -> memref<120x16xf32, #tpu.memory_space<vmem_shared>>
      %dma_wait3A_46 = arith.constant 0 : i32
      %dma_wait3A_47 = tpu.memref_slice %arg16[%add3A_24, %dma_wait3A_46] : memref<10112x16xf32, #tpu.memory_space<vmem_shared>> -> memref<120x16xf32, #tpu.memory_space<vmem_shared>>
      %dma_wait3A_48 = arith.constant 0 : i32
      %dma_wait3A_49 = arith.constant 0 : i32
      %dma_wait3A_50 = tpu.memref_slice %arg14[%dma_wait3A_48, %dma_wait3A_49] : memref<128x16xf32, #tpu.memory_space<vmem>> -> memref<120x16xf32, #tpu.memory_space<vmem>>
      tpu.wait_dma2 semaphore(%run_scoped3A : memref<!tpu.dma_semaphore, #tpu.memory_space<semaphore_mem>>) src(%dma_wait3A_50 : memref<120x16xf32, #tpu.memory_space<vmem>>) dst(%dma_wait3A_47 : memref<120x16xf32, #tpu.memory_space<vmem_shared>>)
      tpu.yield
    }) : () -> ()
    %barrier3A = arith.constant 0 : index
    tpu.barrier barrier_id(%barrier3A)
    %eq3A = arith.constant 0 : i32
    %eq3A_25 = arith.cmpi eq, %arg0, %eq3A : i32
    %convert_element_type3A = arith.extui %eq3A_25 : i1 to i32
    %cond3A = arith.constant 0 : i32
    %cond3A_26 = arith.cmpi ne, %convert_element_type3A, %cond3A : i32
    scf.if %cond3A_26 {
      %iota3A = tpu.iota {dimensions = array<i32: 0>} : vector<16xi32>
      %eq3A_33 = arith.constant 0 : i32
      %eq3A_34 = vector.broadcast %eq3A_33 : i32 to vector<16xi32>
      %eq3A_35 = arith.cmpi eq, %iota3A, %eq3A_34 : vector<16xi32>
      %jit3A = arith.constant 1.000000e+00 : f32
      %jit3A_36 = arith.constant 0.000000e+00 : f32
      %broadcast_in_dim3A = vector.broadcast %jit3A : f32 to vector<16xf32>
      %broadcast_in_dim3A_37 = vector.broadcast %jit3A_36 : f32 to vector<16xf32>
      %select_n3A = arith.select %eq3A_35, %broadcast_in_dim3A, %broadcast_in_dim3A_37 : vector<16xi1>, vector<16xf32>
      %iota3A_38 = tpu.iota {dimensions = array<i32: 0>} : vector<16xi32>
      %eq3A_39 = arith.constant 1 : i32
      %eq3A_40 = vector.broadcast %eq3A_39 : i32 to vector<16xi32>
      %eq3A_41 = arith.cmpi eq, %iota3A_38, %eq3A_40 : vector<16xi32>
      %jit3A_42 = arith.constant 1.000000e+00 : f32
      %jit3A_43 = arith.constant 0.000000e+00 : f32
      %broadcast_in_dim3A_44 = vector.broadcast %jit3A_42 : f32 to vector<16xf32>
      %broadcast_in_dim3A_45 = vector.broadcast %jit3A_43 : f32 to vector<16xf32>
      %select_n3A_46 = arith.select %eq3A_41, %broadcast_in_dim3A_44, %broadcast_in_dim3A_45 : vector<16xi1>, vector<16xf32>
      %scan3A_47 = arith.constant 0 : i32
      %scan3A_48 = arith.constant 0 : i32
      %scan3A_49 = arith.constant 162 : i32
      %scan3A_50 = arith.addi %scan3A_48, %scan3A_49 : i32
      %scan3A_51 = arith.constant 1 : i32
      scf.for %scan3A_53 = %scan3A_48 to %scan3A_50 step %scan3A_51  : i32 {
        %mul3A_54 = arith.constant 128 : i32
        %mul3A_55 = arith.muli %scan3A_53, %mul3A_54 : i32
        %add3A_56 = arith.addi %mul3A_0, %mul3A_55 : i32
        %run_scoped3A = arith.constant 0 : i32
        "tpu.region"() ({
          %run_scoped3A_74 = tpu.sem_alloc : memref<!tpu.dma_semaphore, #tpu.memory_space<semaphore_mem>>
          %dma_start3A_75 = tpu.memref_slice %arg2[%run_scoped3A, %add3A_56] : memref<2x331776xi32, #tpu.memory_space<hbm>> -> memref<1x128xi32, #tpu.memory_space<hbm>>
          %dma_start3A_76 = tpu.memref_squeeze %dma_start3A_75 : memref<1x128xi32, #tpu.memory_space<hbm>> -> memref<128xi32, #tpu.memory_space<hbm>>
          %dma_start3A_77 = tpu.memref_slice %arg2[%run_scoped3A, %add3A_56] : memref<2x331776xi32, #tpu.memory_space<hbm>> -> memref<1x128xi32, #tpu.memory_space<hbm>>
          %dma_start3A_78 = tpu.memref_squeeze %dma_start3A_77 : memref<1x128xi32, #tpu.memory_space<hbm>> -> memref<128xi32, #tpu.memory_space<hbm>>
          tpu.enqueue_dma source(%dma_start3A_78 : memref<128xi32, #tpu.memory_space<hbm>>) target(%arg9 : memref<128xi32, #tpu.memory_space<vmem>>) target_semaphore(%run_scoped3A_74 : memref<!tpu.dma_semaphore, #tpu.memory_space<semaphore_mem>>)
          %dma_wait3A_79 = tpu.memref_slice %arg2[%run_scoped3A, %add3A_56] : memref<2x331776xi32, #tpu.memory_space<hbm>> -> memref<1x128xi32, #tpu.memory_space<hbm>>
          %dma_wait3A_80 = tpu.memref_squeeze %dma_wait3A_79 : memref<1x128xi32, #tpu.memory_space<hbm>> -> memref<128xi32, #tpu.memory_space<hbm>>
          %dma_wait3A_81 = tpu.memref_slice %arg2[%run_scoped3A, %add3A_56] : memref<2x331776xi32, #tpu.memory_space<hbm>> -> memref<1x128xi32, #tpu.memory_space<hbm>>
          %dma_wait3A_82 = tpu.memref_squeeze %dma_wait3A_81 : memref<1x128xi32, #tpu.memory_space<hbm>> -> memref<128xi32, #tpu.memory_space<hbm>>
          tpu.wait_dma2 semaphore(%run_scoped3A_74 : memref<!tpu.dma_semaphore, #tpu.memory_space<semaphore_mem>>) src(%dma_wait3A_82 : memref<128xi32, #tpu.memory_space<hbm>>) dst(%arg9 : memref<128xi32, #tpu.memory_space<vmem>>)
          tpu.yield
        }) : () -> ()
        %run_scoped3A_57 = arith.constant 1 : i32
        "tpu.region"() ({
          %run_scoped3A_74 = tpu.sem_alloc : memref<!tpu.dma_semaphore, #tpu.memory_space<semaphore_mem>>
          %dma_start3A_75 = tpu.memref_slice %arg2[%run_scoped3A_57, %add3A_56] : memref<2x331776xi32, #tpu.memory_space<hbm>> -> memref<1x128xi32, #tpu.memory_space<hbm>>
          %dma_start3A_76 = tpu.memref_squeeze %dma_start3A_75 : memref<1x128xi32, #tpu.memory_space<hbm>> -> memref<128xi32, #tpu.memory_space<hbm>>
          %dma_start3A_77 = tpu.memref_slice %arg2[%run_scoped3A_57, %add3A_56] : memref<2x331776xi32, #tpu.memory_space<hbm>> -> memref<1x128xi32, #tpu.memory_space<hbm>>
          %dma_start3A_78 = tpu.memref_squeeze %dma_start3A_77 : memref<1x128xi32, #tpu.memory_space<hbm>> -> memref<128xi32, #tpu.memory_space<hbm>>
          tpu.enqueue_dma source(%dma_start3A_78 : memref<128xi32, #tpu.memory_space<hbm>>) target(%arg10 : memref<128xi32, #tpu.memory_space<vmem>>) target_semaphore(%run_scoped3A_74 : memref<!tpu.dma_semaphore, #tpu.memory_space<semaphore_mem>>)
          %dma_wait3A_79 = tpu.memref_slice %arg2[%run_scoped3A_57, %add3A_56] : memref<2x331776xi32, #tpu.memory_space<hbm>> -> memref<1x128xi32, #tpu.memory_space<hbm>>
          %dma_wait3A_80 = tpu.memref_squeeze %dma_wait3A_79 : memref<1x128xi32, #tpu.memory_space<hbm>> -> memref<128xi32, #tpu.memory_space<hbm>>
          %dma_wait3A_81 = tpu.memref_slice %arg2[%run_scoped3A_57, %add3A_56] : memref<2x331776xi32, #tpu.memory_space<hbm>> -> memref<1x128xi32, #tpu.memory_space<hbm>>
          %dma_wait3A_82 = tpu.memref_squeeze %dma_wait3A_81 : memref<1x128xi32, #tpu.memory_space<hbm>> -> memref<128xi32, #tpu.memory_space<hbm>>
          tpu.wait_dma2 semaphore(%run_scoped3A_74 : memref<!tpu.dma_semaphore, #tpu.memory_space<semaphore_mem>>) src(%dma_wait3A_82 : memref<128xi32, #tpu.memory_space<hbm>>) dst(%arg10 : memref<128xi32, #tpu.memory_space<vmem>>)
          tpu.yield
        }) : () -> ()
        %dma_start3A = arith.constant 0 : i32
        %dma_start3A_58 = arith.constant 0 : i32
        %dma_start3A_59 = tpu.memref_slice %arg3[%dma_start3A, %dma_start3A_58] : memref<10000x144xf32, #tpu.memory_space<hbm>> -> memref<10000x144xf32, #tpu.memory_space<hbm>>
        tpu.enqueue_indirect_dma source(%dma_start3A_59 : memref<10000x144xf32, #tpu.memory_space<hbm>>) target(%arg11 : memref<128x144xf32, #tpu.memory_space<vmem>>) offsets(%arg9 : memref<128xi32, #tpu.memory_space<vmem>>) semaphore(%arg17 : memref<!tpu.dma_semaphore, #tpu.memory_space<semaphore_mem>>)
        %dma_wait3A = arith.constant 0 : i32
        %dma_wait3A_60 = arith.constant 0 : i32
        %dma_wait3A_61 = tpu.memref_slice %arg3[%dma_wait3A, %dma_wait3A_60] : memref<10000x144xf32, #tpu.memory_space<hbm>> -> memref<10000x144xf32, #tpu.memory_space<hbm>>
        tpu.wait_indirect_dma semaphore(%arg17 : memref<!tpu.dma_semaphore, #tpu.memory_space<semaphore_mem>>) src(%dma_wait3A_61 : memref<10000x144xf32, #tpu.memory_space<hbm>>) dst(%arg11 : memref<128x144xf32, #tpu.memory_space<vmem>>)
        %dma_start3A_62 = arith.constant 0 : i32
        %dma_start3A_63 = arith.constant 0 : i32
        %dma_start3A_64 = tpu.memref_slice %arg5[%dma_start3A_62, %dma_start3A_63] : memref<10000x16xf32, #tpu.memory_space<hbm>> -> memref<10000x16xf32, #tpu.memory_space<hbm>>
        tpu.enqueue_indirect_dma source(%dma_start3A_64 : memref<10000x16xf32, #tpu.memory_space<hbm>>) target(%arg12 : memref<128x16xf32, #tpu.memory_space<vmem>>) offsets(%arg10 : memref<128xi32, #tpu.memory_space<vmem>>) semaphore(%arg17 : memref<!tpu.dma_semaphore, #tpu.memory_space<semaphore_mem>>)
        %dma_wait3A_65 = arith.constant 0 : i32
        %dma_wait3A_66 = arith.constant 0 : i32
        %dma_wait3A_67 = tpu.memref_slice %arg5[%dma_wait3A_65, %dma_wait3A_66] : memref<10000x16xf32, #tpu.memory_space<hbm>> -> memref<10000x16xf32, #tpu.memory_space<hbm>>
        tpu.wait_indirect_dma semaphore(%arg17 : memref<!tpu.dma_semaphore, #tpu.memory_space<semaphore_mem>>) src(%dma_wait3A_67 : memref<10000x16xf32, #tpu.memory_space<hbm>>) dst(%arg12 : memref<128x16xf32, #tpu.memory_space<vmem>>)
        %scan3A_68 = arith.constant 0 : i32
        %scan3A_69 = arith.constant 0 : i32
        %scan3A_70 = arith.constant 16 : i32
        %scan3A_71 = arith.addi %scan3A_69, %scan3A_70 : i32
        %scan3A_72 = arith.constant 1 : i32
        scf.for %scan3A_74 = %scan3A_69 to %scan3A_71 step %scan3A_72  : i32 {
          %mul3A_75 = arith.constant 8 : i32
          %mul3A_76 = arith.muli %scan3A_74, %mul3A_75 : i32
          %add3A_77 = arith.constant 0 : i32
          %add3A_78 = arith.addi %mul3A_76, %add3A_77 : i32
          %get3A = arith.index_cast %add3A_78 : i32 to index
          %get3A_79 = arith.constant 128 : index
          %get3A_80 = tpu.vector_load %arg11[%get3A, %get3A_79] {strides = array<i32>} : memref<128x144xf32, #tpu.memory_space<vmem>>, vector<1x16xf32>,
          %get3A_81 = vector.shape_cast %get3A_80 : vector<1x16xf32> to vector<16xf32>
          %get3A_82 = arith.index_cast %add3A_78 : i32 to index
          %get3A_83 = arith.constant 0 : index
          %get3A_84 = tpu.vector_load %arg12[%get3A_82, %get3A_83] {strides = array<i32>} : memref<128x16xf32, #tpu.memory_space<vmem>>, vector<1x16xf32>,
          %get3A_85 = vector.shape_cast %get3A_84 : vector<1x16xf32> to vector<16xf32>
          %add3A_86 = arith.addf %get3A_81, %get3A_85 : vector<16xf32>
          %ge3A = arith.constant 0.000000e+00 : f32
          %ge3A_87 = vector.broadcast %ge3A : f32 to vector<16xf32>
          %ge3A_88 = arith.cmpf oge, %add3A_86, %ge3A_87 : vector<16xf32>
          %mul3A_89 = arith.constant 2.000000e-01 : f32
          %mul3A_90 = vector.broadcast %mul3A_89 : f32 to vector<16xf32>
          %mul3A_91 = arith.mulf %mul3A_90, %add3A_86 : vector<16xf32>
          %select_n3A_92 = arith.select %ge3A_88, %add3A_86, %mul3A_91 : vector<16xi1>, vector<16xf32>
          %exp3A = math.exp %select_n3A_92 : vector<16xf32>
          %mul3A_93 = arith.mulf %exp3A, %select_n3A : vector<16xf32>
          %add3A_94 = arith.addf %mul3A_93, %select_n3A_46 : vector<16xf32>
          %swap3A = arith.index_cast %add3A_78 : i32 to index
          %swap3A_95 = arith.constant 0 : index
          %swap3A_96 = tpu.vector_load %arg14[%swap3A, %swap3A_95] {strides = array<i32>} : memref<128x16xf32, #tpu.memory_space<vmem>>, vector<1x16xf32>,
          %swap3A_97 = vector.shape_cast %swap3A_96 : vector<1x16xf32> to vector<16xf32>
          %swap3A_98 = vector.shape_cast %add3A_94 : vector<16xf32> to vector<1x16xf32>
          tpu.vector_store %arg14[%swap3A, %swap3A_95], %swap3A_98 {strides = array<i32>} : memref<128x16xf32, #tpu.memory_space<vmem>>, vector<1x16xf32>,
          %get3A_99 = arith.index_cast %add3A_78 : i32 to index
          %get3A_100 = arith.constant 0 : index
          %get3A_101 = tpu.vector_load %arg11[%get3A_99, %get3A_100] {strides = array<i32>} : memref<128x144xf32, #tpu.memory_space<vmem>>, vector<1x16xf32>,
          %get3A_102 = vector.shape_cast %get3A_101 : vector<1x16xf32> to vector<16xf32>
          %mul3A_103 = arith.mulf %get3A_102, %exp3A : vector<16xf32>
          %swap3A_104 = arith.index_cast %add3A_78 : i32 to index
          %swap3A_105 = arith.constant 0 : index
          %swap3A_106 = tpu.vector_load %arg13[%swap3A_104, %swap3A_105] {strides = array<i32>} : memref<128x128xf32, #tpu.memory_space<vmem>>, vector<1x16xf32>,
          %swap3A_107 = vector.shape_cast %swap3A_106 : vector<1x16xf32> to vector<16xf32>
          %swap3A_108 = vector.shape_cast %mul3A_103 : vector<16xf32> to vector<1x16xf32>
          tpu.vector_store %arg13[%swap3A_104, %swap3A_105], %swap3A_108 {strides = array<i32>} : memref<128x128xf32, #tpu.memory_space<vmem>>, vector<1x16xf32>,
          %get3A_109 = arith.index_cast %add3A_78 : i32 to index
          %get3A_110 = arith.constant 16 : index
          %get3A_111 = tpu.vector_load %arg11[%get3A_109, %get3A_110] {strides = array<i32>} : memref<128x144xf32, #tpu.memory_space<vmem>>, vector<1x16xf32>,
          %get3A_112 = vector.shape_cast %get3A_111 : vector<1x16xf32> to vector<16xf32>
          %mul3A_113 = arith.mulf %get3A_112, %exp3A : vector<16xf32>
          %swap3A_114 = arith.index_cast %add3A_78 : i32 to index
          %swap3A_115 = arith.constant 16 : index
          %swap3A_116 = tpu.vector_load %arg13[%swap3A_114, %swap3A_115] {strides = array<i32>} : memref<128x128xf32, #tpu.memory_space<vmem>>, vector<1x16xf32>,
          %swap3A_117 = vector.shape_cast %swap3A_116 : vector<1x16xf32> to vector<16xf32>
          %swap3A_118 = vector.shape_cast %mul3A_113 : vector<16xf32> to vector<1x16xf32>
          tpu.vector_store %arg13[%swap3A_114, %swap3A_115], %swap3A_118 {strides = array<i32>} : memref<128x128xf32, #tpu.memory_space<vmem>>, vector<1x16xf32>,
          %get3A_119 = arith.index_cast %add3A_78 : i32 to index
          %get3A_120 = arith.constant 32 : index
          %get3A_121 = tpu.vector_load %arg11[%get3A_119, %get3A_120] {strides = array<i32>} : memref<128x144xf32, #tpu.memory_space<vmem>>, vector<1x16xf32>,
          %get3A_122 = vector.shape_cast %get3A_121 : vector<1x16xf32> to vector<16xf32>
          %mul3A_123 = arith.mulf %get3A_122, %exp3A : vector<16xf32>
          %swap3A_124 = arith.index_cast %add3A_78 : i32 to index
          %swap3A_125 = arith.constant 32 : index
          %swap3A_126 = tpu.vector_load %arg13[%swap3A_124, %swap3A_125] {strides = array<i32>} : memref<128x128xf32, #tpu.memory_space<vmem>>, vector<1x16xf32>,
          %swap3A_127 = vector.shape_cast %swap3A_126 : vector<1x16xf32> to vector<16xf32>
          %swap3A_128 = vector.shape_cast %mul3A_123 : vector<16xf32> to vector<1x16xf32>
          tpu.vector_store %arg13[%swap3A_124, %swap3A_125], %swap3A_128 {strides = array<i32>} : memref<128x128xf32, #tpu.memory_space<vmem>>, vector<1x16xf32>,
          %get3A_129 = arith.index_cast %add3A_78 : i32 to index
          %get3A_130 = arith.constant 48 : index
          %get3A_131 = tpu.vector_load %arg11[%get3A_129, %get3A_130] {strides = array<i32>} : memref<128x144xf32, #tpu.memory_space<vmem>>, vector<1x16xf32>,
          %get3A_132 = vector.shape_cast %get3A_131 : vector<1x16xf32> to vector<16xf32>
          %mul3A_133 = arith.mulf %get3A_132, %exp3A : vector<16xf32>
          %swap3A_134 = arith.index_cast %add3A_78 : i32 to index
          %swap3A_135 = arith.constant 48 : index
          %swap3A_136 = tpu.vector_load %arg13[%swap3A_134, %swap3A_135] {strides = array<i32>} : memref<128x128xf32, #tpu.memory_space<vmem>>, vector<1x16xf32>,
          %swap3A_137 = vector.shape_cast %swap3A_136 : vector<1x16xf32> to vector<16xf32>
          %swap3A_138 = vector.shape_cast %mul3A_133 : vector<16xf32> to vector<1x16xf32>
          tpu.vector_store %arg13[%swap3A_134, %swap3A_135], %swap3A_138 {strides = array<i32>} : memref<128x128xf32, #tpu.memory_space<vmem>>, vector<1x16xf32>,
          %get3A_139 = arith.index_cast %add3A_78 : i32 to index
          %get3A_140 = arith.constant 64 : index
          %get3A_141 = tpu.vector_load %arg11[%get3A_139, %get3A_140] {strides = array<i32>} : memref<128x144xf32, #tpu.memory_space<vmem>>, vector<1x16xf32>,
          %get3A_142 = vector.shape_cast %get3A_141 : vector<1x16xf32> to vector<16xf32>
          %mul3A_143 = arith.mulf %get3A_142, %exp3A : vector<16xf32>
          %swap3A_144 = arith.index_cast %add3A_78 : i32 to index
          %swap3A_145 = arith.constant 64 : index
          %swap3A_146 = tpu.vector_load %arg13[%swap3A_144, %swap3A_145] {strides = array<i32>} : memref<128x128xf32, #tpu.memory_space<vmem>>, vector<1x16xf32>,
          %swap3A_147 = vector.shape_cast %swap3A_146 : vector<1x16xf32> to vector<16xf32>
          %swap3A_148 = vector.shape_cast %mul3A_143 : vector<16xf32> to vector<1x16xf32>
          tpu.vector_store %arg13[%swap3A_144, %swap3A_145], %swap3A_148 {strides = array<i32>} : memref<128x128xf32, #tpu.memory_space<vmem>>, vector<1x16xf32>,
          %get3A_149 = arith.index_cast %add3A_78 : i32 to index
          %get3A_150 = arith.constant 80 : index
          %get3A_151 = tpu.vector_load %arg11[%get3A_149, %get3A_150] {strides = array<i32>} : memref<128x144xf32, #tpu.memory_space<vmem>>, vector<1x16xf32>,
          %get3A_152 = vector.shape_cast %get3A_151 : vector<1x16xf32> to vector<16xf32>
          %mul3A_153 = arith.mulf %get3A_152, %exp3A : vector<16xf32>
          %swap3A_154 = arith.index_cast %add3A_78 : i32 to index
          %swap3A_155 = arith.constant 80 : index
          %swap3A_156 = tpu.vector_load %arg13[%swap3A_154, %swap3A_155] {strides = array<i32>} : memref<128x128xf32, #tpu.memory_space<vmem>>, vector<1x16xf32>,
          %swap3A_157 = vector.shape_cast %swap3A_156 : vector<1x16xf32> to vector<16xf32>
          %swap3A_158 = vector.shape_cast %mul3A_153 : vector<16xf32> to vector<1x16xf32>
          tpu.vector_store %arg13[%swap3A_154, %swap3A_155], %swap3A_158 {strides = array<i32>} : memref<128x128xf32, #tpu.memory_space<vmem>>, vector<1x16xf32>,
          %get3A_159 = arith.index_cast %add3A_78 : i32 to index
          %get3A_160 = arith.constant 96 : index
          %get3A_161 = tpu.vector_load %arg11[%get3A_159, %get3A_160] {strides = array<i32>} : memref<128x144xf32, #tpu.memory_space<vmem>>, vector<1x16xf32>,
          %get3A_162 = vector.shape_cast %get3A_161 : vector<1x16xf32> to vector<16xf32>
          %mul3A_163 = arith.mulf %get3A_162, %exp3A : vector<16xf32>
          %swap3A_164 = arith.index_cast %add3A_78 : i32 to index
          %swap3A_165 = arith.constant 96 : index
          %swap3A_166 = tpu.vector_load %arg13[%swap3A_164, %swap3A_165] {strides = array<i32>} : memref<128x128xf32, #tpu.memory_space<vmem>>, vector<1x16xf32>,
          %swap3A_167 = vector.shape_cast %swap3A_166 : vector<1x16xf32> to vector<16xf32>
          %swap3A_168 = vector.shape_cast %mul3A_163 : vector<16xf32> to vector<1x16xf32>
          tpu.vector_store %arg13[%swap3A_164, %swap3A_165], %swap3A_168 {strides = array<i32>} : memref<128x128xf32, #tpu.memory_space<vmem>>, vector<1x16xf32>,
          %get3A_169 = arith.index_cast %add3A_78 : i32 to index
          %get3A_170 = arith.constant 112 : index
          %get3A_171 = tpu.vector_load %arg11[%get3A_169, %get3A_170] {strides = array<i32>} : memref<128x144xf32, #tpu.memory_space<vmem>>, vector<1x16xf32>,
          %get3A_172 = vector.shape_cast %get3A_171 : vector<1x16xf32> to vector<16xf32>
          %mul3A_173 = arith.mulf %get3A_172, %exp3A : vector<16xf32>
          %swap3A_174 = arith.index_cast %add3A_78 : i32 to index
          %swap3A_175 = arith.constant 112 : index
          %swap3A_176 = tpu.vector_load %arg13[%swap3A_174, %swap3A_175] {strides = array<i32>} : memref<128x128xf32, #tpu.memory_space<vmem>>, vector<1x16xf32>,
          %swap3A_177 = vector.shape_cast %swap3A_176 : vector<1x16xf32> to vector<16xf32>
          %swap3A_178 = vector.shape_cast %mul3A_173 : vector<16xf32> to vector<1x16xf32>
          tpu.vector_store %arg13[%swap3A_174, %swap3A_175], %swap3A_178 {strides = array<i32>} : memref<128x128xf32, #tpu.memory_space<vmem>>, vector<1x16xf32>,
          %mul3A_179 = arith.constant 8 : i32
          %mul3A_180 = arith.muli %scan3A_74, %mul3A_179 : i32
          %add3A_181 = arith.constant 1 : i32
          %add3A_182 = arith.addi %mul3A_180, %add3A_181 : i32
          %get3A_183 = arith.index_cast %add3A_182 : i32 to index
          %get3A_184 = arith.constant 128 : index
          %get3A_185 = tpu.vector_load %arg11[%get3A_183, %get3A_184] {strides = array<i32>} : memref<128x144xf32, #tpu.memory_space<vmem>>, vector<1x16xf32>,
          %get3A_186 = vector.shape_cast %get3A_185 : vector<1x16xf32> to vector<16xf32>
          %get3A_187 = arith.index_cast %add3A_182 : i32 to index
          %get3A_188 = arith.constant 0 : index
          %get3A_189 = tpu.vector_load %arg12[%get3A_187, %get3A_188] {strides = array<i32>} : memref<128x16xf32, #tpu.memory_space<vmem>>, vector<1x16xf32>,
          %get3A_190 = vector.shape_cast %get3A_189 : vector<1x16xf32> to vector<16xf32>
          %add3A_191 = arith.addf %get3A_186, %get3A_190 : vector<16xf32>
          %ge3A_192 = arith.constant 0.000000e+00 : f32
          %ge3A_193 = vector.broadcast %ge3A_192 : f32 to vector<16xf32>
          %ge3A_194 = arith.cmpf oge, %add3A_191, %ge3A_193 : vector<16xf32>
          %mul3A_195 = arith.constant 2.000000e-01 : f32
          %mul3A_196 = vector.broadcast %mul3A_195 : f32 to vector<16xf32>
          %mul3A_197 = arith.mulf %mul3A_196, %add3A_191 : vector<16xf32>
          %select_n3A_198 = arith.select %ge3A_194, %add3A_191, %mul3A_197 : vector<16xi1>, vector<16xf32>
          %exp3A_199 = math.exp %select_n3A_198 : vector<16xf32>
          %mul3A_200 = arith.mulf %exp3A_199, %select_n3A : vector<16xf32>
          %add3A_201 = arith.addf %mul3A_200, %select_n3A_46 : vector<16xf32>
          %swap3A_202 = arith.index_cast %add3A_182 : i32 to index
          %swap3A_203 = arith.constant 0 : index
          %swap3A_204 = tpu.vector_load %arg14[%swap3A_202, %swap3A_203] {strides = array<i32>} : memref<128x16xf32, #tpu.memory_space<vmem>>, vector<1x16xf32>,
          %swap3A_205 = vector.shape_cast %swap3A_204 : vector<1x16xf32> to vector<16xf32>
          %swap3A_206 = vector.shape_cast %add3A_201 : vector<16xf32> to vector<1x16xf32>
          tpu.vector_store %arg14[%swap3A_202, %swap3A_203], %swap3A_206 {strides = array<i32>} : memref<128x16xf32, #tpu.memory_space<vmem>>, vector<1x16xf32>,
          %get3A_207 = arith.index_cast %add3A_182 : i32 to index
          %get3A_208 = arith.constant 0 : index
          %get3A_209 = tpu.vector_load %arg11[%get3A_207, %get3A_208] {strides = array<i32>} : memref<128x144xf32, #tpu.memory_space<vmem>>, vector<1x16xf32>,
          %get3A_210 = vector.shape_cast %get3A_209 : vector<1x16xf32> to vector<16xf32>
          %mul3A_211 = arith.mulf %get3A_210, %exp3A_199 : vector<16xf32>
          %swap3A_212 = arith.index_cast %add3A_182 : i32 to index
          %swap3A_213 = arith.constant 0 : index
          %swap3A_214 = tpu.vector_load %arg13[%swap3A_212, %swap3A_213] {strides = array<i32>} : memref<128x128xf32, #tpu.memory_space<vmem>>, vector<1x16xf32>,
          %swap3A_215 = vector.shape_cast %swap3A_214 : vector<1x16xf32> to vector<16xf32>
          %swap3A_216 = vector.shape_cast %mul3A_211 : vector<16xf32> to vector<1x16xf32>
          tpu.vector_store %arg13[%swap3A_212, %swap3A_213], %swap3A_216 {strides = array<i32>} : memref<128x128xf32, #tpu.memory_space<vmem>>, vector<1x16xf32>,
          %get3A_217 = arith.index_cast %add3A_182 : i32 to index
          %get3A_218 = arith.constant 16 : index
          %get3A_219 = tpu.vector_load %arg11[%get3A_217, %get3A_218] {strides = array<i32>} : memref<128x144xf32, #tpu.memory_space<vmem>>, vector<1x16xf32>,
          %get3A_220 = vector.shape_cast %get3A_219 : vector<1x16xf32> to vector<16xf32>
          %mul3A_221 = arith.mulf %get3A_220, %exp3A_199 : vector<16xf32>
          %swap3A_222 = arith.index_cast %add3A_182 : i32 to index
          %swap3A_223 = arith.constant 16 : index
          %swap3A_224 = tpu.vector_load %arg13[%swap3A_222, %swap3A_223] {strides = array<i32>} : memref<128x128xf32, #tpu.memory_space<vmem>>, vector<1x16xf32>,
          %swap3A_225 = vector.shape_cast %swap3A_224 : vector<1x16xf32> to vector<16xf32>
          %swap3A_226 = vector.shape_cast %mul3A_221 : vector<16xf32> to vector<1x16xf32>
          tpu.vector_store %arg13[%swap3A_222, %swap3A_223], %swap3A_226 {strides = array<i32>} : memref<128x128xf32, #tpu.memory_space<vmem>>, vector<1x16xf32>,
          %get3A_227 = arith.index_cast %add3A_182 : i32 to index
          %get3A_228 = arith.constant 32 : index
          %get3A_229 = tpu.vector_load %arg11[%get3A_227, %get3A_228] {strides = array<i32>} : memref<128x144xf32, #tpu.memory_space<vmem>>, vector<1x16xf32>,
          %get3A_230 = vector.shape_cast %get3A_229 : vector<1x16xf32> to vector<16xf32>
          %mul3A_231 = arith.mulf %get3A_230, %exp3A_199 : vector<16xf32>
          %swap3A_232 = arith.index_cast %add3A_182 : i32 to index
          %swap3A_233 = arith.constant 32 : index
          %swap3A_234 = tpu.vector_load %arg13[%swap3A_232, %swap3A_233] {strides = array<i32>} : memref<128x128xf32, #tpu.memory_space<vmem>>, vector<1x16xf32>,
          %swap3A_235 = vector.shape_cast %swap3A_234 : vector<1x16xf32> to vector<16xf32>
          %swap3A_236 = vector.shape_cast %mul3A_231 : vector<16xf32> to vector<1x16xf32>
          tpu.vector_store %arg13[%swap3A_232, %swap3A_233], %swap3A_236 {strides = array<i32>} : memref<128x128xf32, #tpu.memory_space<vmem>>, vector<1x16xf32>,
          %get3A_237 = arith.index_cast %add3A_182 : i32 to index
          %get3A_238 = arith.constant 48 : index
          %get3A_239 = tpu.vector_load %arg11[%get3A_237, %get3A_238] {strides = array<i32>} : memref<128x144xf32, #tpu.memory_space<vmem>>, vector<1x16xf32>,
          %get3A_240 = vector.shape_cast %get3A_239 : vector<1x16xf32> to vector<16xf32>
          %mul3A_241 = arith.mulf %get3A_240, %exp3A_199 : vector<16xf32>
          %swap3A_242 = arith.index_cast %add3A_182 : i32 to index
          %swap3A_243 = arith.constant 48 : index
          %swap3A_244 = tpu.vector_load %arg13[%swap3A_242, %swap3A_243] {strides = array<i32>} : memref<128x128xf32, #tpu.memory_space<vmem>>, vector<1x16xf32>,
          %swap3A_245 = vector.shape_cast %swap3A_244 : vector<1x16xf32> to vector<16xf32>
          %swap3A_246 = vector.shape_cast %mul3A_241 : vector<16xf32> to vector<1x16xf32>
          tpu.vector_store %arg13[%swap3A_242, %swap3A_243], %swap3A_246 {strides = array<i32>} : memref<128x128xf32, #tpu.memory_space<vmem>>, vector<1x16xf32>,
          %get3A_247 = arith.index_cast %add3A_182 : i32 to index
          %get3A_248 = arith.constant 64 : index
          %get3A_249 = tpu.vector_load %arg11[%get3A_247, %get3A_248] {strides = array<i32>} : memref<128x144xf32, #tpu.memory_space<vmem>>, vector<1x16xf32>,
          %get3A_250 = vector.shape_cast %get3A_249 : vector<1x16xf32> to vector<16xf32>
          %mul3A_251 = arith.mulf %get3A_250, %exp3A_199 : vector<16xf32>
          %swap3A_252 = arith.index_cast %add3A_182 : i32 to index
          %swap3A_253 = arith.constant 64 : index
          %swap3A_254 = tpu.vector_load %arg13[%swap3A_252, %swap3A_253] {strides = array<i32>} : memref<128x128xf32, #tpu.memory_space<vmem>>, vector<1x16xf32>,
          %swap3A_255 = vector.shape_cast %swap3A_254 : vector<1x16xf32> to vector<16xf32>
          %swap3A_256 = vector.shape_cast %mul3A_251 : vector<16xf32> to vector<1x16xf32>
          tpu.vector_store %arg13[%swap3A_252, %swap3A_253], %swap3A_256 {strides = array<i32>} : memref<128x128xf32, #tpu.memory_space<vmem>>, vector<1x16xf32>,
          %get3A_257 = arith.index_cast %add3A_182 : i32 to index
          %get3A_258 = arith.constant 80 : index
          %get3A_259 = tpu.vector_load %arg11[%get3A_257, %get3A_258] {strides = array<i32>} : memref<128x144xf32, #tpu.memory_space<vmem>>, vector<1x16xf32>,
          %get3A_260 = vector.shape_cast %get3A_259 : vector<1x16xf32> to vector<16xf32>
          %mul3A_261 = arith.mulf %get3A_260, %exp3A_199 : vector<16xf32>
          %swap3A_262 = arith.index_cast %add3A_182 : i32 to index
          %swap3A_263 = arith.constant 80 : index
          %swap3A_264 = tpu.vector_load %arg13[%swap3A_262, %swap3A_263] {strides = array<i32>} : memref<128x128xf32, #tpu.memory_space<vmem>>, vector<1x16xf32>,
          %swap3A_265 = vector.shape_cast %swap3A_264 : vector<1x16xf32> to vector<16xf32>
          %swap3A_266 = vector.shape_cast %mul3A_261 : vector<16xf32> to vector<1x16xf32>
          tpu.vector_store %arg13[%swap3A_262, %swap3A_263], %swap3A_266 {strides = array<i32>} : memref<128x128xf32, #tpu.memory_space<vmem>>, vector<1x16xf32>,
          %get3A_267 = arith.index_cast %add3A_182 : i32 to index
          %get3A_268 = arith.constant 96 : index
          %get3A_269 = tpu.vector_load %arg11[%get3A_267, %get3A_268] {strides = array<i32>} : memref<128x144xf32, #tpu.memory_space<vmem>>, vector<1x16xf32>,
          %get3A_270 = vector.shape_cast %get3A_269 : vector<1x16xf32> to vector<16xf32>
          %mul3A_271 = arith.mulf %get3A_270, %exp3A_199 : vector<16xf32>
          %swap3A_272 = arith.index_cast %add3A_182 : i32 to index
          %swap3A_273 = arith.constant 96 : index
          %swap3A_274 = tpu.vector_load %arg13[%swap3A_272, %swap3A_273] {strides = array<i32>} : memref<128x128xf32, #tpu.memory_space<vmem>>, vector<1x16xf32>,
          %swap3A_275 = vector.shape_cast %swap3A_274 : vector<1x16xf32> to vector<16xf32>
          %swap3A_276 = vector.shape_cast %mul3A_271 : vector<16xf32> to vector<1x16xf32>
          tpu.vector_store %arg13[%swap3A_272, %swap3A_273], %swap3A_276 {strides = array<i32>} : memref<128x128xf32, #tpu.memory_space<vmem>>, vector<1x16xf32>,
          %get3A_277 = arith.index_cast %add3A_182 : i32 to index
          %get3A_278 = arith.constant 112 : index
          %get3A_279 = tpu.vector_load %arg11[%get3A_277, %get3A_278] {strides = array<i32>} : memref<128x144xf32, #tpu.memory_space<vmem>>, vector<1x16xf32>,
          %get3A_280 = vector.shape_cast %get3A_279 : vector<1x16xf32> to vector<16xf32>
          %mul3A_281 = arith.mulf %get3A_280, %exp3A_199 : vector<16xf32>
          %swap3A_282 = arith.index_cast %add3A_182 : i32 to index
          %swap3A_283 = arith.constant 112 : index
          %swap3A_284 = tpu.vector_load %arg13[%swap3A_282, %swap3A_283] {strides = array<i32>} : memref<128x128xf32, #tpu.memory_space<vmem>>, vector<1x16xf32>,
          %swap3A_285 = vector.shape_cast %swap3A_284 : vector<1x16xf32> to vector<16xf32>
          %swap3A_286 = vector.shape_cast %mul3A_281 : vector<16xf32> to vector<1x16xf32>
          tpu.vector_store %arg13[%swap3A_282, %swap3A_283], %swap3A_286 {strides = array<i32>} : memref<128x128xf32, #tpu.memory_space<vmem>>, vector<1x16xf32>,
          %mul3A_287 = arith.constant 8 : i32
          %mul3A_288 = arith.muli %scan3A_74, %mul3A_287 : i32
          %add3A_289 = arith.constant 2 : i32
          %add3A_290 = arith.addi %mul3A_288, %add3A_289 : i32
          %get3A_291 = arith.index_cast %add3A_290 : i32 to index
          %get3A_292 = arith.constant 128 : index
          %get3A_293 = tpu.vector_load %arg11[%get3A_291, %get3A_292] {strides = array<i32>} : memref<128x144xf32, #tpu.memory_space<vmem>>, vector<1x16xf32>,
          %get3A_294 = vector.shape_cast %get3A_293 : vector<1x16xf32> to vector<16xf32>
          %get3A_295 = arith.index_cast %add3A_290 : i32 to index
          %get3A_296 = arith.constant 0 : index
          %get3A_297 = tpu.vector_load %arg12[%get3A_295, %get3A_296] {strides = array<i32>} : memref<128x16xf32, #tpu.memory_space<vmem>>, vector<1x16xf32>,
          %get3A_298 = vector.shape_cast %get3A_297 : vector<1x16xf32> to vector<16xf32>
          %add3A_299 = arith.addf %get3A_294, %get3A_298 : vector<16xf32>
          %ge3A_300 = arith.constant 0.000000e+00 : f32
          %ge3A_301 = vector.broadcast %ge3A_300 : f32 to vector<16xf32>
          %ge3A_302 = arith.cmpf oge, %add3A_299, %ge3A_301 : vector<16xf32>
          %mul3A_303 = arith.constant 2.000000e-01 : f32
          %mul3A_304 = vector.broadcast %mul3A_303 : f32 to vector<16xf32>
          %mul3A_305 = arith.mulf %mul3A_304, %add3A_299 : vector<16xf32>
          %select_n3A_306 = arith.select %ge3A_302, %add3A_299, %mul3A_305 : vector<16xi1>, vector<16xf32>
          %exp3A_307 = math.exp %select_n3A_306 : vector<16xf32>
          %mul3A_308 = arith.mulf %exp3A_307, %select_n3A : vector<16xf32>
          %add3A_309 = arith.addf %mul3A_308, %select_n3A_46 : vector<16xf32>
          %swap3A_310 = arith.index_cast %add3A_290 : i32 to index
          %swap3A_311 = arith.constant 0 : index
          %swap3A_312 = tpu.vector_load %arg14[%swap3A_310, %swap3A_311] {strides = array<i32>} : memref<128x16xf32, #tpu.memory_space<vmem>>, vector<1x16xf32>,
          %swap3A_313 = vector.shape_cast %swap3A_312 : vector<1x16xf32> to vector<16xf32>
          %swap3A_314 = vector.shape_cast %add3A_309 : vector<16xf32> to vector<1x16xf32>
          tpu.vector_store %arg14[%swap3A_310, %swap3A_311], %swap3A_314 {strides = array<i32>} : memref<128x16xf32, #tpu.memory_space<vmem>>, vector<1x16xf32>,
          %get3A_315 = arith.index_cast %add3A_290 : i32 to index
          %get3A_316 = arith.constant 0 : index
          %get3A_317 = tpu.vector_load %arg11[%get3A_315, %get3A_316] {strides = array<i32>} : memref<128x144xf32, #tpu.memory_space<vmem>>, vector<1x16xf32>,
          %get3A_318 = vector.shape_cast %get3A_317 : vector<1x16xf32> to vector<16xf32>
          %mul3A_319 = arith.mulf %get3A_318, %exp3A_307 : vector<16xf32>
          %swap3A_320 = arith.index_cast %add3A_290 : i32 to index
          %swap3A_321 = arith.constant 0 : index
          %swap3A_322 = tpu.vector_load %arg13[%swap3A_320, %swap3A_321] {strides = array<i32>} : memref<128x128xf32, #tpu.memory_space<vmem>>, vector<1x16xf32>,
          %swap3A_323 = vector.shape_cast %swap3A_322 : vector<1x16xf32> to vector<16xf32>
          %swap3A_324 = vector.shape_cast %mul3A_319 : vector<16xf32> to vector<1x16xf32>
          tpu.vector_store %arg13[%swap3A_320, %swap3A_321], %swap3A_324 {strides = array<i32>} : memref<128x128xf32, #tpu.memory_space<vmem>>, vector<1x16xf32>,
          %get3A_325 = arith.index_cast %add3A_290 : i32 to index
          %get3A_326 = arith.constant 16 : index
          %get3A_327 = tpu.vector_load %arg11[%get3A_325, %get3A_326] {strides = array<i32>} : memref<128x144xf32, #tpu.memory_space<vmem>>, vector<1x16xf32>,
          %get3A_328 = vector.shape_cast %get3A_327 : vector<1x16xf32> to vector<16xf32>
          %mul3A_329 = arith.mulf %get3A_328, %exp3A_307 : vector<16xf32>
          %swap3A_330 = arith.index_cast %add3A_290 : i32 to index
          %swap3A_331 = arith.constant 16 : index
          %swap3A_332 = tpu.vector_load %arg13[%swap3A_330, %swap3A_331] {strides = array<i32>} : memref<128x128xf32, #tpu.memory_space<vmem>>, vector<1x16xf32>,
          %swap3A_333 = vector.shape_cast %swap3A_332 : vector<1x16xf32> to vector<16xf32>
          %swap3A_334 = vector.shape_cast %mul3A_329 : vector<16xf32> to vector<1x16xf32>
          tpu.vector_store %arg13[%swap3A_330, %swap3A_331], %swap3A_334 {strides = array<i32>} : memref<128x128xf32, #tpu.memory_space<vmem>>, vector<1x16xf32>,
          %get3A_335 = arith.index_cast %add3A_290 : i32 to index
          %get3A_336 = arith.constant 32 : index
          %get3A_337 = tpu.vector_load %arg11[%get3A_335, %get3A_336] {strides = array<i32>} : memref<128x144xf32, #tpu.memory_space<vmem>>, vector<1x16xf32>,
          %get3A_338 = vector.shape_cast %get3A_337 : vector<1x16xf32> to vector<16xf32>
          %mul3A_339 = arith.mulf %get3A_338, %exp3A_307 : vector<16xf32>
          %swap3A_340 = arith.index_cast %add3A_290 : i32 to index
          %swap3A_341 = arith.constant 32 : index
          %swap3A_342 = tpu.vector_load %arg13[%swap3A_340, %swap3A_341] {strides = array<i32>} : memref<128x128xf32, #tpu.memory_space<vmem>>, vector<1x16xf32>,
          %swap3A_343 = vector.shape_cast %swap3A_342 : vector<1x16xf32> to vector<16xf32>
          %swap3A_344 = vector.shape_cast %mul3A_339 : vector<16xf32> to vector<1x16xf32>
          tpu.vector_store %arg13[%swap3A_340, %swap3A_341], %swap3A_344 {strides = array<i32>} : memref<128x128xf32, #tpu.memory_space<vmem>>, vector<1x16xf32>,
          %get3A_345 = arith.index_cast %add3A_290 : i32 to index
          %get3A_346 = arith.constant 48 : index
          %get3A_347 = tpu.vector_load %arg11[%get3A_345, %get3A_346] {strides = array<i32>} : memref<128x144xf32, #tpu.memory_space<vmem>>, vector<1x16xf32>,
          %get3A_348 = vector.shape_cast %get3A_347 : vector<1x16xf32> to vector<16xf32>
          %mul3A_349 = arith.mulf %get3A_348, %exp3A_307 : vector<16xf32>
          %swap3A_350 = arith.index_cast %add3A_290 : i32 to index
          %swap3A_351 = arith.constant 48 : index
          %swap3A_352 = tpu.vector_load %arg13[%swap3A_350, %swap3A_351] {strides = array<i32>} : memref<128x128xf32, #tpu.memory_space<vmem>>, vector<1x16xf32>,
          %swap3A_353 = vector.shape_cast %swap3A_352 : vector<1x16xf32> to vector<16xf32>
          %swap3A_354 = vector.shape_cast %mul3A_349 : vector<16xf32> to vector<1x16xf32>
          tpu.vector_store %arg13[%swap3A_350, %swap3A_351], %swap3A_354 {strides = array<i32>} : memref<128x128xf32, #tpu.memory_space<vmem>>, vector<1x16xf32>,
          %get3A_355 = arith.index_cast %add3A_290 : i32 to index
          %get3A_356 = arith.constant 64 : index
          %get3A_357 = tpu.vector_load %arg11[%get3A_355, %get3A_356] {strides = array<i32>} : memref<128x144xf32, #tpu.memory_space<vmem>>, vector<1x16xf32>,
          %get3A_358 = vector.shape_cast %get3A_357 : vector<1x16xf32> to vector<16xf32>
          %mul3A_359 = arith.mulf %get3A_358, %exp3A_307 : vector<16xf32>
          %swap3A_360 = arith.index_cast %add3A_290 : i32 to index
          %swap3A_361 = arith.constant 64 : index
          %swap3A_362 = tpu.vector_load %arg13[%swap3A_360, %swap3A_361] {strides = array<i32>} : memref<128x128xf32, #tpu.memory_space<vmem>>, vector<1x16xf32>,
          %swap3A_363 = vector.shape_cast %swap3A_362 : vector<1x16xf32> to vector<16xf32>
          %swap3A_364 = vector.shape_cast %mul3A_359 : vector<16xf32> to vector<1x16xf32>
          tpu.vector_store %arg13[%swap3A_360, %swap3A_361], %swap3A_364 {strides = array<i32>} : memref<128x128xf32, #tpu.memory_space<vmem>>, vector<1x16xf32>,
          %get3A_365 = arith.index_cast %add3A_290 : i32 to index
          %get3A_366 = arith.constant 80 : index
          %get3A_367 = tpu.vector_load %arg11[%get3A_365, %get3A_366] {strides = array<i32>} : memref<128x144xf32, #tpu.memory_space<vmem>>, vector<1x16xf32>,
          %get3A_368 = vector.shape_cast %get3A_367 : vector<1x16xf32> to vector<16xf32>
          %mul3A_369 = arith.mulf %get3A_368, %exp3A_307 : vector<16xf32>
          %swap3A_370 = arith.index_cast %add3A_290 : i32 to index
          %swap3A_371 = arith.constant 80 : index
          %swap3A_372 = tpu.vector_load %arg13[%swap3A_370, %swap3A_371] {strides = array<i32>} : memref<128x128xf32, #tpu.memory_space<vmem>>, vector<1x16xf32>,
          %swap3A_373 = vector.shape_cast %swap3A_372 : vector<1x16xf32> to vector<16xf32>
          %swap3A_374 = vector.shape_cast %mul3A_369 : vector<16xf32> to vector<1x16xf32>
          tpu.vector_store %arg13[%swap3A_370, %swap3A_371], %swap3A_374 {strides = array<i32>} : memref<128x128xf32, #tpu.memory_space<vmem>>, vector<1x16xf32>,
          %get3A_375 = arith.index_cast %add3A_290 : i32 to index
          %get3A_376 = arith.constant 96 : index
          %get3A_377 = tpu.vector_load %arg11[%get3A_375, %get3A_376] {strides = array<i32>} : memref<128x144xf32, #tpu.memory_space<vmem>>, vector<1x16xf32>,
          %get3A_378 = vector.shape_cast %get3A_377 : vector<1x16xf32> to vector<16xf32>
          %mul3A_379 = arith.mulf %get3A_378, %exp3A_307 : vector<16xf32>
          %swap3A_380 = arith.index_cast %add3A_290 : i32 to index
          %swap3A_381 = arith.constant 96 : index
          %swap3A_382 = tpu.vector_load %arg13[%swap3A_380, %swap3A_381] {strides = array<i32>} : memref<128x128xf32, #tpu.memory_space<vmem>>, vector<1x16xf32>,
          %swap3A_383 = vector.shape_cast %swap3A_382 : vector<1x16xf32> to vector<16xf32>
          %swap3A_384 = vector.shape_cast %mul3A_379 : vector<16xf32> to vector<1x16xf32>
          tpu.vector_store %arg13[%swap3A_380, %swap3A_381], %swap3A_384 {strides = array<i32>} : memref<128x128xf32, #tpu.memory_space<vmem>>, vector<1x16xf32>,
          %get3A_385 = arith.index_cast %add3A_290 : i32 to index
          %get3A_386 = arith.constant 112 : index
          %get3A_387 = tpu.vector_load %arg11[%get3A_385, %get3A_386] {strides = array<i32>} : memref<128x144xf32, #tpu.memory_space<vmem>>, vector<1x16xf32>,
          %get3A_388 = vector.shape_cast %get3A_387 : vector<1x16xf32> to vector<16xf32>
          %mul3A_389 = arith.mulf %get3A_388, %exp3A_307 : vector<16xf32>
          %swap3A_390 = arith.index_cast %add3A_290 : i32 to index
          %swap3A_391 = arith.constant 112 : index
          %swap3A_392 = tpu.vector_load %arg13[%swap3A_390, %swap3A_391] {strides = array<i32>} : memref<128x128xf32, #tpu.memory_space<vmem>>, vector<1x16xf32>,
          %swap3A_393 = vector.shape_cast %swap3A_392 : vector<1x16xf32> to vector<16xf32>
          %swap3A_394 = vector.shape_cast %mul3A_389 : vector<16xf32> to vector<1x16xf32>
          tpu.vector_store %arg13[%swap3A_390, %swap3A_391], %swap3A_394 {strides = array<i32>} : memref<128x128xf32, #tpu.memory_space<vmem>>, vector<1x16xf32>,
          %mul3A_395 = arith.constant 8 : i32
          %mul3A_396 = arith.muli %scan3A_74, %mul3A_395 : i32
          %add3A_397 = arith.constant 3 : i32
          %add3A_398 = arith.addi %mul3A_396, %add3A_397 : i32
          %get3A_399 = arith.index_cast %add3A_398 : i32 to index
          %get3A_400 = arith.constant 128 : index
          %get3A_401 = tpu.vector_load %arg11[%get3A_399, %get3A_400] {strides = array<i32>} : memref<128x144xf32, #tpu.memory_space<vmem>>, vector<1x16xf32>,
          %get3A_402 = vector.shape_cast %get3A_401 : vector<1x16xf32> to vector<16xf32>
          %get3A_403 = arith.index_cast %add3A_398 : i32 to index
          %get3A_404 = arith.constant 0 : index
          %get3A_405 = tpu.vector_load %arg12[%get3A_403, %get3A_404] {strides = array<i32>} : memref<128x16xf32, #tpu.memory_space<vmem>>, vector<1x16xf32>,
          %get3A_406 = vector.shape_cast %get3A_405 : vector<1x16xf32> to vector<16xf32>
          %add3A_407 = arith.addf %get3A_402, %get3A_406 : vector<16xf32>
          %ge3A_408 = arith.constant 0.000000e+00 : f32
          %ge3A_409 = vector.broadcast %ge3A_408 : f32 to vector<16xf32>
          %ge3A_410 = arith.cmpf oge, %add3A_407, %ge3A_409 : vector<16xf32>
          %mul3A_411 = arith.constant 2.000000e-01 : f32
          %mul3A_412 = vector.broadcast %mul3A_411 : f32 to vector<16xf32>
          %mul3A_413 = arith.mulf %mul3A_412, %add3A_407 : vector<16xf32>
          %select_n3A_414 = arith.select %ge3A_410, %add3A_407, %mul3A_413 : vector<16xi1>, vector<16xf32>
          %exp3A_415 = math.exp %select_n3A_414 : vector<16xf32>
          %mul3A_416 = arith.mulf %exp3A_415, %select_n3A : vector<16xf32>
          %add3A_417 = arith.addf %mul3A_416, %select_n3A_46 : vector<16xf32>
          %swap3A_418 = arith.index_cast %add3A_398 : i32 to index
          %swap3A_419 = arith.constant 0 : index
          %swap3A_420 = tpu.vector_load %arg14[%swap3A_418, %swap3A_419] {strides = array<i32>} : memref<128x16xf32, #tpu.memory_space<vmem>>, vector<1x16xf32>,
          %swap3A_421 = vector.shape_cast %swap3A_420 : vector<1x16xf32> to vector<16xf32>
          %swap3A_422 = vector.shape_cast %add3A_417 : vector<16xf32> to vector<1x16xf32>
          tpu.vector_store %arg14[%swap3A_418, %swap3A_419], %swap3A_422 {strides = array<i32>} : memref<128x16xf32, #tpu.memory_space<vmem>>, vector<1x16xf32>,
          %get3A_423 = arith.index_cast %add3A_398 : i32 to index
          %get3A_424 = arith.constant 0 : index
          %get3A_425 = tpu.vector_load %arg11[%get3A_423, %get3A_424] {strides = array<i32>} : memref<128x144xf32, #tpu.memory_space<vmem>>, vector<1x16xf32>,
          %get3A_426 = vector.shape_cast %get3A_425 : vector<1x16xf32> to vector<16xf32>
          %mul3A_427 = arith.mulf %get3A_426, %exp3A_415 : vector<16xf32>
          %swap3A_428 = arith.index_cast %add3A_398 : i32 to index
          %swap3A_429 = arith.constant 0 : index
          %swap3A_430 = tpu.vector_load %arg13[%swap3A_428, %swap3A_429] {strides = array<i32>} : memref<128x128xf32, #tpu.memory_space<vmem>>, vector<1x16xf32>,
          %swap3A_431 = vector.shape_cast %swap3A_430 : vector<1x16xf32> to vector<16xf32>
          %swap3A_432 = vector.shape_cast %mul3A_427 : vector<16xf32> to vector<1x16xf32>
          tpu.vector_store %arg13[%swap3A_428, %swap3A_429], %swap3A_432 {strides = array<i32>} : memref<128x128xf32, #tpu.memory_space<vmem>>, vector<1x16xf32>,
          %get3A_433 = arith.index_cast %add3A_398 : i32 to index
          %get3A_434 = arith.constant 16 : index
          %get3A_435 = tpu.vector_load %arg11[%get3A_433, %get3A_434] {strides = array<i32>} : memref<128x144xf32, #tpu.memory_space<vmem>>, vector<1x16xf32>,
          %get3A_436 = vector.shape_cast %get3A_435 : vector<1x16xf32> to vector<16xf32>
          %mul3A_437 = arith.mulf %get3A_436, %exp3A_415 : vector<16xf32>
          %swap3A_438 = arith.index_cast %add3A_398 : i32 to index
          %swap3A_439 = arith.constant 16 : index
          %swap3A_440 = tpu.vector_load %arg13[%swap3A_438, %swap3A_439] {strides = array<i32>} : memref<128x128xf32, #tpu.memory_space<vmem>>, vector<1x16xf32>,
          %swap3A_441 = vector.shape_cast %swap3A_440 : vector<1x16xf32> to vector<16xf32>
          %swap3A_442 = vector.shape_cast %mul3A_437 : vector<16xf32> to vector<1x16xf32>
          tpu.vector_store %arg13[%swap3A_438, %swap3A_439], %swap3A_442 {strides = array<i32>} : memref<128x128xf32, #tpu.memory_space<vmem>>, vector<1x16xf32>,
          %get3A_443 = arith.index_cast %add3A_398 : i32 to index
          %get3A_444 = arith.constant 32 : index
          %get3A_445 = tpu.vector_load %arg11[%get3A_443, %get3A_444] {strides = array<i32>} : memref<128x144xf32, #tpu.memory_space<vmem>>, vector<1x16xf32>,
          %get3A_446 = vector.shape_cast %get3A_445 : vector<1x16xf32> to vector<16xf32>
          %mul3A_447 = arith.mulf %get3A_446, %exp3A_415 : vector<16xf32>
          %swap3A_448 = arith.index_cast %add3A_398 : i32 to index
          %swap3A_449 = arith.constant 32 : index
          %swap3A_450 = tpu.vector_load %arg13[%swap3A_448, %swap3A_449] {strides = array<i32>} : memref<128x128xf32, #tpu.memory_space<vmem>>, vector<1x16xf32>,
          %swap3A_451 = vector.shape_cast %swap3A_450 : vector<1x16xf32> to vector<16xf32>
          %swap3A_452 = vector.shape_cast %mul3A_447 : vector<16xf32> to vector<1x16xf32>
          tpu.vector_store %arg13[%swap3A_448, %swap3A_449], %swap3A_452 {strides = array<i32>} : memref<128x128xf32, #tpu.memory_space<vmem>>, vector<1x16xf32>,
          %get3A_453 = arith.index_cast %add3A_398 : i32 to index
          %get3A_454 = arith.constant 48 : index
          %get3A_455 = tpu.vector_load %arg11[%get3A_453, %get3A_454] {strides = array<i32>} : memref<128x144xf32, #tpu.memory_space<vmem>>, vector<1x16xf32>,
          %get3A_456 = vector.shape_cast %get3A_455 : vector<1x16xf32> to vector<16xf32>
          %mul3A_457 = arith.mulf %get3A_456, %exp3A_415 : vector<16xf32>
          %swap3A_458 = arith.index_cast %add3A_398 : i32 to index
          %swap3A_459 = arith.constant 48 : index
          %swap3A_460 = tpu.vector_load %arg13[%swap3A_458, %swap3A_459] {strides = array<i32>} : memref<128x128xf32, #tpu.memory_space<vmem>>, vector<1x16xf32>,
          %swap3A_461 = vector.shape_cast %swap3A_460 : vector<1x16xf32> to vector<16xf32>
          %swap3A_462 = vector.shape_cast %mul3A_457 : vector<16xf32> to vector<1x16xf32>
          tpu.vector_store %arg13[%swap3A_458, %swap3A_459], %swap3A_462 {strides = array<i32>} : memref<128x128xf32, #tpu.memory_space<vmem>>, vector<1x16xf32>,
          %get3A_463 = arith.index_cast %add3A_398 : i32 to index
          %get3A_464 = arith.constant 64 : index
          %get3A_465 = tpu.vector_load %arg11[%get3A_463, %get3A_464] {strides = array<i32>} : memref<128x144xf32, #tpu.memory_space<vmem>>, vector<1x16xf32>,
          %get3A_466 = vector.shape_cast %get3A_465 : vector<1x16xf32> to vector<16xf32>
          %mul3A_467 = arith.mulf %get3A_466, %exp3A_415 : vector<16xf32>
          %swap3A_468 = arith.index_cast %add3A_398 : i32 to index
          %swap3A_469 = arith.constant 64 : index
          %swap3A_470 = tpu.vector_load %arg13[%swap3A_468, %swap3A_469] {strides = array<i32>} : memref<128x128xf32, #tpu.memory_space<vmem>>, vector<1x16xf32>,
          %swap3A_471 = vector.shape_cast %swap3A_470 : vector<1x16xf32> to vector<16xf32>
          %swap3A_472 = vector.shape_cast %mul3A_467 : vector<16xf32> to vector<1x16xf32>
          tpu.vector_store %arg13[%swap3A_468, %swap3A_469], %swap3A_472 {strides = array<i32>} : memref<128x128xf32, #tpu.memory_space<vmem>>, vector<1x16xf32>,
          %get3A_473 = arith.index_cast %add3A_398 : i32 to index
          %get3A_474 = arith.constant 80 : index
          %get3A_475 = tpu.vector_load %arg11[%get3A_473, %get3A_474] {strides = array<i32>} : memref<128x144xf32, #tpu.memory_space<vmem>>, vector<1x16xf32>,
          %get3A_476 = vector.shape_cast %get3A_475 : vector<1x16xf32> to vector<16xf32>
          %mul3A_477 = arith.mulf %get3A_476, %exp3A_415 : vector<16xf32>
          %swap3A_478 = arith.index_cast %add3A_398 : i32 to index
          %swap3A_479 = arith.constant 80 : index
          %swap3A_480 = tpu.vector_load %arg13[%swap3A_478, %swap3A_479] {strides = array<i32>} : memref<128x128xf32, #tpu.memory_space<vmem>>, vector<1x16xf32>,
          %swap3A_481 = vector.shape_cast %swap3A_480 : vector<1x16xf32> to vector<16xf32>
          %swap3A_482 = vector.shape_cast %mul3A_477 : vector<16xf32> to vector<1x16xf32>
          tpu.vector_store %arg13[%swap3A_478, %swap3A_479], %swap3A_482 {strides = array<i32>} : memref<128x128xf32, #tpu.memory_space<vmem>>, vector<1x16xf32>,
          %get3A_483 = arith.index_cast %add3A_398 : i32 to index
          %get3A_484 = arith.constant 96 : index
          %get3A_485 = tpu.vector_load %arg11[%get3A_483, %get3A_484] {strides = array<i32>} : memref<128x144xf32, #tpu.memory_space<vmem>>, vector<1x16xf32>,
          %get3A_486 = vector.shape_cast %get3A_485 : vector<1x16xf32> to vector<16xf32>
          %mul3A_487 = arith.mulf %get3A_486, %exp3A_415 : vector<16xf32>
          %swap3A_488 = arith.index_cast %add3A_398 : i32 to index
          %swap3A_489 = arith.constant 96 : index
          %swap3A_490 = tpu.vector_load %arg13[%swap3A_488, %swap3A_489] {strides = array<i32>} : memref<128x128xf32, #tpu.memory_space<vmem>>, vector<1x16xf32>,
          %swap3A_491 = vector.shape_cast %swap3A_490 : vector<1x16xf32> to vector<16xf32>
          %swap3A_492 = vector.shape_cast %mul3A_487 : vector<16xf32> to vector<1x16xf32>
          tpu.vector_store %arg13[%swap3A_488, %swap3A_489], %swap3A_492 {strides = array<i32>} : memref<128x128xf32, #tpu.memory_space<vmem>>, vector<1x16xf32>,
          %get3A_493 = arith.index_cast %add3A_398 : i32 to index
          %get3A_494 = arith.constant 112 : index
          %get3A_495 = tpu.vector_load %arg11[%get3A_493, %get3A_494] {strides = array<i32>} : memref<128x144xf32, #tpu.memory_space<vmem>>, vector<1x16xf32>,
          %get3A_496 = vector.shape_cast %get3A_495 : vector<1x16xf32> to vector<16xf32>
          %mul3A_497 = arith.mulf %get3A_496, %exp3A_415 : vector<16xf32>
          %swap3A_498 = arith.index_cast %add3A_398 : i32 to index
          %swap3A_499 = arith.constant 112 : index
          %swap3A_500 = tpu.vector_load %arg13[%swap3A_498, %swap3A_499] {strides = array<i32>} : memref<128x128xf32, #tpu.memory_space<vmem>>, vector<1x16xf32>,
          %swap3A_501 = vector.shape_cast %swap3A_500 : vector<1x16xf32> to vector<16xf32>
          %swap3A_502 = vector.shape_cast %mul3A_497 : vector<16xf32> to vector<1x16xf32>
          tpu.vector_store %arg13[%swap3A_498, %swap3A_499], %swap3A_502 {strides = array<i32>} : memref<128x128xf32, #tpu.memory_space<vmem>>, vector<1x16xf32>,
          %mul3A_503 = arith.constant 8 : i32
          %mul3A_504 = arith.muli %scan3A_74, %mul3A_503 : i32
          %add3A_505 = arith.constant 4 : i32
          %add3A_506 = arith.addi %mul3A_504, %add3A_505 : i32
          %get3A_507 = arith.index_cast %add3A_506 : i32 to index
          %get3A_508 = arith.constant 128 : index
          %get3A_509 = tpu.vector_load %arg11[%get3A_507, %get3A_508] {strides = array<i32>} : memref<128x144xf32, #tpu.memory_space<vmem>>, vector<1x16xf32>,
          %get3A_510 = vector.shape_cast %get3A_509 : vector<1x16xf32> to vector<16xf32>
          %get3A_511 = arith.index_cast %add3A_506 : i32 to index
          %get3A_512 = arith.constant 0 : index
          %get3A_513 = tpu.vector_load %arg12[%get3A_511, %get3A_512] {strides = array<i32>} : memref<128x16xf32, #tpu.memory_space<vmem>>, vector<1x16xf32>,
          %get3A_514 = vector.shape_cast %get3A_513 : vector<1x16xf32> to vector<16xf32>
          %add3A_515 = arith.addf %get3A_510, %get3A_514 : vector<16xf32>
          %ge3A_516 = arith.constant 0.000000e+00 : f32
          %ge3A_517 = vector.broadcast %ge3A_516 : f32 to vector<16xf32>
          %ge3A_518 = arith.cmpf oge, %add3A_515, %ge3A_517 : vector<16xf32>
          %mul3A_519 = arith.constant 2.000000e-01 : f32
          %mul3A_520 = vector.broadcast %mul3A_519 : f32 to vector<16xf32>
          %mul3A_521 = arith.mulf %mul3A_520, %add3A_515 : vector<16xf32>
          %select_n3A_522 = arith.select %ge3A_518, %add3A_515, %mul3A_521 : vector<16xi1>, vector<16xf32>
          %exp3A_523 = math.exp %select_n3A_522 : vector<16xf32>
          %mul3A_524 = arith.mulf %exp3A_523, %select_n3A : vector<16xf32>
          %add3A_525 = arith.addf %mul3A_524, %select_n3A_46 : vector<16xf32>
          %swap3A_526 = arith.index_cast %add3A_506 : i32 to index
          %swap3A_527 = arith.constant 0 : index
          %swap3A_528 = tpu.vector_load %arg14[%swap3A_526, %swap3A_527] {strides = array<i32>} : memref<128x16xf32, #tpu.memory_space<vmem>>, vector<1x16xf32>,
          %swap3A_529 = vector.shape_cast %swap3A_528 : vector<1x16xf32> to vector<16xf32>
          %swap3A_530 = vector.shape_cast %add3A_525 : vector<16xf32> to vector<1x16xf32>
          tpu.vector_store %arg14[%swap3A_526, %swap3A_527], %swap3A_530 {strides = array<i32>} : memref<128x16xf32, #tpu.memory_space<vmem>>, vector<1x16xf32>,
          %get3A_531 = arith.index_cast %add3A_506 : i32 to index
          %get3A_532 = arith.constant 0 : index
          %get3A_533 = tpu.vector_load %arg11[%get3A_531, %get3A_532] {strides = array<i32>} : memref<128x144xf32, #tpu.memory_space<vmem>>, vector<1x16xf32>,
          %get3A_534 = vector.shape_cast %get3A_533 : vector<1x16xf32> to vector<16xf32>
          %mul3A_535 = arith.mulf %get3A_534, %exp3A_523 : vector<16xf32>
          %swap3A_536 = arith.index_cast %add3A_506 : i32 to index
          %swap3A_537 = arith.constant 0 : index
          %swap3A_538 = tpu.vector_load %arg13[%swap3A_536, %swap3A_537] {strides = array<i32>} : memref<128x128xf32, #tpu.memory_space<vmem>>, vector<1x16xf32>,
          %swap3A_539 = vector.shape_cast %swap3A_538 : vector<1x16xf32> to vector<16xf32>
          %swap3A_540 = vector.shape_cast %mul3A_535 : vector<16xf32> to vector<1x16xf32>
          tpu.vector_store %arg13[%swap3A_536, %swap3A_537], %swap3A_540 {strides = array<i32>} : memref<128x128xf32, #tpu.memory_space<vmem>>, vector<1x16xf32>,
          %get3A_541 = arith.index_cast %add3A_506 : i32 to index
          %get3A_542 = arith.constant 16 : index
          %get3A_543 = tpu.vector_load %arg11[%get3A_541, %get3A_542] {strides = array<i32>} : memref<128x144xf32, #tpu.memory_space<vmem>>, vector<1x16xf32>,
          %get3A_544 = vector.shape_cast %get3A_543 : vector<1x16xf32> to vector<16xf32>
          %mul3A_545 = arith.mulf %get3A_544, %exp3A_523 : vector<16xf32>
          %swap3A_546 = arith.index_cast %add3A_506 : i32 to index
          %swap3A_547 = arith.constant 16 : index
          %swap3A_548 = tpu.vector_load %arg13[%swap3A_546, %swap3A_547] {strides = array<i32>} : memref<128x128xf32, #tpu.memory_space<vmem>>, vector<1x16xf32>,
          %swap3A_549 = vector.shape_cast %swap3A_548 : vector<1x16xf32> to vector<16xf32>
          %swap3A_550 = vector.shape_cast %mul3A_545 : vector<16xf32> to vector<1x16xf32>
          tpu.vector_store %arg13[%swap3A_546, %swap3A_547], %swap3A_550 {strides = array<i32>} : memref<128x128xf32, #tpu.memory_space<vmem>>, vector<1x16xf32>,
          %get3A_551 = arith.index_cast %add3A_506 : i32 to index
          %get3A_552 = arith.constant 32 : index
          %get3A_553 = tpu.vector_load %arg11[%get3A_551, %get3A_552] {strides = array<i32>} : memref<128x144xf32, #tpu.memory_space<vmem>>, vector<1x16xf32>,
          %get3A_554 = vector.shape_cast %get3A_553 : vector<1x16xf32> to vector<16xf32>
          %mul3A_555 = arith.mulf %get3A_554, %exp3A_523 : vector<16xf32>
          %swap3A_556 = arith.index_cast %add3A_506 : i32 to index
          %swap3A_557 = arith.constant 32 : index
          %swap3A_558 = tpu.vector_load %arg13[%swap3A_556, %swap3A_557] {strides = array<i32>} : memref<128x128xf32, #tpu.memory_space<vmem>>, vector<1x16xf32>,
          %swap3A_559 = vector.shape_cast %swap3A_558 : vector<1x16xf32> to vector<16xf32>
          %swap3A_560 = vector.shape_cast %mul3A_555 : vector<16xf32> to vector<1x16xf32>
          tpu.vector_store %arg13[%swap3A_556, %swap3A_557], %swap3A_560 {strides = array<i32>} : memref<128x128xf32, #tpu.memory_space<vmem>>, vector<1x16xf32>,
          %get3A_561 = arith.index_cast %add3A_506 : i32 to index
          %get3A_562 = arith.constant 48 : index
          %get3A_563 = tpu.vector_load %arg11[%get3A_561, %get3A_562] {strides = array<i32>} : memref<128x144xf32, #tpu.memory_space<vmem>>, vector<1x16xf32>,
          %get3A_564 = vector.shape_cast %get3A_563 : vector<1x16xf32> to vector<16xf32>
          %mul3A_565 = arith.mulf %get3A_564, %exp3A_523 : vector<16xf32>
          %swap3A_566 = arith.index_cast %add3A_506 : i32 to index
          %swap3A_567 = arith.constant 48 : index
          %swap3A_568 = tpu.vector_load %arg13[%swap3A_566, %swap3A_567] {strides = array<i32>} : memref<128x128xf32, #tpu.memory_space<vmem>>, vector<1x16xf32>,
          %swap3A_569 = vector.shape_cast %swap3A_568 : vector<1x16xf32> to vector<16xf32>
          %swap3A_570 = vector.shape_cast %mul3A_565 : vector<16xf32> to vector<1x16xf32>
          tpu.vector_store %arg13[%swap3A_566, %swap3A_567], %swap3A_570 {strides = array<i32>} : memref<128x128xf32, #tpu.memory_space<vmem>>, vector<1x16xf32>,
          %get3A_571 = arith.index_cast %add3A_506 : i32 to index
          %get3A_572 = arith.constant 64 : index
          %get3A_573 = tpu.vector_load %arg11[%get3A_571, %get3A_572] {strides = array<i32>} : memref<128x144xf32, #tpu.memory_space<vmem>>, vector<1x16xf32>,
          %get3A_574 = vector.shape_cast %get3A_573 : vector<1x16xf32> to vector<16xf32>
          %mul3A_575 = arith.mulf %get3A_574, %exp3A_523 : vector<16xf32>
          %swap3A_576 = arith.index_cast %add3A_506 : i32 to index
          %swap3A_577 = arith.constant 64 : index
          %swap3A_578 = tpu.vector_load %arg13[%swap3A_576, %swap3A_577] {strides = array<i32>} : memref<128x128xf32, #tpu.memory_space<vmem>>, vector<1x16xf32>,
          %swap3A_579 = vector.shape_cast %swap3A_578 : vector<1x16xf32> to vector<16xf32>
          %swap3A_580 = vector.shape_cast %mul3A_575 : vector<16xf32> to vector<1x16xf32>
          tpu.vector_store %arg13[%swap3A_576, %swap3A_577], %swap3A_580 {strides = array<i32>} : memref<128x128xf32, #tpu.memory_space<vmem>>, vector<1x16xf32>,
          %get3A_581 = arith.index_cast %add3A_506 : i32 to index
          %get3A_582 = arith.constant 80 : index
          %get3A_583 = tpu.vector_load %arg11[%get3A_581, %get3A_582] {strides = array<i32>} : memref<128x144xf32, #tpu.memory_space<vmem>>, vector<1x16xf32>,
          %get3A_584 = vector.shape_cast %get3A_583 : vector<1x16xf32> to vector<16xf32>
          %mul3A_585 = arith.mulf %get3A_584, %exp3A_523 : vector<16xf32>
          %swap3A_586 = arith.index_cast %add3A_506 : i32 to index
          %swap3A_587 = arith.constant 80 : index
          %swap3A_588 = tpu.vector_load %arg13[%swap3A_586, %swap3A_587] {strides = array<i32>} : memref<128x128xf32, #tpu.memory_space<vmem>>, vector<1x16xf32>,
          %swap3A_589 = vector.shape_cast %swap3A_588 : vector<1x16xf32> to vector<16xf32>
          %swap3A_590 = vector.shape_cast %mul3A_585 : vector<16xf32> to vector<1x16xf32>
          tpu.vector_store %arg13[%swap3A_586, %swap3A_587], %swap3A_590 {strides = array<i32>} : memref<128x128xf32, #tpu.memory_space<vmem>>, vector<1x16xf32>,
          %get3A_591 = arith.index_cast %add3A_506 : i32 to index
          %get3A_592 = arith.constant 96 : index
          %get3A_593 = tpu.vector_load %arg11[%get3A_591, %get3A_592] {strides = array<i32>} : memref<128x144xf32, #tpu.memory_space<vmem>>, vector<1x16xf32>,
          %get3A_594 = vector.shape_cast %get3A_593 : vector<1x16xf32> to vector<16xf32>
          %mul3A_595 = arith.mulf %get3A_594, %exp3A_523 : vector<16xf32>
          %swap3A_596 = arith.index_cast %add3A_506 : i32 to index
          %swap3A_597 = arith.constant 96 : index
          %swap3A_598 = tpu.vector_load %arg13[%swap3A_596, %swap3A_597] {strides = array<i32>} : memref<128x128xf32, #tpu.memory_space<vmem>>, vector<1x16xf32>,
          %swap3A_599 = vector.shape_cast %swap3A_598 : vector<1x16xf32> to vector<16xf32>
          %swap3A_600 = vector.shape_cast %mul3A_595 : vector<16xf32> to vector<1x16xf32>
          tpu.vector_store %arg13[%swap3A_596, %swap3A_597], %swap3A_600 {strides = array<i32>} : memref<128x128xf32, #tpu.memory_space<vmem>>, vector<1x16xf32>,
          %get3A_601 = arith.index_cast %add3A_506 : i32 to index
          %get3A_602 = arith.constant 112 : index
          %get3A_603 = tpu.vector_load %arg11[%get3A_601, %get3A_602] {strides = array<i32>} : memref<128x144xf32, #tpu.memory_space<vmem>>, vector<1x16xf32>,
          %get3A_604 = vector.shape_cast %get3A_603 : vector<1x16xf32> to vector<16xf32>
          %mul3A_605 = arith.mulf %get3A_604, %exp3A_523 : vector<16xf32>
          %swap3A_606 = arith.index_cast %add3A_506 : i32 to index
          %swap3A_607 = arith.constant 112 : index
          %swap3A_608 = tpu.vector_load %arg13[%swap3A_606, %swap3A_607] {strides = array<i32>} : memref<128x128xf32, #tpu.memory_space<vmem>>, vector<1x16xf32>,
          %swap3A_609 = vector.shape_cast %swap3A_608 : vector<1x16xf32> to vector<16xf32>
          %swap3A_610 = vector.shape_cast %mul3A_605 : vector<16xf32> to vector<1x16xf32>
          tpu.vector_store %arg13[%swap3A_606, %swap3A_607], %swap3A_610 {strides = array<i32>} : memref<128x128xf32, #tpu.memory_space<vmem>>, vector<1x16xf32>,
          %mul3A_611 = arith.constant 8 : i32
          %mul3A_612 = arith.muli %scan3A_74, %mul3A_611 : i32
          %add3A_613 = arith.constant 5 : i32
          %add3A_614 = arith.addi %mul3A_612, %add3A_613 : i32
          %get3A_615 = arith.index_cast %add3A_614 : i32 to index
          %get3A_616 = arith.constant 128 : index
          %get3A_617 = tpu.vector_load %arg11[%get3A_615, %get3A_616] {strides = array<i32>} : memref<128x144xf32, #tpu.memory_space<vmem>>, vector<1x16xf32>,
          %get3A_618 = vector.shape_cast %get3A_617 : vector<1x16xf32> to vector<16xf32>
          %get3A_619 = arith.index_cast %add3A_614 : i32 to index
          %get3A_620 = arith.constant 0 : index
          %get3A_621 = tpu.vector_load %arg12[%get3A_619, %get3A_620] {strides = array<i32>} : memref<128x16xf32, #tpu.memory_space<vmem>>, vector<1x16xf32>,
          %get3A_622 = vector.shape_cast %get3A_621 : vector<1x16xf32> to vector<16xf32>
          %add3A_623 = arith.addf %get3A_618, %get3A_622 : vector<16xf32>
          %ge3A_624 = arith.constant 0.000000e+00 : f32
          %ge3A_625 = vector.broadcast %ge3A_624 : f32 to vector<16xf32>
          %ge3A_626 = arith.cmpf oge, %add3A_623, %ge3A_625 : vector<16xf32>
          %mul3A_627 = arith.constant 2.000000e-01 : f32
          %mul3A_628 = vector.broadcast %mul3A_627 : f32 to vector<16xf32>
          %mul3A_629 = arith.mulf %mul3A_628, %add3A_623 : vector<16xf32>
          %select_n3A_630 = arith.select %ge3A_626, %add3A_623, %mul3A_629 : vector<16xi1>, vector<16xf32>
          %exp3A_631 = math.exp %select_n3A_630 : vector<16xf32>
          %mul3A_632 = arith.mulf %exp3A_631, %select_n3A : vector<16xf32>
          %add3A_633 = arith.addf %mul3A_632, %select_n3A_46 : vector<16xf32>
          %swap3A_634 = arith.index_cast %add3A_614 : i32 to index
          %swap3A_635 = arith.constant 0 : index
          %swap3A_636 = tpu.vector_load %arg14[%swap3A_634, %swap3A_635] {strides = array<i32>} : memref<128x16xf32, #tpu.memory_space<vmem>>, vector<1x16xf32>,
          %swap3A_637 = vector.shape_cast %swap3A_636 : vector<1x16xf32> to vector<16xf32>
          %swap3A_638 = vector.shape_cast %add3A_633 : vector<16xf32> to vector<1x16xf32>
          tpu.vector_store %arg14[%swap3A_634, %swap3A_635], %swap3A_638 {strides = array<i32>} : memref<128x16xf32, #tpu.memory_space<vmem>>, vector<1x16xf32>,
          %get3A_639 = arith.index_cast %add3A_614 : i32 to index
          %get3A_640 = arith.constant 0 : index
          %get3A_641 = tpu.vector_load %arg11[%get3A_639, %get3A_640] {strides = array<i32>} : memref<128x144xf32, #tpu.memory_space<vmem>>, vector<1x16xf32>,
          %get3A_642 = vector.shape_cast %get3A_641 : vector<1x16xf32> to vector<16xf32>
          %mul3A_643 = arith.mulf %get3A_642, %exp3A_631 : vector<16xf32>
          %swap3A_644 = arith.index_cast %add3A_614 : i32 to index
          %swap3A_645 = arith.constant 0 : index
          %swap3A_646 = tpu.vector_load %arg13[%swap3A_644, %swap3A_645] {strides = array<i32>} : memref<128x128xf32, #tpu.memory_space<vmem>>, vector<1x16xf32>,
          %swap3A_647 = vector.shape_cast %swap3A_646 : vector<1x16xf32> to vector<16xf32>
          %swap3A_648 = vector.shape_cast %mul3A_643 : vector<16xf32> to vector<1x16xf32>
          tpu.vector_store %arg13[%swap3A_644, %swap3A_645], %swap3A_648 {strides = array<i32>} : memref<128x128xf32, #tpu.memory_space<vmem>>, vector<1x16xf32>,
          %get3A_649 = arith.index_cast %add3A_614 : i32 to index
          %get3A_650 = arith.constant 16 : index
          %get3A_651 = tpu.vector_load %arg11[%get3A_649, %get3A_650] {strides = array<i32>} : memref<128x144xf32, #tpu.memory_space<vmem>>, vector<1x16xf32>,
          %get3A_652 = vector.shape_cast %get3A_651 : vector<1x16xf32> to vector<16xf32>
          %mul3A_653 = arith.mulf %get3A_652, %exp3A_631 : vector<16xf32>
          %swap3A_654 = arith.index_cast %add3A_614 : i32 to index
          %swap3A_655 = arith.constant 16 : index
          %swap3A_656 = tpu.vector_load %arg13[%swap3A_654, %swap3A_655] {strides = array<i32>} : memref<128x128xf32, #tpu.memory_space<vmem>>, vector<1x16xf32>,
          %swap3A_657 = vector.shape_cast %swap3A_656 : vector<1x16xf32> to vector<16xf32>
          %swap3A_658 = vector.shape_cast %mul3A_653 : vector<16xf32> to vector<1x16xf32>
          tpu.vector_store %arg13[%swap3A_654, %swap3A_655], %swap3A_658 {strides = array<i32>} : memref<128x128xf32, #tpu.memory_space<vmem>>, vector<1x16xf32>,
          %get3A_659 = arith.index_cast %add3A_614 : i32 to index
          %get3A_660 = arith.constant 32 : index
          %get3A_661 = tpu.vector_load %arg11[%get3A_659, %get3A_660] {strides = array<i32>} : memref<128x144xf32, #tpu.memory_space<vmem>>, vector<1x16xf32>,
          %get3A_662 = vector.shape_cast %get3A_661 : vector<1x16xf32> to vector<16xf32>
          %mul3A_663 = arith.mulf %get3A_662, %exp3A_631 : vector<16xf32>
          %swap3A_664 = arith.index_cast %add3A_614 : i32 to index
          %swap3A_665 = arith.constant 32 : index
          %swap3A_666 = tpu.vector_load %arg13[%swap3A_664, %swap3A_665] {strides = array<i32>} : memref<128x128xf32, #tpu.memory_space<vmem>>, vector<1x16xf32>,
          %swap3A_667 = vector.shape_cast %swap3A_666 : vector<1x16xf32> to vector<16xf32>
          %swap3A_668 = vector.shape_cast %mul3A_663 : vector<16xf32> to vector<1x16xf32>
          tpu.vector_store %arg13[%swap3A_664, %swap3A_665], %swap3A_668 {strides = array<i32>} : memref<128x128xf32, #tpu.memory_space<vmem>>, vector<1x16xf32>,
          %get3A_669 = arith.index_cast %add3A_614 : i32 to index
          %get3A_670 = arith.constant 48 : index
          %get3A_671 = tpu.vector_load %arg11[%get3A_669, %get3A_670] {strides = array<i32>} : memref<128x144xf32, #tpu.memory_space<vmem>>, vector<1x16xf32>,
          %get3A_672 = vector.shape_cast %get3A_671 : vector<1x16xf32> to vector<16xf32>
          %mul3A_673 = arith.mulf %get3A_672, %exp3A_631 : vector<16xf32>
          %swap3A_674 = arith.index_cast %add3A_614 : i32 to index
          %swap3A_675 = arith.constant 48 : index
          %swap3A_676 = tpu.vector_load %arg13[%swap3A_674, %swap3A_675] {strides = array<i32>} : memref<128x128xf32, #tpu.memory_space<vmem>>, vector<1x16xf32>,
          %swap3A_677 = vector.shape_cast %swap3A_676 : vector<1x16xf32> to vector<16xf32>
          %swap3A_678 = vector.shape_cast %mul3A_673 : vector<16xf32> to vector<1x16xf32>
          tpu.vector_store %arg13[%swap3A_674, %swap3A_675], %swap3A_678 {strides = array<i32>} : memref<128x128xf32, #tpu.memory_space<vmem>>, vector<1x16xf32>,
          %get3A_679 = arith.index_cast %add3A_614 : i32 to index
          %get3A_680 = arith.constant 64 : index
          %get3A_681 = tpu.vector_load %arg11[%get3A_679, %get3A_680] {strides = array<i32>} : memref<128x144xf32, #tpu.memory_space<vmem>>, vector<1x16xf32>,
          %get3A_682 = vector.shape_cast %get3A_681 : vector<1x16xf32> to vector<16xf32>
          %mul3A_683 = arith.mulf %get3A_682, %exp3A_631 : vector<16xf32>
          %swap3A_684 = arith.index_cast %add3A_614 : i32 to index
          %swap3A_685 = arith.constant 64 : index
          %swap3A_686 = tpu.vector_load %arg13[%swap3A_684, %swap3A_685] {strides = array<i32>} : memref<128x128xf32, #tpu.memory_space<vmem>>, vector<1x16xf32>,
          %swap3A_687 = vector.shape_cast %swap3A_686 : vector<1x16xf32> to vector<16xf32>
          %swap3A_688 = vector.shape_cast %mul3A_683 : vector<16xf32> to vector<1x16xf32>
          tpu.vector_store %arg13[%swap3A_684, %swap3A_685], %swap3A_688 {strides = array<i32>} : memref<128x128xf32, #tpu.memory_space<vmem>>, vector<1x16xf32>,
          %get3A_689 = arith.index_cast %add3A_614 : i32 to index
          %get3A_690 = arith.constant 80 : index
          %get3A_691 = tpu.vector_load %arg11[%get3A_689, %get3A_690] {strides = array<i32>} : memref<128x144xf32, #tpu.memory_space<vmem>>, vector<1x16xf32>,
          %get3A_692 = vector.shape_cast %get3A_691 : vector<1x16xf32> to vector<16xf32>
          %mul3A_693 = arith.mulf %get3A_692, %exp3A_631 : vector<16xf32>
          %swap3A_694 = arith.index_cast %add3A_614 : i32 to index
          %swap3A_695 = arith.constant 80 : index
          %swap3A_696 = tpu.vector_load %arg13[%swap3A_694, %swap3A_695] {strides = array<i32>} : memref<128x128xf32, #tpu.memory_space<vmem>>, vector<1x16xf32>,
          %swap3A_697 = vector.shape_cast %swap3A_696 : vector<1x16xf32> to vector<16xf32>
          %swap3A_698 = vector.shape_cast %mul3A_693 : vector<16xf32> to vector<1x16xf32>
          tpu.vector_store %arg13[%swap3A_694, %swap3A_695], %swap3A_698 {strides = array<i32>} : memref<128x128xf32, #tpu.memory_space<vmem>>, vector<1x16xf32>,
          %get3A_699 = arith.index_cast %add3A_614 : i32 to index
          %get3A_700 = arith.constant 96 : index
          %get3A_701 = tpu.vector_load %arg11[%get3A_699, %get3A_700] {strides = array<i32>} : memref<128x144xf32, #tpu.memory_space<vmem>>, vector<1x16xf32>,
          %get3A_702 = vector.shape_cast %get3A_701 : vector<1x16xf32> to vector<16xf32>
          %mul3A_703 = arith.mulf %get3A_702, %exp3A_631 : vector<16xf32>
          %swap3A_704 = arith.index_cast %add3A_614 : i32 to index
          %swap3A_705 = arith.constant 96 : index
          %swap3A_706 = tpu.vector_load %arg13[%swap3A_704, %swap3A_705] {strides = array<i32>} : memref<128x128xf32, #tpu.memory_space<vmem>>, vector<1x16xf32>,
          %swap3A_707 = vector.shape_cast %swap3A_706 : vector<1x16xf32> to vector<16xf32>
          %swap3A_708 = vector.shape_cast %mul3A_703 : vector<16xf32> to vector<1x16xf32>
          tpu.vector_store %arg13[%swap3A_704, %swap3A_705], %swap3A_708 {strides = array<i32>} : memref<128x128xf32, #tpu.memory_space<vmem>>, vector<1x16xf32>,
          %get3A_709 = arith.index_cast %add3A_614 : i32 to index
          %get3A_710 = arith.constant 112 : index
          %get3A_711 = tpu.vector_load %arg11[%get3A_709, %get3A_710] {strides = array<i32>} : memref<128x144xf32, #tpu.memory_space<vmem>>, vector<1x16xf32>,
          %get3A_712 = vector.shape_cast %get3A_711 : vector<1x16xf32> to vector<16xf32>
          %mul3A_713 = arith.mulf %get3A_712, %exp3A_631 : vector<16xf32>
          %swap3A_714 = arith.index_cast %add3A_614 : i32 to index
          %swap3A_715 = arith.constant 112 : index
          %swap3A_716 = tpu.vector_load %arg13[%swap3A_714, %swap3A_715] {strides = array<i32>} : memref<128x128xf32, #tpu.memory_space<vmem>>, vector<1x16xf32>,
          %swap3A_717 = vector.shape_cast %swap3A_716 : vector<1x16xf32> to vector<16xf32>
          %swap3A_718 = vector.shape_cast %mul3A_713 : vector<16xf32> to vector<1x16xf32>
          tpu.vector_store %arg13[%swap3A_714, %swap3A_715], %swap3A_718 {strides = array<i32>} : memref<128x128xf32, #tpu.memory_space<vmem>>, vector<1x16xf32>,
          %mul3A_719 = arith.constant 8 : i32
          %mul3A_720 = arith.muli %scan3A_74, %mul3A_719 : i32
          %add3A_721 = arith.constant 6 : i32
          %add3A_722 = arith.addi %mul3A_720, %add3A_721 : i32
          %get3A_723 = arith.index_cast %add3A_722 : i32 to index
          %get3A_724 = arith.constant 128 : index
          %get3A_725 = tpu.vector_load %arg11[%get3A_723, %get3A_724] {strides = array<i32>} : memref<128x144xf32, #tpu.memory_space<vmem>>, vector<1x16xf32>,
          %get3A_726 = vector.shape_cast %get3A_725 : vector<1x16xf32> to vector<16xf32>
          %get3A_727 = arith.index_cast %add3A_722 : i32 to index
          %get3A_728 = arith.constant 0 : index
          %get3A_729 = tpu.vector_load %arg12[%get3A_727, %get3A_728] {strides = array<i32>} : memref<128x16xf32, #tpu.memory_space<vmem>>, vector<1x16xf32>,
          %get3A_730 = vector.shape_cast %get3A_729 : vector<1x16xf32> to vector<16xf32>
          %add3A_731 = arith.addf %get3A_726, %get3A_730 : vector<16xf32>
          %ge3A_732 = arith.constant 0.000000e+00 : f32
          %ge3A_733 = vector.broadcast %ge3A_732 : f32 to vector<16xf32>
          %ge3A_734 = arith.cmpf oge, %add3A_731, %ge3A_733 : vector<16xf32>
          %mul3A_735 = arith.constant 2.000000e-01 : f32
          %mul3A_736 = vector.broadcast %mul3A_735 : f32 to vector<16xf32>
          %mul3A_737 = arith.mulf %mul3A_736, %add3A_731 : vector<16xf32>
          %select_n3A_738 = arith.select %ge3A_734, %add3A_731, %mul3A_737 : vector<16xi1>, vector<16xf32>
          %exp3A_739 = math.exp %select_n3A_738 : vector<16xf32>
          %mul3A_740 = arith.mulf %exp3A_739, %select_n3A : vector<16xf32>
          %add3A_741 = arith.addf %mul3A_740, %select_n3A_46 : vector<16xf32>
          %swap3A_742 = arith.index_cast %add3A_722 : i32 to index
          %swap3A_743 = arith.constant 0 : index
          %swap3A_744 = tpu.vector_load %arg14[%swap3A_742, %swap3A_743] {strides = array<i32>} : memref<128x16xf32, #tpu.memory_space<vmem>>, vector<1x16xf32>,
          %swap3A_745 = vector.shape_cast %swap3A_744 : vector<1x16xf32> to vector<16xf32>
          %swap3A_746 = vector.shape_cast %add3A_741 : vector<16xf32> to vector<1x16xf32>
          tpu.vector_store %arg14[%swap3A_742, %swap3A_743], %swap3A_746 {strides = array<i32>} : memref<128x16xf32, #tpu.memory_space<vmem>>, vector<1x16xf32>,
          %get3A_747 = arith.index_cast %add3A_722 : i32 to index
          %get3A_748 = arith.constant 0 : index
          %get3A_749 = tpu.vector_load %arg11[%get3A_747, %get3A_748] {strides = array<i32>} : memref<128x144xf32, #tpu.memory_space<vmem>>, vector<1x16xf32>,
          %get3A_750 = vector.shape_cast %get3A_749 : vector<1x16xf32> to vector<16xf32>
          %mul3A_751 = arith.mulf %get3A_750, %exp3A_739 : vector<16xf32>
          %swap3A_752 = arith.index_cast %add3A_722 : i32 to index
          %swap3A_753 = arith.constant 0 : index
          %swap3A_754 = tpu.vector_load %arg13[%swap3A_752, %swap3A_753] {strides = array<i32>} : memref<128x128xf32, #tpu.memory_space<vmem>>, vector<1x16xf32>,
          %swap3A_755 = vector.shape_cast %swap3A_754 : vector<1x16xf32> to vector<16xf32>
          %swap3A_756 = vector.shape_cast %mul3A_751 : vector<16xf32> to vector<1x16xf32>
          tpu.vector_store %arg13[%swap3A_752, %swap3A_753], %swap3A_756 {strides = array<i32>} : memref<128x128xf32, #tpu.memory_space<vmem>>, vector<1x16xf32>,
          %get3A_757 = arith.index_cast %add3A_722 : i32 to index
          %get3A_758 = arith.constant 16 : index
          %get3A_759 = tpu.vector_load %arg11[%get3A_757, %get3A_758] {strides = array<i32>} : memref<128x144xf32, #tpu.memory_space<vmem>>, vector<1x16xf32>,
          %get3A_760 = vector.shape_cast %get3A_759 : vector<1x16xf32> to vector<16xf32>
          %mul3A_761 = arith.mulf %get3A_760, %exp3A_739 : vector<16xf32>
          %swap3A_762 = arith.index_cast %add3A_722 : i32 to index
          %swap3A_763 = arith.constant 16 : index
          %swap3A_764 = tpu.vector_load %arg13[%swap3A_762, %swap3A_763] {strides = array<i32>} : memref<128x128xf32, #tpu.memory_space<vmem>>, vector<1x16xf32>,
          %swap3A_765 = vector.shape_cast %swap3A_764 : vector<1x16xf32> to vector<16xf32>
          %swap3A_766 = vector.shape_cast %mul3A_761 : vector<16xf32> to vector<1x16xf32>
          tpu.vector_store %arg13[%swap3A_762, %swap3A_763], %swap3A_766 {strides = array<i32>} : memref<128x128xf32, #tpu.memory_space<vmem>>, vector<1x16xf32>,
          %get3A_767 = arith.index_cast %add3A_722 : i32 to index
          %get3A_768 = arith.constant 32 : index
          %get3A_769 = tpu.vector_load %arg11[%get3A_767, %get3A_768] {strides = array<i32>} : memref<128x144xf32, #tpu.memory_space<vmem>>, vector<1x16xf32>,
          %get3A_770 = vector.shape_cast %get3A_769 : vector<1x16xf32> to vector<16xf32>
          %mul3A_771 = arith.mulf %get3A_770, %exp3A_739 : vector<16xf32>
          %swap3A_772 = arith.index_cast %add3A_722 : i32 to index
          %swap3A_773 = arith.constant 32 : index
          %swap3A_774 = tpu.vector_load %arg13[%swap3A_772, %swap3A_773] {strides = array<i32>} : memref<128x128xf32, #tpu.memory_space<vmem>>, vector<1x16xf32>,
          %swap3A_775 = vector.shape_cast %swap3A_774 : vector<1x16xf32> to vector<16xf32>
          %swap3A_776 = vector.shape_cast %mul3A_771 : vector<16xf32> to vector<1x16xf32>
          tpu.vector_store %arg13[%swap3A_772, %swap3A_773], %swap3A_776 {strides = array<i32>} : memref<128x128xf32, #tpu.memory_space<vmem>>, vector<1x16xf32>,
          %get3A_777 = arith.index_cast %add3A_722 : i32 to index
          %get3A_778 = arith.constant 48 : index
          %get3A_779 = tpu.vector_load %arg11[%get3A_777, %get3A_778] {strides = array<i32>} : memref<128x144xf32, #tpu.memory_space<vmem>>, vector<1x16xf32>,
          %get3A_780 = vector.shape_cast %get3A_779 : vector<1x16xf32> to vector<16xf32>
          %mul3A_781 = arith.mulf %get3A_780, %exp3A_739 : vector<16xf32>
          %swap3A_782 = arith.index_cast %add3A_722 : i32 to index
          %swap3A_783 = arith.constant 48 : index
          %swap3A_784 = tpu.vector_load %arg13[%swap3A_782, %swap3A_783] {strides = array<i32>} : memref<128x128xf32, #tpu.memory_space<vmem>>, vector<1x16xf32>,
          %swap3A_785 = vector.shape_cast %swap3A_784 : vector<1x16xf32> to vector<16xf32>
          %swap3A_786 = vector.shape_cast %mul3A_781 : vector<16xf32> to vector<1x16xf32>
          tpu.vector_store %arg13[%swap3A_782, %swap3A_783], %swap3A_786 {strides = array<i32>} : memref<128x128xf32, #tpu.memory_space<vmem>>, vector<1x16xf32>,
          %get3A_787 = arith.index_cast %add3A_722 : i32 to index
          %get3A_788 = arith.constant 64 : index
          %get3A_789 = tpu.vector_load %arg11[%get3A_787, %get3A_788] {strides = array<i32>} : memref<128x144xf32, #tpu.memory_space<vmem>>, vector<1x16xf32>,
          %get3A_790 = vector.shape_cast %get3A_789 : vector<1x16xf32> to vector<16xf32>
          %mul3A_791 = arith.mulf %get3A_790, %exp3A_739 : vector<16xf32>
          %swap3A_792 = arith.index_cast %add3A_722 : i32 to index
          %swap3A_793 = arith.constant 64 : index
          %swap3A_794 = tpu.vector_load %arg13[%swap3A_792, %swap3A_793] {strides = array<i32>} : memref<128x128xf32, #tpu.memory_space<vmem>>, vector<1x16xf32>,
          %swap3A_795 = vector.shape_cast %swap3A_794 : vector<1x16xf32> to vector<16xf32>
          %swap3A_796 = vector.shape_cast %mul3A_791 : vector<16xf32> to vector<1x16xf32>
          tpu.vector_store %arg13[%swap3A_792, %swap3A_793], %swap3A_796 {strides = array<i32>} : memref<128x128xf32, #tpu.memory_space<vmem>>, vector<1x16xf32>,
          %get3A_797 = arith.index_cast %add3A_722 : i32 to index
          %get3A_798 = arith.constant 80 : index
          %get3A_799 = tpu.vector_load %arg11[%get3A_797, %get3A_798] {strides = array<i32>} : memref<128x144xf32, #tpu.memory_space<vmem>>, vector<1x16xf32>,
          %get3A_800 = vector.shape_cast %get3A_799 : vector<1x16xf32> to vector<16xf32>
          %mul3A_801 = arith.mulf %get3A_800, %exp3A_739 : vector<16xf32>
          %swap3A_802 = arith.index_cast %add3A_722 : i32 to index
          %swap3A_803 = arith.constant 80 : index
          %swap3A_804 = tpu.vector_load %arg13[%swap3A_802, %swap3A_803] {strides = array<i32>} : memref<128x128xf32, #tpu.memory_space<vmem>>, vector<1x16xf32>,
          %swap3A_805 = vector.shape_cast %swap3A_804 : vector<1x16xf32> to vector<16xf32>
          %swap3A_806 = vector.shape_cast %mul3A_801 : vector<16xf32> to vector<1x16xf32>
          tpu.vector_store %arg13[%swap3A_802, %swap3A_803], %swap3A_806 {strides = array<i32>} : memref<128x128xf32, #tpu.memory_space<vmem>>, vector<1x16xf32>,
          %get3A_807 = arith.index_cast %add3A_722 : i32 to index
          %get3A_808 = arith.constant 96 : index
          %get3A_809 = tpu.vector_load %arg11[%get3A_807, %get3A_808] {strides = array<i32>} : memref<128x144xf32, #tpu.memory_space<vmem>>, vector<1x16xf32>,
          %get3A_810 = vector.shape_cast %get3A_809 : vector<1x16xf32> to vector<16xf32>
          %mul3A_811 = arith.mulf %get3A_810, %exp3A_739 : vector<16xf32>
          %swap3A_812 = arith.index_cast %add3A_722 : i32 to index
          %swap3A_813 = arith.constant 96 : index
          %swap3A_814 = tpu.vector_load %arg13[%swap3A_812, %swap3A_813] {strides = array<i32>} : memref<128x128xf32, #tpu.memory_space<vmem>>, vector<1x16xf32>,
          %swap3A_815 = vector.shape_cast %swap3A_814 : vector<1x16xf32> to vector<16xf32>
          %swap3A_816 = vector.shape_cast %mul3A_811 : vector<16xf32> to vector<1x16xf32>
          tpu.vector_store %arg13[%swap3A_812, %swap3A_813], %swap3A_816 {strides = array<i32>} : memref<128x128xf32, #tpu.memory_space<vmem>>, vector<1x16xf32>,
          %get3A_817 = arith.index_cast %add3A_722 : i32 to index
          %get3A_818 = arith.constant 112 : index
          %get3A_819 = tpu.vector_load %arg11[%get3A_817, %get3A_818] {strides = array<i32>} : memref<128x144xf32, #tpu.memory_space<vmem>>, vector<1x16xf32>,
          %get3A_820 = vector.shape_cast %get3A_819 : vector<1x16xf32> to vector<16xf32>
          %mul3A_821 = arith.mulf %get3A_820, %exp3A_739 : vector<16xf32>
          %swap3A_822 = arith.index_cast %add3A_722 : i32 to index
          %swap3A_823 = arith.constant 112 : index
          %swap3A_824 = tpu.vector_load %arg13[%swap3A_822, %swap3A_823] {strides = array<i32>} : memref<128x128xf32, #tpu.memory_space<vmem>>, vector<1x16xf32>,
          %swap3A_825 = vector.shape_cast %swap3A_824 : vector<1x16xf32> to vector<16xf32>
          %swap3A_826 = vector.shape_cast %mul3A_821 : vector<16xf32> to vector<1x16xf32>
          tpu.vector_store %arg13[%swap3A_822, %swap3A_823], %swap3A_826 {strides = array<i32>} : memref<128x128xf32, #tpu.memory_space<vmem>>, vector<1x16xf32>,
          %mul3A_827 = arith.constant 8 : i32
          %mul3A_828 = arith.muli %scan3A_74, %mul3A_827 : i32
          %add3A_829 = arith.constant 7 : i32
          %add3A_830 = arith.addi %mul3A_828, %add3A_829 : i32
          %get3A_831 = arith.index_cast %add3A_830 : i32 to index
          %get3A_832 = arith.constant 128 : index
          %get3A_833 = tpu.vector_load %arg11[%get3A_831, %get3A_832] {strides = array<i32>} : memref<128x144xf32, #tpu.memory_space<vmem>>, vector<1x16xf32>,
          %get3A_834 = vector.shape_cast %get3A_833 : vector<1x16xf32> to vector<16xf32>
          %get3A_835 = arith.index_cast %add3A_830 : i32 to index
          %get3A_836 = arith.constant 0 : index
          %get3A_837 = tpu.vector_load %arg12[%get3A_835, %get3A_836] {strides = array<i32>} : memref<128x16xf32, #tpu.memory_space<vmem>>, vector<1x16xf32>,
          %get3A_838 = vector.shape_cast %get3A_837 : vector<1x16xf32> to vector<16xf32>
          %add3A_839 = arith.addf %get3A_834, %get3A_838 : vector<16xf32>
          %ge3A_840 = arith.constant 0.000000e+00 : f32
          %ge3A_841 = vector.broadcast %ge3A_840 : f32 to vector<16xf32>
          %ge3A_842 = arith.cmpf oge, %add3A_839, %ge3A_841 : vector<16xf32>
          %mul3A_843 = arith.constant 2.000000e-01 : f32
          %mul3A_844 = vector.broadcast %mul3A_843 : f32 to vector<16xf32>
          %mul3A_845 = arith.mulf %mul3A_844, %add3A_839 : vector<16xf32>
          %select_n3A_846 = arith.select %ge3A_842, %add3A_839, %mul3A_845 : vector<16xi1>, vector<16xf32>
          %exp3A_847 = math.exp %select_n3A_846 : vector<16xf32>
          %mul3A_848 = arith.mulf %exp3A_847, %select_n3A : vector<16xf32>
          %add3A_849 = arith.addf %mul3A_848, %select_n3A_46 : vector<16xf32>
          %swap3A_850 = arith.index_cast %add3A_830 : i32 to index
          %swap3A_851 = arith.constant 0 : index
          %swap3A_852 = tpu.vector_load %arg14[%swap3A_850, %swap3A_851] {strides = array<i32>} : memref<128x16xf32, #tpu.memory_space<vmem>>, vector<1x16xf32>,
          %swap3A_853 = vector.shape_cast %swap3A_852 : vector<1x16xf32> to vector<16xf32>
          %swap3A_854 = vector.shape_cast %add3A_849 : vector<16xf32> to vector<1x16xf32>
          tpu.vector_store %arg14[%swap3A_850, %swap3A_851], %swap3A_854 {strides = array<i32>} : memref<128x16xf32, #tpu.memory_space<vmem>>, vector<1x16xf32>,
          %get3A_855 = arith.index_cast %add3A_830 : i32 to index
          %get3A_856 = arith.constant 0 : index
          %get3A_857 = tpu.vector_load %arg11[%get3A_855, %get3A_856] {strides = array<i32>} : memref<128x144xf32, #tpu.memory_space<vmem>>, vector<1x16xf32>,
          %get3A_858 = vector.shape_cast %get3A_857 : vector<1x16xf32> to vector<16xf32>
          %mul3A_859 = arith.mulf %get3A_858, %exp3A_847 : vector<16xf32>
          %swap3A_860 = arith.index_cast %add3A_830 : i32 to index
          %swap3A_861 = arith.constant 0 : index
          %swap3A_862 = tpu.vector_load %arg13[%swap3A_860, %swap3A_861] {strides = array<i32>} : memref<128x128xf32, #tpu.memory_space<vmem>>, vector<1x16xf32>,
          %swap3A_863 = vector.shape_cast %swap3A_862 : vector<1x16xf32> to vector<16xf32>
          %swap3A_864 = vector.shape_cast %mul3A_859 : vector<16xf32> to vector<1x16xf32>
          tpu.vector_store %arg13[%swap3A_860, %swap3A_861], %swap3A_864 {strides = array<i32>} : memref<128x128xf32, #tpu.memory_space<vmem>>, vector<1x16xf32>,
          %get3A_865 = arith.index_cast %add3A_830 : i32 to index
          %get3A_866 = arith.constant 16 : index
          %get3A_867 = tpu.vector_load %arg11[%get3A_865, %get3A_866] {strides = array<i32>} : memref<128x144xf32, #tpu.memory_space<vmem>>, vector<1x16xf32>,
          %get3A_868 = vector.shape_cast %get3A_867 : vector<1x16xf32> to vector<16xf32>
          %mul3A_869 = arith.mulf %get3A_868, %exp3A_847 : vector<16xf32>
          %swap3A_870 = arith.index_cast %add3A_830 : i32 to index
          %swap3A_871 = arith.constant 16 : index
          %swap3A_872 = tpu.vector_load %arg13[%swap3A_870, %swap3A_871] {strides = array<i32>} : memref<128x128xf32, #tpu.memory_space<vmem>>, vector<1x16xf32>,
          %swap3A_873 = vector.shape_cast %swap3A_872 : vector<1x16xf32> to vector<16xf32>
          %swap3A_874 = vector.shape_cast %mul3A_869 : vector<16xf32> to vector<1x16xf32>
          tpu.vector_store %arg13[%swap3A_870, %swap3A_871], %swap3A_874 {strides = array<i32>} : memref<128x128xf32, #tpu.memory_space<vmem>>, vector<1x16xf32>,
          %get3A_875 = arith.index_cast %add3A_830 : i32 to index
          %get3A_876 = arith.constant 32 : index
          %get3A_877 = tpu.vector_load %arg11[%get3A_875, %get3A_876] {strides = array<i32>} : memref<128x144xf32, #tpu.memory_space<vmem>>, vector<1x16xf32>,
          %get3A_878 = vector.shape_cast %get3A_877 : vector<1x16xf32> to vector<16xf32>
          %mul3A_879 = arith.mulf %get3A_878, %exp3A_847 : vector<16xf32>
          %swap3A_880 = arith.index_cast %add3A_830 : i32 to index
          %swap3A_881 = arith.constant 32 : index
          %swap3A_882 = tpu.vector_load %arg13[%swap3A_880, %swap3A_881] {strides = array<i32>} : memref<128x128xf32, #tpu.memory_space<vmem>>, vector<1x16xf32>,
          %swap3A_883 = vector.shape_cast %swap3A_882 : vector<1x16xf32> to vector<16xf32>
          %swap3A_884 = vector.shape_cast %mul3A_879 : vector<16xf32> to vector<1x16xf32>
          tpu.vector_store %arg13[%swap3A_880, %swap3A_881], %swap3A_884 {strides = array<i32>} : memref<128x128xf32, #tpu.memory_space<vmem>>, vector<1x16xf32>,
          %get3A_885 = arith.index_cast %add3A_830 : i32 to index
          %get3A_886 = arith.constant 48 : index
          %get3A_887 = tpu.vector_load %arg11[%get3A_885, %get3A_886] {strides = array<i32>} : memref<128x144xf32, #tpu.memory_space<vmem>>, vector<1x16xf32>,
          %get3A_888 = vector.shape_cast %get3A_887 : vector<1x16xf32> to vector<16xf32>
          %mul3A_889 = arith.mulf %get3A_888, %exp3A_847 : vector<16xf32>
          %swap3A_890 = arith.index_cast %add3A_830 : i32 to index
          %swap3A_891 = arith.constant 48 : index
          %swap3A_892 = tpu.vector_load %arg13[%swap3A_890, %swap3A_891] {strides = array<i32>} : memref<128x128xf32, #tpu.memory_space<vmem>>, vector<1x16xf32>,
          %swap3A_893 = vector.shape_cast %swap3A_892 : vector<1x16xf32> to vector<16xf32>
          %swap3A_894 = vector.shape_cast %mul3A_889 : vector<16xf32> to vector<1x16xf32>
          tpu.vector_store %arg13[%swap3A_890, %swap3A_891], %swap3A_894 {strides = array<i32>} : memref<128x128xf32, #tpu.memory_space<vmem>>, vector<1x16xf32>,
          %get3A_895 = arith.index_cast %add3A_830 : i32 to index
          %get3A_896 = arith.constant 64 : index
          %get3A_897 = tpu.vector_load %arg11[%get3A_895, %get3A_896] {strides = array<i32>} : memref<128x144xf32, #tpu.memory_space<vmem>>, vector<1x16xf32>,
          %get3A_898 = vector.shape_cast %get3A_897 : vector<1x16xf32> to vector<16xf32>
          %mul3A_899 = arith.mulf %get3A_898, %exp3A_847 : vector<16xf32>
          %swap3A_900 = arith.index_cast %add3A_830 : i32 to index
          %swap3A_901 = arith.constant 64 : index
          %swap3A_902 = tpu.vector_load %arg13[%swap3A_900, %swap3A_901] {strides = array<i32>} : memref<128x128xf32, #tpu.memory_space<vmem>>, vector<1x16xf32>,
          %swap3A_903 = vector.shape_cast %swap3A_902 : vector<1x16xf32> to vector<16xf32>
          %swap3A_904 = vector.shape_cast %mul3A_899 : vector<16xf32> to vector<1x16xf32>
          tpu.vector_store %arg13[%swap3A_900, %swap3A_901], %swap3A_904 {strides = array<i32>} : memref<128x128xf32, #tpu.memory_space<vmem>>, vector<1x16xf32>,
          %get3A_905 = arith.index_cast %add3A_830 : i32 to index
          %get3A_906 = arith.constant 80 : index
          %get3A_907 = tpu.vector_load %arg11[%get3A_905, %get3A_906] {strides = array<i32>} : memref<128x144xf32, #tpu.memory_space<vmem>>, vector<1x16xf32>,
          %get3A_908 = vector.shape_cast %get3A_907 : vector<1x16xf32> to vector<16xf32>
          %mul3A_909 = arith.mulf %get3A_908, %exp3A_847 : vector<16xf32>
          %swap3A_910 = arith.index_cast %add3A_830 : i32 to index
          %swap3A_911 = arith.constant 80 : index
          %swap3A_912 = tpu.vector_load %arg13[%swap3A_910, %swap3A_911] {strides = array<i32>} : memref<128x128xf32, #tpu.memory_space<vmem>>, vector<1x16xf32>,
          %swap3A_913 = vector.shape_cast %swap3A_912 : vector<1x16xf32> to vector<16xf32>
          %swap3A_914 = vector.shape_cast %mul3A_909 : vector<16xf32> to vector<1x16xf32>
          tpu.vector_store %arg13[%swap3A_910, %swap3A_911], %swap3A_914 {strides = array<i32>} : memref<128x128xf32, #tpu.memory_space<vmem>>, vector<1x16xf32>,
          %get3A_915 = arith.index_cast %add3A_830 : i32 to index
          %get3A_916 = arith.constant 96 : index
          %get3A_917 = tpu.vector_load %arg11[%get3A_915, %get3A_916] {strides = array<i32>} : memref<128x144xf32, #tpu.memory_space<vmem>>, vector<1x16xf32>,
          %get3A_918 = vector.shape_cast %get3A_917 : vector<1x16xf32> to vector<16xf32>
          %mul3A_919 = arith.mulf %get3A_918, %exp3A_847 : vector<16xf32>
          %swap3A_920 = arith.index_cast %add3A_830 : i32 to index
          %swap3A_921 = arith.constant 96 : index
          %swap3A_922 = tpu.vector_load %arg13[%swap3A_920, %swap3A_921] {strides = array<i32>} : memref<128x128xf32, #tpu.memory_space<vmem>>, vector<1x16xf32>,
          %swap3A_923 = vector.shape_cast %swap3A_922 : vector<1x16xf32> to vector<16xf32>
          %swap3A_924 = vector.shape_cast %mul3A_919 : vector<16xf32> to vector<1x16xf32>
          tpu.vector_store %arg13[%swap3A_920, %swap3A_921], %swap3A_924 {strides = array<i32>} : memref<128x128xf32, #tpu.memory_space<vmem>>, vector<1x16xf32>,
          %get3A_925 = arith.index_cast %add3A_830 : i32 to index
          %get3A_926 = arith.constant 112 : index
          %get3A_927 = tpu.vector_load %arg11[%get3A_925, %get3A_926] {strides = array<i32>} : memref<128x144xf32, #tpu.memory_space<vmem>>, vector<1x16xf32>,
          %get3A_928 = vector.shape_cast %get3A_927 : vector<1x16xf32> to vector<16xf32>
          %mul3A_929 = arith.mulf %get3A_928, %exp3A_847 : vector<16xf32>
          %swap3A_930 = arith.index_cast %add3A_830 : i32 to index
          %swap3A_931 = arith.constant 112 : index
          %swap3A_932 = tpu.vector_load %arg13[%swap3A_930, %swap3A_931] {strides = array<i32>} : memref<128x128xf32, #tpu.memory_space<vmem>>, vector<1x16xf32>,
          %swap3A_933 = vector.shape_cast %swap3A_932 : vector<1x16xf32> to vector<16xf32>
          %swap3A_934 = vector.shape_cast %mul3A_929 : vector<16xf32> to vector<1x16xf32>
          tpu.vector_store %arg13[%swap3A_930, %swap3A_931], %swap3A_934 {strides = array<i32>} : memref<128x128xf32, #tpu.memory_space<vmem>>, vector<1x16xf32>,
        }
        %scan3A_73 = arith.constant 16 : i32
        "tpu.region"() ({
          %run_scoped3A_74 = tpu.sem_alloc : memref<!tpu.dma_semaphore, #tpu.memory_space<semaphore_mem>>
          %dma_start3A_75 = arith.constant 0 : i32
          %dma_start3A_76 = arith.constant 0 : i32
          %dma_start3A_77 = tpu.memref_slice %arg15[%dma_start3A_75, %dma_start3A_76] : memref<10112x128xf32, #tpu.memory_space<vmem_shared>> -> memref<10112x128xf32, #tpu.memory_space<vmem_shared>>
          tpu.enqueue_indirect_dma source(%arg13 : memref<128x128xf32, #tpu.memory_space<vmem>>) target(%dma_start3A_77 : memref<10112x128xf32, #tpu.memory_space<vmem_shared>>) offsets(%arg10 : memref<128xi32, #tpu.memory_space<vmem>>) semaphore(%run_scoped3A_74 : memref<!tpu.dma_semaphore, #tpu.memory_space<semaphore_mem>>) {add = true}
          %dma_wait3A_78 = arith.constant 0 : i32
          %dma_wait3A_79 = arith.constant 0 : i32
          %dma_wait3A_80 = tpu.memref_slice %arg15[%dma_wait3A_78, %dma_wait3A_79] : memref<10112x128xf32, #tpu.memory_space<vmem_shared>> -> memref<10112x128xf32, #tpu.memory_space<vmem_shared>>
          tpu.wait_indirect_dma semaphore(%run_scoped3A_74 : memref<!tpu.dma_semaphore, #tpu.memory_space<semaphore_mem>>) src(%arg13 : memref<128x128xf32, #tpu.memory_space<vmem>>) dst(%dma_wait3A_80 : memref<10112x128xf32, #tpu.memory_space<vmem_shared>>)
          tpu.yield
        }) : () -> ()
        "tpu.region"() ({
          %run_scoped3A_74 = tpu.sem_alloc : memref<!tpu.dma_semaphore, #tpu.memory_space<semaphore_mem>>
          %dma_start3A_75 = arith.constant 0 : i32
          %dma_start3A_76 = arith.constant 0 : i32
          %dma_start3A_77 = tpu.memref_slice %arg16[%dma_start3A_75, %dma_start3A_76] : memref<10112x16xf32, #tpu.memory_space<vmem_shared>> -> memref<10112x16xf32, #tpu.memory_space<vmem_shared>>
          tpu.enqueue_indirect_dma source(%arg14 : memref<128x16xf32, #tpu.memory_space<vmem>>) target(%dma_start3A_77 : memref<10112x16xf32, #tpu.memory_space<vmem_shared>>) offsets(%arg10 : memref<128xi32, #tpu.memory_space<vmem>>) semaphore(%run_scoped3A_74 : memref<!tpu.dma_semaphore, #tpu.memory_space<semaphore_mem>>) {add = true}
          %dma_wait3A_78 = arith.constant 0 : i32
          %dma_wait3A_79 = arith.constant 0 : i32
          %dma_wait3A_80 = tpu.memref_slice %arg16[%dma_wait3A_78, %dma_wait3A_79] : memref<10112x16xf32, #tpu.memory_space<vmem_shared>> -> memref<10112x16xf32, #tpu.memory_space<vmem_shared>>
          tpu.wait_indirect_dma semaphore(%run_scoped3A_74 : memref<!tpu.dma_semaphore, #tpu.memory_space<semaphore_mem>>) src(%arg14 : memref<128x16xf32, #tpu.memory_space<vmem>>) dst(%dma_wait3A_80 : memref<10112x16xf32, #tpu.memory_space<vmem_shared>>)
          tpu.yield
        }) : () -> ()
      }
      %scan3A_52 = arith.constant 162 : i32
    } else {
    }
    %eq3A_27 = arith.constant 1 : i32
    %eq3A_28 = arith.cmpi eq, %arg0, %eq3A_27 : i32
    %convert_element_type3A_29 = arith.extui %eq3A_28 : i1 to i32
    %cond3A_30 = arith.constant 0 : i32
    %cond3A_31 = arith.cmpi ne, %convert_element_type3A_29, %cond3A_30 : i32
    scf.if %cond3A_31 {
      %iota3A = tpu.iota {dimensions = array<i32: 0>} : vector<16xi32>
      %eq3A_33 = arith.constant 0 : i32
      %eq3A_34 = vector.broadcast %eq3A_33 : i32 to vector<16xi32>
      %eq3A_35 = arith.cmpi eq, %iota3A, %eq3A_34 : vector<16xi32>
      %jit3A = arith.constant 1.000000e+00 : f32
      %jit3A_36 = arith.constant 0.000000e+00 : f32
      %broadcast_in_dim3A = vector.broadcast %jit3A : f32 to vector<16xf32>
      %broadcast_in_dim3A_37 = vector.broadcast %jit3A_36 : f32 to vector<16xf32>
      %select_n3A = arith.select %eq3A_35, %broadcast_in_dim3A, %broadcast_in_dim3A_37 : vector<16xi1>, vector<16xf32>
      %iota3A_38 = tpu.iota {dimensions = array<i32: 0>} : vector<16xi32>
      %eq3A_39 = arith.constant 1 : i32
      %eq3A_40 = vector.broadcast %eq3A_39 : i32 to vector<16xi32>
      %eq3A_41 = arith.cmpi eq, %iota3A_38, %eq3A_40 : vector<16xi32>
      %jit3A_42 = arith.constant 1.000000e+00 : f32
      %jit3A_43 = arith.constant 0.000000e+00 : f32
      %broadcast_in_dim3A_44 = vector.broadcast %jit3A_42 : f32 to vector<16xf32>
      %broadcast_in_dim3A_45 = vector.broadcast %jit3A_43 : f32 to vector<16xf32>
      %select_n3A_46 = arith.select %eq3A_41, %broadcast_in_dim3A_44, %broadcast_in_dim3A_45 : vector<16xi1>, vector<16xf32>
      %scan3A_47 = arith.constant 0 : i32
      %scan3A_48 = arith.constant 0 : i32
      %scan3A_49 = arith.constant 162 : i32
      %scan3A_50 = arith.addi %scan3A_48, %scan3A_49 : i32
      %scan3A_51 = arith.constant 1 : i32
      scf.for %scan3A_53 = %scan3A_48 to %scan3A_50 step %scan3A_51  : i32 {
        %mul3A_54 = arith.constant 128 : i32
        %mul3A_55 = arith.muli %scan3A_53, %mul3A_54 : i32
        %add3A_56 = arith.addi %mul3A_0, %mul3A_55 : i32
        %run_scoped3A = arith.constant 0 : i32
        "tpu.region"() ({
          %run_scoped3A_74 = tpu.sem_alloc : memref<!tpu.dma_semaphore, #tpu.memory_space<semaphore_mem>>
          %dma_start3A_75 = tpu.memref_slice %arg2[%run_scoped3A, %add3A_56] : memref<2x331776xi32, #tpu.memory_space<hbm>> -> memref<1x128xi32, #tpu.memory_space<hbm>>
          %dma_start3A_76 = tpu.memref_squeeze %dma_start3A_75 : memref<1x128xi32, #tpu.memory_space<hbm>> -> memref<128xi32, #tpu.memory_space<hbm>>
          %dma_start3A_77 = tpu.memref_slice %arg2[%run_scoped3A, %add3A_56] : memref<2x331776xi32, #tpu.memory_space<hbm>> -> memref<1x128xi32, #tpu.memory_space<hbm>>
          %dma_start3A_78 = tpu.memref_squeeze %dma_start3A_77 : memref<1x128xi32, #tpu.memory_space<hbm>> -> memref<128xi32, #tpu.memory_space<hbm>>
          tpu.enqueue_dma source(%dma_start3A_78 : memref<128xi32, #tpu.memory_space<hbm>>) target(%arg9 : memref<128xi32, #tpu.memory_space<vmem>>) target_semaphore(%run_scoped3A_74 : memref<!tpu.dma_semaphore, #tpu.memory_space<semaphore_mem>>)
          %dma_wait3A_79 = tpu.memref_slice %arg2[%run_scoped3A, %add3A_56] : memref<2x331776xi32, #tpu.memory_space<hbm>> -> memref<1x128xi32, #tpu.memory_space<hbm>>
          %dma_wait3A_80 = tpu.memref_squeeze %dma_wait3A_79 : memref<1x128xi32, #tpu.memory_space<hbm>> -> memref<128xi32, #tpu.memory_space<hbm>>
          %dma_wait3A_81 = tpu.memref_slice %arg2[%run_scoped3A, %add3A_56] : memref<2x331776xi32, #tpu.memory_space<hbm>> -> memref<1x128xi32, #tpu.memory_space<hbm>>
          %dma_wait3A_82 = tpu.memref_squeeze %dma_wait3A_81 : memref<1x128xi32, #tpu.memory_space<hbm>> -> memref<128xi32, #tpu.memory_space<hbm>>
          tpu.wait_dma2 semaphore(%run_scoped3A_74 : memref<!tpu.dma_semaphore, #tpu.memory_space<semaphore_mem>>) src(%dma_wait3A_82 : memref<128xi32, #tpu.memory_space<hbm>>) dst(%arg9 : memref<128xi32, #tpu.memory_space<vmem>>)
          tpu.yield
        }) : () -> ()
        %run_scoped3A_57 = arith.constant 1 : i32
        "tpu.region"() ({
          %run_scoped3A_74 = tpu.sem_alloc : memref<!tpu.dma_semaphore, #tpu.memory_space<semaphore_mem>>
          %dma_start3A_75 = tpu.memref_slice %arg2[%run_scoped3A_57, %add3A_56] : memref<2x331776xi32, #tpu.memory_space<hbm>> -> memref<1x128xi32, #tpu.memory_space<hbm>>
          %dma_start3A_76 = tpu.memref_squeeze %dma_start3A_75 : memref<1x128xi32, #tpu.memory_space<hbm>> -> memref<128xi32, #tpu.memory_space<hbm>>
          %dma_start3A_77 = tpu.memref_slice %arg2[%run_scoped3A_57, %add3A_56] : memref<2x331776xi32, #tpu.memory_space<hbm>> -> memref<1x128xi32, #tpu.memory_space<hbm>>
          %dma_start3A_78 = tpu.memref_squeeze %dma_start3A_77 : memref<1x128xi32, #tpu.memory_space<hbm>> -> memref<128xi32, #tpu.memory_space<hbm>>
          tpu.enqueue_dma source(%dma_start3A_78 : memref<128xi32, #tpu.memory_space<hbm>>) target(%arg10 : memref<128xi32, #tpu.memory_space<vmem>>) target_semaphore(%run_scoped3A_74 : memref<!tpu.dma_semaphore, #tpu.memory_space<semaphore_mem>>)
          %dma_wait3A_79 = tpu.memref_slice %arg2[%run_scoped3A_57, %add3A_56] : memref<2x331776xi32, #tpu.memory_space<hbm>> -> memref<1x128xi32, #tpu.memory_space<hbm>>
          %dma_wait3A_80 = tpu.memref_squeeze %dma_wait3A_79 : memref<1x128xi32, #tpu.memory_space<hbm>> -> memref<128xi32, #tpu.memory_space<hbm>>
          %dma_wait3A_81 = tpu.memref_slice %arg2[%run_scoped3A_57, %add3A_56] : memref<2x331776xi32, #tpu.memory_space<hbm>> -> memref<1x128xi32, #tpu.memory_space<hbm>>
          %dma_wait3A_82 = tpu.memref_squeeze %dma_wait3A_81 : memref<1x128xi32, #tpu.memory_space<hbm>> -> memref<128xi32, #tpu.memory_space<hbm>>
          tpu.wait_dma2 semaphore(%run_scoped3A_74 : memref<!tpu.dma_semaphore, #tpu.memory_space<semaphore_mem>>) src(%dma_wait3A_82 : memref<128xi32, #tpu.memory_space<hbm>>) dst(%arg10 : memref<128xi32, #tpu.memory_space<vmem>>)
          tpu.yield
        }) : () -> ()
        %dma_start3A = arith.constant 0 : i32
        %dma_start3A_58 = arith.constant 0 : i32
        %dma_start3A_59 = tpu.memref_slice %arg4[%dma_start3A, %dma_start3A_58] : memref<10000x144xf32, #tpu.memory_space<hbm>> -> memref<10000x144xf32, #tpu.memory_space<hbm>>
        tpu.enqueue_indirect_dma source(%dma_start3A_59 : memref<10000x144xf32, #tpu.memory_space<hbm>>) target(%arg11 : memref<128x144xf32, #tpu.memory_space<vmem>>) offsets(%arg9 : memref<128xi32, #tpu.memory_space<vmem>>) semaphore(%arg17 : memref<!tpu.dma_semaphore, #tpu.memory_space<semaphore_mem>>)
        %dma_wait3A = arith.constant 0 : i32
        %dma_wait3A_60 = arith.constant 0 : i32
        %dma_wait3A_61 = tpu.memref_slice %arg4[%dma_wait3A, %dma_wait3A_60] : memref<10000x144xf32, #tpu.memory_space<hbm>> -> memref<10000x144xf32, #tpu.memory_space<hbm>>
        tpu.wait_indirect_dma semaphore(%arg17 : memref<!tpu.dma_semaphore, #tpu.memory_space<semaphore_mem>>) src(%dma_wait3A_61 : memref<10000x144xf32, #tpu.memory_space<hbm>>) dst(%arg11 : memref<128x144xf32, #tpu.memory_space<vmem>>)
        %dma_start3A_62 = arith.constant 0 : i32
        %dma_start3A_63 = arith.constant 0 : i32
        %dma_start3A_64 = tpu.memref_slice %arg6[%dma_start3A_62, %dma_start3A_63] : memref<10000x16xf32, #tpu.memory_space<hbm>> -> memref<10000x16xf32, #tpu.memory_space<hbm>>
        tpu.enqueue_indirect_dma source(%dma_start3A_64 : memref<10000x16xf32, #tpu.memory_space<hbm>>) target(%arg12 : memref<128x16xf32, #tpu.memory_space<vmem>>) offsets(%arg10 : memref<128xi32, #tpu.memory_space<vmem>>) semaphore(%arg17 : memref<!tpu.dma_semaphore, #tpu.memory_space<semaphore_mem>>)
        %dma_wait3A_65 = arith.constant 0 : i32
        %dma_wait3A_66 = arith.constant 0 : i32
        %dma_wait3A_67 = tpu.memref_slice %arg6[%dma_wait3A_65, %dma_wait3A_66] : memref<10000x16xf32, #tpu.memory_space<hbm>> -> memref<10000x16xf32, #tpu.memory_space<hbm>>
        tpu.wait_indirect_dma semaphore(%arg17 : memref<!tpu.dma_semaphore, #tpu.memory_space<semaphore_mem>>) src(%dma_wait3A_67 : memref<10000x16xf32, #tpu.memory_space<hbm>>) dst(%arg12 : memref<128x16xf32, #tpu.memory_space<vmem>>)
        %scan3A_68 = arith.constant 0 : i32
        %scan3A_69 = arith.constant 0 : i32
        %scan3A_70 = arith.constant 16 : i32
        %scan3A_71 = arith.addi %scan3A_69, %scan3A_70 : i32
        %scan3A_72 = arith.constant 1 : i32
        scf.for %scan3A_74 = %scan3A_69 to %scan3A_71 step %scan3A_72  : i32 {
          %mul3A_75 = arith.constant 8 : i32
          %mul3A_76 = arith.muli %scan3A_74, %mul3A_75 : i32
          %add3A_77 = arith.constant 0 : i32
          %add3A_78 = arith.addi %mul3A_76, %add3A_77 : i32
          %get3A = arith.index_cast %add3A_78 : i32 to index
          %get3A_79 = arith.constant 128 : index
          %get3A_80 = tpu.vector_load %arg11[%get3A, %get3A_79] {strides = array<i32>} : memref<128x144xf32, #tpu.memory_space<vmem>>, vector<1x16xf32>,
          %get3A_81 = vector.shape_cast %get3A_80 : vector<1x16xf32> to vector<16xf32>
          %get3A_82 = arith.index_cast %add3A_78 : i32 to index
          %get3A_83 = arith.constant 0 : index
          %get3A_84 = tpu.vector_load %arg12[%get3A_82, %get3A_83] {strides = array<i32>} : memref<128x16xf32, #tpu.memory_space<vmem>>, vector<1x16xf32>,
          %get3A_85 = vector.shape_cast %get3A_84 : vector<1x16xf32> to vector<16xf32>
          %add3A_86 = arith.addf %get3A_81, %get3A_85 : vector<16xf32>
          %ge3A = arith.constant 0.000000e+00 : f32
          %ge3A_87 = vector.broadcast %ge3A : f32 to vector<16xf32>
          %ge3A_88 = arith.cmpf oge, %add3A_86, %ge3A_87 : vector<16xf32>
          %mul3A_89 = arith.constant 2.000000e-01 : f32
          %mul3A_90 = vector.broadcast %mul3A_89 : f32 to vector<16xf32>
          %mul3A_91 = arith.mulf %mul3A_90, %add3A_86 : vector<16xf32>
          %select_n3A_92 = arith.select %ge3A_88, %add3A_86, %mul3A_91 : vector<16xi1>, vector<16xf32>
          %exp3A = math.exp %select_n3A_92 : vector<16xf32>
          %mul3A_93 = arith.mulf %exp3A, %select_n3A : vector<16xf32>
          %add3A_94 = arith.addf %mul3A_93, %select_n3A_46 : vector<16xf32>
          %swap3A = arith.index_cast %add3A_78 : i32 to index
          %swap3A_95 = arith.constant 0 : index
          %swap3A_96 = tpu.vector_load %arg14[%swap3A, %swap3A_95] {strides = array<i32>} : memref<128x16xf32, #tpu.memory_space<vmem>>, vector<1x16xf32>,
          %swap3A_97 = vector.shape_cast %swap3A_96 : vector<1x16xf32> to vector<16xf32>
          %swap3A_98 = vector.shape_cast %add3A_94 : vector<16xf32> to vector<1x16xf32>
          tpu.vector_store %arg14[%swap3A, %swap3A_95], %swap3A_98 {strides = array<i32>} : memref<128x16xf32, #tpu.memory_space<vmem>>, vector<1x16xf32>,
          %get3A_99 = arith.index_cast %add3A_78 : i32 to index
          %get3A_100 = arith.constant 0 : index
          %get3A_101 = tpu.vector_load %arg11[%get3A_99, %get3A_100] {strides = array<i32>} : memref<128x144xf32, #tpu.memory_space<vmem>>, vector<1x16xf32>,
          %get3A_102 = vector.shape_cast %get3A_101 : vector<1x16xf32> to vector<16xf32>
          %mul3A_103 = arith.mulf %get3A_102, %exp3A : vector<16xf32>
          %swap3A_104 = arith.index_cast %add3A_78 : i32 to index
          %swap3A_105 = arith.constant 0 : index
          %swap3A_106 = tpu.vector_load %arg13[%swap3A_104, %swap3A_105] {strides = array<i32>} : memref<128x128xf32, #tpu.memory_space<vmem>>, vector<1x16xf32>,
          %swap3A_107 = vector.shape_cast %swap3A_106 : vector<1x16xf32> to vector<16xf32>
          %swap3A_108 = vector.shape_cast %mul3A_103 : vector<16xf32> to vector<1x16xf32>
          tpu.vector_store %arg13[%swap3A_104, %swap3A_105], %swap3A_108 {strides = array<i32>} : memref<128x128xf32, #tpu.memory_space<vmem>>, vector<1x16xf32>,
          %get3A_109 = arith.index_cast %add3A_78 : i32 to index
          %get3A_110 = arith.constant 16 : index
          %get3A_111 = tpu.vector_load %arg11[%get3A_109, %get3A_110] {strides = array<i32>} : memref<128x144xf32, #tpu.memory_space<vmem>>, vector<1x16xf32>,
          %get3A_112 = vector.shape_cast %get3A_111 : vector<1x16xf32> to vector<16xf32>
          %mul3A_113 = arith.mulf %get3A_112, %exp3A : vector<16xf32>
          %swap3A_114 = arith.index_cast %add3A_78 : i32 to index
          %swap3A_115 = arith.constant 16 : index
          %swap3A_116 = tpu.vector_load %arg13[%swap3A_114, %swap3A_115] {strides = array<i32>} : memref<128x128xf32, #tpu.memory_space<vmem>>, vector<1x16xf32>,
          %swap3A_117 = vector.shape_cast %swap3A_116 : vector<1x16xf32> to vector<16xf32>
          %swap3A_118 = vector.shape_cast %mul3A_113 : vector<16xf32> to vector<1x16xf32>
          tpu.vector_store %arg13[%swap3A_114, %swap3A_115], %swap3A_118 {strides = array<i32>} : memref<128x128xf32, #tpu.memory_space<vmem>>, vector<1x16xf32>,
          %get3A_119 = arith.index_cast %add3A_78 : i32 to index
          %get3A_120 = arith.constant 32 : index
          %get3A_121 = tpu.vector_load %arg11[%get3A_119, %get3A_120] {strides = array<i32>} : memref<128x144xf32, #tpu.memory_space<vmem>>, vector<1x16xf32>,
          %get3A_122 = vector.shape_cast %get3A_121 : vector<1x16xf32> to vector<16xf32>
          %mul3A_123 = arith.mulf %get3A_122, %exp3A : vector<16xf32>
          %swap3A_124 = arith.index_cast %add3A_78 : i32 to index
          %swap3A_125 = arith.constant 32 : index
          %swap3A_126 = tpu.vector_load %arg13[%swap3A_124, %swap3A_125] {strides = array<i32>} : memref<128x128xf32, #tpu.memory_space<vmem>>, vector<1x16xf32>,
          %swap3A_127 = vector.shape_cast %swap3A_126 : vector<1x16xf32> to vector<16xf32>
          %swap3A_128 = vector.shape_cast %mul3A_123 : vector<16xf32> to vector<1x16xf32>
          tpu.vector_store %arg13[%swap3A_124, %swap3A_125], %swap3A_128 {strides = array<i32>} : memref<128x128xf32, #tpu.memory_space<vmem>>, vector<1x16xf32>,
          %get3A_129 = arith.index_cast %add3A_78 : i32 to index
          %get3A_130 = arith.constant 48 : index
          %get3A_131 = tpu.vector_load %arg11[%get3A_129, %get3A_130] {strides = array<i32>} : memref<128x144xf32, #tpu.memory_space<vmem>>, vector<1x16xf32>,
          %get3A_132 = vector.shape_cast %get3A_131 : vector<1x16xf32> to vector<16xf32>
          %mul3A_133 = arith.mulf %get3A_132, %exp3A : vector<16xf32>
          %swap3A_134 = arith.index_cast %add3A_78 : i32 to index
          %swap3A_135 = arith.constant 48 : index
          %swap3A_136 = tpu.vector_load %arg13[%swap3A_134, %swap3A_135] {strides = array<i32>} : memref<128x128xf32, #tpu.memory_space<vmem>>, vector<1x16xf32>,
          %swap3A_137 = vector.shape_cast %swap3A_136 : vector<1x16xf32> to vector<16xf32>
          %swap3A_138 = vector.shape_cast %mul3A_133 : vector<16xf32> to vector<1x16xf32>
          tpu.vector_store %arg13[%swap3A_134, %swap3A_135], %swap3A_138 {strides = array<i32>} : memref<128x128xf32, #tpu.memory_space<vmem>>, vector<1x16xf32>,
          %get3A_139 = arith.index_cast %add3A_78 : i32 to index
          %get3A_140 = arith.constant 64 : index
          %get3A_141 = tpu.vector_load %arg11[%get3A_139, %get3A_140] {strides = array<i32>} : memref<128x144xf32, #tpu.memory_space<vmem>>, vector<1x16xf32>,
          %get3A_142 = vector.shape_cast %get3A_141 : vector<1x16xf32> to vector<16xf32>
          %mul3A_143 = arith.mulf %get3A_142, %exp3A : vector<16xf32>
          %swap3A_144 = arith.index_cast %add3A_78 : i32 to index
          %swap3A_145 = arith.constant 64 : index
          %swap3A_146 = tpu.vector_load %arg13[%swap3A_144, %swap3A_145] {strides = array<i32>} : memref<128x128xf32, #tpu.memory_space<vmem>>, vector<1x16xf32>,
          %swap3A_147 = vector.shape_cast %swap3A_146 : vector<1x16xf32> to vector<16xf32>
          %swap3A_148 = vector.shape_cast %mul3A_143 : vector<16xf32> to vector<1x16xf32>
          tpu.vector_store %arg13[%swap3A_144, %swap3A_145], %swap3A_148 {strides = array<i32>} : memref<128x128xf32, #tpu.memory_space<vmem>>, vector<1x16xf32>,
          %get3A_149 = arith.index_cast %add3A_78 : i32 to index
          %get3A_150 = arith.constant 80 : index
          %get3A_151 = tpu.vector_load %arg11[%get3A_149, %get3A_150] {strides = array<i32>} : memref<128x144xf32, #tpu.memory_space<vmem>>, vector<1x16xf32>,
          %get3A_152 = vector.shape_cast %get3A_151 : vector<1x16xf32> to vector<16xf32>
          %mul3A_153 = arith.mulf %get3A_152, %exp3A : vector<16xf32>
          %swap3A_154 = arith.index_cast %add3A_78 : i32 to index
          %swap3A_155 = arith.constant 80 : index
          %swap3A_156 = tpu.vector_load %arg13[%swap3A_154, %swap3A_155] {strides = array<i32>} : memref<128x128xf32, #tpu.memory_space<vmem>>, vector<1x16xf32>,
          %swap3A_157 = vector.shape_cast %swap3A_156 : vector<1x16xf32> to vector<16xf32>
          %swap3A_158 = vector.shape_cast %mul3A_153 : vector<16xf32> to vector<1x16xf32>
          tpu.vector_store %arg13[%swap3A_154, %swap3A_155], %swap3A_158 {strides = array<i32>} : memref<128x128xf32, #tpu.memory_space<vmem>>, vector<1x16xf32>,
          %get3A_159 = arith.index_cast %add3A_78 : i32 to index
          %get3A_160 = arith.constant 96 : index
          %get3A_161 = tpu.vector_load %arg11[%get3A_159, %get3A_160] {strides = array<i32>} : memref<128x144xf32, #tpu.memory_space<vmem>>, vector<1x16xf32>,
          %get3A_162 = vector.shape_cast %get3A_161 : vector<1x16xf32> to vector<16xf32>
          %mul3A_163 = arith.mulf %get3A_162, %exp3A : vector<16xf32>
          %swap3A_164 = arith.index_cast %add3A_78 : i32 to index
          %swap3A_165 = arith.constant 96 : index
          %swap3A_166 = tpu.vector_load %arg13[%swap3A_164, %swap3A_165] {strides = array<i32>} : memref<128x128xf32, #tpu.memory_space<vmem>>, vector<1x16xf32>,
          %swap3A_167 = vector.shape_cast %swap3A_166 : vector<1x16xf32> to vector<16xf32>
          %swap3A_168 = vector.shape_cast %mul3A_163 : vector<16xf32> to vector<1x16xf32>
          tpu.vector_store %arg13[%swap3A_164, %swap3A_165], %swap3A_168 {strides = array<i32>} : memref<128x128xf32, #tpu.memory_space<vmem>>, vector<1x16xf32>,
          %get3A_169 = arith.index_cast %add3A_78 : i32 to index
          %get3A_170 = arith.constant 112 : index
          %get3A_171 = tpu.vector_load %arg11[%get3A_169, %get3A_170] {strides = array<i32>} : memref<128x144xf32, #tpu.memory_space<vmem>>, vector<1x16xf32>,
          %get3A_172 = vector.shape_cast %get3A_171 : vector<1x16xf32> to vector<16xf32>
          %mul3A_173 = arith.mulf %get3A_172, %exp3A : vector<16xf32>
          %swap3A_174 = arith.index_cast %add3A_78 : i32 to index
          %swap3A_175 = arith.constant 112 : index
          %swap3A_176 = tpu.vector_load %arg13[%swap3A_174, %swap3A_175] {strides = array<i32>} : memref<128x128xf32, #tpu.memory_space<vmem>>, vector<1x16xf32>,
          %swap3A_177 = vector.shape_cast %swap3A_176 : vector<1x16xf32> to vector<16xf32>
          %swap3A_178 = vector.shape_cast %mul3A_173 : vector<16xf32> to vector<1x16xf32>
          tpu.vector_store %arg13[%swap3A_174, %swap3A_175], %swap3A_178 {strides = array<i32>} : memref<128x128xf32, #tpu.memory_space<vmem>>, vector<1x16xf32>,
          %mul3A_179 = arith.constant 8 : i32
          %mul3A_180 = arith.muli %scan3A_74, %mul3A_179 : i32
          %add3A_181 = arith.constant 1 : i32
          %add3A_182 = arith.addi %mul3A_180, %add3A_181 : i32
          %get3A_183 = arith.index_cast %add3A_182 : i32 to index
          %get3A_184 = arith.constant 128 : index
          %get3A_185 = tpu.vector_load %arg11[%get3A_183, %get3A_184] {strides = array<i32>} : memref<128x144xf32, #tpu.memory_space<vmem>>, vector<1x16xf32>,
          %get3A_186 = vector.shape_cast %get3A_185 : vector<1x16xf32> to vector<16xf32>
          %get3A_187 = arith.index_cast %add3A_182 : i32 to index
          %get3A_188 = arith.constant 0 : index
          %get3A_189 = tpu.vector_load %arg12[%get3A_187, %get3A_188] {strides = array<i32>} : memref<128x16xf32, #tpu.memory_space<vmem>>, vector<1x16xf32>,
          %get3A_190 = vector.shape_cast %get3A_189 : vector<1x16xf32> to vector<16xf32>
          %add3A_191 = arith.addf %get3A_186, %get3A_190 : vector<16xf32>
          %ge3A_192 = arith.constant 0.000000e+00 : f32
          %ge3A_193 = vector.broadcast %ge3A_192 : f32 to vector<16xf32>
          %ge3A_194 = arith.cmpf oge, %add3A_191, %ge3A_193 : vector<16xf32>
          %mul3A_195 = arith.constant 2.000000e-01 : f32
          %mul3A_196 = vector.broadcast %mul3A_195 : f32 to vector<16xf32>
          %mul3A_197 = arith.mulf %mul3A_196, %add3A_191 : vector<16xf32>
          %select_n3A_198 = arith.select %ge3A_194, %add3A_191, %mul3A_197 : vector<16xi1>, vector<16xf32>
          %exp3A_199 = math.exp %select_n3A_198 : vector<16xf32>
          %mul3A_200 = arith.mulf %exp3A_199, %select_n3A : vector<16xf32>
          %add3A_201 = arith.addf %mul3A_200, %select_n3A_46 : vector<16xf32>
          %swap3A_202 = arith.index_cast %add3A_182 : i32 to index
          %swap3A_203 = arith.constant 0 : index
          %swap3A_204 = tpu.vector_load %arg14[%swap3A_202, %swap3A_203] {strides = array<i32>} : memref<128x16xf32, #tpu.memory_space<vmem>>, vector<1x16xf32>,
          %swap3A_205 = vector.shape_cast %swap3A_204 : vector<1x16xf32> to vector<16xf32>
          %swap3A_206 = vector.shape_cast %add3A_201 : vector<16xf32> to vector<1x16xf32>
          tpu.vector_store %arg14[%swap3A_202, %swap3A_203], %swap3A_206 {strides = array<i32>} : memref<128x16xf32, #tpu.memory_space<vmem>>, vector<1x16xf32>,
          %get3A_207 = arith.index_cast %add3A_182 : i32 to index
          %get3A_208 = arith.constant 0 : index
          %get3A_209 = tpu.vector_load %arg11[%get3A_207, %get3A_208] {strides = array<i32>} : memref<128x144xf32, #tpu.memory_space<vmem>>, vector<1x16xf32>,
          %get3A_210 = vector.shape_cast %get3A_209 : vector<1x16xf32> to vector<16xf32>
          %mul3A_211 = arith.mulf %get3A_210, %exp3A_199 : vector<16xf32>
          %swap3A_212 = arith.index_cast %add3A_182 : i32 to index
          %swap3A_213 = arith.constant 0 : index
          %swap3A_214 = tpu.vector_load %arg13[%swap3A_212, %swap3A_213] {strides = array<i32>} : memref<128x128xf32, #tpu.memory_space<vmem>>, vector<1x16xf32>,
          %swap3A_215 = vector.shape_cast %swap3A_214 : vector<1x16xf32> to vector<16xf32>
          %swap3A_216 = vector.shape_cast %mul3A_211 : vector<16xf32> to vector<1x16xf32>
          tpu.vector_store %arg13[%swap3A_212, %swap3A_213], %swap3A_216 {strides = array<i32>} : memref<128x128xf32, #tpu.memory_space<vmem>>, vector<1x16xf32>,
          %get3A_217 = arith.index_cast %add3A_182 : i32 to index
          %get3A_218 = arith.constant 16 : index
          %get3A_219 = tpu.vector_load %arg11[%get3A_217, %get3A_218] {strides = array<i32>} : memref<128x144xf32, #tpu.memory_space<vmem>>, vector<1x16xf32>,
          %get3A_220 = vector.shape_cast %get3A_219 : vector<1x16xf32> to vector<16xf32>
          %mul3A_221 = arith.mulf %get3A_220, %exp3A_199 : vector<16xf32>
          %swap3A_222 = arith.index_cast %add3A_182 : i32 to index
          %swap3A_223 = arith.constant 16 : index
          %swap3A_224 = tpu.vector_load %arg13[%swap3A_222, %swap3A_223] {strides = array<i32>} : memref<128x128xf32, #tpu.memory_space<vmem>>, vector<1x16xf32>,
          %swap3A_225 = vector.shape_cast %swap3A_224 : vector<1x16xf32> to vector<16xf32>
          %swap3A_226 = vector.shape_cast %mul3A_221 : vector<16xf32> to vector<1x16xf32>
          tpu.vector_store %arg13[%swap3A_222, %swap3A_223], %swap3A_226 {strides = array<i32>} : memref<128x128xf32, #tpu.memory_space<vmem>>, vector<1x16xf32>,
          %get3A_227 = arith.index_cast %add3A_182 : i32 to index
          %get3A_228 = arith.constant 32 : index
          %get3A_229 = tpu.vector_load %arg11[%get3A_227, %get3A_228] {strides = array<i32>} : memref<128x144xf32, #tpu.memory_space<vmem>>, vector<1x16xf32>,
          %get3A_230 = vector.shape_cast %get3A_229 : vector<1x16xf32> to vector<16xf32>
          %mul3A_231 = arith.mulf %get3A_230, %exp3A_199 : vector<16xf32>
          %swap3A_232 = arith.index_cast %add3A_182 : i32 to index
          %swap3A_233 = arith.constant 32 : index
          %swap3A_234 = tpu.vector_load %arg13[%swap3A_232, %swap3A_233] {strides = array<i32>} : memref<128x128xf32, #tpu.memory_space<vmem>>, vector<1x16xf32>,
          %swap3A_235 = vector.shape_cast %swap3A_234 : vector<1x16xf32> to vector<16xf32>
          %swap3A_236 = vector.shape_cast %mul3A_231 : vector<16xf32> to vector<1x16xf32>
          tpu.vector_store %arg13[%swap3A_232, %swap3A_233], %swap3A_236 {strides = array<i32>} : memref<128x128xf32, #tpu.memory_space<vmem>>, vector<1x16xf32>,
          %get3A_237 = arith.index_cast %add3A_182 : i32 to index
          %get3A_238 = arith.constant 48 : index
          %get3A_239 = tpu.vector_load %arg11[%get3A_237, %get3A_238] {strides = array<i32>} : memref<128x144xf32, #tpu.memory_space<vmem>>, vector<1x16xf32>,
          %get3A_240 = vector.shape_cast %get3A_239 : vector<1x16xf32> to vector<16xf32>
          %mul3A_241 = arith.mulf %get3A_240, %exp3A_199 : vector<16xf32>
          %swap3A_242 = arith.index_cast %add3A_182 : i32 to index
          %swap3A_243 = arith.constant 48 : index
          %swap3A_244 = tpu.vector_load %arg13[%swap3A_242, %swap3A_243] {strides = array<i32>} : memref<128x128xf32, #tpu.memory_space<vmem>>, vector<1x16xf32>,
          %swap3A_245 = vector.shape_cast %swap3A_244 : vector<1x16xf32> to vector<16xf32>
          %swap3A_246 = vector.shape_cast %mul3A_241 : vector<16xf32> to vector<1x16xf32>
          tpu.vector_store %arg13[%swap3A_242, %swap3A_243], %swap3A_246 {strides = array<i32>} : memref<128x128xf32, #tpu.memory_space<vmem>>, vector<1x16xf32>,
          %get3A_247 = arith.index_cast %add3A_182 : i32 to index
          %get3A_248 = arith.constant 64 : index
          %get3A_249 = tpu.vector_load %arg11[%get3A_247, %get3A_248] {strides = array<i32>} : memref<128x144xf32, #tpu.memory_space<vmem>>, vector<1x16xf32>,
          %get3A_250 = vector.shape_cast %get3A_249 : vector<1x16xf32> to vector<16xf32>
          %mul3A_251 = arith.mulf %get3A_250, %exp3A_199 : vector<16xf32>
          %swap3A_252 = arith.index_cast %add3A_182 : i32 to index
          %swap3A_253 = arith.constant 64 : index
          %swap3A_254 = tpu.vector_load %arg13[%swap3A_252, %swap3A_253] {strides = array<i32>} : memref<128x128xf32, #tpu.memory_space<vmem>>, vector<1x16xf32>,
          %swap3A_255 = vector.shape_cast %swap3A_254 : vector<1x16xf32> to vector<16xf32>
          %swap3A_256 = vector.shape_cast %mul3A_251 : vector<16xf32> to vector<1x16xf32>
          tpu.vector_store %arg13[%swap3A_252, %swap3A_253], %swap3A_256 {strides = array<i32>} : memref<128x128xf32, #tpu.memory_space<vmem>>, vector<1x16xf32>,
          %get3A_257 = arith.index_cast %add3A_182 : i32 to index
          %get3A_258 = arith.constant 80 : index
          %get3A_259 = tpu.vector_load %arg11[%get3A_257, %get3A_258] {strides = array<i32>} : memref<128x144xf32, #tpu.memory_space<vmem>>, vector<1x16xf32>,
          %get3A_260 = vector.shape_cast %get3A_259 : vector<1x16xf32> to vector<16xf32>
          %mul3A_261 = arith.mulf %get3A_260, %exp3A_199 : vector<16xf32>
          %swap3A_262 = arith.index_cast %add3A_182 : i32 to index
          %swap3A_263 = arith.constant 80 : index
          %swap3A_264 = tpu.vector_load %arg13[%swap3A_262, %swap3A_263] {strides = array<i32>} : memref<128x128xf32, #tpu.memory_space<vmem>>, vector<1x16xf32>,
          %swap3A_265 = vector.shape_cast %swap3A_264 : vector<1x16xf32> to vector<16xf32>
          %swap3A_266 = vector.shape_cast %mul3A_261 : vector<16xf32> to vector<1x16xf32>
          tpu.vector_store %arg13[%swap3A_262, %swap3A_263], %swap3A_266 {strides = array<i32>} : memref<128x128xf32, #tpu.memory_space<vmem>>, vector<1x16xf32>,
          %get3A_267 = arith.index_cast %add3A_182 : i32 to index
          %get3A_268 = arith.constant 96 : index
          %get3A_269 = tpu.vector_load %arg11[%get3A_267, %get3A_268] {strides = array<i32>} : memref<128x144xf32, #tpu.memory_space<vmem>>, vector<1x16xf32>,
          %get3A_270 = vector.shape_cast %get3A_269 : vector<1x16xf32> to vector<16xf32>
          %mul3A_271 = arith.mulf %get3A_270, %exp3A_199 : vector<16xf32>
          %swap3A_272 = arith.index_cast %add3A_182 : i32 to index
          %swap3A_273 = arith.constant 96 : index
          %swap3A_274 = tpu.vector_load %arg13[%swap3A_272, %swap3A_273] {strides = array<i32>} : memref<128x128xf32, #tpu.memory_space<vmem>>, vector<1x16xf32>,
          %swap3A_275 = vector.shape_cast %swap3A_274 : vector<1x16xf32> to vector<16xf32>
          %swap3A_276 = vector.shape_cast %mul3A_271 : vector<16xf32> to vector<1x16xf32>
          tpu.vector_store %arg13[%swap3A_272, %swap3A_273], %swap3A_276 {strides = array<i32>} : memref<128x128xf32, #tpu.memory_space<vmem>>, vector<1x16xf32>,
          %get3A_277 = arith.index_cast %add3A_182 : i32 to index
          %get3A_278 = arith.constant 112 : index
          %get3A_279 = tpu.vector_load %arg11[%get3A_277, %get3A_278] {strides = array<i32>} : memref<128x144xf32, #tpu.memory_space<vmem>>, vector<1x16xf32>,
          %get3A_280 = vector.shape_cast %get3A_279 : vector<1x16xf32> to vector<16xf32>
          %mul3A_281 = arith.mulf %get3A_280, %exp3A_199 : vector<16xf32>
          %swap3A_282 = arith.index_cast %add3A_182 : i32 to index
          %swap3A_283 = arith.constant 112 : index
          %swap3A_284 = tpu.vector_load %arg13[%swap3A_282, %swap3A_283] {strides = array<i32>} : memref<128x128xf32, #tpu.memory_space<vmem>>, vector<1x16xf32>,
          %swap3A_285 = vector.shape_cast %swap3A_284 : vector<1x16xf32> to vector<16xf32>
          %swap3A_286 = vector.shape_cast %mul3A_281 : vector<16xf32> to vector<1x16xf32>
          tpu.vector_store %arg13[%swap3A_282, %swap3A_283], %swap3A_286 {strides = array<i32>} : memref<128x128xf32, #tpu.memory_space<vmem>>, vector<1x16xf32>,
          %mul3A_287 = arith.constant 8 : i32
          %mul3A_288 = arith.muli %scan3A_74, %mul3A_287 : i32
          %add3A_289 = arith.constant 2 : i32
          %add3A_290 = arith.addi %mul3A_288, %add3A_289 : i32
          %get3A_291 = arith.index_cast %add3A_290 : i32 to index
          %get3A_292 = arith.constant 128 : index
          %get3A_293 = tpu.vector_load %arg11[%get3A_291, %get3A_292] {strides = array<i32>} : memref<128x144xf32, #tpu.memory_space<vmem>>, vector<1x16xf32>,
          %get3A_294 = vector.shape_cast %get3A_293 : vector<1x16xf32> to vector<16xf32>
          %get3A_295 = arith.index_cast %add3A_290 : i32 to index
          %get3A_296 = arith.constant 0 : index
          %get3A_297 = tpu.vector_load %arg12[%get3A_295, %get3A_296] {strides = array<i32>} : memref<128x16xf32, #tpu.memory_space<vmem>>, vector<1x16xf32>,
          %get3A_298 = vector.shape_cast %get3A_297 : vector<1x16xf32> to vector<16xf32>
          %add3A_299 = arith.addf %get3A_294, %get3A_298 : vector<16xf32>
          %ge3A_300 = arith.constant 0.000000e+00 : f32
          %ge3A_301 = vector.broadcast %ge3A_300 : f32 to vector<16xf32>
          %ge3A_302 = arith.cmpf oge, %add3A_299, %ge3A_301 : vector<16xf32>
          %mul3A_303 = arith.constant 2.000000e-01 : f32
          %mul3A_304 = vector.broadcast %mul3A_303 : f32 to vector<16xf32>
          %mul3A_305 = arith.mulf %mul3A_304, %add3A_299 : vector<16xf32>
          %select_n3A_306 = arith.select %ge3A_302, %add3A_299, %mul3A_305 : vector<16xi1>, vector<16xf32>
          %exp3A_307 = math.exp %select_n3A_306 : vector<16xf32>
          %mul3A_308 = arith.mulf %exp3A_307, %select_n3A : vector<16xf32>
          %add3A_309 = arith.addf %mul3A_308, %select_n3A_46 : vector<16xf32>
          %swap3A_310 = arith.index_cast %add3A_290 : i32 to index
          %swap3A_311 = arith.constant 0 : index
          %swap3A_312 = tpu.vector_load %arg14[%swap3A_310, %swap3A_311] {strides = array<i32>} : memref<128x16xf32, #tpu.memory_space<vmem>>, vector<1x16xf32>,
          %swap3A_313 = vector.shape_cast %swap3A_312 : vector<1x16xf32> to vector<16xf32>
          %swap3A_314 = vector.shape_cast %add3A_309 : vector<16xf32> to vector<1x16xf32>
          tpu.vector_store %arg14[%swap3A_310, %swap3A_311], %swap3A_314 {strides = array<i32>} : memref<128x16xf32, #tpu.memory_space<vmem>>, vector<1x16xf32>,
          %get3A_315 = arith.index_cast %add3A_290 : i32 to index
          %get3A_316 = arith.constant 0 : index
          %get3A_317 = tpu.vector_load %arg11[%get3A_315, %get3A_316] {strides = array<i32>} : memref<128x144xf32, #tpu.memory_space<vmem>>, vector<1x16xf32>,
          %get3A_318 = vector.shape_cast %get3A_317 : vector<1x16xf32> to vector<16xf32>
          %mul3A_319 = arith.mulf %get3A_318, %exp3A_307 : vector<16xf32>
          %swap3A_320 = arith.index_cast %add3A_290 : i32 to index
          %swap3A_321 = arith.constant 0 : index
          %swap3A_322 = tpu.vector_load %arg13[%swap3A_320, %swap3A_321] {strides = array<i32>} : memref<128x128xf32, #tpu.memory_space<vmem>>, vector<1x16xf32>,
          %swap3A_323 = vector.shape_cast %swap3A_322 : vector<1x16xf32> to vector<16xf32>
          %swap3A_324 = vector.shape_cast %mul3A_319 : vector<16xf32> to vector<1x16xf32>
          tpu.vector_store %arg13[%swap3A_320, %swap3A_321], %swap3A_324 {strides = array<i32>} : memref<128x128xf32, #tpu.memory_space<vmem>>, vector<1x16xf32>,
          %get3A_325 = arith.index_cast %add3A_290 : i32 to index
          %get3A_326 = arith.constant 16 : index
          %get3A_327 = tpu.vector_load %arg11[%get3A_325, %get3A_326] {strides = array<i32>} : memref<128x144xf32, #tpu.memory_space<vmem>>, vector<1x16xf32>,
          %get3A_328 = vector.shape_cast %get3A_327 : vector<1x16xf32> to vector<16xf32>
          %mul3A_329 = arith.mulf %get3A_328, %exp3A_307 : vector<16xf32>
          %swap3A_330 = arith.index_cast %add3A_290 : i32 to index
          %swap3A_331 = arith.constant 16 : index
          %swap3A_332 = tpu.vector_load %arg13[%swap3A_330, %swap3A_331] {strides = array<i32>} : memref<128x128xf32, #tpu.memory_space<vmem>>, vector<1x16xf32>,
          %swap3A_333 = vector.shape_cast %swap3A_332 : vector<1x16xf32> to vector<16xf32>
          %swap3A_334 = vector.shape_cast %mul3A_329 : vector<16xf32> to vector<1x16xf32>
          tpu.vector_store %arg13[%swap3A_330, %swap3A_331], %swap3A_334 {strides = array<i32>} : memref<128x128xf32, #tpu.memory_space<vmem>>, vector<1x16xf32>,
          %get3A_335 = arith.index_cast %add3A_290 : i32 to index
          %get3A_336 = arith.constant 32 : index
          %get3A_337 = tpu.vector_load %arg11[%get3A_335, %get3A_336] {strides = array<i32>} : memref<128x144xf32, #tpu.memory_space<vmem>>, vector<1x16xf32>,
          %get3A_338 = vector.shape_cast %get3A_337 : vector<1x16xf32> to vector<16xf32>
          %mul3A_339 = arith.mulf %get3A_338, %exp3A_307 : vector<16xf32>
          %swap3A_340 = arith.index_cast %add3A_290 : i32 to index
          %swap3A_341 = arith.constant 32 : index
          %swap3A_342 = tpu.vector_load %arg13[%swap3A_340, %swap3A_341] {strides = array<i32>} : memref<128x128xf32, #tpu.memory_space<vmem>>, vector<1x16xf32>,
          %swap3A_343 = vector.shape_cast %swap3A_342 : vector<1x16xf32> to vector<16xf32>
          %swap3A_344 = vector.shape_cast %mul3A_339 : vector<16xf32> to vector<1x16xf32>
          tpu.vector_store %arg13[%swap3A_340, %swap3A_341], %swap3A_344 {strides = array<i32>} : memref<128x128xf32, #tpu.memory_space<vmem>>, vector<1x16xf32>,
          %get3A_345 = arith.index_cast %add3A_290 : i32 to index
          %get3A_346 = arith.constant 48 : index
          %get3A_347 = tpu.vector_load %arg11[%get3A_345, %get3A_346] {strides = array<i32>} : memref<128x144xf32, #tpu.memory_space<vmem>>, vector<1x16xf32>,
          %get3A_348 = vector.shape_cast %get3A_347 : vector<1x16xf32> to vector<16xf32>
          %mul3A_349 = arith.mulf %get3A_348, %exp3A_307 : vector<16xf32>
          %swap3A_350 = arith.index_cast %add3A_290 : i32 to index
          %swap3A_351 = arith.constant 48 : index
          %swap3A_352 = tpu.vector_load %arg13[%swap3A_350, %swap3A_351] {strides = array<i32>} : memref<128x128xf32, #tpu.memory_space<vmem>>, vector<1x16xf32>,
          %swap3A_353 = vector.shape_cast %swap3A_352 : vector<1x16xf32> to vector<16xf32>
          %swap3A_354 = vector.shape_cast %mul3A_349 : vector<16xf32> to vector<1x16xf32>
          tpu.vector_store %arg13[%swap3A_350, %swap3A_351], %swap3A_354 {strides = array<i32>} : memref<128x128xf32, #tpu.memory_space<vmem>>, vector<1x16xf32>,
          %get3A_355 = arith.index_cast %add3A_290 : i32 to index
          %get3A_356 = arith.constant 64 : index
          %get3A_357 = tpu.vector_load %arg11[%get3A_355, %get3A_356] {strides = array<i32>} : memref<128x144xf32, #tpu.memory_space<vmem>>, vector<1x16xf32>,
          %get3A_358 = vector.shape_cast %get3A_357 : vector<1x16xf32> to vector<16xf32>
          %mul3A_359 = arith.mulf %get3A_358, %exp3A_307 : vector<16xf32>
          %swap3A_360 = arith.index_cast %add3A_290 : i32 to index
          %swap3A_361 = arith.constant 64 : index
          %swap3A_362 = tpu.vector_load %arg13[%swap3A_360, %swap3A_361] {strides = array<i32>} : memref<128x128xf32, #tpu.memory_space<vmem>>, vector<1x16xf32>,
          %swap3A_363 = vector.shape_cast %swap3A_362 : vector<1x16xf32> to vector<16xf32>
          %swap3A_364 = vector.shape_cast %mul3A_359 : vector<16xf32> to vector<1x16xf32>
          tpu.vector_store %arg13[%swap3A_360, %swap3A_361], %swap3A_364 {strides = array<i32>} : memref<128x128xf32, #tpu.memory_space<vmem>>, vector<1x16xf32>,
          %get3A_365 = arith.index_cast %add3A_290 : i32 to index
          %get3A_366 = arith.constant 80 : index
          %get3A_367 = tpu.vector_load %arg11[%get3A_365, %get3A_366] {strides = array<i32>} : memref<128x144xf32, #tpu.memory_space<vmem>>, vector<1x16xf32>,
          %get3A_368 = vector.shape_cast %get3A_367 : vector<1x16xf32> to vector<16xf32>
          %mul3A_369 = arith.mulf %get3A_368, %exp3A_307 : vector<16xf32>
          %swap3A_370 = arith.index_cast %add3A_290 : i32 to index
          %swap3A_371 = arith.constant 80 : index
          %swap3A_372 = tpu.vector_load %arg13[%swap3A_370, %swap3A_371] {strides = array<i32>} : memref<128x128xf32, #tpu.memory_space<vmem>>, vector<1x16xf32>,
          %swap3A_373 = vector.shape_cast %swap3A_372 : vector<1x16xf32> to vector<16xf32>
          %swap3A_374 = vector.shape_cast %mul3A_369 : vector<16xf32> to vector<1x16xf32>
          tpu.vector_store %arg13[%swap3A_370, %swap3A_371], %swap3A_374 {strides = array<i32>} : memref<128x128xf32, #tpu.memory_space<vmem>>, vector<1x16xf32>,
          %get3A_375 = arith.index_cast %add3A_290 : i32 to index
          %get3A_376 = arith.constant 96 : index
          %get3A_377 = tpu.vector_load %arg11[%get3A_375, %get3A_376] {strides = array<i32>} : memref<128x144xf32, #tpu.memory_space<vmem>>, vector<1x16xf32>,
          %get3A_378 = vector.shape_cast %get3A_377 : vector<1x16xf32> to vector<16xf32>
          %mul3A_379 = arith.mulf %get3A_378, %exp3A_307 : vector<16xf32>
          %swap3A_380 = arith.index_cast %add3A_290 : i32 to index
          %swap3A_381 = arith.constant 96 : index
          %swap3A_382 = tpu.vector_load %arg13[%swap3A_380, %swap3A_381] {strides = array<i32>} : memref<128x128xf32, #tpu.memory_space<vmem>>, vector<1x16xf32>,
          %swap3A_383 = vector.shape_cast %swap3A_382 : vector<1x16xf32> to vector<16xf32>
          %swap3A_384 = vector.shape_cast %mul3A_379 : vector<16xf32> to vector<1x16xf32>
          tpu.vector_store %arg13[%swap3A_380, %swap3A_381], %swap3A_384 {strides = array<i32>} : memref<128x128xf32, #tpu.memory_space<vmem>>, vector<1x16xf32>,
          %get3A_385 = arith.index_cast %add3A_290 : i32 to index
          %get3A_386 = arith.constant 112 : index
          %get3A_387 = tpu.vector_load %arg11[%get3A_385, %get3A_386] {strides = array<i32>} : memref<128x144xf32, #tpu.memory_space<vmem>>, vector<1x16xf32>,
          %get3A_388 = vector.shape_cast %get3A_387 : vector<1x16xf32> to vector<16xf32>
          %mul3A_389 = arith.mulf %get3A_388, %exp3A_307 : vector<16xf32>
          %swap3A_390 = arith.index_cast %add3A_290 : i32 to index
          %swap3A_391 = arith.constant 112 : index
          %swap3A_392 = tpu.vector_load %arg13[%swap3A_390, %swap3A_391] {strides = array<i32>} : memref<128x128xf32, #tpu.memory_space<vmem>>, vector<1x16xf32>,
          %swap3A_393 = vector.shape_cast %swap3A_392 : vector<1x16xf32> to vector<16xf32>
          %swap3A_394 = vector.shape_cast %mul3A_389 : vector<16xf32> to vector<1x16xf32>
          tpu.vector_store %arg13[%swap3A_390, %swap3A_391], %swap3A_394 {strides = array<i32>} : memref<128x128xf32, #tpu.memory_space<vmem>>, vector<1x16xf32>,
          %mul3A_395 = arith.constant 8 : i32
          %mul3A_396 = arith.muli %scan3A_74, %mul3A_395 : i32
          %add3A_397 = arith.constant 3 : i32
          %add3A_398 = arith.addi %mul3A_396, %add3A_397 : i32
          %get3A_399 = arith.index_cast %add3A_398 : i32 to index
          %get3A_400 = arith.constant 128 : index
          %get3A_401 = tpu.vector_load %arg11[%get3A_399, %get3A_400] {strides = array<i32>} : memref<128x144xf32, #tpu.memory_space<vmem>>, vector<1x16xf32>,
          %get3A_402 = vector.shape_cast %get3A_401 : vector<1x16xf32> to vector<16xf32>
          %get3A_403 = arith.index_cast %add3A_398 : i32 to index
          %get3A_404 = arith.constant 0 : index
          %get3A_405 = tpu.vector_load %arg12[%get3A_403, %get3A_404] {strides = array<i32>} : memref<128x16xf32, #tpu.memory_space<vmem>>, vector<1x16xf32>,
          %get3A_406 = vector.shape_cast %get3A_405 : vector<1x16xf32> to vector<16xf32>
          %add3A_407 = arith.addf %get3A_402, %get3A_406 : vector<16xf32>
          %ge3A_408 = arith.constant 0.000000e+00 : f32
          %ge3A_409 = vector.broadcast %ge3A_408 : f32 to vector<16xf32>
          %ge3A_410 = arith.cmpf oge, %add3A_407, %ge3A_409 : vector<16xf32>
          %mul3A_411 = arith.constant 2.000000e-01 : f32
          %mul3A_412 = vector.broadcast %mul3A_411 : f32 to vector<16xf32>
          %mul3A_413 = arith.mulf %mul3A_412, %add3A_407 : vector<16xf32>
          %select_n3A_414 = arith.select %ge3A_410, %add3A_407, %mul3A_413 : vector<16xi1>, vector<16xf32>
          %exp3A_415 = math.exp %select_n3A_414 : vector<16xf32>
          %mul3A_416 = arith.mulf %exp3A_415, %select_n3A : vector<16xf32>
          %add3A_417 = arith.addf %mul3A_416, %select_n3A_46 : vector<16xf32>
          %swap3A_418 = arith.index_cast %add3A_398 : i32 to index
          %swap3A_419 = arith.constant 0 : index
          %swap3A_420 = tpu.vector_load %arg14[%swap3A_418, %swap3A_419] {strides = array<i32>} : memref<128x16xf32, #tpu.memory_space<vmem>>, vector<1x16xf32>,
          %swap3A_421 = vector.shape_cast %swap3A_420 : vector<1x16xf32> to vector<16xf32>
          %swap3A_422 = vector.shape_cast %add3A_417 : vector<16xf32> to vector<1x16xf32>
          tpu.vector_store %arg14[%swap3A_418, %swap3A_419], %swap3A_422 {strides = array<i32>} : memref<128x16xf32, #tpu.memory_space<vmem>>, vector<1x16xf32>,
          %get3A_423 = arith.index_cast %add3A_398 : i32 to index
          %get3A_424 = arith.constant 0 : index
          %get3A_425 = tpu.vector_load %arg11[%get3A_423, %get3A_424] {strides = array<i32>} : memref<128x144xf32, #tpu.memory_space<vmem>>, vector<1x16xf32>,
          %get3A_426 = vector.shape_cast %get3A_425 : vector<1x16xf32> to vector<16xf32>
          %mul3A_427 = arith.mulf %get3A_426, %exp3A_415 : vector<16xf32>
          %swap3A_428 = arith.index_cast %add3A_398 : i32 to index
          %swap3A_429 = arith.constant 0 : index
          %swap3A_430 = tpu.vector_load %arg13[%swap3A_428, %swap3A_429] {strides = array<i32>} : memref<128x128xf32, #tpu.memory_space<vmem>>, vector<1x16xf32>,
          %swap3A_431 = vector.shape_cast %swap3A_430 : vector<1x16xf32> to vector<16xf32>
          %swap3A_432 = vector.shape_cast %mul3A_427 : vector<16xf32> to vector<1x16xf32>
          tpu.vector_store %arg13[%swap3A_428, %swap3A_429], %swap3A_432 {strides = array<i32>} : memref<128x128xf32, #tpu.memory_space<vmem>>, vector<1x16xf32>,
          %get3A_433 = arith.index_cast %add3A_398 : i32 to index
          %get3A_434 = arith.constant 16 : index
          %get3A_435 = tpu.vector_load %arg11[%get3A_433, %get3A_434] {strides = array<i32>} : memref<128x144xf32, #tpu.memory_space<vmem>>, vector<1x16xf32>,
          %get3A_436 = vector.shape_cast %get3A_435 : vector<1x16xf32> to vector<16xf32>
          %mul3A_437 = arith.mulf %get3A_436, %exp3A_415 : vector<16xf32>
          %swap3A_438 = arith.index_cast %add3A_398 : i32 to index
          %swap3A_439 = arith.constant 16 : index
          %swap3A_440 = tpu.vector_load %arg13[%swap3A_438, %swap3A_439] {strides = array<i32>} : memref<128x128xf32, #tpu.memory_space<vmem>>, vector<1x16xf32>,
          %swap3A_441 = vector.shape_cast %swap3A_440 : vector<1x16xf32> to vector<16xf32>
          %swap3A_442 = vector.shape_cast %mul3A_437 : vector<16xf32> to vector<1x16xf32>
          tpu.vector_store %arg13[%swap3A_438, %swap3A_439], %swap3A_442 {strides = array<i32>} : memref<128x128xf32, #tpu.memory_space<vmem>>, vector<1x16xf32>,
          %get3A_443 = arith.index_cast %add3A_398 : i32 to index
          %get3A_444 = arith.constant 32 : index
          %get3A_445 = tpu.vector_load %arg11[%get3A_443, %get3A_444] {strides = array<i32>} : memref<128x144xf32, #tpu.memory_space<vmem>>, vector<1x16xf32>,
          %get3A_446 = vector.shape_cast %get3A_445 : vector<1x16xf32> to vector<16xf32>
          %mul3A_447 = arith.mulf %get3A_446, %exp3A_415 : vector<16xf32>
          %swap3A_448 = arith.index_cast %add3A_398 : i32 to index
          %swap3A_449 = arith.constant 32 : index
          %swap3A_450 = tpu.vector_load %arg13[%swap3A_448, %swap3A_449] {strides = array<i32>} : memref<128x128xf32, #tpu.memory_space<vmem>>, vector<1x16xf32>,
          %swap3A_451 = vector.shape_cast %swap3A_450 : vector<1x16xf32> to vector<16xf32>
          %swap3A_452 = vector.shape_cast %mul3A_447 : vector<16xf32> to vector<1x16xf32>
          tpu.vector_store %arg13[%swap3A_448, %swap3A_449], %swap3A_452 {strides = array<i32>} : memref<128x128xf32, #tpu.memory_space<vmem>>, vector<1x16xf32>,
          %get3A_453 = arith.index_cast %add3A_398 : i32 to index
          %get3A_454 = arith.constant 48 : index
          %get3A_455 = tpu.vector_load %arg11[%get3A_453, %get3A_454] {strides = array<i32>} : memref<128x144xf32, #tpu.memory_space<vmem>>, vector<1x16xf32>,
          %get3A_456 = vector.shape_cast %get3A_455 : vector<1x16xf32> to vector<16xf32>
          %mul3A_457 = arith.mulf %get3A_456, %exp3A_415 : vector<16xf32>
          %swap3A_458 = arith.index_cast %add3A_398 : i32 to index
          %swap3A_459 = arith.constant 48 : index
          %swap3A_460 = tpu.vector_load %arg13[%swap3A_458, %swap3A_459] {strides = array<i32>} : memref<128x128xf32, #tpu.memory_space<vmem>>, vector<1x16xf32>,
          %swap3A_461 = vector.shape_cast %swap3A_460 : vector<1x16xf32> to vector<16xf32>
          %swap3A_462 = vector.shape_cast %mul3A_457 : vector<16xf32> to vector<1x16xf32>
          tpu.vector_store %arg13[%swap3A_458, %swap3A_459], %swap3A_462 {strides = array<i32>} : memref<128x128xf32, #tpu.memory_space<vmem>>, vector<1x16xf32>,
          %get3A_463 = arith.index_cast %add3A_398 : i32 to index
          %get3A_464 = arith.constant 64 : index
          %get3A_465 = tpu.vector_load %arg11[%get3A_463, %get3A_464] {strides = array<i32>} : memref<128x144xf32, #tpu.memory_space<vmem>>, vector<1x16xf32>,
          %get3A_466 = vector.shape_cast %get3A_465 : vector<1x16xf32> to vector<16xf32>
          %mul3A_467 = arith.mulf %get3A_466, %exp3A_415 : vector<16xf32>
          %swap3A_468 = arith.index_cast %add3A_398 : i32 to index
          %swap3A_469 = arith.constant 64 : index
          %swap3A_470 = tpu.vector_load %arg13[%swap3A_468, %swap3A_469] {strides = array<i32>} : memref<128x128xf32, #tpu.memory_space<vmem>>, vector<1x16xf32>,
          %swap3A_471 = vector.shape_cast %swap3A_470 : vector<1x16xf32> to vector<16xf32>
          %swap3A_472 = vector.shape_cast %mul3A_467 : vector<16xf32> to vector<1x16xf32>
          tpu.vector_store %arg13[%swap3A_468, %swap3A_469], %swap3A_472 {strides = array<i32>} : memref<128x128xf32, #tpu.memory_space<vmem>>, vector<1x16xf32>,
          %get3A_473 = arith.index_cast %add3A_398 : i32 to index
          %get3A_474 = arith.constant 80 : index
          %get3A_475 = tpu.vector_load %arg11[%get3A_473, %get3A_474] {strides = array<i32>} : memref<128x144xf32, #tpu.memory_space<vmem>>, vector<1x16xf32>,
          %get3A_476 = vector.shape_cast %get3A_475 : vector<1x16xf32> to vector<16xf32>
          %mul3A_477 = arith.mulf %get3A_476, %exp3A_415 : vector<16xf32>
          %swap3A_478 = arith.index_cast %add3A_398 : i32 to index
          %swap3A_479 = arith.constant 80 : index
          %swap3A_480 = tpu.vector_load %arg13[%swap3A_478, %swap3A_479] {strides = array<i32>} : memref<128x128xf32, #tpu.memory_space<vmem>>, vector<1x16xf32>,
          %swap3A_481 = vector.shape_cast %swap3A_480 : vector<1x16xf32> to vector<16xf32>
          %swap3A_482 = vector.shape_cast %mul3A_477 : vector<16xf32> to vector<1x16xf32>
          tpu.vector_store %arg13[%swap3A_478, %swap3A_479], %swap3A_482 {strides = array<i32>} : memref<128x128xf32, #tpu.memory_space<vmem>>, vector<1x16xf32>,
          %get3A_483 = arith.index_cast %add3A_398 : i32 to index
          %get3A_484 = arith.constant 96 : index
          %get3A_485 = tpu.vector_load %arg11[%get3A_483, %get3A_484] {strides = array<i32>} : memref<128x144xf32, #tpu.memory_space<vmem>>, vector<1x16xf32>,
          %get3A_486 = vector.shape_cast %get3A_485 : vector<1x16xf32> to vector<16xf32>
          %mul3A_487 = arith.mulf %get3A_486, %exp3A_415 : vector<16xf32>
          %swap3A_488 = arith.index_cast %add3A_398 : i32 to index
          %swap3A_489 = arith.constant 96 : index
          %swap3A_490 = tpu.vector_load %arg13[%swap3A_488, %swap3A_489] {strides = array<i32>} : memref<128x128xf32, #tpu.memory_space<vmem>>, vector<1x16xf32>,
          %swap3A_491 = vector.shape_cast %swap3A_490 : vector<1x16xf32> to vector<16xf32>
          %swap3A_492 = vector.shape_cast %mul3A_487 : vector<16xf32> to vector<1x16xf32>
          tpu.vector_store %arg13[%swap3A_488, %swap3A_489], %swap3A_492 {strides = array<i32>} : memref<128x128xf32, #tpu.memory_space<vmem>>, vector<1x16xf32>,
          %get3A_493 = arith.index_cast %add3A_398 : i32 to index
          %get3A_494 = arith.constant 112 : index
          %get3A_495 = tpu.vector_load %arg11[%get3A_493, %get3A_494] {strides = array<i32>} : memref<128x144xf32, #tpu.memory_space<vmem>>, vector<1x16xf32>,
          %get3A_496 = vector.shape_cast %get3A_495 : vector<1x16xf32> to vector<16xf32>
          %mul3A_497 = arith.mulf %get3A_496, %exp3A_415 : vector<16xf32>
          %swap3A_498 = arith.index_cast %add3A_398 : i32 to index
          %swap3A_499 = arith.constant 112 : index
          %swap3A_500 = tpu.vector_load %arg13[%swap3A_498, %swap3A_499] {strides = array<i32>} : memref<128x128xf32, #tpu.memory_space<vmem>>, vector<1x16xf32>,
          %swap3A_501 = vector.shape_cast %swap3A_500 : vector<1x16xf32> to vector<16xf32>
          %swap3A_502 = vector.shape_cast %mul3A_497 : vector<16xf32> to vector<1x16xf32>
          tpu.vector_store %arg13[%swap3A_498, %swap3A_499], %swap3A_502 {strides = array<i32>} : memref<128x128xf32, #tpu.memory_space<vmem>>, vector<1x16xf32>,
          %mul3A_503 = arith.constant 8 : i32
          %mul3A_504 = arith.muli %scan3A_74, %mul3A_503 : i32
          %add3A_505 = arith.constant 4 : i32
          %add3A_506 = arith.addi %mul3A_504, %add3A_505 : i32
          %get3A_507 = arith.index_cast %add3A_506 : i32 to index
          %get3A_508 = arith.constant 128 : index
          %get3A_509 = tpu.vector_load %arg11[%get3A_507, %get3A_508] {strides = array<i32>} : memref<128x144xf32, #tpu.memory_space<vmem>>, vector<1x16xf32>,
          %get3A_510 = vector.shape_cast %get3A_509 : vector<1x16xf32> to vector<16xf32>
          %get3A_511 = arith.index_cast %add3A_506 : i32 to index
          %get3A_512 = arith.constant 0 : index
          %get3A_513 = tpu.vector_load %arg12[%get3A_511, %get3A_512] {strides = array<i32>} : memref<128x16xf32, #tpu.memory_space<vmem>>, vector<1x16xf32>,
          %get3A_514 = vector.shape_cast %get3A_513 : vector<1x16xf32> to vector<16xf32>
          %add3A_515 = arith.addf %get3A_510, %get3A_514 : vector<16xf32>
          %ge3A_516 = arith.constant 0.000000e+00 : f32
          %ge3A_517 = vector.broadcast %ge3A_516 : f32 to vector<16xf32>
          %ge3A_518 = arith.cmpf oge, %add3A_515, %ge3A_517 : vector<16xf32>
          %mul3A_519 = arith.constant 2.000000e-01 : f32
          %mul3A_520 = vector.broadcast %mul3A_519 : f32 to vector<16xf32>
          %mul3A_521 = arith.mulf %mul3A_520, %add3A_515 : vector<16xf32>
          %select_n3A_522 = arith.select %ge3A_518, %add3A_515, %mul3A_521 : vector<16xi1>, vector<16xf32>
          %exp3A_523 = math.exp %select_n3A_522 : vector<16xf32>
          %mul3A_524 = arith.mulf %exp3A_523, %select_n3A : vector<16xf32>
          %add3A_525 = arith.addf %mul3A_524, %select_n3A_46 : vector<16xf32>
          %swap3A_526 = arith.index_cast %add3A_506 : i32 to index
          %swap3A_527 = arith.constant 0 : index
          %swap3A_528 = tpu.vector_load %arg14[%swap3A_526, %swap3A_527] {strides = array<i32>} : memref<128x16xf32, #tpu.memory_space<vmem>>, vector<1x16xf32>,
          %swap3A_529 = vector.shape_cast %swap3A_528 : vector<1x16xf32> to vector<16xf32>
          %swap3A_530 = vector.shape_cast %add3A_525 : vector<16xf32> to vector<1x16xf32>
          tpu.vector_store %arg14[%swap3A_526, %swap3A_527], %swap3A_530 {strides = array<i32>} : memref<128x16xf32, #tpu.memory_space<vmem>>, vector<1x16xf32>,
          %get3A_531 = arith.index_cast %add3A_506 : i32 to index
          %get3A_532 = arith.constant 0 : index
          %get3A_533 = tpu.vector_load %arg11[%get3A_531, %get3A_532] {strides = array<i32>} : memref<128x144xf32, #tpu.memory_space<vmem>>, vector<1x16xf32>,
          %get3A_534 = vector.shape_cast %get3A_533 : vector<1x16xf32> to vector<16xf32>
          %mul3A_535 = arith.mulf %get3A_534, %exp3A_523 : vector<16xf32>
          %swap3A_536 = arith.index_cast %add3A_506 : i32 to index
          %swap3A_537 = arith.constant 0 : index
          %swap3A_538 = tpu.vector_load %arg13[%swap3A_536, %swap3A_537] {strides = array<i32>} : memref<128x128xf32, #tpu.memory_space<vmem>>, vector<1x16xf32>,
          %swap3A_539 = vector.shape_cast %swap3A_538 : vector<1x16xf32> to vector<16xf32>
          %swap3A_540 = vector.shape_cast %mul3A_535 : vector<16xf32> to vector<1x16xf32>
          tpu.vector_store %arg13[%swap3A_536, %swap3A_537], %swap3A_540 {strides = array<i32>} : memref<128x128xf32, #tpu.memory_space<vmem>>, vector<1x16xf32>,
          %get3A_541 = arith.index_cast %add3A_506 : i32 to index
          %get3A_542 = arith.constant 16 : index
          %get3A_543 = tpu.vector_load %arg11[%get3A_541, %get3A_542] {strides = array<i32>} : memref<128x144xf32, #tpu.memory_space<vmem>>, vector<1x16xf32>,
          %get3A_544 = vector.shape_cast %get3A_543 : vector<1x16xf32> to vector<16xf32>
          %mul3A_545 = arith.mulf %get3A_544, %exp3A_523 : vector<16xf32>
          %swap3A_546 = arith.index_cast %add3A_506 : i32 to index
          %swap3A_547 = arith.constant 16 : index
          %swap3A_548 = tpu.vector_load %arg13[%swap3A_546, %swap3A_547] {strides = array<i32>} : memref<128x128xf32, #tpu.memory_space<vmem>>, vector<1x16xf32>,
          %swap3A_549 = vector.shape_cast %swap3A_548 : vector<1x16xf32> to vector<16xf32>
          %swap3A_550 = vector.shape_cast %mul3A_545 : vector<16xf32> to vector<1x16xf32>
          tpu.vector_store %arg13[%swap3A_546, %swap3A_547], %swap3A_550 {strides = array<i32>} : memref<128x128xf32, #tpu.memory_space<vmem>>, vector<1x16xf32>,
          %get3A_551 = arith.index_cast %add3A_506 : i32 to index
          %get3A_552 = arith.constant 32 : index
          %get3A_553 = tpu.vector_load %arg11[%get3A_551, %get3A_552] {strides = array<i32>} : memref<128x144xf32, #tpu.memory_space<vmem>>, vector<1x16xf32>,
          %get3A_554 = vector.shape_cast %get3A_553 : vector<1x16xf32> to vector<16xf32>
          %mul3A_555 = arith.mulf %get3A_554, %exp3A_523 : vector<16xf32>
          %swap3A_556 = arith.index_cast %add3A_506 : i32 to index
          %swap3A_557 = arith.constant 32 : index
          %swap3A_558 = tpu.vector_load %arg13[%swap3A_556, %swap3A_557] {strides = array<i32>} : memref<128x128xf32, #tpu.memory_space<vmem>>, vector<1x16xf32>,
          %swap3A_559 = vector.shape_cast %swap3A_558 : vector<1x16xf32> to vector<16xf32>
          %swap3A_560 = vector.shape_cast %mul3A_555 : vector<16xf32> to vector<1x16xf32>
          tpu.vector_store %arg13[%swap3A_556, %swap3A_557], %swap3A_560 {strides = array<i32>} : memref<128x128xf32, #tpu.memory_space<vmem>>, vector<1x16xf32>,
          %get3A_561 = arith.index_cast %add3A_506 : i32 to index
          %get3A_562 = arith.constant 48 : index
          %get3A_563 = tpu.vector_load %arg11[%get3A_561, %get3A_562] {strides = array<i32>} : memref<128x144xf32, #tpu.memory_space<vmem>>, vector<1x16xf32>,
          %get3A_564 = vector.shape_cast %get3A_563 : vector<1x16xf32> to vector<16xf32>
          %mul3A_565 = arith.mulf %get3A_564, %exp3A_523 : vector<16xf32>
          %swap3A_566 = arith.index_cast %add3A_506 : i32 to index
          %swap3A_567 = arith.constant 48 : index
          %swap3A_568 = tpu.vector_load %arg13[%swap3A_566, %swap3A_567] {strides = array<i32>} : memref<128x128xf32, #tpu.memory_space<vmem>>, vector<1x16xf32>,
          %swap3A_569 = vector.shape_cast %swap3A_568 : vector<1x16xf32> to vector<16xf32>
          %swap3A_570 = vector.shape_cast %mul3A_565 : vector<16xf32> to vector<1x16xf32>
          tpu.vector_store %arg13[%swap3A_566, %swap3A_567], %swap3A_570 {strides = array<i32>} : memref<128x128xf32, #tpu.memory_space<vmem>>, vector<1x16xf32>,
          %get3A_571 = arith.index_cast %add3A_506 : i32 to index
          %get3A_572 = arith.constant 64 : index
          %get3A_573 = tpu.vector_load %arg11[%get3A_571, %get3A_572] {strides = array<i32>} : memref<128x144xf32, #tpu.memory_space<vmem>>, vector<1x16xf32>,
          %get3A_574 = vector.shape_cast %get3A_573 : vector<1x16xf32> to vector<16xf32>
          %mul3A_575 = arith.mulf %get3A_574, %exp3A_523 : vector<16xf32>
          %swap3A_576 = arith.index_cast %add3A_506 : i32 to index
          %swap3A_577 = arith.constant 64 : index
          %swap3A_578 = tpu.vector_load %arg13[%swap3A_576, %swap3A_577] {strides = array<i32>} : memref<128x128xf32, #tpu.memory_space<vmem>>, vector<1x16xf32>,
          %swap3A_579 = vector.shape_cast %swap3A_578 : vector<1x16xf32> to vector<16xf32>
          %swap3A_580 = vector.shape_cast %mul3A_575 : vector<16xf32> to vector<1x16xf32>
          tpu.vector_store %arg13[%swap3A_576, %swap3A_577], %swap3A_580 {strides = array<i32>} : memref<128x128xf32, #tpu.memory_space<vmem>>, vector<1x16xf32>,
          %get3A_581 = arith.index_cast %add3A_506 : i32 to index
          %get3A_582 = arith.constant 80 : index
          %get3A_583 = tpu.vector_load %arg11[%get3A_581, %get3A_582] {strides = array<i32>} : memref<128x144xf32, #tpu.memory_space<vmem>>, vector<1x16xf32>,
          %get3A_584 = vector.shape_cast %get3A_583 : vector<1x16xf32> to vector<16xf32>
          %mul3A_585 = arith.mulf %get3A_584, %exp3A_523 : vector<16xf32>
          %swap3A_586 = arith.index_cast %add3A_506 : i32 to index
          %swap3A_587 = arith.constant 80 : index
          %swap3A_588 = tpu.vector_load %arg13[%swap3A_586, %swap3A_587] {strides = array<i32>} : memref<128x128xf32, #tpu.memory_space<vmem>>, vector<1x16xf32>,
          %swap3A_589 = vector.shape_cast %swap3A_588 : vector<1x16xf32> to vector<16xf32>
          %swap3A_590 = vector.shape_cast %mul3A_585 : vector<16xf32> to vector<1x16xf32>
          tpu.vector_store %arg13[%swap3A_586, %swap3A_587], %swap3A_590 {strides = array<i32>} : memref<128x128xf32, #tpu.memory_space<vmem>>, vector<1x16xf32>,
          %get3A_591 = arith.index_cast %add3A_506 : i32 to index
          %get3A_592 = arith.constant 96 : index
          %get3A_593 = tpu.vector_load %arg11[%get3A_591, %get3A_592] {strides = array<i32>} : memref<128x144xf32, #tpu.memory_space<vmem>>, vector<1x16xf32>,
          %get3A_594 = vector.shape_cast %get3A_593 : vector<1x16xf32> to vector<16xf32>
          %mul3A_595 = arith.mulf %get3A_594, %exp3A_523 : vector<16xf32>
          %swap3A_596 = arith.index_cast %add3A_506 : i32 to index
          %swap3A_597 = arith.constant 96 : index
          %swap3A_598 = tpu.vector_load %arg13[%swap3A_596, %swap3A_597] {strides = array<i32>} : memref<128x128xf32, #tpu.memory_space<vmem>>, vector<1x16xf32>,
          %swap3A_599 = vector.shape_cast %swap3A_598 : vector<1x16xf32> to vector<16xf32>
          %swap3A_600 = vector.shape_cast %mul3A_595 : vector<16xf32> to vector<1x16xf32>
          tpu.vector_store %arg13[%swap3A_596, %swap3A_597], %swap3A_600 {strides = array<i32>} : memref<128x128xf32, #tpu.memory_space<vmem>>, vector<1x16xf32>,
          %get3A_601 = arith.index_cast %add3A_506 : i32 to index
          %get3A_602 = arith.constant 112 : index
          %get3A_603 = tpu.vector_load %arg11[%get3A_601, %get3A_602] {strides = array<i32>} : memref<128x144xf32, #tpu.memory_space<vmem>>, vector<1x16xf32>,
          %get3A_604 = vector.shape_cast %get3A_603 : vector<1x16xf32> to vector<16xf32>
          %mul3A_605 = arith.mulf %get3A_604, %exp3A_523 : vector<16xf32>
          %swap3A_606 = arith.index_cast %add3A_506 : i32 to index
          %swap3A_607 = arith.constant 112 : index
          %swap3A_608 = tpu.vector_load %arg13[%swap3A_606, %swap3A_607] {strides = array<i32>} : memref<128x128xf32, #tpu.memory_space<vmem>>, vector<1x16xf32>,
          %swap3A_609 = vector.shape_cast %swap3A_608 : vector<1x16xf32> to vector<16xf32>
          %swap3A_610 = vector.shape_cast %mul3A_605 : vector<16xf32> to vector<1x16xf32>
          tpu.vector_store %arg13[%swap3A_606, %swap3A_607], %swap3A_610 {strides = array<i32>} : memref<128x128xf32, #tpu.memory_space<vmem>>, vector<1x16xf32>,
          %mul3A_611 = arith.constant 8 : i32
          %mul3A_612 = arith.muli %scan3A_74, %mul3A_611 : i32
          %add3A_613 = arith.constant 5 : i32
          %add3A_614 = arith.addi %mul3A_612, %add3A_613 : i32
          %get3A_615 = arith.index_cast %add3A_614 : i32 to index
          %get3A_616 = arith.constant 128 : index
          %get3A_617 = tpu.vector_load %arg11[%get3A_615, %get3A_616] {strides = array<i32>} : memref<128x144xf32, #tpu.memory_space<vmem>>, vector<1x16xf32>,
          %get3A_618 = vector.shape_cast %get3A_617 : vector<1x16xf32> to vector<16xf32>
          %get3A_619 = arith.index_cast %add3A_614 : i32 to index
          %get3A_620 = arith.constant 0 : index
          %get3A_621 = tpu.vector_load %arg12[%get3A_619, %get3A_620] {strides = array<i32>} : memref<128x16xf32, #tpu.memory_space<vmem>>, vector<1x16xf32>,
          %get3A_622 = vector.shape_cast %get3A_621 : vector<1x16xf32> to vector<16xf32>
          %add3A_623 = arith.addf %get3A_618, %get3A_622 : vector<16xf32>
          %ge3A_624 = arith.constant 0.000000e+00 : f32
          %ge3A_625 = vector.broadcast %ge3A_624 : f32 to vector<16xf32>
          %ge3A_626 = arith.cmpf oge, %add3A_623, %ge3A_625 : vector<16xf32>
          %mul3A_627 = arith.constant 2.000000e-01 : f32
          %mul3A_628 = vector.broadcast %mul3A_627 : f32 to vector<16xf32>
          %mul3A_629 = arith.mulf %mul3A_628, %add3A_623 : vector<16xf32>
          %select_n3A_630 = arith.select %ge3A_626, %add3A_623, %mul3A_629 : vector<16xi1>, vector<16xf32>
          %exp3A_631 = math.exp %select_n3A_630 : vector<16xf32>
          %mul3A_632 = arith.mulf %exp3A_631, %select_n3A : vector<16xf32>
          %add3A_633 = arith.addf %mul3A_632, %select_n3A_46 : vector<16xf32>
          %swap3A_634 = arith.index_cast %add3A_614 : i32 to index
          %swap3A_635 = arith.constant 0 : index
          %swap3A_636 = tpu.vector_load %arg14[%swap3A_634, %swap3A_635] {strides = array<i32>} : memref<128x16xf32, #tpu.memory_space<vmem>>, vector<1x16xf32>,
          %swap3A_637 = vector.shape_cast %swap3A_636 : vector<1x16xf32> to vector<16xf32>
          %swap3A_638 = vector.shape_cast %add3A_633 : vector<16xf32> to vector<1x16xf32>
          tpu.vector_store %arg14[%swap3A_634, %swap3A_635], %swap3A_638 {strides = array<i32>} : memref<128x16xf32, #tpu.memory_space<vmem>>, vector<1x16xf32>,
          %get3A_639 = arith.index_cast %add3A_614 : i32 to index
          %get3A_640 = arith.constant 0 : index
          %get3A_641 = tpu.vector_load %arg11[%get3A_639, %get3A_640] {strides = array<i32>} : memref<128x144xf32, #tpu.memory_space<vmem>>, vector<1x16xf32>,
          %get3A_642 = vector.shape_cast %get3A_641 : vector<1x16xf32> to vector<16xf32>
          %mul3A_643 = arith.mulf %get3A_642, %exp3A_631 : vector<16xf32>
          %swap3A_644 = arith.index_cast %add3A_614 : i32 to index
          %swap3A_645 = arith.constant 0 : index
          %swap3A_646 = tpu.vector_load %arg13[%swap3A_644, %swap3A_645] {strides = array<i32>} : memref<128x128xf32, #tpu.memory_space<vmem>>, vector<1x16xf32>,
          %swap3A_647 = vector.shape_cast %swap3A_646 : vector<1x16xf32> to vector<16xf32>
          %swap3A_648 = vector.shape_cast %mul3A_643 : vector<16xf32> to vector<1x16xf32>
          tpu.vector_store %arg13[%swap3A_644, %swap3A_645], %swap3A_648 {strides = array<i32>} : memref<128x128xf32, #tpu.memory_space<vmem>>, vector<1x16xf32>,
          %get3A_649 = arith.index_cast %add3A_614 : i32 to index
          %get3A_650 = arith.constant 16 : index
          %get3A_651 = tpu.vector_load %arg11[%get3A_649, %get3A_650] {strides = array<i32>} : memref<128x144xf32, #tpu.memory_space<vmem>>, vector<1x16xf32>,
          %get3A_652 = vector.shape_cast %get3A_651 : vector<1x16xf32> to vector<16xf32>
          %mul3A_653 = arith.mulf %get3A_652, %exp3A_631 : vector<16xf32>
          %swap3A_654 = arith.index_cast %add3A_614 : i32 to index
          %swap3A_655 = arith.constant 16 : index
          %swap3A_656 = tpu.vector_load %arg13[%swap3A_654, %swap3A_655] {strides = array<i32>} : memref<128x128xf32, #tpu.memory_space<vmem>>, vector<1x16xf32>,
          %swap3A_657 = vector.shape_cast %swap3A_656 : vector<1x16xf32> to vector<16xf32>
          %swap3A_658 = vector.shape_cast %mul3A_653 : vector<16xf32> to vector<1x16xf32>
          tpu.vector_store %arg13[%swap3A_654, %swap3A_655], %swap3A_658 {strides = array<i32>} : memref<128x128xf32, #tpu.memory_space<vmem>>, vector<1x16xf32>,
          %get3A_659 = arith.index_cast %add3A_614 : i32 to index
          %get3A_660 = arith.constant 32 : index
          %get3A_661 = tpu.vector_load %arg11[%get3A_659, %get3A_660] {strides = array<i32>} : memref<128x144xf32, #tpu.memory_space<vmem>>, vector<1x16xf32>,
          %get3A_662 = vector.shape_cast %get3A_661 : vector<1x16xf32> to vector<16xf32>
          %mul3A_663 = arith.mulf %get3A_662, %exp3A_631 : vector<16xf32>
          %swap3A_664 = arith.index_cast %add3A_614 : i32 to index
          %swap3A_665 = arith.constant 32 : index
          %swap3A_666 = tpu.vector_load %arg13[%swap3A_664, %swap3A_665] {strides = array<i32>} : memref<128x128xf32, #tpu.memory_space<vmem>>, vector<1x16xf32>,
          %swap3A_667 = vector.shape_cast %swap3A_666 : vector<1x16xf32> to vector<16xf32>
          %swap3A_668 = vector.shape_cast %mul3A_663 : vector<16xf32> to vector<1x16xf32>
          tpu.vector_store %arg13[%swap3A_664, %swap3A_665], %swap3A_668 {strides = array<i32>} : memref<128x128xf32, #tpu.memory_space<vmem>>, vector<1x16xf32>,
          %get3A_669 = arith.index_cast %add3A_614 : i32 to index
          %get3A_670 = arith.constant 48 : index
          %get3A_671 = tpu.vector_load %arg11[%get3A_669, %get3A_670] {strides = array<i32>} : memref<128x144xf32, #tpu.memory_space<vmem>>, vector<1x16xf32>,
          %get3A_672 = vector.shape_cast %get3A_671 : vector<1x16xf32> to vector<16xf32>
          %mul3A_673 = arith.mulf %get3A_672, %exp3A_631 : vector<16xf32>
          %swap3A_674 = arith.index_cast %add3A_614 : i32 to index
          %swap3A_675 = arith.constant 48 : index
          %swap3A_676 = tpu.vector_load %arg13[%swap3A_674, %swap3A_675] {strides = array<i32>} : memref<128x128xf32, #tpu.memory_space<vmem>>, vector<1x16xf32>,
          %swap3A_677 = vector.shape_cast %swap3A_676 : vector<1x16xf32> to vector<16xf32>
          %swap3A_678 = vector.shape_cast %mul3A_673 : vector<16xf32> to vector<1x16xf32>
          tpu.vector_store %arg13[%swap3A_674, %swap3A_675], %swap3A_678 {strides = array<i32>} : memref<128x128xf32, #tpu.memory_space<vmem>>, vector<1x16xf32>,
          %get3A_679 = arith.index_cast %add3A_614 : i32 to index
          %get3A_680 = arith.constant 64 : index
          %get3A_681 = tpu.vector_load %arg11[%get3A_679, %get3A_680] {strides = array<i32>} : memref<128x144xf32, #tpu.memory_space<vmem>>, vector<1x16xf32>,
          %get3A_682 = vector.shape_cast %get3A_681 : vector<1x16xf32> to vector<16xf32>
          %mul3A_683 = arith.mulf %get3A_682, %exp3A_631 : vector<16xf32>
          %swap3A_684 = arith.index_cast %add3A_614 : i32 to index
          %swap3A_685 = arith.constant 64 : index
          %swap3A_686 = tpu.vector_load %arg13[%swap3A_684, %swap3A_685] {strides = array<i32>} : memref<128x128xf32, #tpu.memory_space<vmem>>, vector<1x16xf32>,
          %swap3A_687 = vector.shape_cast %swap3A_686 : vector<1x16xf32> to vector<16xf32>
          %swap3A_688 = vector.shape_cast %mul3A_683 : vector<16xf32> to vector<1x16xf32>
          tpu.vector_store %arg13[%swap3A_684, %swap3A_685], %swap3A_688 {strides = array<i32>} : memref<128x128xf32, #tpu.memory_space<vmem>>, vector<1x16xf32>,
          %get3A_689 = arith.index_cast %add3A_614 : i32 to index
          %get3A_690 = arith.constant 80 : index
          %get3A_691 = tpu.vector_load %arg11[%get3A_689, %get3A_690] {strides = array<i32>} : memref<128x144xf32, #tpu.memory_space<vmem>>, vector<1x16xf32>,
          %get3A_692 = vector.shape_cast %get3A_691 : vector<1x16xf32> to vector<16xf32>
          %mul3A_693 = arith.mulf %get3A_692, %exp3A_631 : vector<16xf32>
          %swap3A_694 = arith.index_cast %add3A_614 : i32 to index
          %swap3A_695 = arith.constant 80 : index
          %swap3A_696 = tpu.vector_load %arg13[%swap3A_694, %swap3A_695] {strides = array<i32>} : memref<128x128xf32, #tpu.memory_space<vmem>>, vector<1x16xf32>,
          %swap3A_697 = vector.shape_cast %swap3A_696 : vector<1x16xf32> to vector<16xf32>
          %swap3A_698 = vector.shape_cast %mul3A_693 : vector<16xf32> to vector<1x16xf32>
          tpu.vector_store %arg13[%swap3A_694, %swap3A_695], %swap3A_698 {strides = array<i32>} : memref<128x128xf32, #tpu.memory_space<vmem>>, vector<1x16xf32>,
          %get3A_699 = arith.index_cast %add3A_614 : i32 to index
          %get3A_700 = arith.constant 96 : index
          %get3A_701 = tpu.vector_load %arg11[%get3A_699, %get3A_700] {strides = array<i32>} : memref<128x144xf32, #tpu.memory_space<vmem>>, vector<1x16xf32>,
          %get3A_702 = vector.shape_cast %get3A_701 : vector<1x16xf32> to vector<16xf32>
          %mul3A_703 = arith.mulf %get3A_702, %exp3A_631 : vector<16xf32>
          %swap3A_704 = arith.index_cast %add3A_614 : i32 to index
          %swap3A_705 = arith.constant 96 : index
          %swap3A_706 = tpu.vector_load %arg13[%swap3A_704, %swap3A_705] {strides = array<i32>} : memref<128x128xf32, #tpu.memory_space<vmem>>, vector<1x16xf32>,
          %swap3A_707 = vector.shape_cast %swap3A_706 : vector<1x16xf32> to vector<16xf32>
          %swap3A_708 = vector.shape_cast %mul3A_703 : vector<16xf32> to vector<1x16xf32>
          tpu.vector_store %arg13[%swap3A_704, %swap3A_705], %swap3A_708 {strides = array<i32>} : memref<128x128xf32, #tpu.memory_space<vmem>>, vector<1x16xf32>,
          %get3A_709 = arith.index_cast %add3A_614 : i32 to index
          %get3A_710 = arith.constant 112 : index
          %get3A_711 = tpu.vector_load %arg11[%get3A_709, %get3A_710] {strides = array<i32>} : memref<128x144xf32, #tpu.memory_space<vmem>>, vector<1x16xf32>,
          %get3A_712 = vector.shape_cast %get3A_711 : vector<1x16xf32> to vector<16xf32>
          %mul3A_713 = arith.mulf %get3A_712, %exp3A_631 : vector<16xf32>
          %swap3A_714 = arith.index_cast %add3A_614 : i32 to index
          %swap3A_715 = arith.constant 112 : index
          %swap3A_716 = tpu.vector_load %arg13[%swap3A_714, %swap3A_715] {strides = array<i32>} : memref<128x128xf32, #tpu.memory_space<vmem>>, vector<1x16xf32>,
          %swap3A_717 = vector.shape_cast %swap3A_716 : vector<1x16xf32> to vector<16xf32>
          %swap3A_718 = vector.shape_cast %mul3A_713 : vector<16xf32> to vector<1x16xf32>
          tpu.vector_store %arg13[%swap3A_714, %swap3A_715], %swap3A_718 {strides = array<i32>} : memref<128x128xf32, #tpu.memory_space<vmem>>, vector<1x16xf32>,
          %mul3A_719 = arith.constant 8 : i32
          %mul3A_720 = arith.muli %scan3A_74, %mul3A_719 : i32
          %add3A_721 = arith.constant 6 : i32
          %add3A_722 = arith.addi %mul3A_720, %add3A_721 : i32
          %get3A_723 = arith.index_cast %add3A_722 : i32 to index
          %get3A_724 = arith.constant 128 : index
          %get3A_725 = tpu.vector_load %arg11[%get3A_723, %get3A_724] {strides = array<i32>} : memref<128x144xf32, #tpu.memory_space<vmem>>, vector<1x16xf32>,
          %get3A_726 = vector.shape_cast %get3A_725 : vector<1x16xf32> to vector<16xf32>
          %get3A_727 = arith.index_cast %add3A_722 : i32 to index
          %get3A_728 = arith.constant 0 : index
          %get3A_729 = tpu.vector_load %arg12[%get3A_727, %get3A_728] {strides = array<i32>} : memref<128x16xf32, #tpu.memory_space<vmem>>, vector<1x16xf32>,
          %get3A_730 = vector.shape_cast %get3A_729 : vector<1x16xf32> to vector<16xf32>
          %add3A_731 = arith.addf %get3A_726, %get3A_730 : vector<16xf32>
          %ge3A_732 = arith.constant 0.000000e+00 : f32
          %ge3A_733 = vector.broadcast %ge3A_732 : f32 to vector<16xf32>
          %ge3A_734 = arith.cmpf oge, %add3A_731, %ge3A_733 : vector<16xf32>
          %mul3A_735 = arith.constant 2.000000e-01 : f32
          %mul3A_736 = vector.broadcast %mul3A_735 : f32 to vector<16xf32>
          %mul3A_737 = arith.mulf %mul3A_736, %add3A_731 : vector<16xf32>
          %select_n3A_738 = arith.select %ge3A_734, %add3A_731, %mul3A_737 : vector<16xi1>, vector<16xf32>
          %exp3A_739 = math.exp %select_n3A_738 : vector<16xf32>
          %mul3A_740 = arith.mulf %exp3A_739, %select_n3A : vector<16xf32>
          %add3A_741 = arith.addf %mul3A_740, %select_n3A_46 : vector<16xf32>
          %swap3A_742 = arith.index_cast %add3A_722 : i32 to index
          %swap3A_743 = arith.constant 0 : index
          %swap3A_744 = tpu.vector_load %arg14[%swap3A_742, %swap3A_743] {strides = array<i32>} : memref<128x16xf32, #tpu.memory_space<vmem>>, vector<1x16xf32>,
          %swap3A_745 = vector.shape_cast %swap3A_744 : vector<1x16xf32> to vector<16xf32>
          %swap3A_746 = vector.shape_cast %add3A_741 : vector<16xf32> to vector<1x16xf32>
          tpu.vector_store %arg14[%swap3A_742, %swap3A_743], %swap3A_746 {strides = array<i32>} : memref<128x16xf32, #tpu.memory_space<vmem>>, vector<1x16xf32>,
          %get3A_747 = arith.index_cast %add3A_722 : i32 to index
          %get3A_748 = arith.constant 0 : index
          %get3A_749 = tpu.vector_load %arg11[%get3A_747, %get3A_748] {strides = array<i32>} : memref<128x144xf32, #tpu.memory_space<vmem>>, vector<1x16xf32>,
          %get3A_750 = vector.shape_cast %get3A_749 : vector<1x16xf32> to vector<16xf32>
          %mul3A_751 = arith.mulf %get3A_750, %exp3A_739 : vector<16xf32>
          %swap3A_752 = arith.index_cast %add3A_722 : i32 to index
          %swap3A_753 = arith.constant 0 : index
          %swap3A_754 = tpu.vector_load %arg13[%swap3A_752, %swap3A_753] {strides = array<i32>} : memref<128x128xf32, #tpu.memory_space<vmem>>, vector<1x16xf32>,
          %swap3A_755 = vector.shape_cast %swap3A_754 : vector<1x16xf32> to vector<16xf32>
          %swap3A_756 = vector.shape_cast %mul3A_751 : vector<16xf32> to vector<1x16xf32>
          tpu.vector_store %arg13[%swap3A_752, %swap3A_753], %swap3A_756 {strides = array<i32>} : memref<128x128xf32, #tpu.memory_space<vmem>>, vector<1x16xf32>,
          %get3A_757 = arith.index_cast %add3A_722 : i32 to index
          %get3A_758 = arith.constant 16 : index
          %get3A_759 = tpu.vector_load %arg11[%get3A_757, %get3A_758] {strides = array<i32>} : memref<128x144xf32, #tpu.memory_space<vmem>>, vector<1x16xf32>,
          %get3A_760 = vector.shape_cast %get3A_759 : vector<1x16xf32> to vector<16xf32>
          %mul3A_761 = arith.mulf %get3A_760, %exp3A_739 : vector<16xf32>
          %swap3A_762 = arith.index_cast %add3A_722 : i32 to index
          %swap3A_763 = arith.constant 16 : index
          %swap3A_764 = tpu.vector_load %arg13[%swap3A_762, %swap3A_763] {strides = array<i32>} : memref<128x128xf32, #tpu.memory_space<vmem>>, vector<1x16xf32>,
          %swap3A_765 = vector.shape_cast %swap3A_764 : vector<1x16xf32> to vector<16xf32>
          %swap3A_766 = vector.shape_cast %mul3A_761 : vector<16xf32> to vector<1x16xf32>
          tpu.vector_store %arg13[%swap3A_762, %swap3A_763], %swap3A_766 {strides = array<i32>} : memref<128x128xf32, #tpu.memory_space<vmem>>, vector<1x16xf32>,
          %get3A_767 = arith.index_cast %add3A_722 : i32 to index
          %get3A_768 = arith.constant 32 : index
          %get3A_769 = tpu.vector_load %arg11[%get3A_767, %get3A_768] {strides = array<i32>} : memref<128x144xf32, #tpu.memory_space<vmem>>, vector<1x16xf32>,
          %get3A_770 = vector.shape_cast %get3A_769 : vector<1x16xf32> to vector<16xf32>
          %mul3A_771 = arith.mulf %get3A_770, %exp3A_739 : vector<16xf32>
          %swap3A_772 = arith.index_cast %add3A_722 : i32 to index
          %swap3A_773 = arith.constant 32 : index
          %swap3A_774 = tpu.vector_load %arg13[%swap3A_772, %swap3A_773] {strides = array<i32>} : memref<128x128xf32, #tpu.memory_space<vmem>>, vector<1x16xf32>,
          %swap3A_775 = vector.shape_cast %swap3A_774 : vector<1x16xf32> to vector<16xf32>
          %swap3A_776 = vector.shape_cast %mul3A_771 : vector<16xf32> to vector<1x16xf32>
          tpu.vector_store %arg13[%swap3A_772, %swap3A_773], %swap3A_776 {strides = array<i32>} : memref<128x128xf32, #tpu.memory_space<vmem>>, vector<1x16xf32>,
          %get3A_777 = arith.index_cast %add3A_722 : i32 to index
          %get3A_778 = arith.constant 48 : index
          %get3A_779 = tpu.vector_load %arg11[%get3A_777, %get3A_778] {strides = array<i32>} : memref<128x144xf32, #tpu.memory_space<vmem>>, vector<1x16xf32>,
          %get3A_780 = vector.shape_cast %get3A_779 : vector<1x16xf32> to vector<16xf32>
          %mul3A_781 = arith.mulf %get3A_780, %exp3A_739 : vector<16xf32>
          %swap3A_782 = arith.index_cast %add3A_722 : i32 to index
          %swap3A_783 = arith.constant 48 : index
          %swap3A_784 = tpu.vector_load %arg13[%swap3A_782, %swap3A_783] {strides = array<i32>} : memref<128x128xf32, #tpu.memory_space<vmem>>, vector<1x16xf32>,
          %swap3A_785 = vector.shape_cast %swap3A_784 : vector<1x16xf32> to vector<16xf32>
          %swap3A_786 = vector.shape_cast %mul3A_781 : vector<16xf32> to vector<1x16xf32>
          tpu.vector_store %arg13[%swap3A_782, %swap3A_783], %swap3A_786 {strides = array<i32>} : memref<128x128xf32, #tpu.memory_space<vmem>>, vector<1x16xf32>,
          %get3A_787 = arith.index_cast %add3A_722 : i32 to index
          %get3A_788 = arith.constant 64 : index
          %get3A_789 = tpu.vector_load %arg11[%get3A_787, %get3A_788] {strides = array<i32>} : memref<128x144xf32, #tpu.memory_space<vmem>>, vector<1x16xf32>,
          %get3A_790 = vector.shape_cast %get3A_789 : vector<1x16xf32> to vector<16xf32>
          %mul3A_791 = arith.mulf %get3A_790, %exp3A_739 : vector<16xf32>
          %swap3A_792 = arith.index_cast %add3A_722 : i32 to index
          %swap3A_793 = arith.constant 64 : index
          %swap3A_794 = tpu.vector_load %arg13[%swap3A_792, %swap3A_793] {strides = array<i32>} : memref<128x128xf32, #tpu.memory_space<vmem>>, vector<1x16xf32>,
          %swap3A_795 = vector.shape_cast %swap3A_794 : vector<1x16xf32> to vector<16xf32>
          %swap3A_796 = vector.shape_cast %mul3A_791 : vector<16xf32> to vector<1x16xf32>
          tpu.vector_store %arg13[%swap3A_792, %swap3A_793], %swap3A_796 {strides = array<i32>} : memref<128x128xf32, #tpu.memory_space<vmem>>, vector<1x16xf32>,
          %get3A_797 = arith.index_cast %add3A_722 : i32 to index
          %get3A_798 = arith.constant 80 : index
          %get3A_799 = tpu.vector_load %arg11[%get3A_797, %get3A_798] {strides = array<i32>} : memref<128x144xf32, #tpu.memory_space<vmem>>, vector<1x16xf32>,
          %get3A_800 = vector.shape_cast %get3A_799 : vector<1x16xf32> to vector<16xf32>
          %mul3A_801 = arith.mulf %get3A_800, %exp3A_739 : vector<16xf32>
          %swap3A_802 = arith.index_cast %add3A_722 : i32 to index
          %swap3A_803 = arith.constant 80 : index
          %swap3A_804 = tpu.vector_load %arg13[%swap3A_802, %swap3A_803] {strides = array<i32>} : memref<128x128xf32, #tpu.memory_space<vmem>>, vector<1x16xf32>,
          %swap3A_805 = vector.shape_cast %swap3A_804 : vector<1x16xf32> to vector<16xf32>
          %swap3A_806 = vector.shape_cast %mul3A_801 : vector<16xf32> to vector<1x16xf32>
          tpu.vector_store %arg13[%swap3A_802, %swap3A_803], %swap3A_806 {strides = array<i32>} : memref<128x128xf32, #tpu.memory_space<vmem>>, vector<1x16xf32>,
          %get3A_807 = arith.index_cast %add3A_722 : i32 to index
          %get3A_808 = arith.constant 96 : index
          %get3A_809 = tpu.vector_load %arg11[%get3A_807, %get3A_808] {strides = array<i32>} : memref<128x144xf32, #tpu.memory_space<vmem>>, vector<1x16xf32>,
          %get3A_810 = vector.shape_cast %get3A_809 : vector<1x16xf32> to vector<16xf32>
          %mul3A_811 = arith.mulf %get3A_810, %exp3A_739 : vector<16xf32>
          %swap3A_812 = arith.index_cast %add3A_722 : i32 to index
          %swap3A_813 = arith.constant 96 : index
          %swap3A_814 = tpu.vector_load %arg13[%swap3A_812, %swap3A_813] {strides = array<i32>} : memref<128x128xf32, #tpu.memory_space<vmem>>, vector<1x16xf32>,
          %swap3A_815 = vector.shape_cast %swap3A_814 : vector<1x16xf32> to vector<16xf32>
          %swap3A_816 = vector.shape_cast %mul3A_811 : vector<16xf32> to vector<1x16xf32>
          tpu.vector_store %arg13[%swap3A_812, %swap3A_813], %swap3A_816 {strides = array<i32>} : memref<128x128xf32, #tpu.memory_space<vmem>>, vector<1x16xf32>,
          %get3A_817 = arith.index_cast %add3A_722 : i32 to index
          %get3A_818 = arith.constant 112 : index
          %get3A_819 = tpu.vector_load %arg11[%get3A_817, %get3A_818] {strides = array<i32>} : memref<128x144xf32, #tpu.memory_space<vmem>>, vector<1x16xf32>,
          %get3A_820 = vector.shape_cast %get3A_819 : vector<1x16xf32> to vector<16xf32>
          %mul3A_821 = arith.mulf %get3A_820, %exp3A_739 : vector<16xf32>
          %swap3A_822 = arith.index_cast %add3A_722 : i32 to index
          %swap3A_823 = arith.constant 112 : index
          %swap3A_824 = tpu.vector_load %arg13[%swap3A_822, %swap3A_823] {strides = array<i32>} : memref<128x128xf32, #tpu.memory_space<vmem>>, vector<1x16xf32>,
          %swap3A_825 = vector.shape_cast %swap3A_824 : vector<1x16xf32> to vector<16xf32>
          %swap3A_826 = vector.shape_cast %mul3A_821 : vector<16xf32> to vector<1x16xf32>
          tpu.vector_store %arg13[%swap3A_822, %swap3A_823], %swap3A_826 {strides = array<i32>} : memref<128x128xf32, #tpu.memory_space<vmem>>, vector<1x16xf32>,
          %mul3A_827 = arith.constant 8 : i32
          %mul3A_828 = arith.muli %scan3A_74, %mul3A_827 : i32
          %add3A_829 = arith.constant 7 : i32
          %add3A_830 = arith.addi %mul3A_828, %add3A_829 : i32
          %get3A_831 = arith.index_cast %add3A_830 : i32 to index
          %get3A_832 = arith.constant 128 : index
          %get3A_833 = tpu.vector_load %arg11[%get3A_831, %get3A_832] {strides = array<i32>} : memref<128x144xf32, #tpu.memory_space<vmem>>, vector<1x16xf32>,
          %get3A_834 = vector.shape_cast %get3A_833 : vector<1x16xf32> to vector<16xf32>
          %get3A_835 = arith.index_cast %add3A_830 : i32 to index
          %get3A_836 = arith.constant 0 : index
          %get3A_837 = tpu.vector_load %arg12[%get3A_835, %get3A_836] {strides = array<i32>} : memref<128x16xf32, #tpu.memory_space<vmem>>, vector<1x16xf32>,
          %get3A_838 = vector.shape_cast %get3A_837 : vector<1x16xf32> to vector<16xf32>
          %add3A_839 = arith.addf %get3A_834, %get3A_838 : vector<16xf32>
          %ge3A_840 = arith.constant 0.000000e+00 : f32
          %ge3A_841 = vector.broadcast %ge3A_840 : f32 to vector<16xf32>
          %ge3A_842 = arith.cmpf oge, %add3A_839, %ge3A_841 : vector<16xf32>
          %mul3A_843 = arith.constant 2.000000e-01 : f32
          %mul3A_844 = vector.broadcast %mul3A_843 : f32 to vector<16xf32>
          %mul3A_845 = arith.mulf %mul3A_844, %add3A_839 : vector<16xf32>
          %select_n3A_846 = arith.select %ge3A_842, %add3A_839, %mul3A_845 : vector<16xi1>, vector<16xf32>
          %exp3A_847 = math.exp %select_n3A_846 : vector<16xf32>
          %mul3A_848 = arith.mulf %exp3A_847, %select_n3A : vector<16xf32>
          %add3A_849 = arith.addf %mul3A_848, %select_n3A_46 : vector<16xf32>
          %swap3A_850 = arith.index_cast %add3A_830 : i32 to index
          %swap3A_851 = arith.constant 0 : index
          %swap3A_852 = tpu.vector_load %arg14[%swap3A_850, %swap3A_851] {strides = array<i32>} : memref<128x16xf32, #tpu.memory_space<vmem>>, vector<1x16xf32>,
          %swap3A_853 = vector.shape_cast %swap3A_852 : vector<1x16xf32> to vector<16xf32>
          %swap3A_854 = vector.shape_cast %add3A_849 : vector<16xf32> to vector<1x16xf32>
          tpu.vector_store %arg14[%swap3A_850, %swap3A_851], %swap3A_854 {strides = array<i32>} : memref<128x16xf32, #tpu.memory_space<vmem>>, vector<1x16xf32>,
          %get3A_855 = arith.index_cast %add3A_830 : i32 to index
          %get3A_856 = arith.constant 0 : index
          %get3A_857 = tpu.vector_load %arg11[%get3A_855, %get3A_856] {strides = array<i32>} : memref<128x144xf32, #tpu.memory_space<vmem>>, vector<1x16xf32>,
          %get3A_858 = vector.shape_cast %get3A_857 : vector<1x16xf32> to vector<16xf32>
          %mul3A_859 = arith.mulf %get3A_858, %exp3A_847 : vector<16xf32>
          %swap3A_860 = arith.index_cast %add3A_830 : i32 to index
          %swap3A_861 = arith.constant 0 : index
          %swap3A_862 = tpu.vector_load %arg13[%swap3A_860, %swap3A_861] {strides = array<i32>} : memref<128x128xf32, #tpu.memory_space<vmem>>, vector<1x16xf32>,
          %swap3A_863 = vector.shape_cast %swap3A_862 : vector<1x16xf32> to vector<16xf32>
          %swap3A_864 = vector.shape_cast %mul3A_859 : vector<16xf32> to vector<1x16xf32>
          tpu.vector_store %arg13[%swap3A_860, %swap3A_861], %swap3A_864 {strides = array<i32>} : memref<128x128xf32, #tpu.memory_space<vmem>>, vector<1x16xf32>,
          %get3A_865 = arith.index_cast %add3A_830 : i32 to index
          %get3A_866 = arith.constant 16 : index
          %get3A_867 = tpu.vector_load %arg11[%get3A_865, %get3A_866] {strides = array<i32>} : memref<128x144xf32, #tpu.memory_space<vmem>>, vector<1x16xf32>,
          %get3A_868 = vector.shape_cast %get3A_867 : vector<1x16xf32> to vector<16xf32>
          %mul3A_869 = arith.mulf %get3A_868, %exp3A_847 : vector<16xf32>
          %swap3A_870 = arith.index_cast %add3A_830 : i32 to index
          %swap3A_871 = arith.constant 16 : index
          %swap3A_872 = tpu.vector_load %arg13[%swap3A_870, %swap3A_871] {strides = array<i32>} : memref<128x128xf32, #tpu.memory_space<vmem>>, vector<1x16xf32>,
          %swap3A_873 = vector.shape_cast %swap3A_872 : vector<1x16xf32> to vector<16xf32>
          %swap3A_874 = vector.shape_cast %mul3A_869 : vector<16xf32> to vector<1x16xf32>
          tpu.vector_store %arg13[%swap3A_870, %swap3A_871], %swap3A_874 {strides = array<i32>} : memref<128x128xf32, #tpu.memory_space<vmem>>, vector<1x16xf32>,
          %get3A_875 = arith.index_cast %add3A_830 : i32 to index
          %get3A_876 = arith.constant 32 : index
          %get3A_877 = tpu.vector_load %arg11[%get3A_875, %get3A_876] {strides = array<i32>} : memref<128x144xf32, #tpu.memory_space<vmem>>, vector<1x16xf32>,
          %get3A_878 = vector.shape_cast %get3A_877 : vector<1x16xf32> to vector<16xf32>
          %mul3A_879 = arith.mulf %get3A_878, %exp3A_847 : vector<16xf32>
          %swap3A_880 = arith.index_cast %add3A_830 : i32 to index
          %swap3A_881 = arith.constant 32 : index
          %swap3A_882 = tpu.vector_load %arg13[%swap3A_880, %swap3A_881] {strides = array<i32>} : memref<128x128xf32, #tpu.memory_space<vmem>>, vector<1x16xf32>,
          %swap3A_883 = vector.shape_cast %swap3A_882 : vector<1x16xf32> to vector<16xf32>
          %swap3A_884 = vector.shape_cast %mul3A_879 : vector<16xf32> to vector<1x16xf32>
          tpu.vector_store %arg13[%swap3A_880, %swap3A_881], %swap3A_884 {strides = array<i32>} : memref<128x128xf32, #tpu.memory_space<vmem>>, vector<1x16xf32>,
          %get3A_885 = arith.index_cast %add3A_830 : i32 to index
          %get3A_886 = arith.constant 48 : index
          %get3A_887 = tpu.vector_load %arg11[%get3A_885, %get3A_886] {strides = array<i32>} : memref<128x144xf32, #tpu.memory_space<vmem>>, vector<1x16xf32>,
          %get3A_888 = vector.shape_cast %get3A_887 : vector<1x16xf32> to vector<16xf32>
          %mul3A_889 = arith.mulf %get3A_888, %exp3A_847 : vector<16xf32>
          %swap3A_890 = arith.index_cast %add3A_830 : i32 to index
          %swap3A_891 = arith.constant 48 : index
          %swap3A_892 = tpu.vector_load %arg13[%swap3A_890, %swap3A_891] {strides = array<i32>} : memref<128x128xf32, #tpu.memory_space<vmem>>, vector<1x16xf32>,
          %swap3A_893 = vector.shape_cast %swap3A_892 : vector<1x16xf32> to vector<16xf32>
          %swap3A_894 = vector.shape_cast %mul3A_889 : vector<16xf32> to vector<1x16xf32>
          tpu.vector_store %arg13[%swap3A_890, %swap3A_891], %swap3A_894 {strides = array<i32>} : memref<128x128xf32, #tpu.memory_space<vmem>>, vector<1x16xf32>,
          %get3A_895 = arith.index_cast %add3A_830 : i32 to index
          %get3A_896 = arith.constant 64 : index
          %get3A_897 = tpu.vector_load %arg11[%get3A_895, %get3A_896] {strides = array<i32>} : memref<128x144xf32, #tpu.memory_space<vmem>>, vector<1x16xf32>,
          %get3A_898 = vector.shape_cast %get3A_897 : vector<1x16xf32> to vector<16xf32>
          %mul3A_899 = arith.mulf %get3A_898, %exp3A_847 : vector<16xf32>
          %swap3A_900 = arith.index_cast %add3A_830 : i32 to index
          %swap3A_901 = arith.constant 64 : index
          %swap3A_902 = tpu.vector_load %arg13[%swap3A_900, %swap3A_901] {strides = array<i32>} : memref<128x128xf32, #tpu.memory_space<vmem>>, vector<1x16xf32>,
          %swap3A_903 = vector.shape_cast %swap3A_902 : vector<1x16xf32> to vector<16xf32>
          %swap3A_904 = vector.shape_cast %mul3A_899 : vector<16xf32> to vector<1x16xf32>
          tpu.vector_store %arg13[%swap3A_900, %swap3A_901], %swap3A_904 {strides = array<i32>} : memref<128x128xf32, #tpu.memory_space<vmem>>, vector<1x16xf32>,
          %get3A_905 = arith.index_cast %add3A_830 : i32 to index
          %get3A_906 = arith.constant 80 : index
          %get3A_907 = tpu.vector_load %arg11[%get3A_905, %get3A_906] {strides = array<i32>} : memref<128x144xf32, #tpu.memory_space<vmem>>, vector<1x16xf32>,
          %get3A_908 = vector.shape_cast %get3A_907 : vector<1x16xf32> to vector<16xf32>
          %mul3A_909 = arith.mulf %get3A_908, %exp3A_847 : vector<16xf32>
          %swap3A_910 = arith.index_cast %add3A_830 : i32 to index
          %swap3A_911 = arith.constant 80 : index
          %swap3A_912 = tpu.vector_load %arg13[%swap3A_910, %swap3A_911] {strides = array<i32>} : memref<128x128xf32, #tpu.memory_space<vmem>>, vector<1x16xf32>,
          %swap3A_913 = vector.shape_cast %swap3A_912 : vector<1x16xf32> to vector<16xf32>
          %swap3A_914 = vector.shape_cast %mul3A_909 : vector<16xf32> to vector<1x16xf32>
          tpu.vector_store %arg13[%swap3A_910, %swap3A_911], %swap3A_914 {strides = array<i32>} : memref<128x128xf32, #tpu.memory_space<vmem>>, vector<1x16xf32>,
          %get3A_915 = arith.index_cast %add3A_830 : i32 to index
          %get3A_916 = arith.constant 96 : index
          %get3A_917 = tpu.vector_load %arg11[%get3A_915, %get3A_916] {strides = array<i32>} : memref<128x144xf32, #tpu.memory_space<vmem>>, vector<1x16xf32>,
          %get3A_918 = vector.shape_cast %get3A_917 : vector<1x16xf32> to vector<16xf32>
          %mul3A_919 = arith.mulf %get3A_918, %exp3A_847 : vector<16xf32>
          %swap3A_920 = arith.index_cast %add3A_830 : i32 to index
          %swap3A_921 = arith.constant 96 : index
          %swap3A_922 = tpu.vector_load %arg13[%swap3A_920, %swap3A_921] {strides = array<i32>} : memref<128x128xf32, #tpu.memory_space<vmem>>, vector<1x16xf32>,
          %swap3A_923 = vector.shape_cast %swap3A_922 : vector<1x16xf32> to vector<16xf32>
          %swap3A_924 = vector.shape_cast %mul3A_919 : vector<16xf32> to vector<1x16xf32>
          tpu.vector_store %arg13[%swap3A_920, %swap3A_921], %swap3A_924 {strides = array<i32>} : memref<128x128xf32, #tpu.memory_space<vmem>>, vector<1x16xf32>,
          %get3A_925 = arith.index_cast %add3A_830 : i32 to index
          %get3A_926 = arith.constant 112 : index
          %get3A_927 = tpu.vector_load %arg11[%get3A_925, %get3A_926] {strides = array<i32>} : memref<128x144xf32, #tpu.memory_space<vmem>>, vector<1x16xf32>,
          %get3A_928 = vector.shape_cast %get3A_927 : vector<1x16xf32> to vector<16xf32>
          %mul3A_929 = arith.mulf %get3A_928, %exp3A_847 : vector<16xf32>
          %swap3A_930 = arith.index_cast %add3A_830 : i32 to index
          %swap3A_931 = arith.constant 112 : index
          %swap3A_932 = tpu.vector_load %arg13[%swap3A_930, %swap3A_931] {strides = array<i32>} : memref<128x128xf32, #tpu.memory_space<vmem>>, vector<1x16xf32>,
          %swap3A_933 = vector.shape_cast %swap3A_932 : vector<1x16xf32> to vector<16xf32>
          %swap3A_934 = vector.shape_cast %mul3A_929 : vector<16xf32> to vector<1x16xf32>
          tpu.vector_store %arg13[%swap3A_930, %swap3A_931], %swap3A_934 {strides = array<i32>} : memref<128x128xf32, #tpu.memory_space<vmem>>, vector<1x16xf32>,
        }
        %scan3A_73 = arith.constant 16 : i32
        "tpu.region"() ({
          %run_scoped3A_74 = tpu.sem_alloc : memref<!tpu.dma_semaphore, #tpu.memory_space<semaphore_mem>>
          %dma_start3A_75 = arith.constant 0 : i32
          %dma_start3A_76 = arith.constant 0 : i32
          %dma_start3A_77 = tpu.memref_slice %arg15[%dma_start3A_75, %dma_start3A_76] : memref<10112x128xf32, #tpu.memory_space<vmem_shared>> -> memref<10112x128xf32, #tpu.memory_space<vmem_shared>>
          tpu.enqueue_indirect_dma source(%arg13 : memref<128x128xf32, #tpu.memory_space<vmem>>) target(%dma_start3A_77 : memref<10112x128xf32, #tpu.memory_space<vmem_shared>>) offsets(%arg10 : memref<128xi32, #tpu.memory_space<vmem>>) semaphore(%run_scoped3A_74 : memref<!tpu.dma_semaphore, #tpu.memory_space<semaphore_mem>>) {add = true}
          %dma_wait3A_78 = arith.constant 0 : i32
          %dma_wait3A_79 = arith.constant 0 : i32
          %dma_wait3A_80 = tpu.memref_slice %arg15[%dma_wait3A_78, %dma_wait3A_79] : memref<10112x128xf32, #tpu.memory_space<vmem_shared>> -> memref<10112x128xf32, #tpu.memory_space<vmem_shared>>
          tpu.wait_indirect_dma semaphore(%run_scoped3A_74 : memref<!tpu.dma_semaphore, #tpu.memory_space<semaphore_mem>>) src(%arg13 : memref<128x128xf32, #tpu.memory_space<vmem>>) dst(%dma_wait3A_80 : memref<10112x128xf32, #tpu.memory_space<vmem_shared>>)
          tpu.yield
        }) : () -> ()
        "tpu.region"() ({
          %run_scoped3A_74 = tpu.sem_alloc : memref<!tpu.dma_semaphore, #tpu.memory_space<semaphore_mem>>
          %dma_start3A_75 = arith.constant 0 : i32
          %dma_start3A_76 = arith.constant 0 : i32
          %dma_start3A_77 = tpu.memref_slice %arg16[%dma_start3A_75, %dma_start3A_76] : memref<10112x16xf32, #tpu.memory_space<vmem_shared>> -> memref<10112x16xf32, #tpu.memory_space<vmem_shared>>
          tpu.enqueue_indirect_dma source(%arg14 : memref<128x16xf32, #tpu.memory_space<vmem>>) target(%dma_start3A_77 : memref<10112x16xf32, #tpu.memory_space<vmem_shared>>) offsets(%arg10 : memref<128xi32, #tpu.memory_space<vmem>>) semaphore(%run_scoped3A_74 : memref<!tpu.dma_semaphore, #tpu.memory_space<semaphore_mem>>) {add = true}
          %dma_wait3A_78 = arith.constant 0 : i32
          %dma_wait3A_79 = arith.constant 0 : i32
          %dma_wait3A_80 = tpu.memref_slice %arg16[%dma_wait3A_78, %dma_wait3A_79] : memref<10112x16xf32, #tpu.memory_space<vmem_shared>> -> memref<10112x16xf32, #tpu.memory_space<vmem_shared>>
          tpu.wait_indirect_dma semaphore(%run_scoped3A_74 : memref<!tpu.dma_semaphore, #tpu.memory_space<semaphore_mem>>) src(%arg14 : memref<128x16xf32, #tpu.memory_space<vmem>>) dst(%dma_wait3A_80 : memref<10112x16xf32, #tpu.memory_space<vmem_shared>>)
          tpu.yield
        }) : () -> ()
      }
      %scan3A_52 = arith.constant 162 : i32
    } else {
    }
    %barrier3A_32 = arith.constant 0 : index
    tpu.barrier barrier_id(%barrier3A_32)
    "tpu.region"() ({
      %run_scoped3A = tpu.sem_alloc : memref<!tpu.dma_semaphore, #tpu.memory_space<semaphore_mem>>
      %dma_start3A = arith.constant 0 : i32
      %dma_start3A_33 = tpu.memref_slice %arg7[%arg0, %mul3A_2, %dma_start3A] : memref<2x10112x128xf32, #tpu.memory_space<hbm>> -> memref<1x632x128xf32, #tpu.memory_space<hbm>>
      %dma_start3A_34 = tpu.memref_squeeze %dma_start3A_33 : memref<1x632x128xf32, #tpu.memory_space<hbm>> -> memref<632x128xf32, #tpu.memory_space<hbm>>
      %dma_start3A_35 = arith.constant 0 : i32
      %dma_start3A_36 = tpu.memref_slice %arg15[%mul3A_2, %dma_start3A_35] : memref<10112x128xf32, #tpu.memory_space<vmem_shared>> -> memref<632x128xf32, #tpu.memory_space<vmem_shared>>
      tpu.enqueue_dma source(%dma_start3A_36 : memref<632x128xf32, #tpu.memory_space<vmem_shared>>) target(%dma_start3A_34 : memref<632x128xf32, #tpu.memory_space<hbm>>) target_semaphore(%run_scoped3A : memref<!tpu.dma_semaphore, #tpu.memory_space<semaphore_mem>>)
      %dma_wait3A = arith.constant 0 : i32
      %dma_wait3A_37 = tpu.memref_slice %arg7[%arg0, %mul3A_2, %dma_wait3A] : memref<2x10112x128xf32, #tpu.memory_space<hbm>> -> memref<1x632x128xf32, #tpu.memory_space<hbm>>
      %dma_wait3A_38 = tpu.memref_squeeze %dma_wait3A_37 : memref<1x632x128xf32, #tpu.memory_space<hbm>> -> memref<632x128xf32, #tpu.memory_space<hbm>>
      %dma_wait3A_39 = arith.constant 0 : i32
      %dma_wait3A_40 = tpu.memref_slice %arg15[%mul3A_2, %dma_wait3A_39] : memref<10112x128xf32, #tpu.memory_space<vmem_shared>> -> memref<632x128xf32, #tpu.memory_space<vmem_shared>>
      tpu.wait_dma2 semaphore(%run_scoped3A : memref<!tpu.dma_semaphore, #tpu.memory_space<semaphore_mem>>) src(%dma_wait3A_40 : memref<632x128xf32, #tpu.memory_space<vmem_shared>>) dst(%dma_wait3A_38 : memref<632x128xf32, #tpu.memory_space<hbm>>)
      tpu.yield
    }) : () -> ()
    "tpu.region"() ({
      %run_scoped3A = tpu.sem_alloc : memref<!tpu.dma_semaphore, #tpu.memory_space<semaphore_mem>>
      %dma_start3A = arith.constant 0 : i32
      %dma_start3A_33 = tpu.memref_slice %arg8[%arg0, %mul3A_2, %dma_start3A] : memref<2x10112x16xf32, #tpu.memory_space<hbm>> -> memref<1x632x16xf32, #tpu.memory_space<hbm>>
      %dma_start3A_34 = tpu.memref_squeeze %dma_start3A_33 : memref<1x632x16xf32, #tpu.memory_space<hbm>> -> memref<632x16xf32, #tpu.memory_space<hbm>>
      %dma_start3A_35 = arith.constant 0 : i32
      %dma_start3A_36 = tpu.memref_slice %arg16[%mul3A_2, %dma_start3A_35] : memref<10112x16xf32, #tpu.memory_space<vmem_shared>> -> memref<632x16xf32, #tpu.memory_space<vmem_shared>>
      tpu.enqueue_dma source(%dma_start3A_36 : memref<632x16xf32, #tpu.memory_space<vmem_shared>>) target(%dma_start3A_34 : memref<632x16xf32, #tpu.memory_space<hbm>>) target_semaphore(%run_scoped3A : memref<!tpu.dma_semaphore, #tpu.memory_space<semaphore_mem>>)
      %dma_wait3A = arith.constant 0 : i32
      %dma_wait3A_37 = tpu.memref_slice %arg8[%arg0, %mul3A_2, %dma_wait3A] : memref<2x10112x16xf32, #tpu.memory_space<hbm>> -> memref<1x632x16xf32, #tpu.memory_space<hbm>>
      %dma_wait3A_38 = tpu.memref_squeeze %dma_wait3A_37 : memref<1x632x16xf32, #tpu.memory_space<hbm>> -> memref<632x16xf32, #tpu.memory_space<hbm>>
      %dma_wait3A_39 = arith.constant 0 : i32
      %dma_wait3A_40 = tpu.memref_slice %arg16[%mul3A_2, %dma_wait3A_39] : memref<10112x16xf32, #tpu.memory_space<vmem_shared>> -> memref<632x16xf32, #tpu.memory_space<vmem_shared>>
      tpu.wait_dma2 semaphore(%run_scoped3A : memref<!tpu.dma_semaphore, #tpu.memory_space<semaphore_mem>>) src(%dma_wait3A_40 : memref<632x16xf32, #tpu.memory_space<vmem_shared>>) dst(%dma_wait3A_38 : memref<632x16xf32, #tpu.memory_space<hbm>>)
      tpu.yield
    }) : () -> ()
    return
  }
}

module attributes {stable_mosaic.version = 14 : i64} {
  func.func @_k1_body(%arg0: i32, %arg1: memref<1000x128xf32, #tpu.memory_space<vmem>>, %arg2: memref<128x256xf32, #tpu.memory_space<vmem>>, %arg3: memref<1x256xf32, #tpu.memory_space<vmem>>, %arg4: memref<256x256xf32, #tpu.memory_space<vmem>>, %arg5: memref<2x128xf32, #tpu.memory_space<vmem>>, %arg6: memref<2x128xf32, #tpu.memory_space<vmem>>, %arg7: memref<1000x144xf32, #tpu.memory_space<vmem>>, %arg8: memref<1000x144xf32, #tpu.memory_space<vmem>>, %arg9: memref<1000x16xf32, #tpu.memory_space<vmem>>, %arg10: memref<1000x16xf32, #tpu.memory_space<vmem>>) attributes {dimension_semantics = [#tpu.dimension_semantics<arbitrary>], iteration_bounds = array<i64: 10>, scalar_prefetch = 0 : i64, scratch_operands = 0 : i64, tpu.core_type = #tpu.core_type<tc>, window_params = [{transform_indices = @transform_0, window_bounds = array<i64: 1000, 128>}, {pipeline_mode = #tpu.pipeline_mode<synchronous>, transform_indices = @transform_1, window_bounds = array<i64: 128, 256>}, {pipeline_mode = #tpu.pipeline_mode<synchronous>, transform_indices = @transform_2, window_bounds = array<i64: 1, 256>}, {pipeline_mode = #tpu.pipeline_mode<synchronous>, transform_indices = @transform_3, window_bounds = array<i64: 256, 256>}, {pipeline_mode = #tpu.pipeline_mode<synchronous>, transform_indices = @transform_4, window_bounds = array<i64: 2, 128>}, {pipeline_mode = #tpu.pipeline_mode<synchronous>, transform_indices = @transform_5, window_bounds = array<i64: 2, 128>}, {transform_indices = @transform_6, window_bounds = array<i64: 1000, 144>}, {transform_indices = @transform_7, window_bounds = array<i64: 1000, 144>}, {transform_indices = @transform_8, window_bounds = array<i64: 1000, 16>}, {transform_indices = @transform_9, window_bounds = array<i64: 1000, 16>}]} {
    %get3A = arith.constant 0 : index
    %get3A_0 = arith.constant 0 : index
    %get3A_1 = vector.load %arg1[%get3A, %get3A_0] : memref<1000x128xf32, #tpu.memory_space<vmem>>, vector<1000x128xf32>
    %get3A_2 = arith.constant 0 : index
    %get3A_3 = arith.constant 0 : index
    %get3A_4 = vector.load %arg2[%get3A_2, %get3A_3] : memref<128x256xf32, #tpu.memory_space<vmem>>, vector<128x256xf32>
    %dot_general3A = arith.constant dense<0.000000e+00> : vector<1000x256xf32>
    %dot_general3A_5 = tpu.matmul %get3A_1, %get3A_4, %dot_general3A {dimension_numbers = #tpu.dot_dimension_numbers<[1], [0], [0], [1], [0, 0, 1, 1], [], []>, transpose_lhs_hint = false} : vector<1000x128xf32>, vector<128x256xf32>, vector<1000x256xf32> -> vector<1000x256xf32>
    %get3A_6 = arith.constant 0 : index
    %get3A_7 = arith.constant 0 : index
    %get3A_8 = vector.load %arg3[%get3A_6, %get3A_7] : memref<1x256xf32, #tpu.memory_space<vmem>>, vector<1x256xf32>
    %add3A = vector.broadcast %get3A_8 : vector<1x256xf32> to vector<1000x256xf32>
    %add3A_9 = arith.addf %dot_general3A_5, %add3A : vector<1000x256xf32>
    %get3A_10 = arith.constant 0 : index
    %get3A_11 = arith.constant 0 : index
    %get3A_12 = vector.load %arg4[%get3A_10, %get3A_11] : memref<256x256xf32, #tpu.memory_space<vmem>>, vector<256x256xf32>
    %dot_general3A_13 = arith.constant dense<0.000000e+00> : vector<1000x256xf32>
    %dot_general3A_14 = tpu.matmul %add3A_9, %get3A_12, %dot_general3A_13 {dimension_numbers = #tpu.dot_dimension_numbers<[1], [0], [0], [1], [0, 0, 1, 1], [], []>, transpose_lhs_hint = false} : vector<1000x256xf32>, vector<256x256xf32>, vector<1000x256xf32> -> vector<1000x256xf32>
    %slice3A = vector.extract_strided_slice %dot_general3A_14 {offsets = [0, 0], sizes = [1000, 128], strides = [1, 1]} : vector<1000x256xf32> to vector<1000x128xf32>
    %slice3A_15 = vector.extract_strided_slice %dot_general3A_14 {offsets = [0, 128], sizes = [1000, 128], strides = [1, 1]} : vector<1000x256xf32> to vector<1000x128xf32>
    %broadcast_in_dim3A = arith.constant 1.000000e+00 : f32
    %broadcast_in_dim3A_16 = vector.broadcast %broadcast_in_dim3A : f32 to vector<1x16xf32>
    %swap3A = arith.constant 0 : index
    %swap3A_17 = arith.constant 0 : index
    %swap3A_18 = vector.load %arg7[%swap3A, %swap3A_17] : memref<1000x144xf32, #tpu.memory_space<vmem>>, vector<1000x128xf32>
    tpu.vector_store %arg7[%swap3A, %swap3A_17], %slice3A {strides = array<i32>} : memref<1000x144xf32, #tpu.memory_space<vmem>>, vector<1000x128xf32>,
    %get3A_19 = arith.constant 0 : index
    %get3A_20 = arith.constant 0 : index
    %get3A_21 = vector.load %arg5[%get3A_19, %get3A_20] : memref<2x128xf32, #tpu.memory_space<vmem>>, vector<1x128xf32>
    %mul3A = vector.broadcast %get3A_21 : vector<1x128xf32> to vector<1000x128xf32>
    %mul3A_22 = arith.mulf %slice3A, %mul3A : vector<1000x128xf32>
    %reduce_sum3A = arith.constant dense<0.000000e+00> : vector<1000xf32>
    %reduce_sum3A_23 = vector.multi_reduction <add>, %mul3A_22, %reduce_sum3A [1] : vector<1000x128xf32> to vector<1000xf32>
    %broadcast_in_dim3A_24 = vector.shape_cast %reduce_sum3A_23 : vector<1000xf32> to vector<1000x1xf32>
    %mul3A_25 = vector.broadcast %broadcast_in_dim3A_24 : vector<1000x1xf32> to vector<1000x16xf32>
    %mul3A_26 = vector.broadcast %broadcast_in_dim3A_16 : vector<1x16xf32> to vector<1000x16xf32>
    %mul3A_27 = arith.mulf %mul3A_25, %mul3A_26 : vector<1000x16xf32>
    %swap3A_28 = arith.constant 0 : index
    %swap3A_29 = arith.constant 128 : index
    %swap3A_30 = vector.load %arg7[%swap3A_28, %swap3A_29] : memref<1000x144xf32, #tpu.memory_space<vmem>>, vector<1000x16xf32>
    tpu.vector_store %arg7[%swap3A_28, %swap3A_29], %mul3A_27 {strides = array<i32>} : memref<1000x144xf32, #tpu.memory_space<vmem>>, vector<1000x16xf32>,
    %swap3A_31 = arith.constant 0 : index
    %swap3A_32 = arith.constant 0 : index
    %swap3A_33 = vector.load %arg8[%swap3A_31, %swap3A_32] : memref<1000x144xf32, #tpu.memory_space<vmem>>, vector<1000x128xf32>
    tpu.vector_store %arg8[%swap3A_31, %swap3A_32], %slice3A_15 {strides = array<i32>} : memref<1000x144xf32, #tpu.memory_space<vmem>>, vector<1000x128xf32>,
    %get3A_34 = arith.constant 1 : index
    %get3A_35 = arith.constant 0 : index
    %get3A_36 = vector.load %arg5[%get3A_34, %get3A_35] : memref<2x128xf32, #tpu.memory_space<vmem>>, vector<1x128xf32>
    %mul3A_37 = vector.broadcast %get3A_36 : vector<1x128xf32> to vector<1000x128xf32>
    %mul3A_38 = arith.mulf %slice3A_15, %mul3A_37 : vector<1000x128xf32>
    %reduce_sum3A_39 = arith.constant dense<0.000000e+00> : vector<1000xf32>
    %reduce_sum3A_40 = vector.multi_reduction <add>, %mul3A_38, %reduce_sum3A_39 [1] : vector<1000x128xf32> to vector<1000xf32>
    %broadcast_in_dim3A_41 = vector.shape_cast %reduce_sum3A_40 : vector<1000xf32> to vector<1000x1xf32>
    %mul3A_42 = vector.broadcast %broadcast_in_dim3A_41 : vector<1000x1xf32> to vector<1000x16xf32>
    %mul3A_43 = vector.broadcast %broadcast_in_dim3A_16 : vector<1x16xf32> to vector<1000x16xf32>
    %mul3A_44 = arith.mulf %mul3A_42, %mul3A_43 : vector<1000x16xf32>
    %swap3A_45 = arith.constant 0 : index
    %swap3A_46 = arith.constant 128 : index
    %swap3A_47 = vector.load %arg8[%swap3A_45, %swap3A_46] : memref<1000x144xf32, #tpu.memory_space<vmem>>, vector<1000x16xf32>
    tpu.vector_store %arg8[%swap3A_45, %swap3A_46], %mul3A_44 {strides = array<i32>} : memref<1000x144xf32, #tpu.memory_space<vmem>>, vector<1000x16xf32>,
    %get3A_48 = arith.constant 0 : index
    %get3A_49 = arith.constant 0 : index
    %get3A_50 = vector.load %arg6[%get3A_48, %get3A_49] : memref<2x128xf32, #tpu.memory_space<vmem>>, vector<1x128xf32>
    %mul3A_51 = vector.broadcast %get3A_50 : vector<1x128xf32> to vector<1000x128xf32>
    %mul3A_52 = arith.mulf %slice3A, %mul3A_51 : vector<1000x128xf32>
    %reduce_sum3A_53 = arith.constant dense<0.000000e+00> : vector<1000xf32>
    %reduce_sum3A_54 = vector.multi_reduction <add>, %mul3A_52, %reduce_sum3A_53 [1] : vector<1000x128xf32> to vector<1000xf32>
    %broadcast_in_dim3A_55 = vector.shape_cast %reduce_sum3A_54 : vector<1000xf32> to vector<1000x1xf32>
    %mul3A_56 = vector.broadcast %broadcast_in_dim3A_55 : vector<1000x1xf32> to vector<1000x16xf32>
    %mul3A_57 = vector.broadcast %broadcast_in_dim3A_16 : vector<1x16xf32> to vector<1000x16xf32>
    %mul3A_58 = arith.mulf %mul3A_56, %mul3A_57 : vector<1000x16xf32>
    %swap3A_59 = arith.constant 0 : index
    %swap3A_60 = arith.constant 0 : index
    %swap3A_61 = vector.load %arg9[%swap3A_59, %swap3A_60] : memref<1000x16xf32, #tpu.memory_space<vmem>>, vector<1000x16xf32>
    tpu.vector_store %arg9[%swap3A_59, %swap3A_60], %mul3A_58 {strides = array<i32>} : memref<1000x16xf32, #tpu.memory_space<vmem>>, vector<1000x16xf32>,
    %get3A_62 = arith.constant 1 : index
    %get3A_63 = arith.constant 0 : index
    %get3A_64 = vector.load %arg6[%get3A_62, %get3A_63] : memref<2x128xf32, #tpu.memory_space<vmem>>, vector<1x128xf32>
    %mul3A_65 = vector.broadcast %get3A_64 : vector<1x128xf32> to vector<1000x128xf32>
    %mul3A_66 = arith.mulf %slice3A_15, %mul3A_65 : vector<1000x128xf32>
    %reduce_sum3A_67 = arith.constant dense<0.000000e+00> : vector<1000xf32>
    %reduce_sum3A_68 = vector.multi_reduction <add>, %mul3A_66, %reduce_sum3A_67 [1] : vector<1000x128xf32> to vector<1000xf32>
    %broadcast_in_dim3A_69 = vector.shape_cast %reduce_sum3A_68 : vector<1000xf32> to vector<1000x1xf32>
    %mul3A_70 = vector.broadcast %broadcast_in_dim3A_69 : vector<1000x1xf32> to vector<1000x16xf32>
    %mul3A_71 = vector.broadcast %broadcast_in_dim3A_16 : vector<1x16xf32> to vector<1000x16xf32>
    %mul3A_72 = arith.mulf %mul3A_70, %mul3A_71 : vector<1000x16xf32>
    %swap3A_73 = arith.constant 0 : index
    %swap3A_74 = arith.constant 0 : index
    %swap3A_75 = vector.load %arg10[%swap3A_73, %swap3A_74] : memref<1000x16xf32, #tpu.memory_space<vmem>>, vector<1000x16xf32>
    tpu.vector_store %arg10[%swap3A_73, %swap3A_74], %mul3A_72 {strides = array<i32>} : memref<1000x16xf32, #tpu.memory_space<vmem>>, vector<1000x16xf32>,
    return
  }
  func.func @transform_0(%arg0: i32) -> (i32, i32) {
    %c0_i32 = arith.constant 0 : i32
    %c0_i32_0 = arith.constant 0 : i32
    return %arg0, %c0_i32 : i32, i32
  }
  func.func @transform_1(%arg0: i32) -> (i32, i32) {
    %c0_i32 = arith.constant 0 : i32
    %c0_i32_0 = arith.constant 0 : i32
    %c0_i32_1 = arith.constant 0 : i32
    return %c0_i32, %c0_i32_0 : i32, i32
  }
  func.func @transform_2(%arg0: i32) -> (i32, i32) {
    %c0_i32 = arith.constant 0 : i32
    %c0_i32_0 = arith.constant 0 : i32
    %c0_i32_1 = arith.constant 0 : i32
    return %c0_i32, %c0_i32_0 : i32, i32
  }
  func.func @transform_3(%arg0: i32) -> (i32, i32) {
    %c0_i32 = arith.constant 0 : i32
    %c0_i32_0 = arith.constant 0 : i32
    %c0_i32_1 = arith.constant 0 : i32
    return %c0_i32, %c0_i32_0 : i32, i32
  }
  func.func @transform_4(%arg0: i32) -> (i32, i32) {
    %c0_i32 = arith.constant 0 : i32
    %c0_i32_0 = arith.constant 0 : i32
    %c0_i32_1 = arith.constant 0 : i32
    return %c0_i32, %c0_i32_0 : i32, i32
  }
  func.func @transform_5(%arg0: i32) -> (i32, i32) {
    %c0_i32 = arith.constant 0 : i32
    %c0_i32_0 = arith.constant 0 : i32
    %c0_i32_1 = arith.constant 0 : i32
    return %c0_i32, %c0_i32_0 : i32, i32
  }
  func.func @transform_6(%arg0: i32) -> (i32, i32) {
    %c0_i32 = arith.constant 0 : i32
    %c0_i32_0 = arith.constant 0 : i32
    return %arg0, %c0_i32 : i32, i32
  }
  func.func @transform_7(%arg0: i32) -> (i32, i32) {
    %c0_i32 = arith.constant 0 : i32
    %c0_i32_0 = arith.constant 0 : i32
    return %arg0, %c0_i32 : i32, i32
  }
  func.func @transform_8(%arg0: i32) -> (i32, i32) {
    %c0_i32 = arith.constant 0 : i32
    %c0_i32_0 = arith.constant 0 : i32
    return %arg0, %c0_i32 : i32, i32
  }
  func.func @transform_9(%arg0: i32) -> (i32, i32) {
    %c0_i32 = arith.constant 0 : i32
    %c0_i32_0 = arith.constant 0 : i32
    return %arg0, %c0_i32 : i32, i32
  }
}

module attributes {stable_mosaic.version = 14 : i64} {
  func.func @_k3_body(%arg0: i32, %arg1: memref<2x632x128xf32, #tpu.memory_space<vmem>>, %arg2: memref<2x632x16xf32, #tpu.memory_space<vmem>>, %arg3: memref<1x128xf32, #tpu.memory_space<vmem>>, %arg4: memref<1x128xf32, #tpu.memory_space<vmem>>, %arg5: memref<1x128xf32, #tpu.memory_space<vmem>>, %arg6: memref<128x128xf32, #tpu.memory_space<vmem>>, %arg7: memref<632x128xf32, #tpu.memory_space<vmem>>, %arg8: memref<632x1xf32, #tpu.memory_space<vmem>>) attributes {dimension_semantics = [#tpu.dimension_semantics<arbitrary>], iteration_bounds = array<i64: 16>, scalar_prefetch = 0 : i64, scratch_operands = 0 : i64, tpu.core_type = #tpu.core_type<tc>, window_params = [{transform_indices = @transform_0, window_bounds = array<i64: 2, 632, 128>}, {transform_indices = @transform_1, window_bounds = array<i64: 2, 632, 16>}, {pipeline_mode = #tpu.pipeline_mode<synchronous>, transform_indices = @transform_2, window_bounds = array<i64: 1, 128>}, {pipeline_mode = #tpu.pipeline_mode<synchronous>, transform_indices = @transform_3, window_bounds = array<i64: 1, 128>}, {pipeline_mode = #tpu.pipeline_mode<synchronous>, transform_indices = @transform_4, window_bounds = array<i64: 1, 128>}, {pipeline_mode = #tpu.pipeline_mode<synchronous>, transform_indices = @transform_5, window_bounds = array<i64: 128, 128>}, {transform_indices = @transform_6, window_bounds = array<i64: 632, 128>}, {transform_indices = @transform_7, window_bounds = array<i64: 632, 1>}]} {
    %get3A = arith.constant 0 : index
    %get3A_0 = arith.constant 0 : index
    %get3A_1 = arith.constant 0 : index
    %get3A_2 = vector.load %arg1[%get3A, %get3A_0, %get3A_1] : memref<2x632x128xf32, #tpu.memory_space<vmem>>, vector<2x632x128xf32>
    %get3A_3 = arith.constant 0 : index
    %get3A_4 = arith.constant 0 : index
    %get3A_5 = arith.constant 0 : index
    %get3A_6 = vector.load %arg2[%get3A_3, %get3A_4, %get3A_5] : memref<2x632x16xf32, #tpu.memory_space<vmem>>, vector<2x632x16xf32>
    %slice3A = vector.extract_strided_slice %get3A_2 {offsets = [0, 0, 0], sizes = [1, 632, 128], strides = [1, 1, 1]} : vector<2x632x128xf32> to vector<1x632x128xf32>
    %squeeze3A = vector.shape_cast %slice3A : vector<1x632x128xf32> to vector<632x128xf32>
    %slice3A_7 = vector.extract_strided_slice %get3A_2 {offsets = [1, 0, 0], sizes = [1, 632, 128], strides = [1, 1, 1]} : vector<2x632x128xf32> to vector<1x632x128xf32>
    %squeeze3A_8 = vector.shape_cast %slice3A_7 : vector<1x632x128xf32> to vector<632x128xf32>
    %slice3A_9 = vector.extract_strided_slice %get3A_6 {offsets = [0, 0, 0], sizes = [1, 632, 1], strides = [1, 1, 1]} : vector<2x632x16xf32> to vector<1x632x1xf32>
    %squeeze3A_10 = vector.shape_cast %slice3A_9 : vector<1x632x1xf32> to vector<632x1xf32>
    %max3A = arith.constant 1.000000e-30 : f32
    %max3A_11 = vector.broadcast %max3A : f32 to vector<632x1xf32>
    %max3A_12 = arith.maximumf %squeeze3A_10, %max3A_11 : vector<632x1xf32>
    %slice3A_13 = vector.extract_strided_slice %get3A_6 {offsets = [1, 0, 0], sizes = [1, 632, 1], strides = [1, 1, 1]} : vector<2x632x16xf32> to vector<1x632x1xf32>
    %squeeze3A_14 = vector.shape_cast %slice3A_13 : vector<1x632x1xf32> to vector<632x1xf32>
    %max3A_15 = arith.constant 1.000000e-30 : f32
    %max3A_16 = vector.broadcast %max3A_15 : f32 to vector<632x1xf32>
    %max3A_17 = arith.maximumf %squeeze3A_14, %max3A_16 : vector<632x1xf32>
    %slice3A_18 = vector.extract_strided_slice %get3A_6 {offsets = [0, 0, 1], sizes = [1, 632, 1], strides = [1, 1, 1]} : vector<2x632x16xf32> to vector<1x632x1xf32>
    %squeeze3A_19 = vector.shape_cast %slice3A_18 : vector<1x632x1xf32> to vector<632x1xf32>
    %div3A = vector.broadcast %max3A_12 : vector<632x1xf32> to vector<632x128xf32>
    %div3A_20 = arith.divf %squeeze3A, %div3A : vector<632x128xf32>
    %div3A_21 = vector.broadcast %max3A_17 : vector<632x1xf32> to vector<632x128xf32>
    %div3A_22 = arith.divf %squeeze3A_8, %div3A_21 : vector<632x128xf32>
    %add3A = arith.addf %div3A_20, %div3A_22 : vector<632x128xf32>
    %mul3A = arith.constant 5.000000e-01 : f32
    %mul3A_23 = vector.broadcast %mul3A : f32 to vector<632x128xf32>
    %mul3A_24 = arith.mulf %mul3A_23, %add3A : vector<632x128xf32>
    %get3A_25 = arith.constant 0 : index
    %get3A_26 = arith.constant 0 : index
    %get3A_27 = vector.load %arg3[%get3A_25, %get3A_26] : memref<1x128xf32, #tpu.memory_space<vmem>>, vector<1x128xf32>
    %add3A_28 = vector.broadcast %get3A_27 : vector<1x128xf32> to vector<632x128xf32>
    %add3A_29 = arith.addf %mul3A_24, %add3A_28 : vector<632x128xf32>
    %max3A_30 = arith.constant 0.000000e+00 : f32
    %max3A_31 = vector.broadcast %max3A_30 : f32 to vector<632x128xf32>
    %max3A_32 = arith.maximumf %add3A_29, %max3A_31 : vector<632x128xf32>
    %get3A_33 = arith.constant 0 : index
    %get3A_34 = arith.constant 0 : index
    %get3A_35 = vector.load %arg4[%get3A_33, %get3A_34] : memref<1x128xf32, #tpu.memory_space<vmem>>, vector<1x128xf32>
    %get3A_36 = arith.constant 0 : index
    %get3A_37 = arith.constant 0 : index
    %get3A_38 = vector.load %arg5[%get3A_36, %get3A_37] : memref<1x128xf32, #tpu.memory_space<vmem>>, vector<1x128xf32>
    %reduce_sum3A = arith.constant dense<0.000000e+00> : vector<632xf32>
    %reduce_sum3A_39 = vector.multi_reduction <add>, %max3A_32, %reduce_sum3A [1] : vector<632x128xf32> to vector<632xf32>
    %broadcast_in_dim3A = vector.shape_cast %reduce_sum3A_39 : vector<632xf32> to vector<632x1xf32>
    %div3A_40 = arith.constant 1.280000e+02 : f32
    %div3A_41 = vector.broadcast %div3A_40 : f32 to vector<632x1xf32>
    %div3A_42 = arith.divf %broadcast_in_dim3A, %div3A_41 : vector<632x1xf32>
    %sub3A = vector.broadcast %div3A_42 : vector<632x1xf32> to vector<632x128xf32>
    %sub3A_43 = arith.subf %max3A_32, %sub3A : vector<632x128xf32>
    %integer_pow3A = arith.mulf %sub3A_43, %sub3A_43 : vector<632x128xf32>
    %reduce_sum3A_44 = arith.constant dense<0.000000e+00> : vector<632xf32>
    %reduce_sum3A_45 = vector.multi_reduction <add>, %integer_pow3A, %reduce_sum3A_44 [1] : vector<632x128xf32> to vector<632xf32>
    %broadcast_in_dim3A_46 = vector.shape_cast %reduce_sum3A_45 : vector<632xf32> to vector<632x1xf32>
    %div3A_47 = arith.constant 1.280000e+02 : f32
    %div3A_48 = vector.broadcast %div3A_47 : f32 to vector<632x1xf32>
    %div3A_49 = arith.divf %broadcast_in_dim3A_46, %div3A_48 : vector<632x1xf32>
    %sub3A_50 = vector.broadcast %div3A_42 : vector<632x1xf32> to vector<632x128xf32>
    %sub3A_51 = arith.subf %max3A_32, %sub3A_50 : vector<632x128xf32>
    %add3A_52 = arith.constant 9.99999974E-6 : f32
    %add3A_53 = vector.broadcast %add3A_52 : f32 to vector<632x1xf32>
    %add3A_54 = arith.addf %div3A_49, %add3A_53 : vector<632x1xf32>
    %rsqrt3A = math.rsqrt %add3A_54 : vector<632x1xf32>
    %mul3A_55 = vector.broadcast %rsqrt3A : vector<632x1xf32> to vector<632x128xf32>
    %mul3A_56 = arith.mulf %sub3A_51, %mul3A_55 : vector<632x128xf32>
    %mul3A_57 = vector.broadcast %get3A_35 : vector<1x128xf32> to vector<632x128xf32>
    %mul3A_58 = arith.mulf %mul3A_56, %mul3A_57 : vector<632x128xf32>
    %add3A_59 = vector.broadcast %get3A_38 : vector<1x128xf32> to vector<632x128xf32>
    %add3A_60 = arith.addf %mul3A_58, %add3A_59 : vector<632x128xf32>
    %gt3A = arith.constant 0.000000e+00 : f32
    %gt3A_61 = vector.broadcast %gt3A : f32 to vector<632x1xf32>
    %gt3A_62 = arith.cmpf ogt, %squeeze3A_19, %gt3A_61 : vector<632x1xf32>
    %max3A_63 = arith.constant 1.000000e-30 : f32
    %max3A_64 = vector.broadcast %max3A_63 : f32 to vector<632x1xf32>
    %max3A_65 = arith.maximumf %squeeze3A_19, %max3A_64 : vector<632x1xf32>
    %rsqrt3A_66 = math.rsqrt %max3A_65 : vector<632x1xf32>
    %jit3A = arith.constant 0.000000e+00 : f32
    %broadcast_in_dim3A_67 = vector.broadcast %jit3A : f32 to vector<632x1xf32>
    %select_n3A = arith.select %gt3A_62, %rsqrt3A_66, %broadcast_in_dim3A_67 : vector<632x1xi1>, vector<632x1xf32>
    %get3A_68 = arith.constant 0 : index
    %get3A_69 = arith.constant 0 : index
    %get3A_70 = vector.load %arg6[%get3A_68, %get3A_69] : memref<128x128xf32, #tpu.memory_space<vmem>>, vector<128x128xf32>
    %dot_general3A = arith.constant dense<0.000000e+00> : vector<632x128xf32>
    %dot_general3A_71 = tpu.matmul %add3A_60, %get3A_70, %dot_general3A {dimension_numbers = #tpu.dot_dimension_numbers<[1], [0], [0], [1], [0, 0, 1, 1], [], []>, transpose_lhs_hint = false} : vector<632x128xf32>, vector<128x128xf32>, vector<632x128xf32> -> vector<632x128xf32>
    %mul3A_72 = vector.broadcast %select_n3A : vector<632x1xf32> to vector<632x128xf32>
    %mul3A_73 = arith.mulf %mul3A_72, %dot_general3A_71 : vector<632x128xf32>
    %swap3A = arith.constant 0 : index
    %swap3A_74 = arith.constant 0 : index
    %swap3A_75 = vector.load %arg7[%swap3A, %swap3A_74] : memref<632x128xf32, #tpu.memory_space<vmem>>, vector<632x128xf32>
    tpu.vector_store %arg7[%swap3A, %swap3A_74], %mul3A_73 {strides = array<i32>} : memref<632x128xf32, #tpu.memory_space<vmem>>, vector<632x128xf32>,
    %swap3A_76 = arith.constant 0 : index
    %swap3A_77 = arith.constant 0 : index
    %swap3A_78 = vector.load %arg8[%swap3A_76, %swap3A_77] : memref<632x1xf32, #tpu.memory_space<vmem>>, vector<632x1xf32>
    tpu.vector_store %arg8[%swap3A_76, %swap3A_77], %select_n3A {strides = array<i32>} : memref<632x1xf32, #tpu.memory_space<vmem>>, vector<632x1xf32>,
    return
  }
  func.func @transform_0(%arg0: i32) -> (i32, i32, i32) {
    %c0_i32 = arith.constant 0 : i32
    %c0_i32_0 = arith.constant 0 : i32
    %c0_i32_1 = arith.constant 0 : i32
    return %c0_i32, %arg0, %c0_i32_0 : i32, i32, i32
  }
  func.func @transform_1(%arg0: i32) -> (i32, i32, i32) {
    %c0_i32 = arith.constant 0 : i32
    %c0_i32_0 = arith.constant 0 : i32
    %c0_i32_1 = arith.constant 0 : i32
    return %c0_i32, %arg0, %c0_i32_0 : i32, i32, i32
  }
  func.func @transform_2(%arg0: i32) -> (i32, i32) {
    %c0_i32 = arith.constant 0 : i32
    %c0_i32_0 = arith.constant 0 : i32
    %c0_i32_1 = arith.constant 0 : i32
    return %c0_i32, %c0_i32_0 : i32, i32
  }
  func.func @transform_3(%arg0: i32) -> (i32, i32) {
    %c0_i32 = arith.constant 0 : i32
    %c0_i32_0 = arith.constant 0 : i32
    %c0_i32_1 = arith.constant 0 : i32
    return %c0_i32, %c0_i32_0 : i32, i32
  }
  func.func @transform_4(%arg0: i32) -> (i32, i32) {
    %c0_i32 = arith.constant 0 : i32
    %c0_i32_0 = arith.constant 0 : i32
    %c0_i32_1 = arith.constant 0 : i32
    return %c0_i32, %c0_i32_0 : i32, i32
  }
  func.func @transform_5(%arg0: i32) -> (i32, i32) {
    %c0_i32 = arith.constant 0 : i32
    %c0_i32_0 = arith.constant 0 : i32
    %c0_i32_1 = arith.constant 0 : i32
    return %c0_i32, %c0_i32_0 : i32, i32
  }
  func.func @transform_6(%arg0: i32) -> (i32, i32) {
    %c0_i32 = arith.constant 0 : i32
    %c0_i32_0 = arith.constant 0 : i32
    return %arg0, %c0_i32 : i32, i32
  }
  func.func @transform_7(%arg0: i32) -> (i32, i32) {
    %c0_i32 = arith.constant 0 : i32
    %c0_i32_0 = arith.constant 0 : i32
    return %arg0, %c0_i32 : i32, i32
  }
}

module attributes {stable_mosaic.version = 14 : i64} {
  func.func @_k5_body(%arg0: i32, %arg1: memref<2x632x128xf32, #tpu.memory_space<vmem>>, %arg2: memref<632x1xf32, #tpu.memory_space<vmem>>, %arg3: memref<1x128xf32, #tpu.memory_space<vmem>>, %arg4: memref<1x128xf32, #tpu.memory_space<vmem>>, %arg5: memref<1x128xf32, #tpu.memory_space<vmem>>, %arg6: memref<128x384xf32, #tpu.memory_space<vmem>>, %arg7: memref<1x384xf32, #tpu.memory_space<vmem>>, %arg8: memref<1x384xf32, #tpu.memory_space<vmem>>, %arg9: memref<632x128xf32, #tpu.memory_space<vmem>>) attributes {dimension_semantics = [#tpu.dimension_semantics<arbitrary>], iteration_bounds = array<i64: 16>, scalar_prefetch = 0 : i64, scratch_operands = 0 : i64, tpu.core_type = #tpu.core_type<tc>, window_params = [{transform_indices = @transform_0, window_bounds = array<i64: 2, 632, 128>}, {transform_indices = @transform_1, window_bounds = array<i64: 632, 1>}, {pipeline_mode = #tpu.pipeline_mode<synchronous>, transform_indices = @transform_2, window_bounds = array<i64: 1, 128>}, {pipeline_mode = #tpu.pipeline_mode<synchronous>, transform_indices = @transform_3, window_bounds = array<i64: 1, 128>}, {pipeline_mode = #tpu.pipeline_mode<synchronous>, transform_indices = @transform_4, window_bounds = array<i64: 1, 128>}, {pipeline_mode = #tpu.pipeline_mode<synchronous>, transform_indices = @transform_5, window_bounds = array<i64: 128, 384>}, {pipeline_mode = #tpu.pipeline_mode<synchronous>, transform_indices = @transform_6, window_bounds = array<i64: 1, 384>}, {pipeline_mode = #tpu.pipeline_mode<synchronous>, transform_indices = @transform_7, window_bounds = array<i64: 1, 384>}, {transform_indices = @transform_8, window_bounds = array<i64: 632, 128>}]} {
    %get3A = arith.constant 0 : index
    %get3A_0 = arith.constant 0 : index
    %get3A_1 = arith.constant 0 : index
    %get3A_2 = vector.load %arg1[%get3A, %get3A_0, %get3A_1] : memref<2x632x128xf32, #tpu.memory_space<vmem>>, vector<2x632x128xf32>
    %get3A_3 = arith.constant 0 : index
    %get3A_4 = arith.constant 0 : index
    %get3A_5 = vector.load %arg2[%get3A_3, %get3A_4] : memref<632x1xf32, #tpu.memory_space<vmem>>, vector<632x1xf32>
    %slice3A = vector.extract_strided_slice %get3A_2 {offsets = [0, 0, 0], sizes = [1, 632, 128], strides = [1, 1, 1]} : vector<2x632x128xf32> to vector<1x632x128xf32>
    %squeeze3A = vector.shape_cast %slice3A : vector<1x632x128xf32> to vector<632x128xf32>
    %slice3A_6 = vector.extract_strided_slice %get3A_2 {offsets = [1, 0, 0], sizes = [1, 632, 128], strides = [1, 1, 1]} : vector<2x632x128xf32> to vector<1x632x128xf32>
    %squeeze3A_7 = vector.shape_cast %slice3A_6 : vector<1x632x128xf32> to vector<632x128xf32>
    %add3A = arith.addf %squeeze3A, %squeeze3A_7 : vector<632x128xf32>
    %mul3A = vector.broadcast %get3A_5 : vector<632x1xf32> to vector<632x128xf32>
    %mul3A_8 = arith.mulf %mul3A, %add3A : vector<632x128xf32>
    %get3A_9 = arith.constant 0 : index
    %get3A_10 = arith.constant 0 : index
    %get3A_11 = vector.load %arg3[%get3A_9, %get3A_10] : memref<1x128xf32, #tpu.memory_space<vmem>>, vector<1x128xf32>
    %add3A_12 = vector.broadcast %get3A_11 : vector<1x128xf32> to vector<632x128xf32>
    %add3A_13 = arith.addf %mul3A_8, %add3A_12 : vector<632x128xf32>
    %max3A = arith.constant 0.000000e+00 : f32
    %max3A_14 = vector.broadcast %max3A : f32 to vector<632x128xf32>
    %max3A_15 = arith.maximumf %add3A_13, %max3A_14 : vector<632x128xf32>
    %get3A_16 = arith.constant 0 : index
    %get3A_17 = arith.constant 0 : index
    %get3A_18 = vector.load %arg4[%get3A_16, %get3A_17] : memref<1x128xf32, #tpu.memory_space<vmem>>, vector<1x128xf32>
    %get3A_19 = arith.constant 0 : index
    %get3A_20 = arith.constant 0 : index
    %get3A_21 = vector.load %arg5[%get3A_19, %get3A_20] : memref<1x128xf32, #tpu.memory_space<vmem>>, vector<1x128xf32>
    %reduce_sum3A = arith.constant dense<0.000000e+00> : vector<632xf32>
    %reduce_sum3A_22 = vector.multi_reduction <add>, %max3A_15, %reduce_sum3A [1] : vector<632x128xf32> to vector<632xf32>
    %broadcast_in_dim3A = vector.shape_cast %reduce_sum3A_22 : vector<632xf32> to vector<632x1xf32>
    %div3A = arith.constant 1.280000e+02 : f32
    %div3A_23 = vector.broadcast %div3A : f32 to vector<632x1xf32>
    %div3A_24 = arith.divf %broadcast_in_dim3A, %div3A_23 : vector<632x1xf32>
    %sub3A = vector.broadcast %div3A_24 : vector<632x1xf32> to vector<632x128xf32>
    %sub3A_25 = arith.subf %max3A_15, %sub3A : vector<632x128xf32>
    %integer_pow3A = arith.mulf %sub3A_25, %sub3A_25 : vector<632x128xf32>
    %reduce_sum3A_26 = arith.constant dense<0.000000e+00> : vector<632xf32>
    %reduce_sum3A_27 = vector.multi_reduction <add>, %integer_pow3A, %reduce_sum3A_26 [1] : vector<632x128xf32> to vector<632xf32>
    %broadcast_in_dim3A_28 = vector.shape_cast %reduce_sum3A_27 : vector<632xf32> to vector<632x1xf32>
    %div3A_29 = arith.constant 1.280000e+02 : f32
    %div3A_30 = vector.broadcast %div3A_29 : f32 to vector<632x1xf32>
    %div3A_31 = arith.divf %broadcast_in_dim3A_28, %div3A_30 : vector<632x1xf32>
    %sub3A_32 = vector.broadcast %div3A_24 : vector<632x1xf32> to vector<632x128xf32>
    %sub3A_33 = arith.subf %max3A_15, %sub3A_32 : vector<632x128xf32>
    %add3A_34 = arith.constant 9.99999974E-6 : f32
    %add3A_35 = vector.broadcast %add3A_34 : f32 to vector<632x1xf32>
    %add3A_36 = arith.addf %div3A_31, %add3A_35 : vector<632x1xf32>
    %rsqrt3A = math.rsqrt %add3A_36 : vector<632x1xf32>
    %mul3A_37 = vector.broadcast %rsqrt3A : vector<632x1xf32> to vector<632x128xf32>
    %mul3A_38 = arith.mulf %sub3A_33, %mul3A_37 : vector<632x128xf32>
    %mul3A_39 = vector.broadcast %get3A_18 : vector<1x128xf32> to vector<632x128xf32>
    %mul3A_40 = arith.mulf %mul3A_38, %mul3A_39 : vector<632x128xf32>
    %add3A_41 = vector.broadcast %get3A_21 : vector<1x128xf32> to vector<632x128xf32>
    %add3A_42 = arith.addf %mul3A_40, %add3A_41 : vector<632x128xf32>
    %get3A_43 = arith.constant 0 : index
    %get3A_44 = arith.constant 0 : index
    %get3A_45 = vector.load %arg6[%get3A_43, %get3A_44] : memref<128x384xf32, #tpu.memory_space<vmem>>, vector<128x384xf32>
    %dot_general3A = arith.constant dense<0.000000e+00> : vector<632x384xf32>
    %dot_general3A_46 = tpu.matmul %add3A_42, %get3A_45, %dot_general3A {dimension_numbers = #tpu.dot_dimension_numbers<[1], [0], [0], [1], [0, 0, 1, 1], [], []>, transpose_lhs_hint = false} : vector<632x128xf32>, vector<128x384xf32>, vector<632x384xf32> -> vector<632x384xf32>
    %get3A_47 = arith.constant 0 : index
    %get3A_48 = arith.constant 0 : index
    %get3A_49 = vector.load %arg7[%get3A_47, %get3A_48] : memref<1x384xf32, #tpu.memory_space<vmem>>, vector<1x384xf32>
    %add3A_50 = vector.broadcast %get3A_49 : vector<1x384xf32> to vector<632x384xf32>
    %add3A_51 = arith.addf %dot_general3A_46, %add3A_50 : vector<632x384xf32>
    %get3A_52 = arith.constant 0 : index
    %get3A_53 = arith.constant 0 : index
    %get3A_54 = vector.load %arg8[%get3A_52, %get3A_53] : memref<1x384xf32, #tpu.memory_space<vmem>>, vector<1x384xf32>
    %slice3A_55 = vector.extract_strided_slice %add3A_51 {offsets = [0, 0], sizes = [632, 128], strides = [1, 1]} : vector<632x384xf32> to vector<632x128xf32>
    %slice3A_56 = vector.extract_strided_slice %get3A_54 {offsets = [0, 0], sizes = [1, 128], strides = [1, 1]} : vector<1x384xf32> to vector<1x128xf32>
    %add3A_57 = vector.broadcast %slice3A_56 : vector<1x128xf32> to vector<632x128xf32>
    %add3A_58 = arith.addf %slice3A_55, %add3A_57 : vector<632x128xf32>
    %logistic3A = arith.negf %add3A_58 : vector<632x128xf32>
    %logistic3A_59 = math.exp %logistic3A : vector<632x128xf32>
    %logistic3A_60 = arith.constant 1.000000e+00 : f32
    %logistic3A_61 = vector.broadcast %logistic3A_60 : f32 to vector<632x128xf32>
    %logistic3A_62 = arith.addf %logistic3A_61, %logistic3A_59 : vector<632x128xf32>
    %logistic3A_63 = arith.divf %logistic3A_61, %logistic3A_62 : vector<632x128xf32>
    %slice3A_64 = vector.extract_strided_slice %add3A_51 {offsets = [0, 128], sizes = [632, 128], strides = [1, 1]} : vector<632x384xf32> to vector<632x128xf32>
    %slice3A_65 = vector.extract_strided_slice %get3A_54 {offsets = [0, 128], sizes = [1, 128], strides = [1, 1]} : vector<1x384xf32> to vector<1x128xf32>
    %add3A_66 = vector.broadcast %slice3A_65 : vector<1x128xf32> to vector<632x128xf32>
    %add3A_67 = arith.addf %slice3A_64, %add3A_66 : vector<632x128xf32>
    %logistic3A_68 = arith.negf %add3A_67 : vector<632x128xf32>
    %logistic3A_69 = math.exp %logistic3A_68 : vector<632x128xf32>
    %logistic3A_70 = arith.constant 1.000000e+00 : f32
    %logistic3A_71 = vector.broadcast %logistic3A_70 : f32 to vector<632x128xf32>
    %logistic3A_72 = arith.addf %logistic3A_71, %logistic3A_69 : vector<632x128xf32>
    %logistic3A_73 = arith.divf %logistic3A_71, %logistic3A_72 : vector<632x128xf32>
    %slice3A_74 = vector.extract_strided_slice %add3A_51 {offsets = [0, 256], sizes = [632, 128], strides = [1, 1]} : vector<632x384xf32> to vector<632x128xf32>
    %slice3A_75 = vector.extract_strided_slice %get3A_54 {offsets = [0, 256], sizes = [1, 128], strides = [1, 1]} : vector<1x384xf32> to vector<1x128xf32>
    %mul3A_76 = vector.broadcast %slice3A_75 : vector<1x128xf32> to vector<632x128xf32>
    %mul3A_77 = arith.mulf %logistic3A_63, %mul3A_76 : vector<632x128xf32>
    %add3A_78 = arith.addf %slice3A_74, %mul3A_77 : vector<632x128xf32>
    %tanh3A = math.tanh %add3A_78 : vector<632x128xf32>
    %sub3A_79 = arith.constant 1.000000e+00 : f32
    %sub3A_80 = vector.broadcast %sub3A_79 : f32 to vector<632x128xf32>
    %sub3A_81 = arith.subf %sub3A_80, %logistic3A_73 : vector<632x128xf32>
    %mul3A_82 = arith.mulf %sub3A_81, %tanh3A : vector<632x128xf32>
    %swap3A = arith.constant 0 : index
    %swap3A_83 = arith.constant 0 : index
    %swap3A_84 = vector.load %arg9[%swap3A, %swap3A_83] : memref<632x128xf32, #tpu.memory_space<vmem>>, vector<632x128xf32>
    tpu.vector_store %arg9[%swap3A, %swap3A_83], %mul3A_82 {strides = array<i32>} : memref<632x128xf32, #tpu.memory_space<vmem>>, vector<632x128xf32>,
    return
  }
  func.func @transform_0(%arg0: i32) -> (i32, i32, i32) {
    %c0_i32 = arith.constant 0 : i32
    %c0_i32_0 = arith.constant 0 : i32
    %c0_i32_1 = arith.constant 0 : i32
    return %c0_i32, %arg0, %c0_i32_0 : i32, i32, i32
  }
  func.func @transform_1(%arg0: i32) -> (i32, i32) {
    %c0_i32 = arith.constant 0 : i32
    %c0_i32_0 = arith.constant 0 : i32
    return %arg0, %c0_i32 : i32, i32
  }
  func.func @transform_2(%arg0: i32) -> (i32, i32) {
    %c0_i32 = arith.constant 0 : i32
    %c0_i32_0 = arith.constant 0 : i32
    %c0_i32_1 = arith.constant 0 : i32
    return %c0_i32, %c0_i32_0 : i32, i32
  }
  func.func @transform_3(%arg0: i32) -> (i32, i32) {
    %c0_i32 = arith.constant 0 : i32
    %c0_i32_0 = arith.constant 0 : i32
    %c0_i32_1 = arith.constant 0 : i32
    return %c0_i32, %c0_i32_0 : i32, i32
  }
  func.func @transform_4(%arg0: i32) -> (i32, i32) {
    %c0_i32 = arith.constant 0 : i32
    %c0_i32_0 = arith.constant 0 : i32
    %c0_i32_1 = arith.constant 0 : i32
    return %c0_i32, %c0_i32_0 : i32, i32
  }
  func.func @transform_5(%arg0: i32) -> (i32, i32) {
    %c0_i32 = arith.constant 0 : i32
    %c0_i32_0 = arith.constant 0 : i32
    %c0_i32_1 = arith.constant 0 : i32
    return %c0_i32, %c0_i32_0 : i32, i32
  }
  func.func @transform_6(%arg0: i32) -> (i32, i32) {
    %c0_i32 = arith.constant 0 : i32
    %c0_i32_0 = arith.constant 0 : i32
    %c0_i32_1 = arith.constant 0 : i32
    return %c0_i32, %c0_i32_0 : i32, i32
  }
  func.func @transform_7(%arg0: i32) -> (i32, i32) {
    %c0_i32 = arith.constant 0 : i32
    %c0_i32_0 = arith.constant 0 : i32
    %c0_i32_1 = arith.constant 0 : i32
    return %c0_i32, %c0_i32_0 : i32, i32
  }
  func.func @transform_8(%arg0: i32) -> (i32, i32) {
    %c0_i32 = arith.constant 0 : i32
    %c0_i32_0 = arith.constant 0 : i32
    return %arg0, %c0_i32 : i32, i32
  }
}

</mosaic_0001>

<sc_bundles>
// kernel: kernel.10.cloned.1.call-start
scs
__scs_entry_jumppad:
0x0: {  	(pc) =	sbr.rel $0x88, $3  }
0x1: {  	(tag) =	ssettag $0x0;
	lr =	simm.s32 $0x1  }
0x2: {  	[smem:$0x3F90] =	sst lr;
	_ =	strace $0xD0000000  }
0x3: {  	_ = 	snop  }
0x4: {  	_ = 	snop  }
0x5: {  	_ = 	snop  }
0x6: {  	_ = 	snop  }
0x7: {  	_ = 	snop  }
__scs_overlays_trampoline_lowered:
0x8: {  	[smem:$0x3F9F] =	sst s0  }
0x9: {  	[smem:$0x3FA0] =	sst s1  }
0xa: {  	[smem:$0x3FA1] =	sst s2  }
0xb: {  	[smem:$0x3FA2] =	sst s3  }
0xc: {  	[smem:$0x3FA3] =	sst s4  }
0xd: {  	[smem:$0x3FA4] =	sst s5  }
0xe: {  	[smem:$0x3FA5] =	sst s6  }
0xf: {  	[smem:$0x3FA6] =	sst s7  }
0x10: {  	[smem:$0x3FA7] =	sst s8  }
0x11: {  	[smem:$0x3FA8] =	sst s9;
	s0 =	simm.s32 @!p0 $0x0  }
0x12: {  	s1 =	sld [smem:$0x3F8E];
	s0 =	simm.s32 @p0 $0x1  }
0x13: {  	[smem:$0x3FA9] =	sst s0;
	s0 =	simm.s32 @!p1 $0x0  }
0x14: {  	s2 =	sld [smem:$0x3F8D];
	s0 =	simm.s32 @p1 $0x1  }
0x15: {  	[smem:$0x3FAA] =	sst s0;
	s0 =	simm.s32 @!p2 $0x0  }
0x16: {  	s3 =	sld [smem:$0x3FDB];
	s0 =	simm.s32 @p2 $0x1  }
0x17: {  	s4 =	simm.s32 $0x1BF5;
	[smem:$0x3FAC] =	sst s0  }
0x18: {  	s0 =	sld [smem:$0x3F8F];
	_ =	swait.ge [sflag:s4], $0x0  }
0x19: {  	s7 =	sld [smem:$0x3F90]  }
0x1a: {  	s8 =	sadd.s32 $0xFFFFE003, lr  }
0x1b: {  	s9 =	sadd.s32 $0xFFFFFEF7, lr;
	s5 =	simm.s32 $0xFFFFFFFF;
	p2 =	slt.u32 s8, $0xFFFFF086  }
0x1c: {  	p1 =	slt.u32 s9, $0xF7A;
	s5 =	simm.s32 @!p2 $0x0  }
0x1d: {  	s5 =	simm.s32 @p1 $0x1;
	p0 =	seq.s32 s7, s2  }
0x1e: {  	s7 =	smul.u32 @!p0 $0xF7A, s2;
	p2 =	seq.s32 @!p0 s5, $0x0  }
0x1f: {  	s9 =	smul.u32 $0xF7A, s1;
	s8 =	simm.s32 @!p0 $0x1BF5;
	p2 =	por !p2, p0  }
0x20: {  	[sflag:s8] =	ssyncset.s32 @!p0 $0xFFFFF086;
	s6 =	sadd.s32 @!p0 s3, s7;
	s7 =	simm.s32 @!p0 $0x108  }
0x21: {  	s3 =	sadd.s32 s3, s9;
	s6 =	sadd.s32 @!p0 $0x88, s6;
	s7 =	simm.s32 @p2 $0x1082  }
0x22: {  	[simem:s7], [sflag:s8] =	dma.local @!p0 [hbm:s6], $0xF7A  }
0x23: {  	s9 =	sor.u32 $0xD0000000, s2;
	s6 =	simm.s32 $0x108;
	_ =	swait.ge @!p0 [sflag:s8], $0x0  }
0x24: {  	s3 =	sadd.s32 $0x88, s3;
	s6 =	simm.s32 @!p1 $0x1082;
	[sflag:s4] =	ssyncset.s32 $0xFFFFF086  }
0x25: {  	[simem:s6], [sflag:s4] =	dma.local [hbm:s3], $0xF7A  }
0x26: {  	[smem:$0x3F90] =	sst s1;
	(tag) =	ssettag s2;
	_ =	strace s9  }
0x27: {  	s1 =	sld [smem:$0x3FA0]  }
0x28: {  	s2 =	sld [smem:$0x3FA1]  }
0x29: {  	s4 =	sld [smem:$0x3FA3]  }
0x2a: {  	p0 =	seq.s32 s5, $0x0;
	s5 =	sld [smem:$0x3FA4]  }
0x2b: {  	s6 =	sld [smem:$0x3FA5]  }
0x2c: {  	s7 =	sld [smem:$0x3FA6]  }
0x2d: {  	s3 =	simm.s32 $0x108;
	s8 =	sld [smem:$0x3FA7]  }
0x2e: {  	s3 =	simm.s32 @!p0 $0x1082;
	s9 =	sld [smem:$0x3FA8]  }
0x2f: {  	lr =	sadd.s32 s0, s3;
	s0 =	sld [smem:$0x3F9F]  }
0x30: {  	s3 =	sld [smem:$0x3FA2]  }
0x31: {  	[smem:$0x3FAB] =	sst s10  }
0x32: {  	s10 =	sld [smem:$0x3FA9];
	_ =	sdelay $0x3  }
0x33: {  	p0 =	seq.s32 s10, $0x1;
	s10 =	sld [smem:$0x3FAB];
	_ =	sdelay $0x3  }
0x34: {  	[smem:$0x3FAB] =	sst s10  }
0x35: {  	s10 =	sld [smem:$0x3FAA];
	_ =	sdelay $0x3  }
0x36: {  	p1 =	seq.s32 s10, $0x1;
	s10 =	sld [smem:$0x3FAB];
	_ =	sdelay $0x3  }
0x37: {  	[smem:$0x3FAB] =	sst s10  }
0x38: {  	s10 =	sld [smem:$0x3FAC]  }
0x39: {  	_ = 	snop;
	(pc) =	sbr.ind lr, $3  }
0x3a: {  	_ = 	snop  }
0x3b: {  	_ = 	snop  }
0x3c: {  	p2 =	seq.s32 s10, $0x1;
	s10 =	sld [smem:$0x3FAB]  }
0x3d: {  	_ =	shalt  }
0x3e: {  	_ =	shalt  }
0x3f: {  	_ =	shalt  }
0x40: {  	_ =	shalt  }
0x41: {  	_ =	shalt  }
0x42: {  	_ =	shalt  }
0x43: {  	_ =	shalt  }
0x44: {  	_ =	shalt  }
0x45: {  	_ =	shalt  }
0x46: {  	_ =	shalt  }
0x47: {  	_ =	shalt  }
0x48: {  	_ =	shalt  }
0x49: {  	_ =	shalt  }
0x4a: {  	_ =	shalt  }
0x4b: {  	_ =	shalt  }
0x4c: {  	_ =	shalt  }
0x4d: {  	_ =	shalt  }
0x4e: {  	_ =	shalt  }
0x4f: {  	_ =	shalt  }
0x50: {  	_ =	shalt  }
0x51: {  	_ =	shalt  }
0x52: {  	_ =	shalt  }
0x53: {  	_ =	shalt  }
0x54: {  	_ =	shalt  }
0x55: {  	_ =	shalt  }
0x56: {  	_ =	shalt  }
0x57: {  	_ =	shalt  }
0x58: {  	_ =	shalt  }
0x59: {  	_ =	shalt  }
0x5a: {  	_ =	shalt  }
0x5b: {  	_ =	shalt  }
0x5c: {  	_ =	shalt  }
0x5d: {  	_ =	shalt  }
0x5e: {  	_ =	shalt  }
0x5f: {  	_ =	shalt  }
0x60: {  	_ =	shalt  }
0x61: {  	_ =	shalt  }
0x62: {  	_ =	shalt  }
0x63: {  	_ =	shalt  }
0x64: {  	_ =	shalt  }
0x65: {  	_ =	shalt  }
0x66: {  	_ =	shalt  }
0x67: {  	_ =	shalt  }
0x68: {  	_ =	shalt  }
0x69: {  	_ =	shalt  }
0x6a: {  	_ =	shalt  }
0x6b: {  	_ =	shalt  }
0x6c: {  	_ =	shalt  }
0x6d: {  	_ =	shalt  }
0x6e: {  	_ =	shalt  }
0x6f: {  	_ =	shalt  }
0x70: {  	_ =	shalt  }
0x71: {  	_ =	shalt  }
0x72: {  	_ =	shalt  }
0x73: {  	_ =	shalt  }
0x74: {  	_ =	shalt  }
0x75: {  	_ =	shalt  }
0x76: {  	_ =	shalt  }
0x77: {  	_ =	shalt  }
0x78: {  	_ =	shalt  }
0x79: {  	_ =	shalt  }
0x7a: {  	_ =	shalt  }
0x7b: {  	_ =	shalt  }
0x7c: {  	_ =	shalt  }
0x7d: {  	_ =	shalt  }
0x7e: {  	_ =	shalt  }
0x7f: {  	_ =	shalt  }
0x80: {  	_ =	shalt  }
0x81: {  	_ =	shalt  }
0x82: {  	_ =	shalt  }
0x83: {  	_ =	shalt  }
0x84: {  	_ =	shalt  }
0x85: {  	_ =	shalt  }
0x86: {  	_ =	shalt  }
0x87: {  	_ =	shalt  }
.Lfunc_end0:
.L_simem_size_0:
called_computation.1_lowered:
.L_overlay_start_0:
0x88: {  	s2 =	sld [smem:$0x3FD9]  }
0x89: {  	s3 =	sld [smem:$0x3FFE];
	_ =	sdelay $0x1  }
0x8a: {  	s1 =	srdreg.scid  }
0x8b: {  	s0 =	sand.u32 $0x1, s1  }
0x8c: {  	s17 =	sshll.u32 s0, $0xA;
	s2 =	sadd.s32 s3, s2  }
0x8d: {  	s2 =	sadd.s32 s2, s17  }
0x8e: {  	[smem:$0x3FB7] =	sst s2  }
0x8f: {  	_ = 	snop  }
0x90: {  	s2 =	sld [smem:$0x3FD0];
	(tm) =	ssettm $0x1  }
0x91: {  	s18 =	sld [smem:$0x3FFB];
	_ =	sdelay $0x3  }
0x92: {  	_ =	strace s18  }
0x93: {  	s3 =	sld [smem:$0x3FFC];
	_ =	sdelay $0x3  }
0x94: {  	_ =	strace s3  }
0x95: {  	s3 =	sld [smem:$0x3FFD];
	_ =	sdelay $0x3  }
0x96: {  	_ =	strace s3  }
0x97: {  	_ =	strace $0x8FFFFFFF  }
0x98: {  	s19 =	sld [smem:$0x3FDB];
	_ =	sdelay $0x1  }
0x99: {  	s4 =	simm.s32 $_scs_section_size  }
0x9a: {  	s5 =	simm.s32 $_size__tile_overlayer_lowered;
	s6 =	simm.s32 $_tile_overlayer_lowered  }
0x9b: {  	s22 =	simm.s32 $0x1BFF;
	s21 =	sshll.u32 s6, $0x1;
	s3 =	sadd.s32 s4, s19  }
0x9c: {  	s7 =	simm.s32 $0x0;
	s20 =	sshll.u32 s5, $0x1;
	s5 =	sadd.s32 s21, s3  }
0x9d: {  	[timem:s7], [sflag:s22] =	dma.local [hbm:s5], s20  }
0x9e: {  	_ =	swait.ge [sflag:s22], s20  }
0x9f: {  	s4 =	ssub.s32 $0x0, s20;
	[sflag:s22] =	ssyncset.done $0x0  }
0xa0: {  	[sflag:s22] =	ssyncadd.s32 s4;
	_ =	sdelay $0x1  }
0xa1: {  	s23 =	simm.s32 $0x1B8B  }
0xa2: {  	_ =	swait.ge [sflag:s23], $0x1  }
0xa3: {  	[sflag:s23] =	ssyncset.done $0x0  }
0xa4: {  	s25 =	simm.s32 $0x1B8E;
	s24 =	sld [smem:$0x3FFE];
	[sflag:s23] =	ssyncadd.s32 $0xFFFFFFFF  }
0xa5: {  	s26 =	simm.s32 $execute0_lowered;
	[smem:$0x3FD2] =	sst s25  }
0xa6: {  	s5 =	sshll.u32 s26, $0x1;
	_ =	strace $0x80000049;
	[dreg:$0x1] =	wrdreg $0xFFFFFFFF  }
0xa7: {  	s28 =	simm.s32 $_size_execute0_lowered;
	s3 =	sadd.s32 s3, s5;
	[dreg:$0x0] =	wrdreg $0x0  }
0xa8: {  	s5 =	sshll.u32 s28, $0x1;
	[dreg:$0x2] =	wrdreg s3  }
0xa9: {  	[dreg:$0x3] =	wrdreg s5  }
0xaa: {  	[dreg:$0x4] =	wrdreg $0xC0  }
0xab: {  	_ =	task [dreg:s7], $0x5FFFF  }
0xac: {  	[dreg:$0x1] =	wrdreg $0xFFFFFFFF  }
0xad: {  	[dreg:$0x0] =	wrdreg $0x60  }
0xae: {  	[dreg:$0x2] =	wrdreg s2  }
0xaf: {  	[dreg:$0x3] =	wrdreg s24  }
0xb0: {  	[dreg:$0x4] =	wrdreg $0x41000  }
0xb1: {  	[dreg:$0x5] =	wrdreg $0x9  }
0xb2: {  	_ =	task.clear_ibuf [dreg:s7], $0x6FFFF;
	_ =	strace $0x90000049  }
0xb3: {  	s29 =	simm.s32 $0x9;
	_ =	strace $0x8000004B  }
0xb4: {  	_ =	swait.ge [sflag:s29], $0x1  }
0xb5: {  	[sflag:s29] =	ssyncadd.s32 $0xFFFFFFFF  }
0xb6: {  	_ =	strace $0x9000004B  }
0xb7: {  	_ =	sfence  }
0xb8: {  	s30 =	sld [smem:$0x0];
	_ =	sdelay $0x2  }
0xb9: {  	s31 =	sshll.u32 s1, $0xD;
	s1 =	sshrl.u32 s1, $0x2  }
0xba: {  	s3 =	sand.u32 $0x4000, s31;
	s1 =	sadd.s32 s1, s30  }
0xbb: {  	s0 =	sor.u32 s3, s0;
	s1 =	sshll.u32 s1, $0x11  }
0xbc: {  	s0 =	sor.u32 s1, s0  }
0xbd: {  	s0 =	sadd.s32 $0x8F2B, s0  }
0xbe: {  	[sflag:s0] =	ssyncadd.remote.s32 $0x1  }
0xbf: {  	_ =	sfence.sel $0xFFFF  }
0xc0: {  	[dreg:$0x0] =	wrdreg $0xFFFFFFFF;
	(pc) =	sbr.abs _section_cstart, $3  }
0xc1: {  	[dreg:$0x1] =	wrdreg $0xFFFFFFFF  }
0xc2: {  	_ =	task.clear_ibuf [dreg:s7], $0x2FFFF;
	_ =	strace $0x9FFFFFFF  }
0xc3: {  	(tm) =	ssettm $0x7FFFFFFF  }
tec
execute0_lowered:
.L_overlay_start_1:
0x0: {  	(tag) =	ssettag $0x1  }
0x1: {  	s13 =	rddreg [dreg:$0x0]  }
0x2: {  	s1 =	srdreg.scid;
	s7 =	rddreg [dreg:$0x1]  }
0x3: {  	s0 =	stileid.u32;
	s2 =	rddreg [dreg:$0x2]  }
0x4: {  	s3 =	simm.s32 $0x0;
	s16 =	simm.s32 $0x80;
	s6 =	smul.u32 $0x13C00, s0  }
0x5: {  	s17 =	simm.s32 $0x1;
	s19 =	simm.s32 $0x0;
	s9 =	smul.u32 $0x4F000, s0  }
0x6: {  	s5 =	sand.u32 $0x1, s1;
	s1 =	rddreg [dreg:$0x3];
	s28 =	smul.u32 $0x2880, s0  }
0x7: {  	[smem:$0x7FF] =	sst s3;
	s18 =	sshll.u32 s0, $0x6;
	s4 =	smul.u32 $0x13C000, s5  }
0x8: {  	_ =	strace $0x8000004A;
	s24 =	ssub.s32 $0x2, s5;
	s11 =	smul.u32 $0x28800, s5  }
0x9: {  	s18 =	sor.u32 $0x1C02, s18;
	s25 =	sshrl.u32 s9, $0x2;
	s26 =	sshrl.u32 s24, $0x1  }
0xa: {  	s5 =	sadd.s32 s6, s2;
	s4 =	sadd.s32 s6, s4;
	s12 =	sadd.s32 s25, s2  }
0xb: {  	s14 =	ssub.s32 s24, s26;
	s15 =	sadd.s32 s28, s11;
	s8 =	sshrl.u32 s4, $0x3  }
0xc: {  	s4 =	sadd.s32 $0x3600, s7;
	s6 =	sadd.s32 $0x4000, s12;
	s9 =	sadd.s32 $0x10000, s12  }
0xd: {  	s29 =	sadd.s32 $0x51000, s15;
	s11 =	smax.u32 s14, $0x1;
	s30 =	sshrl.u32 s15, $0x3  }
0xe: {  	s14 =	simm.s32 $0x100;
	s15 =	simm.s32 $0x2;
	s10 =	sadd.s32 s8, s7  }
0xf: {  	s7 =	sadd.s32 $0x8000, s12;
	s8 =	sadd.s32 $0xC000, s12;
	s31 =	sshrl.u32 s29, $0x3  }
0x10: {  	v0 =	vimm.f32 $0.0e+00;
	s12 =	sadd.s32 s30, s13;
	s10 =	sadd.s32 $0x2AE00, s10;
	s13 =	sadd.s32 s31, s13  }
.LBB2_1:
0x11: {  	s20 =	simm.s32 $0x0;
	s21 =	simm.s32 $0x200  }
.LBB2_2:
0x12: {  	p0 =	sne.s32 s21, $0xFE00;
	[tilespmem:s20+$0x170] =	vst v0  }
0x13: {  	[tilespmem:s20+$0x100] =	vst v0  }
0x14: {  	[tilespmem:s20+$0x110] =	vst v0  }
.Ltmp0:
0x15: {  	[tilespmem:s20+$0x120] =	vst v0;
	(pc) =	sbr.rel @p0 .LBB2_2-.Ltmp0, $4  }
0x16: {  	[tilespmem:s20+$0x130] =	vst v0  }
0x17: {  	[tilespmem:s20+$0x140] =	vst v0  }
0x18: {  	[tilespmem:s20+$0x150] =	vst v0  }
0x19: {  	[tilespmem:s20+$0x160] =	vst v0;
	s20 =	sshra.s32 s21, $0x2;
	s21 =	sadd.s32 $0x200, s21  }
0x1a: {  	[tilespmem:s20+$0x170] =	vst v0  }
0x1b: {  	[tilespmem:s20+$0x100] =	vst v0  }
0x1c: {  	[tilespmem:s20+$0x110] =	vst v0  }
0x1d: {  	[tilespmem:s20+$0x120] =	vst v0  }
0x1e: {  	[tilespmem:s20+$0x130] =	vst v0  }
0x1f: {  	[tilespmem:s20+$0x140] =	vst v0  }
0x20: {  	[tilespmem:s20+$0x150] =	vst v0  }
0x21: {  	[tilespmem:s20+$0x160] =	vst v0  }
0x22: {  	[spmem:s5] =	stream.linear.scatter [tilespmem:s14], [sflag:$0x2], $0x4000, $0x38;
	[tilespmem:$0x17D00] =	vst v63  }
0x23: {  	_ =	swait.ge [sflag:s15], $0x4000  }
0x24: {  	[sflag:s15] =	ssyncset.done $0x0  }
0x25: {  	[sflag:s15] =	ssyncadd.s32 $0xFFFFC000  }
0x26: {  	[spmem:s6] =	stream.linear.scatter [tilespmem:s14], [sflag:$0x2], $0x4000, $0x38;
	[tilespmem:$0x17D00] =	vst v63  }
0x27: {  	_ =	swait.ge [sflag:s15], $0x4000  }
0x28: {  	[sflag:s15] =	ssyncset.done $0x0  }
0x29: {  	[sflag:s15] =	ssyncadd.s32 $0xFFFFC000  }
0x2a: {  	[spmem:s7] =	stream.linear.scatter [tilespmem:s14], [sflag:$0x2], $0x4000, $0x38;
	[tilespmem:$0x17D00] =	vst v63  }
0x2b: {  	_ =	swait.ge [sflag:s15], $0x4000  }
0x2c: {  	[sflag:s15] =	ssyncset.done $0x0  }
0x2d: {  	[sflag:s15] =	ssyncadd.s32 $0xFFFFC000  }
0x2e: {  	[spmem:s8] =	stream.linear.scatter [tilespmem:s14], [sflag:$0x2], $0x4000, $0x38;
	[tilespmem:$0x17D00] =	vst v63  }
0x2f: {  	_ =	swait.ge [sflag:s15], $0x4000  }
0x30: {  	[sflag:s15] =	ssyncset.done $0x0  }
0x31: {  	[sflag:s15] =	ssyncadd.s32 $0xFFFFC000  }
0x32: {  	[spmem:s9] =	stream.linear.scatter [tilespmem:s14], [sflag:$0x2], $0x3C00, $0x38;
	[tilespmem:$0x17D00] =	vst v63  }
0x33: {  	_ =	swait.ge [sflag:s15], $0x3C00  }
0x34: {  	[sflag:s15] =	ssyncset.done $0x0  }
0x35: {  	[sflag:s15] =	ssyncadd.s32 $0xFFFFC400  }
0x36: {  	s30 =	sadd.s32 $0x0, s12;
	[bflag:$0x0] =	sbarrier.arrive $0xFFFF  }
0x37: {  	[tilespmem:s3], [sflag:$0x2] =	stream.linear.gather [hbm4b:s30+s3], $0x80, $0x38;
	[tilespmem:$0x17D00] =	vst v63  }
0x38: {  	_ =	swait.ge [sflag:s15], $0x80  }
0x39: {  	[sflag:s15] =	ssyncset.done $0x0  }
0x3a: {  	s31 =	sadd.s32 $0x0, s13;
	[sflag:s15] =	ssyncadd.s32 $0xFFFFFF80  }
0x3b: {  	[tilespmem:s16], [sflag:$0x2] =	stream.linear.gather [hbm4b:s31+s3], $0x80, $0x38;
	[tilespmem:$0x17D00] =	vst v63  }
0x3c: {  	_ =	swait.ge [sflag:s15], $0x80  }
0x3d: {  	[sflag:s15] =	ssyncset.done $0x0  }
0x3e: {  	[sflag:s15] =	ssyncadd.s32 $0xFFFFFF80  }
0x3f: {  	[tilespmem:s14], [sflag:$0x1] =	stream.indirect.gather [hbm4b:s4+s16], $0x80, s3, s16, $0xb8;
	[tilespmem:$0x17D00] =	vst v63  }
0x40: {  	_ =	swait.ge [sflag:s17], $0x4000  }
0x41: {  	[sflag:s17] =	ssyncset.done $0x0  }
0x42: {  	[sflag:s17] =	ssyncadd.s32 $0xFFFFC000  }
0x43: {  	[spmem:s2] =	stream.indirect.scatter.add.f32 [tilespmem:s14], [sflag:$0x2], $0x80, s16, s16, $0xb8;
	[tilespmem:$0x17D00] =	vst v63  }
0x44: {  	_ =	swait.ge [sflag:s15], $0x4000  }
0x45: {  	s20 =	simm.s32 $0x10;
	s21 =	simm.s32 $0x20;
	[sflag:s15] =	ssyncset.done $0x0  }
.LBB2_4:
0x46: {  	s22 =	sadd.s32 s20, s12  }
0x47: {  	[sflag:s15] =	ssyncadd.s32 $0xFFFFC000;
	s23 =	smov.u32 s21;
	s24 =	sadd.s32 $0x10, s21  }
0x48: {  	[tilespmem:s3], [sflag:$0x2] =	stream.linear.gather [hbm4b:s22+s3], $0x80, $0x38;
	[tilespmem:$0x17D00] =	vst v63  }
0x49: {  	p0 =	sne.s32 s21, $0x500;
	_ =	swait.ge [sflag:s15], $0x80  }
0x4a: {  	[sflag:s15] =	ssyncset.done $0x0  }
0x4b: {  	s21 =	sadd.s32 s20, s13;
	s20 =	smov.u32 s23;
	[sflag:s15] =	ssyncadd.s32 $0xFFFFFF80  }
0x4c: {  	[tilespmem:s16], [sflag:$0x2] =	stream.linear.gather [hbm4b:s21+s3], $0x80, $0x38;
	[tilespmem:$0x17D00] =	vst v63  }
0x4d: {  	_ =	swait.ge [sflag:s15], $0x80  }
0x4e: {  	[sflag:s15] =	ssyncset.done $0x0  }
0x4f: {  	[sflag:s15] =	ssyncadd.s32 $0xFFFFFF80  }
0x50: {  	[tilespmem:s14], [sflag:$0x1] =	stream.indirect.gather [hbm4b:s4+s16], $0x80, s3, s16, $0xb8;
	[tilespmem:$0x17D00] =	vst v63  }
0x51: {  	_ =	swait.ge [sflag:s17], $0x4000  }
.Ltmp1:
0x52: {  	[sflag:s17] =	ssyncset.done $0x0;
	(pc) =	sbr.rel @p0 .LBB2_4-.Ltmp1, $4  }
0x53: {  	[sflag:s17] =	ssyncadd.s32 $0xFFFFC000  }
0x54: {  	[spmem:s2] =	stream.indirect.scatter.add.f32 [tilespmem:s14], [sflag:$0x2], $0x80, s16, s16, $0xb8;
	[tilespmem:$0x17D00] =	vst v63  }
0x55: {  	_ =	swait.ge [sflag:s15], $0x4000  }
0x56: {  	s21 =	smov.u32 s24;
	[sflag:s15] =	ssyncset.done $0x0  }
0x57: {  	s21 =	sadd.s32 s20, s12;
	[sflag:s15] =	ssyncadd.s32 $0xFFFFC000  }
0x58: {  	[tilespmem:s3], [sflag:$0x2] =	stream.linear.gather [hbm4b:s21+s3], $0x80, $0x38;
	[tilespmem:$0x17D00] =	vst v63  }
0x59: {  	_ =	swait.ge [sflag:s15], $0x80  }
0x5a: {  	[sflag:s15] =	ssyncset.done $0x0  }
0x5b: {  	s30 =	sadd.s32 s20, s13;
	[sflag:s15] =	ssyncadd.s32 $0xFFFFFF80  }
0x5c: {  	[tilespmem:s16], [sflag:$0x2] =	stream.linear.gather [hbm4b:s30+s3], $0x80, $0x38;
	[tilespmem:$0x17D00] =	vst v63  }
0x5d: {  	_ =	swait.ge [sflag:s15], $0x80  }
0x5e: {  	[sflag:s15] =	ssyncset.done $0x0  }
0x5f: {  	[sflag:s15] =	ssyncadd.s32 $0xFFFFFF80  }
0x60: {  	[tilespmem:s14], [sflag:$0x1] =	stream.indirect.gather [hbm4b:s4+s16], $0x80, s3, s16, $0xb8;
	[tilespmem:$0x17D00] =	vst v63  }
0x61: {  	_ =	swait.ge [sflag:s17], $0x4000  }
0x62: {  	[sflag:s17] =	ssyncset.done $0x0  }
0x63: {  	[sflag:s17] =	ssyncadd.s32 $0xFFFFC000  }
0x64: {  	[spmem:s2] =	stream.indirect.scatter.add.f32 [tilespmem:s14], [sflag:$0x2], $0x80, s16, s16, $0xb8;
	[tilespmem:$0x17D00] =	vst v63  }
0x65: {  	_ =	swait.ge [sflag:s15], $0x4000  }
0x66: {  	s19 =	sadd.s32 $0x1, s19;
	[sflag:s15] =	ssyncset.done $0x0  }
0x67: {  	p0 =	sne.s32 s19, s11;
	[sflag:s15] =	ssyncadd.s32 $0xFFFFC000  }
.Ltmp2:
0x68: {  	s31 =	sshrl.u32 s5, $0x3;
	[bflag:$0x0] =	sbarrier.arrive $0xFFFF;
	(pc) =	sbr.rel @p0 .LBB2_1-.Ltmp2, $4  }
0x69: {  	[hbm:s10], [sflag:s18] =	dma.local [spmem:s31], $0x2780  }
0x6a: {  	_ =	swait.ge [sflag:s15], $0x2780  }
0x6b: {  	[sflag:s15] =	ssyncset.done $0x0  }
0x6c: {  	[sflag:s15] =	ssyncadd.s32 $0xFFFFD880  }
0x6d: {  	_ =	sfence.sel $0x180000  }
0x6e: {  	[bflag:$0x0] =	sbarrier.arrive $0xFFFF  }
0x6f: {  	p0 =	sne.s32 s0, $0x0;
	_ =	strace $0x9000004A  }
0x70: {  	s0 =	sadd.s32 @!p0 $0x100000, s1;
	[bflag:$0x2] =	sbarrier.arrive $0xFFFF  }
0x71: {  	[sflag:s0] =	ssyncadd.tile.s32 @!p0 $0x1;
	_ =	shalt  }
.Lfunc_end2:
_tile_overlayer_lowered:
.L_overlay_start_2:
0x72: {  	(tag) =	ssettag $0x2  }
0x73: {  	s0 =	rddreg [dreg:$0x0];
	s2 =	stileid.u32  }
0x74: {  	s1 =	rddreg [dreg:$0x1];
	p0 =	sne.s32 s2, $0x0  }
0x75: {  	s3 =	rddreg [dreg:$0x2];
	[bflag:$0x3] =	sbarrier.arrive $0xFFFF;
	s2 =	simm.s32 @!p0 $0x1C02  }
0x76: {  	[timem:s3], [sflag:s2] =	dma.local @!p0 [hbm:s0], s1  }
0x77: {  	s0 =	simm.s32 @!p0 $0x2  }
0x78: {  	_ =	swait.ge @!p0 [sflag:s0], s1  }
0x79: {  	s1 =	ssub.s32 @!p0 $0x0, s1;
	[sflag:s0] =	ssyncset.done @!p0 $0x0  }
0x7a: {  	[sflag:s0] =	ssyncadd.s32 @!p0 s1  }
0x7b: {  	[bflag:$0x3] =	sbarrier.arrive $0xFFFF  }
0x7c: {  	_ =	shalt  }

// kernel: kernel.7.cloned.1.call-start
scs
__scs_entry_jumppad:
0x0: {  	(pc) =	sbr.rel $0x88, $3  }
0x1: {  	(tag) =	ssettag $0x0;
	lr =	simm.s32 $0x1  }
0x2: {  	[smem:$0x3F90] =	sst lr;
	_ =	strace $0xD0000000  }
0x3: {  	_ = 	snop  }
0x4: {  	_ = 	snop  }
0x5: {  	_ = 	snop  }
0x6: {  	_ = 	snop  }
0x7: {  	_ = 	snop  }
__scs_overlays_trampoline_lowered:
0x8: {  	[smem:$0x3F9F] =	sst s0  }
0x9: {  	[smem:$0x3FA0] =	sst s1  }
0xa: {  	[smem:$0x3FA1] =	sst s2  }
0xb: {  	[smem:$0x3FA2] =	sst s3  }
0xc: {  	[smem:$0x3FA3] =	sst s4  }
0xd: {  	[smem:$0x3FA4] =	sst s5  }
0xe: {  	[smem:$0x3FA5] =	sst s6  }
0xf: {  	[smem:$0x3FA6] =	sst s7  }
0x10: {  	[smem:$0x3FA7] =	sst s8  }
0x11: {  	[smem:$0x3FA8] =	sst s9;
	s0 =	simm.s32 @!p0 $0x0  }
0x12: {  	s1 =	sld [smem:$0x3F8E];
	s0 =	simm.s32 @p0 $0x1  }
0x13: {  	[smem:$0x3FA9] =	sst s0;
	s0 =	simm.s32 @!p1 $0x0  }
0x14: {  	s2 =	sld [smem:$0x3F8D];
	s0 =	simm.s32 @p1 $0x1  }
0x15: {  	[smem:$0x3FAA] =	sst s0;
	s0 =	simm.s32 @!p2 $0x0  }
0x16: {  	s3 =	sld [smem:$0x3FDB];
	s0 =	simm.s32 @p2 $0x1  }
0x17: {  	s4 =	simm.s32 $0x1BF5;
	[smem:$0x3FAC] =	sst s0  }
0x18: {  	s0 =	sld [smem:$0x3F8F];
	_ =	swait.ge [sflag:s4], $0x0  }
0x19: {  	s7 =	sld [smem:$0x3F90]  }
0x1a: {  	s8 =	sadd.s32 $0xFFFFE003, lr  }
0x1b: {  	s9 =	sadd.s32 $0xFFFFFEF7, lr;
	s5 =	simm.s32 $0xFFFFFFFF;
	p2 =	slt.u32 s8, $0xFFFFF086  }
0x1c: {  	p1 =	slt.u32 s9, $0xF7A;
	s5 =	simm.s32 @!p2 $0x0  }
0x1d: {  	s5 =	simm.s32 @p1 $0x1;
	p0 =	seq.s32 s7, s2  }
0x1e: {  	s7 =	smul.u32 @!p0 $0xF7A, s2;
	p2 =	seq.s32 @!p0 s5, $0x0  }
0x1f: {  	s9 =	smul.u32 $0xF7A, s1;
	s8 =	simm.s32 @!p0 $0x1BF5;
	p2 =	por !p2, p0  }
0x20: {  	[sflag:s8] =	ssyncset.s32 @!p0 $0xFFFFF086;
	s6 =	sadd.s32 @!p0 s3, s7;
	s7 =	simm.s32 @!p0 $0x108  }
0x21: {  	s3 =	sadd.s32 s3, s9;
	s6 =	sadd.s32 @!p0 $0x88, s6;
	s7 =	simm.s32 @p2 $0x1082  }
0x22: {  	[simem:s7], [sflag:s8] =	dma.local @!p0 [hbm:s6], $0xF7A  }
0x23: {  	s9 =	sor.u32 $0xD0000000, s2;
	s6 =	simm.s32 $0x108;
	_ =	swait.ge @!p0 [sflag:s8], $0x0  }
0x24: {  	s3 =	sadd.s32 $0x88, s3;
	s6 =	simm.s32 @!p1 $0x1082;
	[sflag:s4] =	ssyncset.s32 $0xFFFFF086  }
0x25: {  	[simem:s6], [sflag:s4] =	dma.local [hbm:s3], $0xF7A  }
0x26: {  	[smem:$0x3F90] =	sst s1;
	(tag) =	ssettag s2;
	_ =	strace s9  }
0x27: {  	s1 =	sld [smem:$0x3FA0]  }
0x28: {  	s2 =	sld [smem:$0x3FA1]  }
0x29: {  	s4 =	sld [smem:$0x3FA3]  }
0x2a: {  	p0 =	seq.s32 s5, $0x0;
	s5 =	sld [smem:$0x3FA4]  }
0x2b: {  	s6 =	sld [smem:$0x3FA5]  }
0x2c: {  	s7 =	sld [smem:$0x3FA6]  }
0x2d: {  	s3 =	simm.s32 $0x108;
	s8 =	sld [smem:$0x3FA7]  }
0x2e: {  	s3 =	simm.s32 @!p0 $0x1082;
	s9 =	sld [smem:$0x3FA8]  }
0x2f: {  	lr =	sadd.s32 s0, s3;
	s0 =	sld [smem:$0x3F9F]  }
0x30: {  	s3 =	sld [smem:$0x3FA2]  }
0x31: {  	[smem:$0x3FAB] =	sst s10  }
0x32: {  	s10 =	sld [smem:$0x3FA9];
	_ =	sdelay $0x3  }
0x33: {  	p0 =	seq.s32 s10, $0x1;
	s10 =	sld [smem:$0x3FAB];
	_ =	sdelay $0x3  }
0x34: {  	[smem:$0x3FAB] =	sst s10  }
0x35: {  	s10 =	sld [smem:$0x3FAA];
	_ =	sdelay $0x3  }
0x36: {  	p1 =	seq.s32 s10, $0x1;
	s10 =	sld [smem:$0x3FAB];
	_ =	sdelay $0x3  }
0x37: {  	[smem:$0x3FAB] =	sst s10  }
0x38: {  	s10 =	sld [smem:$0x3FAC]  }
0x39: {  	_ = 	snop;
	(pc) =	sbr.ind lr, $3  }
0x3a: {  	_ = 	snop  }
0x3b: {  	_ = 	snop  }
0x3c: {  	p2 =	seq.s32 s10, $0x1;
	s10 =	sld [smem:$0x3FAB]  }
0x3d: {  	_ =	shalt  }
0x3e: {  	_ =	shalt  }
0x3f: {  	_ =	shalt  }
0x40: {  	_ =	shalt  }
0x41: {  	_ =	shalt  }
0x42: {  	_ =	shalt  }
0x43: {  	_ =	shalt  }
0x44: {  	_ =	shalt  }
0x45: {  	_ =	shalt  }
0x46: {  	_ =	shalt  }
0x47: {  	_ =	shalt  }
0x48: {  	_ =	shalt  }
0x49: {  	_ =	shalt  }
0x4a: {  	_ =	shalt  }
0x4b: {  	_ =	shalt  }
0x4c: {  	_ =	shalt  }
0x4d: {  	_ =	shalt  }
0x4e: {  	_ =	shalt  }
0x4f: {  	_ =	shalt  }
0x50: {  	_ =	shalt  }
0x51: {  	_ =	shalt  }
0x52: {  	_ =	shalt  }
0x53: {  	_ =	shalt  }
0x54: {  	_ =	shalt  }
0x55: {  	_ =	shalt  }
0x56: {  	_ =	shalt  }
0x57: {  	_ =	shalt  }
0x58: {  	_ =	shalt  }
0x59: {  	_ =	shalt  }
0x5a: {  	_ =	shalt  }
0x5b: {  	_ =	shalt  }
0x5c: {  	_ =	shalt  }
0x5d: {  	_ =	shalt  }
0x5e: {  	_ =	shalt  }
0x5f: {  	_ =	shalt  }
0x60: {  	_ =	shalt  }
0x61: {  	_ =	shalt  }
0x62: {  	_ =	shalt  }
0x63: {  	_ =	shalt  }
0x64: {  	_ =	shalt  }
0x65: {  	_ =	shalt  }
0x66: {  	_ =	shalt  }
0x67: {  	_ =	shalt  }
0x68: {  	_ =	shalt  }
0x69: {  	_ =	shalt  }
0x6a: {  	_ =	shalt  }
0x6b: {  	_ =	shalt  }
0x6c: {  	_ =	shalt  }
0x6d: {  	_ =	shalt  }
0x6e: {  	_ =	shalt  }
0x6f: {  	_ =	shalt  }
0x70: {  	_ =	shalt  }
0x71: {  	_ =	shalt  }
0x72: {  	_ =	shalt  }
0x73: {  	_ =	shalt  }
0x74: {  	_ =	shalt  }
0x75: {  	_ =	shalt  }
0x76: {  	_ =	shalt  }
0x77: {  	_ =	shalt  }
0x78: {  	_ =	shalt  }
0x79: {  	_ =	shalt  }
0x7a: {  	_ =	shalt  }
0x7b: {  	_ =	shalt  }
0x7c: {  	_ =	shalt  }
0x7d: {  	_ =	shalt  }
0x7e: {  	_ =	shalt  }
0x7f: {  	_ =	shalt  }
0x80: {  	_ =	shalt  }
0x81: {  	_ =	shalt  }
0x82: {  	_ =	shalt  }
0x83: {  	_ =	shalt  }
0x84: {  	_ =	shalt  }
0x85: {  	_ =	shalt  }
0x86: {  	_ =	shalt  }
0x87: {  	_ =	shalt  }
.Lfunc_end0:
.L_simem_size_0:
called_computation_lowered:
.L_overlay_start_0:
0x88: {  	s2 =	sld [smem:$0x3FD9]  }
0x89: {  	s3 =	sld [smem:$0x3FFE];
	_ =	sdelay $0x1  }
0x8a: {  	s1 =	srdreg.scid  }
0x8b: {  	s0 =	sand.u32 $0x1, s1  }
0x8c: {  	s17 =	sshll.u32 s0, $0xA;
	s2 =	sadd.s32 s3, s2  }
0x8d: {  	s2 =	sadd.s32 s2, s17  }
0x8e: {  	[smem:$0x3FB7] =	sst s2  }
0x8f: {  	_ = 	snop  }
0x90: {  	s2 =	sld [smem:$0x3FD0];
	(tm) =	ssettm $0x1  }
0x91: {  	s18 =	sld [smem:$0x3FFB];
	_ =	sdelay $0x3  }
0x92: {  	_ =	strace s18  }
0x93: {  	s3 =	sld [smem:$0x3FFC];
	_ =	sdelay $0x3  }
0x94: {  	_ =	strace s3  }
0x95: {  	s3 =	sld [smem:$0x3FFD];
	_ =	sdelay $0x3  }
0x96: {  	_ =	strace s3  }
0x97: {  	_ =	strace $0x8FFFFFFF  }
0x98: {  	s19 =	sld [smem:$0x3FDB];
	_ =	sdelay $0x1  }
0x99: {  	s4 =	simm.s32 $_scs_section_size  }
0x9a: {  	s5 =	simm.s32 $_size__tile_overlayer_lowered;
	s6 =	simm.s32 $_tile_overlayer_lowered  }
0x9b: {  	s22 =	simm.s32 $0x1BFF;
	s21 =	sshll.u32 s6, $0x1;
	s3 =	sadd.s32 s4, s19  }
0x9c: {  	s7 =	simm.s32 $0x0;
	s20 =	sshll.u32 s5, $0x1;
	s5 =	sadd.s32 s21, s3  }
0x9d: {  	[timem:s7], [sflag:s22] =	dma.local [hbm:s5], s20  }
0x9e: {  	_ =	swait.ge [sflag:s22], s20  }
0x9f: {  	s4 =	ssub.s32 $0x0, s20;
	[sflag:s22] =	ssyncset.done $0x0  }
0xa0: {  	[sflag:s22] =	ssyncadd.s32 s4;
	_ =	sdelay $0x1  }
0xa1: {  	s23 =	simm.s32 $0x1B8B  }
0xa2: {  	_ =	swait.ge [sflag:s23], $0x1  }
0xa3: {  	[sflag:s23] =	ssyncset.done $0x0  }
0xa4: {  	s25 =	simm.s32 $0x1B8E;
	s24 =	sld [smem:$0x3FFE];
	[sflag:s23] =	ssyncadd.s32 $0xFFFFFFFF  }
0xa5: {  	s26 =	simm.s32 $execute0_lowered;
	[smem:$0x3FD2] =	sst s25  }
0xa6: {  	s5 =	sshll.u32 s26, $0x1;
	_ =	strace $0x80000046;
	[dreg:$0x1] =	wrdreg $0xFFFFFFFF  }
0xa7: {  	s28 =	simm.s32 $_size_execute0_lowered;
	s3 =	sadd.s32 s3, s5;
	[dreg:$0x0] =	wrdreg $0x0  }
0xa8: {  	s5 =	sshll.u32 s28, $0x1;
	[dreg:$0x2] =	wrdreg s3  }
0xa9: {  	[dreg:$0x3] =	wrdreg s5  }
0xaa: {  	[dreg:$0x4] =	wrdreg $0xC0  }
0xab: {  	_ =	task [dreg:s7], $0x5FFFF  }
0xac: {  	[dreg:$0x1] =	wrdreg $0xFFFFFFFF  }
0xad: {  	[dreg:$0x0] =	wrdreg $0x60  }
0xae: {  	[dreg:$0x2] =	wrdreg s2  }
0xaf: {  	[dreg:$0x3] =	wrdreg s24  }
0xb0: {  	[dreg:$0x4] =	wrdreg $0x99000  }
0xb1: {  	[dreg:$0x5] =	wrdreg $0x1D5000  }
0xb2: {  	[dreg:$0x6] =	wrdreg $0x9  }
0xb3: {  	_ =	task.clear_ibuf [dreg:s7], $0x7FFFF;
	_ =	strace $0x90000046  }
0xb4: {  	s29 =	simm.s32 $0x9;
	_ =	strace $0x80000048  }
0xb5: {  	_ =	swait.ge [sflag:s29], $0x1  }
0xb6: {  	[sflag:s29] =	ssyncadd.s32 $0xFFFFFFFF  }
0xb7: {  	_ =	strace $0x90000048  }
0xb8: {  	_ =	sfence  }
0xb9: {  	s30 =	sld [smem:$0x0];
	_ =	sdelay $0x2  }
0xba: {  	s31 =	sshll.u32 s1, $0xD;
	s1 =	sshrl.u32 s1, $0x2  }
0xbb: {  	s3 =	sand.u32 $0x4000, s31;
	s1 =	sadd.s32 s1, s30  }
0xbc: {  	s0 =	sor.u32 s3, s0;
	s1 =	sshll.u32 s1, $0x11  }
0xbd: {  	s0 =	sor.u32 s1, s0  }
0xbe: {  	s0 =	sadd.s32 $0x8F2B, s0  }
0xbf: {  	[sflag:s0] =	ssyncadd.remote.s32 $0x1  }
0xc0: {  	_ =	sfence.sel $0xFFFF  }
0xc1: {  	[dreg:$0x0] =	wrdreg $0xFFFFFFFF;
	(pc) =	sbr.abs _section_cstart, $3  }
0xc2: {  	[dreg:$0x1] =	wrdreg $0xFFFFFFFF  }
0xc3: {  	_ =	task.clear_ibuf [dreg:s7], $0x2FFFF;
	_ =	strace $0x9FFFFFFF  }
0xc4: {  	(tm) =	ssettm $0x7FFFFFFF  }
0xc5: {  	_ =	shalt  }
tec
execute0_lowered:
.L_overlay_start_1:
0x0: {  	(tag) =	ssettag $0x1  }
0x1: {  	s1 =	rddreg [dreg:$0x0]  }
0x2: {  	s0 =	rddreg [dreg:$0x1]  }
0x3: {  	s3 =	rddreg [dreg:$0x2]  }
0x4: {  	s4 =	rddreg [dreg:$0x3]  }
0x5: {  	s2 =	srdreg.scid;
	s17 =	stileid.u32;
	s5 =	simm.s32 $0x0  }
0x6: {  	s28 =	simm.s32 $0x80;
	s29 =	simm.s32 $0x100;
	s30 =	simm.s32 $0x1  }
0x7: {  	s31 =	simm.s32 $0x4900;
	s2 =	sand.u32 $0x1, s2;
	s11 =	smul.u32 $0x13C00, s17  }
0x8: {  	[smem:$0x7FF] =	sst s5;
	s6 =	sadd.s32 $0x3600, s0;
	s12 =	smul.u32 $0x2780, s17  }
0x9: {  	s7 =	sadd.s32 $0x9FA00, s0;
	s9 =	sadd.s32 $0x2F600, s0;
	s8 =	smul.u32 $0x13C000, s2  }
0xa: {  	_ =	strace $0x80000047;
	s13 =	smul.u32 $0x27800, s2;
	s18 =	ssub.s32 $0x2, s2  }
0xb: {  	p0 =	seq.s32 s2, $0x1;
	s15 =	sshrl.u32 s18, $0x1;
	s10 =	sadd.s32 s11, s8  }
0xc: {  	s8 =	sadd.s32 $0x34600, s0;
	s16 =	sadd.s32 s12, s13;
	s10 =	sshrl.u32 s10, $0x3  }
0xd: {  	s14 =	sadd.s32 s10, s0;
	s10 =	sshrl.u32 s16, $0x3;
	s16 =	smul.u32 $0x278, s17  }
0xe: {  	s13 =	ssub.s32 s18, s15;
	s11 =	sadd.s32 s11, s3;
	s12 =	sadd.s32 s12, s4  }
0xf: {  	s0 =	sadd.s32 s10, s0;
	s10 =	smul.u32 $0x5100, s17;
	s19 =	sadd.s32 $0x80, s16  }
0x10: {  	s18 =	sadd.s32 $0x100, s16;
	s23 =	sadd.s32 $0x180, s16;
	s16 =	sadd.s32 $0x200, s16  }
0x11: {  	s20 =	sshll.u32 s19, $0x7;
	s15 =	sshll.u32 s19, $0x4;
	s21 =	sshll.u32 s18, $0x7  }
0x12: {  	s22 =	sshll.u32 s18, $0x4;
	s24 =	sshll.u32 s23, $0x7;
	s25 =	sshll.u32 s23, $0x4  }
0x13: {  	s19 =	sshll.u32 s16, $0x7;
	s26 =	sshll.u32 s16, $0x4;
	s23 =	smax.u32 s13, $0x1  }
0x14: {  	s17 =	sadd.s32 s20, s3;
	s15 =	sadd.s32 s15, s4;
	s18 =	sadd.s32 s25, s4  }
.Ltmp0:
0x15: {  	s19 =	sadd.s32 s19, s3;
	s20 =	sadd.s32 s26, s4;
	(pc) =	sbr.rel .LBB2_1-.Ltmp0, $4  }
0x16: {  	s25 =	simm.s32 $0x2;
	s26 =	simm.s32 $0x9100;
	[dreg:$0x5] =	wrdreg s17  }
0x17: {  	[dreg:$0x6] =	wrdreg s15;
	s15 =	sadd.s32 s21, s3;
	s17 =	sadd.s32 s24, s3  }
0x18: {  	v0 =	vimm.f32 $0.0e+00;
	vm0 =	vcmask $0x300;
	vm1 =	vcmask $0x704;
	s21 =	sadd.s32 $0x43400, s14;
	[dreg:$0x7] =	wrdreg s15;
	s15 =	sadd.s32 s22, s4  }
0x19: {  	v1 =	vsel vm0, $0x3F800000, v0;
	v2 =	vsel vm1, $0x3F800000, v0;
	s24 =	simm.s32 $0x5100;
	s22 =	sadd.s32 $0x39600, s0;
	[dreg:$0x8] =	wrdreg s15  }
.LBB2_10:
0x1a: {  	s0 =	stileid.u32  }
0x1b: {  	s0 =	sshll.u32 s0, $0x6  }
0x1c: {  	[bflag:$0x0] =	sbarrier.arrive $0xFFFF;
	s2 =	sshrl.u32 s11, $0x3;
	s0 =	sor.u32 $0x1C02, s0  }
0x1d: {  	[hbm:s21], [sflag:s0] =	dma.local [spmem:s2], $0x2780  }
0x1e: {  	s5 =	sadd.s32 $0x1, s5;
	_ =	swait.ge [sflag:s25], $0x2780  }
0x1f: {  	p1 =	sne.s32 s5, s23;
	[sflag:s25] =	ssyncset.done $0x0  }
.Ltmp1:
0x20: {  	s16 =	sshrl.u32 s12, $0x3;
	[sflag:s25] =	ssyncadd.s32 $0xFFFFD880;
	(pc) =	sbr.rel @!p1 .LBB2_11-.Ltmp1, $4  }
0x21: {  	[hbm:s22], [sflag:s0] =	dma.local [spmem:s16], $0x4F0  }
0x22: {  	_ =	swait.ge [sflag:s25], $0x4F0  }
0x23: {  	[sflag:s25] =	ssyncset.done $0x0  }
0x24: {  	[sflag:s25] =	ssyncadd.s32 $0xFFFFFB10  }
.LBB2_1:
0x25: {  	s0 =	simm.s32 $0x5140  }
0x26: {  	[tilespmem:s0+$0xFFFFFFD0] =	vst v0  }
0x27: {  	[tilespmem:s0+$0xFFFFFFE0] =	vst v0  }
0x28: {  	[tilespmem:s0+$0xFFFFFFF0] =	vst v0  }
0x29: {  	[tilespmem:s0+$0x0] =	vst v0  }
0x2a: {  	[tilespmem:s0+$0x10] =	vst v0  }
0x2b: {  	[tilespmem:s0+$0x20] =	vst v0  }
0x2c: {  	[tilespmem:s0+$0x30] =	vst v0  }
0x2d: {  	s13 =	simm.s32 $0x0;
	s2 =	simm.s32 $0x40;
	[tilespmem:s0+$0xFFFFFFC0] =	vst v0  }
.LBB2_2:
0x2e: {  	p1 =	sne.s32 s2, $0x1FC0;
	[tilespmem:s13+$0x9100] =	vst v0;
	s0 =	sadd.s32 $0x80, s0  }
0x2f: {  	[tilespmem:s0+$0xFFFFFFD0] =	vst v0  }
0x30: {  	[tilespmem:s0+$0xFFFFFFE0] =	vst v0  }
0x31: {  	[tilespmem:s0+$0xFFFFFFF0] =	vst v0  }
.Ltmp2:
0x32: {  	[tilespmem:s0+$0x0] =	vst v0;
	(pc) =	sbr.rel @p1 .LBB2_2-.Ltmp2, $4  }
0x33: {  	[tilespmem:s0+$0x10] =	vst v0  }
0x34: {  	[tilespmem:s0+$0x20] =	vst v0  }
0x35: {  	[tilespmem:s0+$0x30] =	vst v0  }
0x36: {  	s13 =	sshra.s32 s2, $0x2;
	s2 =	sadd.s32 $0x40, s2;
	[tilespmem:s0+$0xFFFFFFC0] =	vst v0  }
0x37: {  	[tilespmem:s13+$0x9100] =	vst v0  }
0x38: {  	[spmem:s11] =	stream.linear.scatter [tilespmem:s24], [sflag:$0x2], $0x4000, $0x38;
	[tilespmem:$0x1FC80] =	vst v63  }
0x39: {  	_ =	swait.ge [sflag:s25], $0x4000  }
0x3a: {  	[sflag:s25] =	ssyncset.done $0x0  }
0x3b: {  	[sflag:s25] =	ssyncadd.s32 $0xFFFFC000  }
0x3c: {  	[spmem:s12] =	stream.linear.scatter [tilespmem:s26], [sflag:$0x2], $0x800, $0x38;
	[tilespmem:$0x1FC80] =	vst v63  }
0x3d: {  	_ =	swait.ge [sflag:s25], $0x800  }
0x3e: {  	[sflag:s25] =	ssyncset.done $0x0  }
0x3f: {  	s0 =	rddreg [dreg:$0x5];
	[sflag:s25] =	ssyncadd.s32 $0xFFFFF800  }
0x40: {  	[spmem:s0] =	stream.linear.scatter [tilespmem:s24], [sflag:$0x2], $0x4000, $0x38;
	[tilespmem:$0x1FC80] =	vst v63  }
0x41: {  	_ =	swait.ge [sflag:s25], $0x4000  }
0x42: {  	[sflag:s25] =	ssyncset.done $0x0  }
0x43: {  	s14 =	rddreg [dreg:$0x6];
	[sflag:s25] =	ssyncadd.s32 $0xFFFFC000  }
0x44: {  	[spmem:s14] =	stream.linear.scatter [tilespmem:s26], [sflag:$0x2], $0x800, $0x38;
	[tilespmem:$0x1FC80] =	vst v63  }
0x45: {  	_ =	swait.ge [sflag:s25], $0x800  }
0x46: {  	[sflag:s25] =	ssyncset.done $0x0  }
0x47: {  	s15 =	rddreg [dreg:$0x7];
	[sflag:s25] =	ssyncadd.s32 $0xFFFFF800  }
0x48: {  	[spmem:s15] =	stream.linear.scatter [tilespmem:s24], [sflag:$0x2], $0x4000, $0x38;
	[tilespmem:$0x1FC80] =	vst v63  }
0x49: {  	_ =	swait.ge [sflag:s25], $0x4000  }
0x4a: {  	[sflag:s25] =	ssyncset.done $0x0  }
0x4b: {  	s16 =	rddreg [dreg:$0x8];
	[sflag:s25] =	ssyncadd.s32 $0xFFFFC000  }
0x4c: {  	[spmem:s16] =	stream.linear.scatter [tilespmem:s26], [sflag:$0x2], $0x800, $0x38;
	[tilespmem:$0x1FC80] =	vst v63  }
0x4d: {  	_ =	swait.ge [sflag:s25], $0x800  }
0x4e: {  	[sflag:s25] =	ssyncset.done $0x0  }
0x4f: {  	[sflag:s25] =	ssyncadd.s32 $0xFFFFF800  }
0x50: {  	[spmem:s17] =	stream.linear.scatter [tilespmem:s24], [sflag:$0x2], $0x4000, $0x38;
	[tilespmem:$0x1FC80] =	vst v63  }
0x51: {  	_ =	swait.ge [sflag:s25], $0x4000  }
0x52: {  	[sflag:s25] =	ssyncset.done $0x0  }
0x53: {  	[sflag:s25] =	ssyncadd.s32 $0xFFFFC000  }
0x54: {  	[spmem:s18] =	stream.linear.scatter [tilespmem:s26], [sflag:$0x2], $0x800, $0x38;
	[tilespmem:$0x1FC80] =	vst v63  }
0x55: {  	_ =	swait.ge [sflag:s25], $0x800  }
0x56: {  	[sflag:s25] =	ssyncset.done $0x0  }
0x57: {  	[sflag:s25] =	ssyncadd.s32 $0xFFFFF800  }
0x58: {  	[spmem:s19] =	stream.linear.scatter [tilespmem:s24], [sflag:$0x2], $0x3C00, $0x38;
	[tilespmem:$0x1FC80] =	vst v63  }
0x59: {  	_ =	swait.ge [sflag:s25], $0x3C00  }
0x5a: {  	[sflag:s25] =	ssyncset.done $0x0  }
0x5b: {  	[sflag:s25] =	ssyncadd.s32 $0xFFFFC400  }
0x5c: {  	[spmem:s20] =	stream.linear.scatter [tilespmem:s26], [sflag:$0x2], $0x780, $0x38;
	[tilespmem:$0x1FC80] =	vst v63  }
.Ltmp3:
0x5d: {  	_ =	swait.ge [sflag:s25], $0x780;
	(pc) =	sbr.rel @!p0 .LBB2_4-.Ltmp3, $4  }
0x5e: {  	[sflag:s25] =	ssyncset.done $0x0  }
0x5f: {  	[sflag:s25] =	ssyncadd.s32 $0xFFFFF880  }
0x60: {  	[bflag:$0x0] =	sbarrier.arrive $0xFFFF  }
0x61: {  	s2 =	simm.s32 $0x0;
	s13 =	simm.s32 $0x0;
	s0 =	simm.s32 $0x0  }
.LBB2_7:
0x62: {  	s2 =	sshll.u32 s13, $0x7  }
0x63: {  	s2 =	sadd.s32 s10, s2  }
0x64: {  	s2 =	sshrl.u32 s2, $0x3  }
0x65: {  	s2 =	sadd.s32 s1, s2  }
0x66: {  	[tilespmem:s0], [sflag:$0x2] =	stream.linear.gather [hbm4b:s2+s0], $0x80, $0x38;
	[tilespmem:$0x1FC80] =	vst v63  }
0x67: {  	_ =	swait.ge [sflag:s25], $0x80  }
0x68: {  	[sflag:s25] =	ssyncset.done $0x0  }
0x69: {  	s2 =	sadd.s32 $0xA200, s2;
	[sflag:s25] =	ssyncadd.s32 $0xFFFFFF80  }
0x6a: {  	[tilespmem:s28], [sflag:$0x2] =	stream.linear.gather [hbm4b:s2+s0], $0x80, $0x38;
	[tilespmem:$0x1FC80] =	vst v63  }
0x6b: {  	_ =	swait.ge [sflag:s25], $0x80  }
0x6c: {  	[sflag:s25] =	ssyncset.done $0x0  }
0x6d: {  	[sflag:s25] =	ssyncadd.s32 $0xFFFFFF80  }
0x6e: {  	[tilespmem:s29], [sflag:$0x1] =	stream.indirect.gather [hbm4b:s7+s28], $0x90, s0, s28, $0xb8;
	[tilespmem:$0x1FC80] =	vst v63  }
0x6f: {  	_ =	swait.ge [sflag:s30], $0x4800  }
0x70: {  	[sflag:s30] =	ssyncset.done $0x0  }
0x71: {  	[sflag:s30] =	ssyncadd.s32 $0xFFFFB800  }
0x72: {  	[tilespmem:s31], [sflag:$0x1] =	stream.indirect.gather [hbm4b:s9+s28], $0x10, s28, s28, $0xb8;
	[tilespmem:$0x1FC80] =	vst v63  }
0x73: {  	_ =	swait.ge [sflag:s30], $0x800  }
0x74: {  	s14 =	simm.s32 $0x5300;
	[sflag:s30] =	ssyncset.done $0x0  }
0x75: {  	s15 =	simm.s32 $0x0;
	s2 =	simm.s32 $0x340;
	[sflag:s30] =	ssyncadd.s32 $0xFFFFF800  }
.LBB2_8:
0x76: {  	v3 =	vld [tilespmem:s2+$0xFFFFFE40];
	s16 =	sshra.s32 s15, $0x2  }
0x77: {  	v4 =	vld [tilespmem:s16+$0x4900];
	_ =	sdelay $0x4  }
0x78: {  	v3 =	vadd.f32 v4, v3;
	_ =	sdelay $0x1  }
0x79: {  	v4 =	vmul.f32 $2.000000030e-01, v3  }
0x7a: {  	vm0 =	vge.f32 v3, $0.0e+00  }
0x7b: {  	v3 =	vsel vm0, v3, v4  }
0x7c: {  	v3 =	vmul.f32 $1.442695020e+00, v3;
	_ =	sdelay $0x1  }
0x7d: {  	(erf) = vpow2.f32 v3;
	_ =	sdelay $0x8  }
0x7e: {  	v3 =	vpop (erf)  }
0x7f: {  	v49 =	vmul.f32 v1, v3;
	_ =	sdelay $0x1  }
0x80: {  	v4 =	vadd.f32 v2, v49;
	_ =	sdelay $0x1  }
0x81: {  	[tilespmem:s16+$0x9100] =	vst v4  }
0x82: {  	v4 =	vld [tilespmem:s2+$0xFFFFFDC0];
	_ =	sdelay $0x4  }
0x83: {  	v4 =	vmul.f32 v3, v4;
	_ =	sdelay $0x1  }
0x84: {  	[tilespmem:s14+$0xFFFFFE00] =	vst v4  }
0x85: {  	v4 =	vld [tilespmem:s2+$0xFFFFFDD0];
	_ =	sdelay $0x4  }
0x86: {  	v4 =	vmul.f32 v3, v4;
	_ =	sdelay $0x1  }
0x87: {  	[tilespmem:s14+$0xFFFFFE10] =	vst v4  }
0x88: {  	v4 =	vld [tilespmem:s2+$0xFFFFFDE0];
	_ =	sdelay $0x4  }
0x89: {  	v4 =	vmul.f32 v4, v3;
	_ =	sdelay $0x1  }
0x8a: {  	[tilespmem:s14+$0xFFFFFE20] =	vst v4  }
0x8b: {  	v4 =	vld [tilespmem:s2+$0xFFFFFDF0];
	_ =	sdelay $0x4  }
0x8c: {  	v4 =	vmul.f32 v4, v3;
	_ =	sdelay $0x1  }
0x8d: {  	[tilespmem:s14+$0xFFFFFE30] =	vst v4  }
0x8e: {  	v4 =	vld [tilespmem:s2+$0xFFFFFE00];
	_ =	sdelay $0x4  }
0x8f: {  	v4 =	vmul.f32 v4, v3;
	_ =	sdelay $0x1  }
0x90: {  	[tilespmem:s14+$0xFFFFFE40] =	vst v4  }
0x91: {  	v4 =	vld [tilespmem:s2+$0xFFFFFE10];
	_ =	sdelay $0x4  }
0x92: {  	v4 =	vmul.f32 v4, v3;
	_ =	sdelay $0x1  }
0x93: {  	[tilespmem:s14+$0xFFFFFE50] =	vst v4  }
0x94: {  	v4 =	vld [tilespmem:s2+$0xFFFFFE20];
	_ =	sdelay $0x4  }
0x95: {  	v4 =	vmul.f32 v4, v3;
	_ =	sdelay $0x1  }
0x96: {  	[tilespmem:s14+$0xFFFFFE60] =	vst v4  }
0x97: {  	v4 =	vld [tilespmem:s2+$0xFFFFFE30];
	_ =	sdelay $0x4  }
0x98: {  	v3 =	vmul.f32 v4, v3;
	_ =	sdelay $0x1  }
0x99: {  	[tilespmem:s14+$0xFFFFFE70] =	vst v3  }
0x9a: {  	v3 =	vld [tilespmem:s2+$0xFFFFFED0]  }
0x9b: {  	v50 =	vld [tilespmem:s16+$0x4910];
	_ =	sdelay $0x4  }
0x9c: {  	v3 =	vadd.f32 v50, v3;
	_ =	sdelay $0x1  }
0x9d: {  	v4 =	vmul.f32 $2.000000030e-01, v3  }
0x9e: {  	vm9 =	vge.f32 v3, $0.0e+00  }
0x9f: {  	v3 =	vsel vm9, v3, v4  }
0xa0: {  	v3 =	vmul.f32 $1.442695020e+00, v3;
	_ =	sdelay $0x1  }
0xa1: {  	(erf) = vpow2.f32 v3;
	_ =	sdelay $0x8  }
0xa2: {  	v3 =	vpop (erf)  }
0xa3: {  	v51 =	vmul.f32 v1, v3;
	_ =	sdelay $0x1  }
0xa4: {  	v4 =	vadd.f32 v2, v51;
	_ =	sdelay $0x1  }
0xa5: {  	[tilespmem:s16+$0x9110] =	vst v4  }
0xa6: {  	v4 =	vld [tilespmem:s2+$0xFFFFFE50];
	_ =	sdelay $0x4  }
0xa7: {  	v4 =	vmul.f32 v3, v4;
	_ =	sdelay $0x1  }
0xa8: {  	[tilespmem:s14+$0xFFFFFE80] =	vst v4  }
0xa9: {  	v4 =	vld [tilespmem:s2+$0xFFFFFE60];
	_ =	sdelay $0x4  }
0xaa: {  	v4 =	vmul.f32 v3, v4;
	_ =	sdelay $0x1  }
0xab: {  	[tilespmem:s14+$0xFFFFFE90] =	vst v4  }
0xac: {  	v4 =	vld [tilespmem:s2+$0xFFFFFE70];
	_ =	sdelay $0x4  }
0xad: {  	v4 =	vmul.f32 v4, v3;
	_ =	sdelay $0x1  }
0xae: {  	[tilespmem:s14+$0xFFFFFEA0] =	vst v4  }
0xaf: {  	v4 =	vld [tilespmem:s2+$0xFFFFFE80];
	_ =	sdelay $0x4  }
0xb0: {  	v4 =	vmul.f32 v4, v3;
	_ =	sdelay $0x1  }
0xb1: {  	[tilespmem:s14+$0xFFFFFEB0] =	vst v4  }
0xb2: {  	v4 =	vld [tilespmem:s2+$0xFFFFFE90];
	_ =	sdelay $0x4  }
0xb3: {  	v4 =	vmul.f32 v4, v3;
	_ =	sdelay $0x1  }
0xb4: {  	[tilespmem:s14+$0xFFFFFEC0] =	vst v4  }
0xb5: {  	v4 =	vld [tilespmem:s2+$0xFFFFFEA0];
	_ =	sdelay $0x4  }
0xb6: {  	v4 =	vmul.f32 v4, v3;
	_ =	sdelay $0x1  }
0xb7: {  	[tilespmem:s14+$0xFFFFFED0] =	vst v4  }
0xb8: {  	v4 =	vld [tilespmem:s2+$0xFFFFFEB0];
	_ =	sdelay $0x4  }
0xb9: {  	v4 =	vmul.f32 v4, v3;
	_ =	sdelay $0x1  }
0xba: {  	[tilespmem:s14+$0xFFFFFEE0] =	vst v4  }
0xbb: {  	v4 =	vld [tilespmem:s2+$0xFFFFFEC0];
	_ =	sdelay $0x4  }
0xbc: {  	v3 =	vmul.f32 v4, v3;
	_ =	sdelay $0x1  }
0xbd: {  	[tilespmem:s14+$0xFFFFFEF0] =	vst v3  }
0xbe: {  	v3 =	vld [tilespmem:s2+$0xFFFFFF60]  }
0xbf: {  	v52 =	vld [tilespmem:s16+$0x4920];
	_ =	sdelay $0x4  }
0xc0: {  	v3 =	vadd.f32 v52, v3;
	_ =	sdelay $0x1  }
0xc1: {  	v4 =	vmul.f32 $2.000000030e-01, v3  }
0xc2: {  	vm10 =	vge.f32 v3, $0.0e+00  }
0xc3: {  	v3 =	vsel vm10, v3, v4  }
0xc4: {  	v3 =	vmul.f32 $1.442695020e+00, v3;
	_ =	sdelay $0x1  }
0xc5: {  	(erf) = vpow2.f32 v3;
	_ =	sdelay $0x8  }
0xc6: {  	v3 =	vpop (erf)  }
0xc7: {  	v53 =	vmul.f32 v1, v3;
	_ =	sdelay $0x1  }
0xc8: {  	v4 =	vadd.f32 v2, v53;
	_ =	sdelay $0x1  }
0xc9: {  	[tilespmem:s16+$0x9120] =	vst v4  }
0xca: {  	v4 =	vld [tilespmem:s2+$0xFFFFFEE0];
	_ =	sdelay $0x4  }
0xcb: {  	v4 =	vmul.f32 v3, v4;
	_ =	sdelay $0x1  }
0xcc: {  	[tilespmem:s14+$0xFFFFFF00] =	vst v4  }
0xcd: {  	v4 =	vld [tilespmem:s2+$0xFFFFFEF0];
	_ =	sdelay $0x4  }
0xce: {  	v4 =	vmul.f32 v3, v4;
	_ =	sdelay $0x1  }
0xcf: {  	[tilespmem:s14+$0xFFFFFF10] =	vst v4  }
0xd0: {  	v4 =	vld [tilespmem:s2+$0xFFFFFF00];
	_ =	sdelay $0x4  }
0xd1: {  	v4 =	vmul.f32 v4, v3;
	_ =	sdelay $0x1  }
0xd2: {  	[tilespmem:s14+$0xFFFFFF20] =	vst v4  }
0xd3: {  	v4 =	vld [tilespmem:s2+$0xFFFFFF10];
	_ =	sdelay $0x4  }
0xd4: {  	v4 =	vmul.f32 v4, v3;
	_ =	sdelay $0x1  }
0xd5: {  	[tilespmem:s14+$0xFFFFFF30] =	vst v4  }
0xd6: {  	v4 =	vld [tilespmem:s2+$0xFFFFFF20];
	_ =	sdelay $0x4  }
0xd7: {  	v4 =	vmul.f32 v4, v3;
	_ =	sdelay $0x1  }
0xd8: {  	[tilespmem:s14+$0xFFFFFF40] =	vst v4  }
0xd9: {  	v4 =	vld [tilespmem:s2+$0xFFFFFF30];
	_ =	sdelay $0x4  }
0xda: {  	v4 =	vmul.f32 v4, v3;
	_ =	sdelay $0x1  }
0xdb: {  	[tilespmem:s14+$0xFFFFFF50] =	vst v4  }
0xdc: {  	v4 =	vld [tilespmem:s2+$0xFFFFFF40];
	_ =	sdelay $0x4  }
0xdd: {  	v4 =	vmul.f32 v4, v3;
	_ =	sdelay $0x1  }
0xde: {  	[tilespmem:s14+$0xFFFFFF60] =	vst v4  }
0xdf: {  	v4 =	vld [tilespmem:s2+$0xFFFFFF50];
	_ =	sdelay $0x4  }
0xe0: {  	v3 =	vmul.f32 v4, v3;
	_ =	sdelay $0x1  }
0xe1: {  	[tilespmem:s14+$0xFFFFFF70] =	vst v3  }
0xe2: {  	v3 =	vld [tilespmem:s2+$0xFFFFFFF0]  }
0xe3: {  	v54 =	vld [tilespmem:s16+$0x4930];
	_ =	sdelay $0x4  }
0xe4: {  	v3 =	vadd.f32 v54, v3;
	_ =	sdelay $0x1  }
0xe5: {  	v4 =	vmul.f32 $2.000000030e-01, v3  }
0xe6: {  	vm11 =	vge.f32 v3, $0.0e+00  }
0xe7: {  	v3 =	vsel vm11, v3, v4  }
0xe8: {  	v3 =	vmul.f32 $1.442695020e+00, v3;
	_ =	sdelay $0x1  }
0xe9: {  	(erf) = vpow2.f32 v3;
	_ =	sdelay $0x8  }
0xea: {  	v3 =	vpop (erf)  }
0xeb: {  	v55 =	vmul.f32 v1, v3;
	_ =	sdelay $0x1  }
0xec: {  	v4 =	vadd.f32 v2, v55;
	_ =	sdelay $0x1  }
0xed: {  	[tilespmem:s16+$0x9130] =	vst v4  }
0xee: {  	v4 =	vld [tilespmem:s2+$0xFFFFFF70];
	_ =	sdelay $0x4  }
0xef: {  	v4 =	vmul.f32 v3, v4;
	_ =	sdelay $0x1  }
0xf0: {  	[tilespmem:s14+$0xFFFFFF80] =	vst v4  }
0xf1: {  	v4 =	vld [tilespmem:s2+$0xFFFFFF80];
	_ =	sdelay $0x4  }
0xf2: {  	v4 =	vmul.f32 v3, v4;
	_ =	sdelay $0x1  }
0xf3: {  	[tilespmem:s14+$0xFFFFFF90] =	vst v4  }
0xf4: {  	v4 =	vld [tilespmem:s2+$0xFFFFFF90];
	_ =	sdelay $0x4  }
0xf5: {  	v4 =	vmul.f32 v4, v3;
	_ =	sdelay $0x1  }
0xf6: {  	[tilespmem:s14+$0xFFFFFFA0] =	vst v4  }
0xf7: {  	v4 =	vld [tilespmem:s2+$0xFFFFFFA0];
	_ =	sdelay $0x4  }
0xf8: {  	v4 =	vmul.f32 v4, v3;
	_ =	sdelay $0x1  }
0xf9: {  	[tilespmem:s14+$0xFFFFFFB0] =	vst v4  }
0xfa: {  	v4 =	vld [tilespmem:s2+$0xFFFFFFB0];
	_ =	sdelay $0x4  }
0xfb: {  	v4 =	vmul.f32 v4, v3;
	_ =	sdelay $0x1  }
0xfc: {  	[tilespmem:s14+$0xFFFFFFC0] =	vst v4  }
0xfd: {  	v4 =	vld [tilespmem:s2+$0xFFFFFFC0];
	_ =	sdelay $0x4  }
0xfe: {  	v4 =	vmul.f32 v4, v3;
	_ =	sdelay $0x1  }
0xff: {  	[tilespmem:s14+$0xFFFFFFD0] =	vst v4  }
0x100: {  	v4 =	vld [tilespmem:s2+$0xFFFFFFD0];
	_ =	sdelay $0x4  }
0x101: {  	v4 =	vmul.f32 v4, v3;
	_ =	sdelay $0x1  }
0x102: {  	[tilespmem:s14+$0xFFFFFFE0] =	vst v4  }
0x103: {  	v4 =	vld [tilespmem:s2+$0xFFFFFFE0];
	_ =	sdelay $0x4  }
0x104: {  	v3 =	vmul.f32 v4, v3;
	_ =	sdelay $0x1  }
0x105: {  	[tilespmem:s14+$0xFFFFFFF0] =	vst v3  }
0x106: {  	v3 =	vld [tilespmem:s2+$0x80]  }
0x107: {  	v56 =	vld [tilespmem:s16+$0x4940];
	_ =	sdelay $0x4  }
0x108: {  	v3 =	vadd.f32 v56, v3;
	_ =	sdelay $0x1  }
0x109: {  	v4 =	vmul.f32 $2.000000030e-01, v3  }
0x10a: {  	vm12 =	vge.f32 v3, $0.0e+00  }
0x10b: {  	v3 =	vsel vm12, v3, v4  }
0x10c: {  	v3 =	vmul.f32 $1.442695020e+00, v3;
	_ =	sdelay $0x1  }
0x10d: {  	(erf) = vpow2.f32 v3;
	_ =	sdelay $0x8  }
0x10e: {  	v3 =	vpop (erf)  }
0x10f: {  	v57 =	vmul.f32 v1, v3;
	_ =	sdelay $0x1  }
0x110: {  	v4 =	vadd.f32 v2, v57;
	_ =	sdelay $0x1  }
0x111: {  	[tilespmem:s16+$0x9140] =	vst v4  }
0x112: {  	v4 =	vld [tilespmem:s2+$0x0];
	_ =	sdelay $0x4  }
0x113: {  	v4 =	vmul.f32 v3, v4;
	_ =	sdelay $0x1  }
0x114: {  	[tilespmem:s14+$0x0] =	vst v4  }
0x115: {  	v4 =	vld [tilespmem:s2+$0x10];
	_ =	sdelay $0x4  }
0x116: {  	v4 =	vmul.f32 v3, v4;
	_ =	sdelay $0x1  }
0x117: {  	[tilespmem:s14+$0x10] =	vst v4  }
0x118: {  	v4 =	vld [tilespmem:s2+$0x20];
	_ =	sdelay $0x4  }
0x119: {  	v4 =	vmul.f32 v4, v3;
	_ =	sdelay $0x1  }
0x11a: {  	[tilespmem:s14+$0x20] =	vst v4  }
0x11b: {  	v4 =	vld [tilespmem:s2+$0x30];
	_ =	sdelay $0x4  }
0x11c: {  	v4 =	vmul.f32 v4, v3;
	_ =	sdelay $0x1  }
0x11d: {  	[tilespmem:s14+$0x30] =	vst v4  }
0x11e: {  	v4 =	vld [tilespmem:s2+$0x40];
	_ =	sdelay $0x4  }
0x11f: {  	v4 =	vmul.f32 v4, v3;
	_ =	sdelay $0x1  }
0x120: {  	[tilespmem:s14+$0x40] =	vst v4  }
0x121: {  	v4 =	vld [tilespmem:s2+$0x50];
	_ =	sdelay $0x4  }
0x122: {  	v4 =	vmul.f32 v4, v3;
	_ =	sdelay $0x1  }
0x123: {  	[tilespmem:s14+$0x50] =	vst v4  }
0x124: {  	v4 =	vld [tilespmem:s2+$0x60];
	_ =	sdelay $0x4  }
0x125: {  	v4 =	vmul.f32 v4, v3;
	_ =	sdelay $0x1  }
0x126: {  	[tilespmem:s14+$0x60] =	vst v4  }
0x127: {  	v4 =	vld [tilespmem:s2+$0x70];
	_ =	sdelay $0x4  }
0x128: {  	v3 =	vmul.f32 v4, v3;
	_ =	sdelay $0x1  }
0x129: {  	[tilespmem:s14+$0x70] =	vst v3  }
0x12a: {  	v3 =	vld [tilespmem:s2+$0x110]  }
0x12b: {  	v58 =	vld [tilespmem:s16+$0x4950];
	_ =	sdelay $0x4  }
0x12c: {  	v3 =	vadd.f32 v58, v3;
	_ =	sdelay $0x1  }
0x12d: {  	v4 =	vmul.f32 $2.000000030e-01, v3  }
0x12e: {  	vm13 =	vge.f32 v3, $0.0e+00  }
0x12f: {  	v3 =	vsel vm13, v3, v4  }
0x130: {  	v3 =	vmul.f32 $1.442695020e+00, v3;
	_ =	sdelay $0x1  }
0x131: {  	(erf) = vpow2.f32 v3;
	_ =	sdelay $0x8  }
0x132: {  	v3 =	vpop (erf)  }
0x133: {  	v59 =	vmul.f32 v1, v3;
	_ =	sdelay $0x1  }
0x134: {  	v4 =	vadd.f32 v2, v59;
	_ =	sdelay $0x1  }
0x135: {  	[tilespmem:s16+$0x9150] =	vst v4  }
0x136: {  	v4 =	vld [tilespmem:s2+$0x90];
	_ =	sdelay $0x4  }
0x137: {  	v4 =	vmul.f32 v3, v4;
	_ =	sdelay $0x1  }
0x138: {  	[tilespmem:s14+$0x80] =	vst v4  }
0x139: {  	v4 =	vld [tilespmem:s2+$0xA0];
	_ =	sdelay $0x4  }
0x13a: {  	v4 =	vmul.f32 v3, v4;
	_ =	sdelay $0x1  }
0x13b: {  	[tilespmem:s14+$0x90] =	vst v4  }
0x13c: {  	v4 =	vld [tilespmem:s2+$0xB0];
	_ =	sdelay $0x4  }
0x13d: {  	v4 =	vmul.f32 v4, v3;
	_ =	sdelay $0x1  }
0x13e: {  	[tilespmem:s14+$0xA0] =	vst v4  }
0x13f: {  	v4 =	vld [tilespmem:s2+$0xC0];
	_ =	sdelay $0x4  }
0x140: {  	v4 =	vmul.f32 v4, v3;
	_ =	sdelay $0x1  }
0x141: {  	[tilespmem:s14+$0xB0] =	vst v4  }
0x142: {  	v4 =	vld [tilespmem:s2+$0xD0];
	_ =	sdelay $0x4  }
0x143: {  	v4 =	vmul.f32 v4, v3;
	_ =	sdelay $0x1  }
0x144: {  	[tilespmem:s14+$0xC0] =	vst v4  }
0x145: {  	v4 =	vld [tilespmem:s2+$0xE0];
	_ =	sdelay $0x4  }
0x146: {  	v4 =	vmul.f32 v4, v3;
	_ =	sdelay $0x1  }
0x147: {  	[tilespmem:s14+$0xD0] =	vst v4  }
0x148: {  	v4 =	vld [tilespmem:s2+$0xF0];
	_ =	sdelay $0x4  }
0x149: {  	v4 =	vmul.f32 v4, v3;
	_ =	sdelay $0x1  }
0x14a: {  	[tilespmem:s14+$0xE0] =	vst v4  }
0x14b: {  	v4 =	vld [tilespmem:s2+$0x100];
	_ =	sdelay $0x4  }
0x14c: {  	v3 =	vmul.f32 v4, v3;
	_ =	sdelay $0x1  }
0x14d: {  	[tilespmem:s14+$0xF0] =	vst v3  }
0x14e: {  	v3 =	vld [tilespmem:s2+$0x1A0]  }
0x14f: {  	v60 =	vld [tilespmem:s16+$0x4960];
	_ =	sdelay $0x4  }
0x150: {  	v3 =	vadd.f32 v60, v3;
	_ =	sdelay $0x1  }
0x151: {  	v4 =	vmul.f32 $2.000000030e-01, v3  }
0x152: {  	vm14 =	vge.f32 v3, $0.0e+00  }
0x153: {  	v3 =	vsel vm14, v3, v4  }
0x154: {  	v3 =	vmul.f32 $1.442695020e+00, v3;
	_ =	sdelay $0x1  }
0x155: {  	(erf) = vpow2.f32 v3;
	_ =	sdelay $0x8  }
0x156: {  	v3 =	vpop (erf)  }
0x157: {  	v61 =	vmul.f32 v1, v3;
	_ =	sdelay $0x1  }
0x158: {  	v4 =	vadd.f32 v2, v61;
	_ =	sdelay $0x1  }
0x159: {  	[tilespmem:s16+$0x9160] =	vst v4  }
0x15a: {  	v4 =	vld [tilespmem:s2+$0x120];
	_ =	sdelay $0x4  }
0x15b: {  	v4 =	vmul.f32 v3, v4;
	_ =	sdelay $0x1  }
0x15c: {  	[tilespmem:s14+$0x100] =	vst v4  }
0x15d: {  	v4 =	vld [tilespmem:s2+$0x130];
	_ =	sdelay $0x4  }
0x15e: {  	v4 =	vmul.f32 v3, v4;
	_ =	sdelay $0x1  }
0x15f: {  	[tilespmem:s14+$0x110] =	vst v4  }
0x160: {  	v4 =	vld [tilespmem:s2+$0x140];
	_ =	sdelay $0x4  }
0x161: {  	v4 =	vmul.f32 v4, v3;
	_ =	sdelay $0x1  }
0x162: {  	[tilespmem:s14+$0x120] =	vst v4  }
0x163: {  	v4 =	vld [tilespmem:s2+$0x150];
	_ =	sdelay $0x4  }
0x164: {  	v4 =	vmul.f32 v4, v3;
	_ =	sdelay $0x1  }
0x165: {  	[tilespmem:s14+$0x130] =	vst v4  }
0x166: {  	v4 =	vld [tilespmem:s2+$0x160];
	_ =	sdelay $0x4  }
0x167: {  	v4 =	vmul.f32 v4, v3;
	_ =	sdelay $0x1  }
0x168: {  	[tilespmem:s14+$0x140] =	vst v4  }
0x169: {  	v4 =	vld [tilespmem:s2+$0x170];
	_ =	sdelay $0x4  }
0x16a: {  	v4 =	vmul.f32 v4, v3;
	_ =	sdelay $0x1  }
0x16b: {  	[tilespmem:s14+$0x150] =	vst v4  }
0x16c: {  	v4 =	vld [tilespmem:s2+$0x180];
	_ =	sdelay $0x4  }
0x16d: {  	v4 =	vmul.f32 v4, v3;
	_ =	sdelay $0x1  }
0x16e: {  	[tilespmem:s14+$0x160] =	vst v4  }
0x16f: {  	v4 =	vld [tilespmem:s2+$0x190];
	_ =	sdelay $0x4  }
0x170: {  	v3 =	vmul.f32 v4, v3;
	_ =	sdelay $0x1  }
0x171: {  	[tilespmem:s14+$0x170] =	vst v3  }
0x172: {  	v3 =	vld [tilespmem:s2+$0x230]  }
0x173: {  	v62 =	vld [tilespmem:s16+$0x4970];
	_ =	sdelay $0x4  }
0x174: {  	v3 =	vadd.f32 v62, v3;
	_ =	sdelay $0x1  }
0x175: {  	v4 =	vmul.f32 $2.000000030e-01, v3  }
0x176: {  	vm15 =	vge.f32 v3, $0.0e+00  }
0x177: {  	v3 =	vsel vm15, v3, v4  }
0x178: {  	v3 =	vmul.f32 $1.442695020e+00, v3;
	_ =	sdelay $0x1  }
0x179: {  	(erf) = vpow2.f32 v3;
	_ =	sdelay $0x8  }
0x17a: {  	v3 =	vpop (erf)  }
0x17b: {  	v63 =	vmul.f32 v1, v3;
	_ =	sdelay $0x1  }
0x17c: {  	v4 =	vadd.f32 v2, v63;
	_ =	sdelay $0x1  }
0x17d: {  	[tilespmem:s16+$0x9170] =	vst v4  }
0x17e: {  	v4 =	vld [tilespmem:s2+$0x1B0];
	_ =	sdelay $0x4  }
0x17f: {  	v4 =	vmul.f32 v3, v4;
	_ =	sdelay $0x1  }
0x180: {  	[tilespmem:s14+$0x180] =	vst v4  }
0x181: {  	v4 =	vld [tilespmem:s2+$0x1C0];
	_ =	sdelay $0x4  }
0x182: {  	v4 =	vmul.f32 v3, v4;
	_ =	sdelay $0x1  }
0x183: {  	[tilespmem:s14+$0x190] =	vst v4  }
0x184: {  	v4 =	vld [tilespmem:s2+$0x1D0];
	_ =	sdelay $0x4  }
0x185: {  	v4 =	vmul.f32 v4, v3;
	_ =	sdelay $0x1  }
0x186: {  	[tilespmem:s14+$0x1A0] =	vst v4  }
0x187: {  	v4 =	vld [tilespmem:s2+$0x1E0];
	_ =	sdelay $0x4  }
0x188: {  	v4 =	vmul.f32 v4, v3;
	_ =	sdelay $0x1  }
0x189: {  	[tilespmem:s14+$0x1B0] =	vst v4  }
0x18a: {  	v4 =	vld [tilespmem:s2+$0x1F0];
	_ =	sdelay $0x4  }
0x18b: {  	v4 =	vmul.f32 v4, v3;
	_ =	sdelay $0x1  }
0x18c: {  	[tilespmem:s14+$0x1C0] =	vst v4  }
0x18d: {  	v4 =	vld [tilespmem:s2+$0x200];
	_ =	sdelay $0x4  }
0x18e: {  	v4 =	vmul.f32 v4, v3;
	_ =	sdelay $0x1  }
0x18f: {  	[tilespmem:s14+$0x1D0] =	vst v4  }
0x190: {  	v4 =	vld [tilespmem:s2+$0x210];
	_ =	sdelay $0x4  }
0x191: {  	v4 =	vmul.f32 v4, v3;
	_ =	sdelay $0x1  }
0x192: {  	[tilespmem:s14+$0x1E0] =	vst v4  }
0x193: {  	v4 =	vld [tilespmem:s2+$0x220];
	_ =	sdelay $0x1  }
0x194: {  	p1 =	sne.s32 s15, $0x1E00  }
.Ltmp4:
0x195: {  	_ = 	snop;
	(pc) =	sbr.rel @p1 .LBB2_8-.Ltmp4, $3  }
0x196: {  	_ = 	snop  }
0x197: {  	v3 =	vmul.f32 v4, v3;
	_ =	sdelay $0x1  }
0x198: {  	s15 =	sadd.s32 $0x200, s15;
	s2 =	sadd.s32 $0x480, s2;
	[tilespmem:s14+$0x1F0] =	vst v3;
	s14 =	sadd.s32 $0x400, s14  }
0x199: {  	[spmem:s3] =	stream.indirect.scatter.add.f32 [tilespmem:s24], [sflag:$0x2], $0x80, s28, s28, $0xb8;
	[tilespmem:$0x1FC80] =	vst v63  }
0x19a: {  	_ =	swait.ge [sflag:s25], $0x4000  }
0x19b: {  	s13 =	sadd.s32 $0x1, s13;
	[sflag:s25] =	ssyncset.done $0x0  }
0x19c: {  	p1 =	sne.s32 s13, $0xA2;
	[sflag:s25] =	ssyncadd.s32 $0xFFFFC000  }
0x19d: {  	[spmem:s4] =	stream.indirect.scatter.add.f32 [tilespmem:s26], [sflag:$0x2], $0x10, s28, s28, $0xb8;
	[tilespmem:$0x1FC80] =	vst v63  }
.Ltmp5:
0x19e: {  	_ = 	snop;
	(pc) =	sbr.rel @p1 .LBB2_7-.Ltmp5, $4  }
.Ltmp6:
0x19f: {  	_ = 	snop;
	(pc) =	sbr.rel @!p1 .LBB2_10-.Ltmp6, $4  }
0x1a0: {  	_ =	swait.ge [sflag:s25], $0x800  }
0x1a1: {  	[sflag:s25] =	ssyncset.done $0x0  }
0x1a2: {  	[sflag:s25] =	ssyncadd.s32 $0xFFFFF800  }
0x1a3: {  	_ = 	snop  }
.LBB2_4:
0x1a4: {  	s13 =	sshll.u32 s2, $0x7  }
0x1a5: {  	s13 =	sadd.s32 s10, s13  }
0x1a6: {  	s13 =	sshrl.u32 s13, $0x3  }
0x1a7: {  	s13 =	sadd.s32 s1, s13  }
0x1a8: {  	[tilespmem:s0], [sflag:$0x2] =	stream.linear.gather [hbm4b:s13+s0], $0x80, $0x38;
	[tilespmem:$0x1FC80] =	vst v63  }
0x1a9: {  	_ =	swait.ge [sflag:s25], $0x80  }
0x1aa: {  	[sflag:s25] =	ssyncset.done $0x0  }
0x1ab: {  	s13 =	sadd.s32 $0xA200, s13;
	[sflag:s25] =	ssyncadd.s32 $0xFFFFFF80  }
0x1ac: {  	[tilespmem:s28], [sflag:$0x2] =	stream.linear.gather [hbm4b:s13+s0], $0x80, $0x38;
	[tilespmem:$0x1FC80] =	vst v63  }
0x1ad: {  	_ =	swait.ge [sflag:s25], $0x80  }
0x1ae: {  	[sflag:s25] =	ssyncset.done $0x0  }
0x1af: {  	[sflag:s25] =	ssyncadd.s32 $0xFFFFFF80  }
0x1b0: {  	[tilespmem:s29], [sflag:$0x1] =	stream.indirect.gather [hbm4b:s6+s28], $0x90, s0, s28, $0xb8;
	[tilespmem:$0x1FC80] =	vst v63  }
0x1b1: {  	_ =	swait.ge [sflag:s30], $0x4800  }
0x1b2: {  	[sflag:s30] =	ssyncset.done $0x0  }
0x1b3: {  	[sflag:s30] =	ssyncadd.s32 $0xFFFFB800  }
0x1b4: {  	[tilespmem:s31], [sflag:$0x1] =	stream.indirect.gather [hbm4b:s8+s28], $0x10, s28, s28, $0xb8;
	[tilespmem:$0x1FC80] =	vst v63  }
0x1b5: {  	_ =	swait.ge [sflag:s30], $0x800  }
0x1b6: {  	s14 =	simm.s32 $0x5300;
	[sflag:s30] =	ssyncset.done $0x0  }
0x1b7: {  	s15 =	simm.s32 $0x0;
	s13 =	simm.s32 $0x340;
	[sflag:s30] =	ssyncadd.s32 $0xFFFFF800  }
.LBB2_5:
0x1b8: {  	v3 =	vld [tilespmem:s13+$0xFFFFFE40];
	s16 =	sshra.s32 s15, $0x2  }
0x1b9: {  	v4 =	vld [tilespmem:s16+$0x4900];
	_ =	sdelay $0x4  }
0x1ba: {  	v3 =	vadd.f32 v4, v3;
	_ =	sdelay $0x1  }
0x1bb: {  	v4 =	vmul.f32 $2.000000030e-01, v3  }
0x1bc: {  	vm0 =	vge.f32 v3, $0.0e+00  }
0x1bd: {  	v3 =	vsel vm0, v3, v4  }
0x1be: {  	v3 =	vmul.f32 $1.442695020e+00, v3;
	_ =	sdelay $0x1  }
0x1bf: {  	(erf) = vpow2.f32 v3;
	_ =	sdelay $0x8  }
0x1c0: {  	v3 =	vpop (erf)  }
0x1c1: {  	v49 =	vmul.f32 v1, v3;
	_ =	sdelay $0x1  }
0x1c2: {  	v4 =	vadd.f32 v2, v49;
	_ =	sdelay $0x1  }
0x1c3: {  	[tilespmem:s16+$0x9100] =	vst v4  }
0x1c4: {  	v4 =	vld [tilespmem:s13+$0xFFFFFDC0];
	_ =	sdelay $0x4  }
0x1c5: {  	v4 =	vmul.f32 v3, v4;
	_ =	sdelay $0x1  }
0x1c6: {  	[tilespmem:s14+$0xFFFFFE00] =	vst v4  }
0x1c7: {  	v4 =	vld [tilespmem:s13+$0xFFFFFDD0];
	_ =	sdelay $0x4  }
0x1c8: {  	v4 =	vmul.f32 v3, v4;
	_ =	sdelay $0x1  }
0x1c9: {  	[tilespmem:s14+$0xFFFFFE10] =	vst v4  }
0x1ca: {  	v4 =	vld [tilespmem:s13+$0xFFFFFDE0];
	_ =	sdelay $0x4  }
0x1cb: {  	v4 =	vmul.f32 v4, v3;
	_ =	sdelay $0x1  }
0x1cc: {  	[tilespmem:s14+$0xFFFFFE20] =	vst v4  }
0x1cd: {  	v4 =	vld [tilespmem:s13+$0xFFFFFDF0];
	_ =	sdelay $0x4  }
0x1ce: {  	v4 =	vmul.f32 v4, v3;
	_ =	sdelay $0x1  }
0x1cf: {  	[tilespmem:s14+$0xFFFFFE30] =	vst v4  }
0x1d0: {  	v4 =	vld [tilespmem:s13+$0xFFFFFE00];
	_ =	sdelay $0x4  }
0x1d1: {  	v4 =	vmul.f32 v4, v3;
	_ =	sdelay $0x1  }
0x1d2: {  	[tilespmem:s14+$0xFFFFFE40] =	vst v4  }
0x1d3: {  	v4 =	vld [tilespmem:s13+$0xFFFFFE10];
	_ =	sdelay $0x4  }
0x1d4: {  	v4 =	vmul.f32 v4, v3;
	_ =	sdelay $0x1  }
0x1d5: {  	[tilespmem:s14+$0xFFFFFE50] =	vst v4  }
0x1d6: {  	v4 =	vld [tilespmem:s13+$0xFFFFFE20];
	_ =	sdelay $0x4  }
0x1d7: {  	v4 =	vmul.f32 v4, v3;
	_ =	sdelay $0x1  }
0x1d8: {  	[tilespmem:s14+$0xFFFFFE60] =	vst v4  }
0x1d9: {  	v4 =	vld [tilespmem:s13+$0xFFFFFE30];
	_ =	sdelay $0x4  }
0x1da: {  	v3 =	vmul.f32 v4, v3;
	_ =	sdelay $0x1  }
0x1db: {  	[tilespmem:s14+$0xFFFFFE70] =	vst v3  }
0x1dc: {  	v3 =	vld [tilespmem:s13+$0xFFFFFED0]  }
0x1dd: {  	v50 =	vld [tilespmem:s16+$0x4910];
	_ =	sdelay $0x4  }
0x1de: {  	v3 =	vadd.f32 v50, v3;
	_ =	sdelay $0x1  }
0x1df: {  	v4 =	vmul.f32 $2.000000030e-01, v3  }
0x1e0: {  	vm9 =	vge.f32 v3, $0.0e+00  }
0x1e1: {  	v3 =	vsel vm9, v3, v4  }
0x1e2: {  	v3 =	vmul.f32 $1.442695020e+00, v3;
	_ =	sdelay $0x1  }
0x1e3: {  	(erf) = vpow2.f32 v3;
	_ =	sdelay $0x8  }
0x1e4: {  	v3 =	vpop (erf)  }
0x1e5: {  	v51 =	vmul.f32 v1, v3;
	_ =	sdelay $0x1  }
0x1e6: {  	v4 =	vadd.f32 v2, v51;
	_ =	sdelay $0x1  }
0x1e7: {  	[tilespmem:s16+$0x9110] =	vst v4  }
0x1e8: {  	v4 =	vld [tilespmem:s13+$0xFFFFFE50];
	_ =	sdelay $0x4  }
0x1e9: {  	v4 =	vmul.f32 v3, v4;
	_ =	sdelay $0x1  }
0x1ea: {  	[tilespmem:s14+$0xFFFFFE80] =	vst v4  }
0x1eb: {  	v4 =	vld [tilespmem:s13+$0xFFFFFE60];
	_ =	sdelay $0x4  }
0x1ec: {  	v4 =	vmul.f32 v3, v4;
	_ =	sdelay $0x1  }
0x1ed: {  	[tilespmem:s14+$0xFFFFFE90] =	vst v4  }
0x1ee: {  	v4 =	vld [tilespmem:s13+$0xFFFFFE70];
	_ =	sdelay $0x4  }
0x1ef: {  	v4 =	vmul.f32 v4, v3;
	_ =	sdelay $0x1  }
0x1f0: {  	[tilespmem:s14+$0xFFFFFEA0] =	vst v4  }
0x1f1: {  	v4 =	vld [tilespmem:s13+$0xFFFFFE80];
	_ =	sdelay $0x4  }
0x1f2: {  	v4 =	vmul.f32 v4, v3;
	_ =	sdelay $0x1  }
0x1f3: {  	[tilespmem:s14+$0xFFFFFEB0] =	vst v4  }
0x1f4: {  	v4 =	vld [tilespmem:s13+$0xFFFFFE90];
	_ =	sdelay $0x4  }
0x1f5: {  	v4 =	vmul.f32 v4, v3;
	_ =	sdelay $0x1  }
0x1f6: {  	[tilespmem:s14+$0xFFFFFEC0] =	vst v4  }
0x1f7: {  	v4 =	vld [tilespmem:s13+$0xFFFFFEA0];
	_ =	sdelay $0x4  }
0x1f8: {  	v4 =	vmul.f32 v4, v3;
	_ =	sdelay $0x1  }
0x1f9: {  	[tilespmem:s14+$0xFFFFFED0] =	vst v4  }
0x1fa: {  	v4 =	vld [tilespmem:s13+$0xFFFFFEB0];
	_ =	sdelay $0x4  }
0x1fb: {  	v4 =	vmul.f32 v4, v3;
	_ =	sdelay $0x1  }
0x1fc: {  	[tilespmem:s14+$0xFFFFFEE0] =	vst v4  }
0x1fd: {  	v4 =	vld [tilespmem:s13+$0xFFFFFEC0];
	_ =	sdelay $0x4  }
0x1fe: {  	v3 =	vmul.f32 v4, v3;
	_ =	sdelay $0x1  }
0x1ff: {  	[tilespmem:s14+$0xFFFFFEF0] =	vst v3  }
0x200: {  	v3 =	vld [tilespmem:s13+$0xFFFFFF60]  }
0x201: {  	v52 =	vld [tilespmem:s16+$0x4920];
	_ =	sdelay $0x4  }
0x202: {  	v3 =	vadd.f32 v52, v3;
	_ =	sdelay $0x1  }
0x203: {  	v4 =	vmul.f32 $2.000000030e-01, v3  }
0x204: {  	vm10 =	vge.f32 v3, $0.0e+00  }
0x205: {  	v3 =	vsel vm10, v3, v4  }
0x206: {  	v3 =	vmul.f32 $1.442695020e+00, v3;
	_ =	sdelay $0x1  }
0x207: {  	(erf) = vpow2.f32 v3;
	_ =	sdelay $0x8  }
0x208: {  	v3 =	vpop (erf)  }
0x209: {  	v53 =	vmul.f32 v1, v3;
	_ =	sdelay $0x1  }
0x20a: {  	v4 =	vadd.f32 v2, v53;
	_ =	sdelay $0x1  }
0x20b: {  	[tilespmem:s16+$0x9120] =	vst v4  }
0x20c: {  	v4 =	vld [tilespmem:s13+$0xFFFFFEE0];
	_ =	sdelay $0x4  }
0x20d: {  	v4 =	vmul.f32 v3, v4;
	_ =	sdelay $0x1  }
0x20e: {  	[tilespmem:s14+$0xFFFFFF00] =	vst v4  }
0x20f: {  	v4 =	vld [tilespmem:s13+$0xFFFFFEF0];
	_ =	sdelay $0x4  }
0x210: {  	v4 =	vmul.f32 v3, v4;
	_ =	sdelay $0x1  }
0x211: {  	[tilespmem:s14+$0xFFFFFF10] =	vst v4  }
0x212: {  	v4 =	vld [tilespmem:s13+$0xFFFFFF00];
	_ =	sdelay $0x4  }
0x213: {  	v4 =	vmul.f32 v4, v3;
	_ =	sdelay $0x1  }
0x214: {  	[tilespmem:s14+$0xFFFFFF20] =	vst v4  }
0x215: {  	v4 =	vld [tilespmem:s13+$0xFFFFFF10];
	_ =	sdelay $0x4  }
0x216: {  	v4 =	vmul.f32 v4, v3;
	_ =	sdelay $0x1  }
0x217: {  	[tilespmem:s14+$0xFFFFFF30] =	vst v4  }
0x218: {  	v4 =	vld [tilespmem:s13+$0xFFFFFF20];
	_ =	sdelay $0x4  }
0x219: {  	v4 =	vmul.f32 v4, v3;
	_ =	sdelay $0x1  }
0x21a: {  	[tilespmem:s14+$0xFFFFFF40] =	vst v4  }
0x21b: {  	v4 =	vld [tilespmem:s13+$0xFFFFFF30];
	_ =	sdelay $0x4  }
0x21c: {  	v4 =	vmul.f32 v4, v3;
	_ =	sdelay $0x1  }
0x21d: {  	[tilespmem:s14+$0xFFFFFF50] =	vst v4  }
0x21e: {  	v4 =	vld [tilespmem:s13+$0xFFFFFF40];
	_ =	sdelay $0x4  }
0x21f: {  	v4 =	vmul.f32 v4, v3;
	_ =	sdelay $0x1  }
0x220: {  	[tilespmem:s14+$0xFFFFFF60] =	vst v4  }
0x221: {  	v4 =	vld [tilespmem:s13+$0xFFFFFF50];
	_ =	sdelay $0x4  }
0x222: {  	v3 =	vmul.f32 v4, v3;
	_ =	sdelay $0x1  }
0x223: {  	[tilespmem:s14+$0xFFFFFF70] =	vst v3  }
0x224: {  	v3 =	vld [tilespmem:s13+$0xFFFFFFF0]  }
0x225: {  	v54 =	vld [tilespmem:s16+$0x4930];
	_ =	sdelay $0x4  }
0x226: {  	v3 =	vadd.f32 v54, v3;
	_ =	sdelay $0x1  }
0x227: {  	v4 =	vmul.f32 $2.000000030e-01, v3  }
0x228: {  	vm11 =	vge.f32 v3, $0.0e+00  }
0x229: {  	v3 =	vsel vm11, v3, v4  }
0x22a: {  	v3 =	vmul.f32 $1.442695020e+00, v3;
	_ =	sdelay $0x1  }
0x22b: {  	(erf) = vpow2.f32 v3;
	_ =	sdelay $0x8  }
0x22c: {  	v3 =	vpop (erf)  }
0x22d: {  	v55 =	vmul.f32 v1, v3;
	_ =	sdelay $0x1  }
0x22e: {  	v4 =	vadd.f32 v2, v55;
	_ =	sdelay $0x1  }
0x22f: {  	[tilespmem:s16+$0x9130] =	vst v4  }
0x230: {  	v4 =	vld [tilespmem:s13+$0xFFFFFF70];
	_ =	sdelay $0x4  }
0x231: {  	v4 =	vmul.f32 v3, v4;
	_ =	sdelay $0x1  }
0x232: {  	[tilespmem:s14+$0xFFFFFF80] =	vst v4  }
0x233: {  	v4 =	vld [tilespmem:s13+$0xFFFFFF80];
	_ =	sdelay $0x4  }
0x234: {  	v4 =	vmul.f32 v3, v4;
	_ =	sdelay $0x1  }
0x235: {  	[tilespmem:s14+$0xFFFFFF90] =	vst v4  }
0x236: {  	v4 =	vld [tilespmem:s13+$0xFFFFFF90];
	_ =	sdelay $0x4  }
0x237: {  	v4 =	vmul.f32 v4, v3;
	_ =	sdelay $0x1  }
0x238: {  	[tilespmem:s14+$0xFFFFFFA0] =	vst v4  }
0x239: {  	v4 =	vld [tilespmem:s13+$0xFFFFFFA0];
	_ =	sdelay $0x4  }
0x23a: {  	v4 =	vmul.f32 v4, v3;
	_ =	sdelay $0x1  }
0x23b: {  	[tilespmem:s14+$0xFFFFFFB0] =	vst v4  }
0x23c: {  	v4 =	vld [tilespmem:s13+$0xFFFFFFB0];
	_ =	sdelay $0x4  }
0x23d: {  	v4 =	vmul.f32 v4, v3;
	_ =	sdelay $0x1  }
0x23e: {  	[tilespmem:s14+$0xFFFFFFC0] =	vst v4  }
0x23f: {  	v4 =	vld [tilespmem:s13+$0xFFFFFFC0];
	_ =	sdelay $0x4  }
0x240: {  	v4 =	vmul.f32 v4, v3;
	_ =	sdelay $0x1  }
0x241: {  	[tilespmem:s14+$0xFFFFFFD0] =	vst v4  }
0x242: {  	v4 =	vld [tilespmem:s13+$0xFFFFFFD0];
	_ =	sdelay $0x4  }
0x243: {  	v4 =	vmul.f32 v4, v3;
	_ =	sdelay $0x1  }
0x244: {  	[tilespmem:s14+$0xFFFFFFE0] =	vst v4  }
0x245: {  	v4 =	vld [tilespmem:s13+$0xFFFFFFE0];
	_ =	sdelay $0x4  }
0x246: {  	v3 =	vmul.f32 v4, v3;
	_ =	sdelay $0x1  }
0x247: {  	[tilespmem:s14+$0xFFFFFFF0] =	vst v3  }
0x248: {  	v3 =	vld [tilespmem:s13+$0x80]  }
0x249: {  	v56 =	vld [tilespmem:s16+$0x4940];
	_ =	sdelay $0x4  }
0x24a: {  	v3 =	vadd.f32 v56, v3;
	_ =	sdelay $0x1  }
0x24b: {  	v4 =	vmul.f32 $2.000000030e-01, v3  }
0x24c: {  	vm12 =	vge.f32 v3, $0.0e+00  }
0x24d: {  	v3 =	vsel vm12, v3, v4  }
0x24e: {  	v3 =	vmul.f32 $1.442695020e+00, v3;
	_ =	sdelay $0x1  }
0x24f: {  	(erf) = vpow2.f32 v3;
	_ =	sdelay $0x8  }
0x250: {  	v3 =	vpop (erf)  }
0x251: {  	v57 =	vmul.f32 v1, v3;
	_ =	sdelay $0x1  }
0x252: {  	v4 =	vadd.f32 v2, v57;
	_ =	sdelay $0x1  }
0x253: {  	[tilespmem:s16+$0x9140] =	vst v4  }
0x254: {  	v4 =	vld [tilespmem:s13+$0x0];
	_ =	sdelay $0x4  }
0x255: {  	v4 =	vmul.f32 v3, v4;
	_ =	sdelay $0x1  }
0x256: {  	[tilespmem:s14+$0x0] =	vst v4  }
0x257: {  	v4 =	vld [tilespmem:s13+$0x10];
	_ =	sdelay $0x4  }
0x258: {  	v4 =	vmul.f32 v3, v4;
	_ =	sdelay $0x1  }
0x259: {  	[tilespmem:s14+$0x10] =	vst v4  }
0x25a: {  	v4 =	vld [tilespmem:s13+$0x20];
	_ =	sdelay $0x4  }
0x25b: {  	v4 =	vmul.f32 v4, v3;
	_ =	sdelay $0x1  }
0x25c: {  	[tilespmem:s14+$0x20] =	vst v4  }
0x25d: {  	v4 =	vld [tilespmem:s13+$0x30];
	_ =	sdelay $0x4  }
0x25e: {  	v4 =	vmul.f32 v4, v3;
	_ =	sdelay $0x1  }
0x25f: {  	[tilespmem:s14+$0x30] =	vst v4  }
0x260: {  	v4 =	vld [tilespmem:s13+$0x40];
	_ =	sdelay $0x4  }
0x261: {  	v4 =	vmul.f32 v4, v3;
	_ =	sdelay $0x1  }
0x262: {  	[tilespmem:s14+$0x40] =	vst v4  }
0x263: {  	v4 =	vld [tilespmem:s13+$0x50];
	_ =	sdelay $0x4  }
0x264: {  	v4 =	vmul.f32 v4, v3;
	_ =	sdelay $0x1  }
0x265: {  	[tilespmem:s14+$0x50] =	vst v4  }
0x266: {  	v4 =	vld [tilespmem:s13+$0x60];
	_ =	sdelay $0x4  }
0x267: {  	v4 =	vmul.f32 v4, v3;
	_ =	sdelay $0x1  }
0x268: {  	[tilespmem:s14+$0x60] =	vst v4  }
0x269: {  	v4 =	vld [tilespmem:s13+$0x70];
	_ =	sdelay $0x4  }
0x26a: {  	v3 =	vmul.f32 v4, v3;
	_ =	sdelay $0x1  }
0x26b: {  	[tilespmem:s14+$0x70] =	vst v3  }
0x26c: {  	v3 =	vld [tilespmem:s13+$0x110]  }
0x26d: {  	v58 =	vld [tilespmem:s16+$0x4950];
	_ =	sdelay $0x4  }
0x26e: {  	v3 =	vadd.f32 v58, v3;
	_ =	sdelay $0x1  }
0x26f: {  	v4 =	vmul.f32 $2.000000030e-01, v3  }
0x270: {  	vm13 =	vge.f32 v3, $0.0e+00  }
0x271: {  	v3 =	vsel vm13, v3, v4  }
0x272: {  	v3 =	vmul.f32 $1.442695020e+00, v3;
	_ =	sdelay $0x1  }
0x273: {  	(erf) = vpow2.f32 v3;
	_ =	sdelay $0x8  }
0x274: {  	v3 =	vpop (erf)  }
0x275: {  	v59 =	vmul.f32 v1, v3;
	_ =	sdelay $0x1  }
0x276: {  	v4 =	vadd.f32 v2, v59;
	_ =	sdelay $0x1  }
0x277: {  	[tilespmem:s16+$0x9150] =	vst v4  }
0x278: {  	v4 =	vld [tilespmem:s13+$0x90];
	_ =	sdelay $0x4  }
0x279: {  	v4 =	vmul.f32 v3, v4;
	_ =	sdelay $0x1  }
0x27a: {  	[tilespmem:s14+$0x80] =	vst v4  }
0x27b: {  	v4 =	vld [tilespmem:s13+$0xA0];
	_ =	sdelay $0x4  }
0x27c: {  	v4 =	vmul.f32 v3, v4;
	_ =	sdelay $0x1  }
0x27d: {  	[tilespmem:s14+$0x90] =	vst v4  }
0x27e: {  	v4 =	vld [tilespmem:s13+$0xB0];
	_ =	sdelay $0x4  }
0x27f: {  	v4 =	vmul.f32 v4, v3;
	_ =	sdelay $0x1  }
0x280: {  	[tilespmem:s14+$0xA0] =	vst v4  }
0x281: {  	v4 =	vld [tilespmem:s13+$0xC0];
	_ =	sdelay $0x4  }
0x282: {  	v4 =	vmul.f32 v4, v3;
	_ =	sdelay $0x1  }
0x283: {  	[tilespmem:s14+$0xB0] =	vst v4  }
0x284: {  	v4 =	vld [tilespmem:s13+$0xD0];
	_ =	sdelay $0x4  }
0x285: {  	v4 =	vmul.f32 v4, v3;
	_ =	sdelay $0x1  }
0x286: {  	[tilespmem:s14+$0xC0] =	vst v4  }
0x287: {  	v4 =	vld [tilespmem:s13+$0xE0];
	_ =	sdelay $0x4  }
0x288: {  	v4 =	vmul.f32 v4, v3;
	_ =	sdelay $0x1  }
0x289: {  	[tilespmem:s14+$0xD0] =	vst v4  }
0x28a: {  	v4 =	vld [tilespmem:s13+$0xF0];
	_ =	sdelay $0x4  }
0x28b: {  	v4 =	vmul.f32 v4, v3;
	_ =	sdelay $0x1  }
0x28c: {  	[tilespmem:s14+$0xE0] =	vst v4  }
0x28d: {  	v4 =	vld [tilespmem:s13+$0x100];
	_ =	sdelay $0x4  }
0x28e: {  	v3 =	vmul.f32 v4, v3;
	_ =	sdelay $0x1  }
0x28f: {  	[tilespmem:s14+$0xF0] =	vst v3  }
0x290: {  	v3 =	vld [tilespmem:s13+$0x1A0]  }
0x291: {  	v60 =	vld [tilespmem:s16+$0x4960];
	_ =	sdelay $0x4  }
0x292: {  	v3 =	vadd.f32 v60, v3;
	_ =	sdelay $0x1  }
0x293: {  	v4 =	vmul.f32 $2.000000030e-01, v3  }
0x294: {  	vm14 =	vge.f32 v3, $0.0e+00  }
0x295: {  	v3 =	vsel vm14, v3, v4  }
0x296: {  	v3 =	vmul.f32 $1.442695020e+00, v3;
	_ =	sdelay $0x1  }
0x297: {  	(erf) = vpow2.f32 v3;
	_ =	sdelay $0x8  }
0x298: {  	v3 =	vpop (erf)  }
0x299: {  	v61 =	vmul.f32 v1, v3;
	_ =	sdelay $0x1  }
0x29a: {  	v4 =	vadd.f32 v2, v61;
	_ =	sdelay $0x1  }
0x29b: {  	[tilespmem:s16+$0x9160] =	vst v4  }
0x29c: {  	v4 =	vld [tilespmem:s13+$0x120];
	_ =	sdelay $0x4  }
0x29d: {  	v4 =	vmul.f32 v3, v4;
	_ =	sdelay $0x1  }
0x29e: {  	[tilespmem:s14+$0x100] =	vst v4  }
0x29f: {  	v4 =	vld [tilespmem:s13+$0x130];
	_ =	sdelay $0x4  }
0x2a0: {  	v4 =	vmul.f32 v3, v4;
	_ =	sdelay $0x1  }
0x2a1: {  	[tilespmem:s14+$0x110] =	vst v4  }
0x2a2: {  	v4 =	vld [tilespmem:s13+$0x140];
	_ =	sdelay $0x4  }
0x2a3: {  	v4 =	vmul.f32 v4, v3;
	_ =	sdelay $0x1  }
0x2a4: {  	[tilespmem:s14+$0x120] =	vst v4  }
0x2a5: {  	v4 =	vld [tilespmem:s13+$0x150];
	_ =	sdelay $0x4  }
0x2a6: {  	v4 =	vmul.f32 v4, v3;
	_ =	sdelay $0x1  }
0x2a7: {  	[tilespmem:s14+$0x130] =	vst v4  }
0x2a8: {  	v4 =	vld [tilespmem:s13+$0x160];
	_ =	sdelay $0x4  }
0x2a9: {  	v4 =	vmul.f32 v4, v3;
	_ =	sdelay $0x1  }
0x2aa: {  	[tilespmem:s14+$0x140] =	vst v4  }
0x2ab: {  	v4 =	vld [tilespmem:s13+$0x170];
	_ =	sdelay $0x4  }
0x2ac: {  	v4 =	vmul.f32 v4, v3;
	_ =	sdelay $0x1  }
0x2ad: {  	[tilespmem:s14+$0x150] =	vst v4  }
0x2ae: {  	v4 =	vld [tilespmem:s13+$0x180];
	_ =	sdelay $0x4  }
0x2af: {  	v4 =	vmul.f32 v4, v3;
	_ =	sdelay $0x1  }
0x2b0: {  	[tilespmem:s14+$0x160] =	vst v4  }
0x2b1: {  	v4 =	vld [tilespmem:s13+$0x190];
	_ =	sdelay $0x4  }
0x2b2: {  	v3 =	vmul.f32 v4, v3;
	_ =	sdelay $0x1  }
0x2b3: {  	[tilespmem:s14+$0x170] =	vst v3  }
0x2b4: {  	v3 =	vld [tilespmem:s13+$0x230]  }
0x2b5: {  	v62 =	vld [tilespmem:s16+$0x4970];
	_ =	sdelay $0x4  }
0x2b6: {  	v3 =	vadd.f32 v62, v3;
	_ =	sdelay $0x1  }
0x2b7: {  	v4 =	vmul.f32 $2.000000030e-01, v3  }
0x2b8: {  	vm15 =	vge.f32 v3, $0.0e+00  }
0x2b9: {  	v3 =	vsel vm15, v3, v4  }
0x2ba: {  	v3 =	vmul.f32 $1.442695020e+00, v3;
	_ =	sdelay $0x1  }
0x2bb: {  	(erf) = vpow2.f32 v3;
	_ =	sdelay $0x8  }
0x2bc: {  	v3 =	vpop (erf)  }
0x2bd: {  	v63 =	vmul.f32 v1, v3;
	_ =	sdelay $0x1  }
0x2be: {  	v4 =	vadd.f32 v2, v63;
	_ =	sdelay $0x1  }
0x2bf: {  	[tilespmem:s16+$0x9170] =	vst v4  }
0x2c0: {  	v4 =	vld [tilespmem:s13+$0x1B0];
	_ =	sdelay $0x4  }
0x2c1: {  	v4 =	vmul.f32 v3, v4;
	_ =	sdelay $0x1  }
0x2c2: {  	[tilespmem:s14+$0x180] =	vst v4  }
0x2c3: {  	v4 =	vld [tilespmem:s13+$0x1C0];
	_ =	sdelay $0x4  }
0x2c4: {  	v4 =	vmul.f32 v3, v4;
	_ =	sdelay $0x1  }
0x2c5: {  	[tilespmem:s14+$0x190] =	vst v4  }
0x2c6: {  	v4 =	vld [tilespmem:s13+$0x1D0];
	_ =	sdelay $0x4  }
0x2c7: {  	v4 =	vmul.f32 v4, v3;
	_ =	sdelay $0x1  }
0x2c8: {  	[tilespmem:s14+$0x1A0] =	vst v4  }
0x2c9: {  	v4 =	vld [tilespmem:s13+$0x1E0];
	_ =	sdelay $0x4  }
0x2ca: {  	v4 =	vmul.f32 v4, v3;
	_ =	sdelay $0x1  }
0x2cb: {  	[tilespmem:s14+$0x1B0] =	vst v4  }
0x2cc: {  	v4 =	vld [tilespmem:s13+$0x1F0];
	_ =	sdelay $0x4  }
0x2cd: {  	v4 =	vmul.f32 v4, v3;
	_ =	sdelay $0x1  }
0x2ce: {  	[tilespmem:s14+$0x1C0] =	vst v4  }
0x2cf: {  	v4 =	vld [tilespmem:s13+$0x200];
	_ =	sdelay $0x4  }
0x2d0: {  	v4 =	vmul.f32 v4, v3;
	_ =	sdelay $0x1  }
0x2d1: {  	[tilespmem:s14+$0x1D0] =	vst v4  }
0x2d2: {  	v4 =	vld [tilespmem:s13+$0x210];
	_ =	sdelay $0x4  }
0x2d3: {  	v4 =	vmul.f32 v4, v3;
	_ =	sdelay $0x1  }
0x2d4: {  	[tilespmem:s14+$0x1E0] =	vst v4  }
0x2d5: {  	v4 =	vld [tilespmem:s13+$0x220];
	_ =	sdelay $0x1  }
0x2d6: {  	p1 =	sne.s32 s15, $0x1E00  }
.Ltmp7:
0x2d7: {  	_ = 	snop;
	(pc) =	sbr.rel @p1 .LBB2_5-.Ltmp7, $3  }
0x2d8: {  	_ = 	snop  }
0x2d9: {  	v3 =	vmul.f32 v4, v3;
	_ =	sdelay $0x1  }
0x2da: {  	s15 =	sadd.s32 $0x200, s15;
	s13 =	sadd.s32 $0x480, s13;
	[tilespmem:s14+$0x1F0] =	vst v3;
	s14 =	sadd.s32 $0x400, s14  }
0x2db: {  	[spmem:s3] =	stream.indirect.scatter.add.f32 [tilespmem:s24], [sflag:$0x2], $0x80, s28, s28, $0xb8;
	[tilespmem:$0x1FC80] =	vst v63  }
0x2dc: {  	_ =	swait.ge [sflag:s25], $0x4000  }
0x2dd: {  	s2 =	sadd.s32 $0x1, s2;
	[sflag:s25] =	ssyncset.done $0x0  }
0x2de: {  	p1 =	seq.s32 s2, $0xA2;
	[sflag:s25] =	ssyncadd.s32 $0xFFFFC000  }
0x2df: {  	[spmem:s4] =	stream.indirect.scatter.add.f32 [tilespmem:s26], [sflag:$0x2], $0x10, s28, s28, $0xb8;
	[tilespmem:$0x1FC80] =	vst v63  }
.Ltmp8:
0x2e0: {  	_ = 	snop;
	(pc) =	sbr.rel @!p1 .LBB2_4-.Ltmp8, $4  }
.Ltmp9:
0x2e1: {  	_ = 	snop;
	(pc) =	sbr.rel @p1 .LBB2_10-.Ltmp9, $4  }
0x2e2: {  	_ =	swait.ge [sflag:s25], $0x800  }
0x2e3: {  	[sflag:s25] =	ssyncset.done $0x0  }
0x2e4: {  	[sflag:s25] =	ssyncadd.s32 $0xFFFFF800  }
0x2e5: {  	_ = 	snop  }
.LBB2_11:
0x2e6: {  	_ =	sfence.sel $0x180000  }
0x2e7: {  	[bflag:$0x0] =	sbarrier.arrive $0xFFFF  }
0x2e8: {  	_ =	strace $0x90000047  }
0x2e9: {  	s0 =	stileid.u32;
	[bflag:$0x2] =	sbarrier.arrive $0xFFFF  }
0x2ea: {  	p0 =	sne.s32 s0, $0x0;
	s0 =	rddreg [dreg:$0x4]  }
0x2eb: {  	s0 =	sadd.s32 @!p0 $0x100000, s0  }
0x2ec: {  	[sflag:s0] =	ssyncadd.tile.s32 @!p0 $0x1;
	_ =	shalt  }
.Lfunc_end2:
_tile_overlayer_lowered:
.L_overlay_start_2:
0x2ed: {  	(tag) =	ssettag $0x2  }
0x2ee: {  	s0 =	rddreg [dreg:$0x0];
	s2 =	stileid.u32  }
0x2ef: {  	s1 =	rddreg [dreg:$0x1];
	p0 =	sne.s32 s2, $0x0  }
0x2f0: {  	s3 =	rddreg [dreg:$0x2];
	[bflag:$0x3] =	sbarrier.arrive $0xFFFF;
	s2 =	simm.s32 @!p0 $0x1C02  }
0x2f1: {  	[timem:s3], [sflag:s2] =	dma.local @!p0 [hbm:s0], s1  }
0x2f2: {  	s0 =	simm.s32 @!p0 $0x2  }
0x2f3: {  	_ =	swait.ge @!p0 [sflag:s0], s1  }
0x2f4: {  	s1 =	ssub.s32 @!p0 $0x0, s1;
	[sflag:s0] =	ssyncset.done @!p0 $0x0  }
0x2f5: {  	[sflag:s0] =	ssyncadd.s32 @!p0 s1  }
0x2f6: {  	[bflag:$0x3] =	sbarrier.arrive $0xFFFF  }
0x2f7: {  	_ =	shalt  }

</sc_bundles>
